<compile_context>
chip_gen: v7x
topology: tpu7x:2x2x1
jax: 0.10.2.dev20260603
libtpu: 0.0.44.dev20260713+nightly
codegen_flags: <defaults>
</compile_context>

<pallas_src>
import functools

import jax
import jax.numpy as jnp
from jax import lax
from jax.experimental import pallas as pl
from jax.experimental.pallas import tpu as pltpu
from jax.experimental.pallas import tpu_sc as plsc

GAMMA_ = 0.99
LANES = 16
N_WORKERS = 16
SUB = 8
LN = 128
GRAN = 16


def _splat(vec, i):
    ci = jnp.full((LANES,), i, jnp.int32)
    return vec.at[ci].get(mode="promise_in_bounds")


def _lane_total(vec):
    return _splat(plsc.cumsum(vec), LANES - 1)


def _sc_body(consts, zpsi_hbm, ztgt_hbm, feat_hbm, act_hbm, sl_hbm,
             out_hbm, vact, vsl4, vfi, qp, qt, pdst, tdst, frow, part_ref,
             shared, gath, outv, semf, sema, seml, semg):
    B, L, n_gran, ipw = consts
    s = lax.axis_index("s")
    base = s * ipw
    b = lax.div(base, L)
    lane = lax.iota(jnp.int32, LANES)
    t = lane + lax.rem(base, L)
    vfi[...] = b * (L + 1) + (t + 1)
    cpf = pltpu.async_copy(feat_hbm.at[vfi], frow, semf)
    cpa = pltpu.async_copy(act_hbm, vact, sema)
    cpl = pltpu.async_copy(sl_hbm, vsl4, seml)
    cpa.wait()
    cpl.wait()
    bsp = lane * 0 + b
    av0 = plsc.load_gather(vact, [bsp, jnp.minimum(t, L - 2)])
    av1 = plsc.load_gather(vact, [bsp, jnp.minimum(t + 1, L - 2)])
    slb = plsc.load_gather(vsl4, [bsp])
    sq0 = (base + lane) * (64 * 64) + lax.div(av0, LN) * 64 \
        + lax.div(lax.rem(av0, LN), GRAN)
    sq1 = (base + lane + 1) * (64 * 64) + lax.div(av1, LN) * 64 \
        + lax.div(lax.rem(av1, LN), GRAN)
    vlm0 = lax.rem(av0, GRAN)
    vlm1 = lax.rem(av1, GRAN)
    is_term = t == slb - 1
    cf_vec = jnp.where(is_term, 1.0, 0.0).astype(jnp.float32)
    cg_vec = jnp.where((t < L - 2) & jnp.logical_not(is_term),
                       GAMMA_, 0.0).astype(jnp.float32)
    vm_vec = jnp.where(t <= L - 2, 1.0, 0.0).astype(jnp.float32)
    offs = [lax.div(jnp.int32(16 * cc) + lane, SUB) * 512
            + lax.rem(jnp.int32(16 * cc) + lane, SUB) * 8
            for cc in range(4)]
    n_pairs = ipw // 2
    for p in range(n_pairs):
        for m in range(2):
            i = 2 * p + m
            sp0 = _splat(sq0, i)
            sp1 = _splat(sq1, i)
            for cc in range(4):
                sl_ = pl.ds(m * 64 + cc * LANES, LANES)
                qp[p, sl_] = sp0 + offs[cc]
                qt[p, sl_] = jnp.minimum(sp1 + offs[cc], n_gran - 1)
    cps = []
    for p in range(n_pairs):
        cps.append((pltpu.async_copy(zpsi_hbm.at[qp.at[p]],
                                     pdst.at[p], semg),
                    pltpu.async_copy(ztgt_hbm.at[qt.at[p]],
                                     tdst.at[p], semg)))
    cpf.wait()
    acc = jnp.zeros((LANES,), jnp.float32)
    for p in range(n_pairs):
        cps[p][0].wait()
        cps[p][1].wait()
        pp = jnp.full((LANES,), p, jnp.int32)
        for m in range(2):
            i = 2 * p + m
            vls = _splat(vlm0, i)
            vlt = _splat(vlm1, i)
            cfs = _splat(cf_vec, i)
            cgs = _splat(cg_vec, i)
            vms = _splat(vm_vec, i)
            for k in range(4):
                rows = lane + (m * 64 + k * LANES)
                pg = plsc.load_gather(pdst, [pp, rows, vls])
                tg = plsc.load_gather(tdst, [pp, rows, vlt])
                fr = frow[i, pl.ds(k * LANES, LANES)]
                d = vms * pg - cgs * tg - cfs * fr
                acc = acc + d * d
    part_ref[...] = acc
    pltpu.sync_copy(part_ref, shared.at[s])
    plsc.subcore_barrier()

    @pl.when(s == 0)
    def _reduce():
        pltpu.sync_copy(shared, gath)
        tot = gath[0, :]
        for i in range(1, N_WORKERS):
            tot = tot + gath[i, :]
        total = _lane_total(tot)
        slv = plsc.load_gather(vsl4, [jnp.minimum(lane, B - 1)])
        slm = jnp.where(lane < B, slv, 0).astype(jnp.float32)
        denom = _lane_total(slm)
        outv[...] = total / denom
        pltpu.sync_copy(outv, out_hbm)


def kernel(psi, target_psi, actions, features, seq_lens):
    B, L, V, F = psi.shape
    n_gran = B * L * (F // SUB) * (V // LN) * SUB * (LN // GRAN)
    ipw = (B * L) // N_WORKERS
    assert (B * L) % N_WORKERS == 0 and L % ipw == 0 and ipw == LANES
    assert F == 64 and V // LN == SUB

    def gran_view(x):
        return (x.reshape(B, L, V // LN, LN, F // SUB, SUB)
                 .transpose(0, 1, 4, 2, 5, 3)
                 .reshape(n_gran, GRAN))

    zpsi = gran_view(psi)
    ztgt = gran_view(target_psi)
    feat2 = features.reshape(B * (L + 1), F)
    act = actions.astype(jnp.int32)
    sl4 = seq_lens.astype(jnp.int32)

    mesh = plsc.VectorSubcoreMesh(
        core_axis_name="c", subcore_axis_name="s", num_cores=1)
    run = pl.kernel(
        functools.partial(_sc_body, (B, L, n_gran, ipw)),
        out_type=jax.ShapeDtypeStruct((LANES,), jnp.float32),
        mesh=mesh,
        compiler_params=pltpu.CompilerParams(
            use_tc_tiling_on_sc=False, needs_layout_passes=False),
        scratch_types=[
            pltpu.VMEM((B, L - 1), jnp.int32),
            pltpu.VMEM((B,), jnp.int32),
            pltpu.VMEM((LANES,), jnp.int32),
            pltpu.VMEM((LANES // 2, 128), jnp.int32),
            pltpu.VMEM((LANES // 2, 128), jnp.int32),
            pltpu.VMEM((LANES // 2, 128, GRAN), jnp.float32),
            pltpu.VMEM((LANES // 2, 128, GRAN), jnp.float32),
            pltpu.VMEM((LANES, F), jnp.float32),
            pltpu.VMEM((LANES,), jnp.float32),
            pltpu.VMEM_SHARED((N_WORKERS, LANES), jnp.float32),
            pltpu.VMEM((N_WORKERS, LANES), jnp.float32),
            pltpu.VMEM((LANES,), jnp.float32),
            pltpu.SemaphoreType.DMA,
            pltpu.SemaphoreType.DMA,
            pltpu.SemaphoreType.DMA,
            pltpu.SemaphoreType.DMA,
        ],
    )
    out = run(zpsi, ztgt, feat2, act, sl4)
    return out[0]

# --- scband reference (transcript-rebuilt; emitter-appended) ---
"""Pipeline reference for scband-sarsa-22874995818997 (READ-ONLY COPY).

The authoritative reference and input builder live on the scoring server;
editing this copy changes nothing except your own understanding.
"""

import jax, jax.numpy as jnp
import numpy as np

GAMMA = 0.99
IGNORE_INDEX = -100


def setup_inputs(seed: int = 0) -> dict:
    key = jax.random.key(seed)
    k1, k2, k3, k4, k5 = jax.random.split(key, 5)
    B, L, V, F = 4, 64, 1024, 64
    psi = jax.random.normal(k1, (B, L, V, F), dtype=jnp.float32)
    target_psi = jax.random.normal(k2, (B, L, V, F), dtype=jnp.float32)
    actions = jax.random.randint(k3, (B, L - 1), 0, V)
    features = jax.random.normal(k4, (B, L + 1, F), dtype=jnp.float32)
    seq_lens = jax.random.randint(k5, (B,), 1, L - 1)
    return {"psi": psi, "target_psi": target_psi, "actions": actions, "features": features, "seq_lens": seq_lens}


def _sarsa_forward(psi, target_psi, features, actions, seq_lens):
    # phis: [B, L, F]
    phis = features[:, 1:, :]
    # slice psi to [B, L-1, V, F]
    psi_s = psi[:, :-1, :, :]
    B, Lm1, V, F = psi_s.shape
    # gather along vocab dim using actions: [B, L-1, 1, F]
    idx = jnp.broadcast_to(actions[:, :, None, None], (B, Lm1, 1, F))
    psi_g = jnp.take_along_axis(psi_s, idx, axis=2).squeeze(2)  # [B, L-1, F]
    # torch.gather on full target_psi with smaller index == gather on the sliced prefix
    tgt_g = jnp.take_along_axis(target_psi[:, :Lm1, :, :], idx, axis=2).squeeze(2)  # [B, L-1, F]
    psi_backup = jnp.zeros_like(psi_g)
    psi_backup = psi_backup.at[:, :-1, :].set(GAMMA * tgt_g[:, 1:, :])
    b_idx = jnp.arange(B)
    psi_backup = psi_backup.at[b_idx, seq_lens - 1, :].set(phis[b_idx, seq_lens - 1, :])
    psi_backup = jax.lax.stop_gradient(psi_backup)  # .detach()
    loss = jnp.sum((psi_g - psi_backup) ** 2, axis=-1)  # mse, reduction='none', sum over feature dim
    loss = jnp.where(actions == IGNORE_INDEX, 0.0, loss)  # _mask_loss
    loss = jnp.sum(loss)  # reduce=True
    return loss / jnp.sum(seq_lens).astype(loss.dtype)


def reference(psi, target_psi, actions, features, seq_lens):
    return _sarsa_forward(psi, target_psi, features, actions, seq_lens)

if __name__ == "__main__":
    import jax
    _d = setup_inputs()
    print(jax.jit(kernel)(*tuple(_d.values())))

</pallas_src>

<mosaic_0001>
#map = affine_map<(d0, d1) -> (0, 0)>
#map1 = affine_map<(d0, d1) -> (0)>
module attributes {stable_mosaic.version = 14 : i64} {
  func.func @_sc_body(%arg0: i32, %arg1: i32, %arg2: memref<1048576x16xf32, #tpu.memory_space<hbm>>, %arg3: memref<1048576x16xf32, #tpu.memory_space<hbm>>, %arg4: memref<260x64xf32, #tpu.memory_space<hbm>>, %arg5: memref<4x63xi32, #tpu.memory_space<hbm>>, %arg6: memref<4xi32, #tpu.memory_space<hbm>>, %arg7: memref<16xf32, #tpu.memory_space<hbm>>, %arg8: memref<4x63xi32, #tpu.memory_space<vmem>>, %arg9: memref<4xi32, #tpu.memory_space<vmem>>, %arg10: memref<16xi32, #tpu.memory_space<vmem>>, %arg11: memref<8x128xi32, #tpu.memory_space<vmem>>, %arg12: memref<8x128xi32, #tpu.memory_space<vmem>>, %arg13: memref<8x128x16xf32, #tpu.memory_space<vmem>>, %arg14: memref<8x128x16xf32, #tpu.memory_space<vmem>>, %arg15: memref<16x64xf32, #tpu.memory_space<vmem>>, %arg16: memref<16xf32, #tpu.memory_space<vmem>>, %arg17: memref<16x16xf32, #tpu.memory_space<vmem_shared>>, %arg18: memref<16x16xf32, #tpu.memory_space<vmem>>, %arg19: memref<16xf32, #tpu.memory_space<vmem>>, %arg20: memref<!tpu.dma_semaphore, #tpu.memory_space<semaphore_mem>>, %arg21: memref<!tpu.dma_semaphore, #tpu.memory_space<semaphore_mem>>, %arg22: memref<!tpu.dma_semaphore, #tpu.memory_space<semaphore_mem>>, %arg23: memref<!tpu.dma_semaphore, #tpu.memory_space<semaphore_mem>>) attributes {dimension_semantics = [#tpu.dimension_semantics<core_parallel>, #tpu.dimension_semantics<subcore_parallel>], iteration_bounds = array<i64: 1, 16>, scalar_prefetch = 0 : i64, scratch_operands = 16 : i64, tpu.core_type = #tpu.core_type<sc_vector_subcore>, window_params = [{transform_indices = #map}, {transform_indices = #map}, {transform_indices = #map}, {transform_indices = #map}, {transform_indices = #map1}, {transform_indices = #map1}]} {
    %mul3A = arith.constant 16 : i32
    %mul3A_0 = arith.muli %arg1, %mul3A : i32
    %div3A = arith.constant 64 : i32
    %div3A_1 = arith.divsi %mul3A_0, %div3A : i32
    %iota3A = tpu.iota {dimensions = array<i32: 0>} : vector<16xi32>
    %rem3A = arith.constant 64 : i32
    %rem3A_2 = arith.remsi %mul3A_0, %rem3A : i32
    %add3A = vector.broadcast %rem3A_2 : i32 to vector<16xi32>
    %add3A_3 = arith.addi %iota3A, %add3A : vector<16xi32>
    %mul3A_4 = arith.constant 65 : i32
    %mul3A_5 = arith.muli %div3A_1, %mul3A_4 : i32
    %add3A_6 = arith.constant 1 : i32
    %add3A_7 = vector.broadcast %add3A_6 : i32 to vector<16xi32>
    %add3A_8 = arith.addi %add3A_3, %add3A_7 : vector<16xi32>
    %add3A_9 = vector.broadcast %mul3A_5 : i32 to vector<16xi32>
    %add3A_10 = arith.addi %add3A_9, %add3A_8 : vector<16xi32>
    %swap3A = arith.constant 0 : index
    %swap3A_11 = tpu.vector_load %arg10[%swap3A] {strides = array<i32>} : memref<16xi32, #tpu.memory_space<vmem>>, vector<16xi32>,
    tpu.vector_store %arg10[%swap3A], %add3A_10 {strides = array<i32>} : memref<16xi32, #tpu.memory_space<vmem>>, vector<16xi32>,
    %dma_start3A = arith.constant 0 : i32
    %dma_start3A_12 = arith.constant 0 : i32
    %dma_start3A_13 = tpu.memref_slice %arg4[%dma_start3A, %dma_start3A_12] : memref<260x64xf32, #tpu.memory_space<hbm>> -> memref<260x64xf32, #tpu.memory_space<hbm>>
    tpu.enqueue_indirect_dma source(%dma_start3A_13 : memref<260x64xf32, #tpu.memory_space<hbm>>) target(%arg15 : memref<16x64xf32, #tpu.memory_space<vmem>>) offsets(%arg10 : memref<16xi32, #tpu.memory_space<vmem>>) semaphore(%arg20 : memref<!tpu.dma_semaphore, #tpu.memory_space<semaphore_mem>>)
    tpu.enqueue_dma source(%arg5 : memref<4x63xi32, #tpu.memory_space<hbm>>) target(%arg8 : memref<4x63xi32, #tpu.memory_space<vmem>>) target_semaphore(%arg21 : memref<!tpu.dma_semaphore, #tpu.memory_space<semaphore_mem>>)
    tpu.enqueue_dma source(%arg6 : memref<4xi32, #tpu.memory_space<hbm>>) target(%arg9 : memref<4xi32, #tpu.memory_space<vmem>>) target_semaphore(%arg22 : memref<!tpu.dma_semaphore, #tpu.memory_space<semaphore_mem>>)
    tpu.wait_dma2 semaphore(%arg21 : memref<!tpu.dma_semaphore, #tpu.memory_space<semaphore_mem>>) src(%arg5 : memref<4x63xi32, #tpu.memory_space<hbm>>) dst(%arg8 : memref<4x63xi32, #tpu.memory_space<vmem>>)
    tpu.wait_dma2 semaphore(%arg22 : memref<!tpu.dma_semaphore, #tpu.memory_space<semaphore_mem>>) src(%arg6 : memref<4xi32, #tpu.memory_space<hbm>>) dst(%arg9 : memref<4xi32, #tpu.memory_space<vmem>>)
    %mul3A_14 = arith.constant 0 : i32
    %mul3A_15 = vector.broadcast %mul3A_14 : i32 to vector<16xi32>
    %mul3A_16 = arith.muli %iota3A, %mul3A_15 : vector<16xi32>
    %add3A_17 = vector.broadcast %div3A_1 : i32 to vector<16xi32>
    %add3A_18 = arith.addi %mul3A_16, %add3A_17 : vector<16xi32>
    %min3A = arith.constant 62 : i32
    %min3A_19 = vector.broadcast %min3A : i32 to vector<16xi32>
    %min3A_20 = arith.minsi %add3A_3, %min3A_19 : vector<16xi32>
    %gather3A = tpu.vector_load_idx %arg8[%add3A_18, %min3A_20] : memref<4x63xi32, #tpu.memory_space<vmem>>[vector<16xi32>, vector<16xi32>], vector<16xi32>,
    %add3A_21 = arith.constant 1 : i32
    %add3A_22 = vector.broadcast %add3A_21 : i32 to vector<16xi32>
    %add3A_23 = arith.addi %add3A_3, %add3A_22 : vector<16xi32>
    %min3A_24 = arith.constant 62 : i32
    %min3A_25 = vector.broadcast %min3A_24 : i32 to vector<16xi32>
    %min3A_26 = arith.minsi %add3A_23, %min3A_25 : vector<16xi32>
    %gather3A_27 = tpu.vector_load_idx %arg8[%add3A_18, %min3A_26] : memref<4x63xi32, #tpu.memory_space<vmem>>[vector<16xi32>, vector<16xi32>], vector<16xi32>,
    %gather3A_28 = tpu.vector_load_idx %arg9[%add3A_18] : memref<4xi32, #tpu.memory_space<vmem>>[vector<16xi32>], vector<16xi32>,
    %add3A_29 = vector.broadcast %mul3A_0 : i32 to vector<16xi32>
    %add3A_30 = arith.addi %add3A_29, %iota3A : vector<16xi32>
    %mul3A_31 = arith.constant 4096 : i32
    %mul3A_32 = vector.broadcast %mul3A_31 : i32 to vector<16xi32>
    %mul3A_33 = arith.muli %add3A_30, %mul3A_32 : vector<16xi32>
    %div3A_34 = arith.constant 128 : i32
    %div3A_35 = vector.broadcast %div3A_34 : i32 to vector<16xi32>
    %div3A_36 = arith.divsi %gather3A, %div3A_35 : vector<16xi32>
    %mul3A_37 = arith.constant 64 : i32
    %mul3A_38 = vector.broadcast %mul3A_37 : i32 to vector<16xi32>
    %mul3A_39 = arith.muli %div3A_36, %mul3A_38 : vector<16xi32>
    %add3A_40 = arith.addi %mul3A_33, %mul3A_39 : vector<16xi32>
    %rem3A_41 = arith.constant 128 : i32
    %rem3A_42 = vector.broadcast %rem3A_41 : i32 to vector<16xi32>
    %rem3A_43 = arith.remsi %gather3A, %rem3A_42 : vector<16xi32>
    %div3A_44 = arith.constant 16 : i32
    %div3A_45 = vector.broadcast %div3A_44 : i32 to vector<16xi32>
    %div3A_46 = arith.divsi %rem3A_43, %div3A_45 : vector<16xi32>
    %add3A_47 = arith.addi %add3A_40, %div3A_46 : vector<16xi32>
    %add3A_48 = vector.broadcast %mul3A_0 : i32 to vector<16xi32>
    %add3A_49 = arith.addi %add3A_48, %iota3A : vector<16xi32>
    %add3A_50 = arith.constant 1 : i32
    %add3A_51 = vector.broadcast %add3A_50 : i32 to vector<16xi32>
    %add3A_52 = arith.addi %add3A_49, %add3A_51 : vector<16xi32>
    %mul3A_53 = arith.constant 4096 : i32
    %mul3A_54 = vector.broadcast %mul3A_53 : i32 to vector<16xi32>
    %mul3A_55 = arith.muli %add3A_52, %mul3A_54 : vector<16xi32>
    %div3A_56 = arith.constant 128 : i32
    %div3A_57 = vector.broadcast %div3A_56 : i32 to vector<16xi32>
    %div3A_58 = arith.divsi %gather3A_27, %div3A_57 : vector<16xi32>
    %mul3A_59 = arith.constant 64 : i32
    %mul3A_60 = vector.broadcast %mul3A_59 : i32 to vector<16xi32>
    %mul3A_61 = arith.muli %div3A_58, %mul3A_60 : vector<16xi32>
    %add3A_62 = arith.addi %mul3A_55, %mul3A_61 : vector<16xi32>
    %rem3A_63 = arith.constant 128 : i32
    %rem3A_64 = vector.broadcast %rem3A_63 : i32 to vector<16xi32>
    %rem3A_65 = arith.remsi %gather3A_27, %rem3A_64 : vector<16xi32>
    %div3A_66 = arith.constant 16 : i32
    %div3A_67 = vector.broadcast %div3A_66 : i32 to vector<16xi32>
    %div3A_68 = arith.divsi %rem3A_65, %div3A_67 : vector<16xi32>
    %add3A_69 = arith.addi %add3A_62, %div3A_68 : vector<16xi32>
    %rem3A_70 = arith.constant 16 : i32
    %rem3A_71 = vector.broadcast %rem3A_70 : i32 to vector<16xi32>
    %rem3A_72 = arith.remsi %gather3A, %rem3A_71 : vector<16xi32>
    %rem3A_73 = arith.constant 16 : i32
    %rem3A_74 = vector.broadcast %rem3A_73 : i32 to vector<16xi32>
    %rem3A_75 = arith.remsi %gather3A_27, %rem3A_74 : vector<16xi32>
    %sub3A = arith.constant 1 : i32
    %sub3A_76 = vector.broadcast %sub3A : i32 to vector<16xi32>
    %sub3A_77 = arith.subi %gather3A_28, %sub3A_76 : vector<16xi32>
    %eq3A = arith.cmpi eq, %add3A_3, %sub3A_77 : vector<16xi32>
    %jit3A = arith.constant 1.000000e+00 : f32
    %jit3A_78 = arith.constant 0.000000e+00 : f32
    %broadcast_in_dim3A = vector.broadcast %jit3A : f32 to vector<16xf32>
    %broadcast_in_dim3A_79 = vector.broadcast %jit3A_78 : f32 to vector<16xf32>
    %select_n3A = arith.select %eq3A, %broadcast_in_dim3A, %broadcast_in_dim3A_79 : vector<16xi1>, vector<16xf32>
    %lt3A = arith.constant 62 : i32
    %lt3A_80 = vector.broadcast %lt3A : i32 to vector<16xi32>
    %lt3A_81 = arith.cmpi slt, %add3A_3, %lt3A_80 : vector<16xi32>
    %not3A = arith.constant dense<true> : vector<16xi1>
    %not3A_82 = arith.xori %eq3A, %not3A : vector<16xi1>
    %and3A = arith.andi %lt3A_81, %not3A_82 : vector<16xi1>
    %jit3A_83 = arith.constant 9.900000e-01 : f32
    %jit3A_84 = arith.constant 0.000000e+00 : f32
    %broadcast_in_dim3A_85 = vector.broadcast %jit3A_83 : f32 to vector<16xf32>
    %broadcast_in_dim3A_86 = vector.broadcast %jit3A_84 : f32 to vector<16xf32>
    %select_n3A_87 = arith.select %and3A, %broadcast_in_dim3A_85, %broadcast_in_dim3A_86 : vector<16xi1>, vector<16xf32>
    %le3A = arith.constant 62 : i32
    %le3A_88 = vector.broadcast %le3A : i32 to vector<16xi32>
    %le3A_89 = arith.cmpi sle, %add3A_3, %le3A_88 : vector<16xi32>
    %jit3A_90 = arith.constant 1.000000e+00 : f32
    %jit3A_91 = arith.constant 0.000000e+00 : f32
    %broadcast_in_dim3A_92 = vector.broadcast %jit3A_90 : f32 to vector<16xf32>
    %broadcast_in_dim3A_93 = vector.broadcast %jit3A_91 : f32 to vector<16xf32>
    %select_n3A_94 = arith.select %le3A_89, %broadcast_in_dim3A_92, %broadcast_in_dim3A_93 : vector<16xi1>, vector<16xf32>
    %add3A_95 = arith.constant 0 : i32
    %add3A_96 = vector.broadcast %add3A_95 : i32 to vector<16xi32>
    %add3A_97 = arith.addi %add3A_96, %iota3A : vector<16xi32>
    %div3A_98 = arith.constant 8 : i32
    %div3A_99 = vector.broadcast %div3A_98 : i32 to vector<16xi32>
    %div3A_100 = arith.divsi %add3A_97, %div3A_99 : vector<16xi32>
    %mul3A_101 = arith.constant 512 : i32
    %mul3A_102 = vector.broadcast %mul3A_101 : i32 to vector<16xi32>
    %mul3A_103 = arith.muli %div3A_100, %mul3A_102 : vector<16xi32>
    %add3A_104 = arith.constant 0 : i32
    %add3A_105 = vector.broadcast %add3A_104 : i32 to vector<16xi32>
    %add3A_106 = arith.addi %add3A_105, %iota3A : vector<16xi32>
    %rem3A_107 = arith.constant 8 : i32
    %rem3A_108 = vector.broadcast %rem3A_107 : i32 to vector<16xi32>
    %rem3A_109 = arith.remsi %add3A_106, %rem3A_108 : vector<16xi32>
    %mul3A_110 = arith.constant 8 : i32
    %mul3A_111 = vector.broadcast %mul3A_110 : i32 to vector<16xi32>
    %mul3A_112 = arith.muli %rem3A_109, %mul3A_111 : vector<16xi32>
    %add3A_113 = arith.addi %mul3A_103, %mul3A_112 : vector<16xi32>
    %add3A_114 = arith.constant 16 : i32
    %add3A_115 = vector.broadcast %add3A_114 : i32 to vector<16xi32>
    %add3A_116 = arith.addi %add3A_115, %iota3A : vector<16xi32>
    %div3A_117 = arith.constant 8 : i32
    %div3A_118 = vector.broadcast %div3A_117 : i32 to vector<16xi32>
    %div3A_119 = arith.divsi %add3A_116, %div3A_118 : vector<16xi32>
    %mul3A_120 = arith.constant 512 : i32
    %mul3A_121 = vector.broadcast %mul3A_120 : i32 to vector<16xi32>
    %mul3A_122 = arith.muli %div3A_119, %mul3A_121 : vector<16xi32>
    %add3A_123 = arith.constant 16 : i32
    %add3A_124 = vector.broadcast %add3A_123 : i32 to vector<16xi32>
    %add3A_125 = arith.addi %add3A_124, %iota3A : vector<16xi32>
    %rem3A_126 = arith.constant 8 : i32
    %rem3A_127 = vector.broadcast %rem3A_126 : i32 to vector<16xi32>
    %rem3A_128 = arith.remsi %add3A_125, %rem3A_127 : vector<16xi32>
    %mul3A_129 = arith.constant 8 : i32
    %mul3A_130 = vector.broadcast %mul3A_129 : i32 to vector<16xi32>
    %mul3A_131 = arith.muli %rem3A_128, %mul3A_130 : vector<16xi32>
    %add3A_132 = arith.addi %mul3A_122, %mul3A_131 : vector<16xi32>
    %add3A_133 = arith.constant 32 : i32
    %add3A_134 = vector.broadcast %add3A_133 : i32 to vector<16xi32>
    %add3A_135 = arith.addi %add3A_134, %iota3A : vector<16xi32>
    %div3A_136 = arith.constant 8 : i32
    %div3A_137 = vector.broadcast %div3A_136 : i32 to vector<16xi32>
    %div3A_138 = arith.divsi %add3A_135, %div3A_137 : vector<16xi32>
    %mul3A_139 = arith.constant 512 : i32
    %mul3A_140 = vector.broadcast %mul3A_139 : i32 to vector<16xi32>
    %mul3A_141 = arith.muli %div3A_138, %mul3A_140 : vector<16xi32>
    %add3A_142 = arith.constant 32 : i32
    %add3A_143 = vector.broadcast %add3A_142 : i32 to vector<16xi32>
    %add3A_144 = arith.addi %add3A_143, %iota3A : vector<16xi32>
    %rem3A_145 = arith.constant 8 : i32
    %rem3A_146 = vector.broadcast %rem3A_145 : i32 to vector<16xi32>
    %rem3A_147 = arith.remsi %add3A_144, %rem3A_146 : vector<16xi32>
    %mul3A_148 = arith.constant 8 : i32
    %mul3A_149 = vector.broadcast %mul3A_148 : i32 to vector<16xi32>
    %mul3A_150 = arith.muli %rem3A_147, %mul3A_149 : vector<16xi32>
    %add3A_151 = arith.addi %mul3A_141, %mul3A_150 : vector<16xi32>
    %add3A_152 = arith.constant 48 : i32
    %add3A_153 = vector.broadcast %add3A_152 : i32 to vector<16xi32>
    %add3A_154 = arith.addi %add3A_153, %iota3A : vector<16xi32>
    %div3A_155 = arith.constant 8 : i32
    %div3A_156 = vector.broadcast %div3A_155 : i32 to vector<16xi32>
    %div3A_157 = arith.divsi %add3A_154, %div3A_156 : vector<16xi32>
    %mul3A_158 = arith.constant 512 : i32
    %mul3A_159 = vector.broadcast %mul3A_158 : i32 to vector<16xi32>
    %mul3A_160 = arith.muli %div3A_157, %mul3A_159 : vector<16xi32>
    %add3A_161 = arith.constant 48 : i32
    %add3A_162 = vector.broadcast %add3A_161 : i32 to vector<16xi32>
    %add3A_163 = arith.addi %add3A_162, %iota3A : vector<16xi32>
    %rem3A_164 = arith.constant 8 : i32
    %rem3A_165 = vector.broadcast %rem3A_164 : i32 to vector<16xi32>
    %rem3A_166 = arith.remsi %add3A_163, %rem3A_165 : vector<16xi32>
    %mul3A_167 = arith.constant 8 : i32
    %mul3A_168 = vector.broadcast %mul3A_167 : i32 to vector<16xi32>
    %mul3A_169 = arith.muli %rem3A_166, %mul3A_168 : vector<16xi32>
    %add3A_170 = arith.addi %mul3A_160, %mul3A_169 : vector<16xi32>
    %broadcast_in_dim3A_171 = arith.constant 0 : i32
    %broadcast_in_dim3A_172 = vector.broadcast %broadcast_in_dim3A_171 : i32 to vector<16xi32>
    %lt3A_173 = arith.constant 0 : i32
    %lt3A_174 = vector.broadcast %lt3A_173 : i32 to vector<16xi32>
    %lt3A_175 = arith.cmpi slt, %broadcast_in_dim3A_172, %lt3A_174 : vector<16xi32>
    %add3A_176 = arith.constant 16 : i32
    %add3A_177 = vector.broadcast %add3A_176 : i32 to vector<16xi32>
    %add3A_178 = arith.addi %broadcast_in_dim3A_172, %add3A_177 : vector<16xi32>
    %select_n3A_179 = arith.select %lt3A_175, %add3A_178, %broadcast_in_dim3A_172 : vector<16xi1>, vector<16xi32>
    %broadcast_in_dim3A_180 = vector.shape_cast %select_n3A_179 : vector<16xi32> to vector<16x1xi32>
    %gather3A_181 = vector.shape_cast %broadcast_in_dim3A_180 : vector<16x1xi32> to vector<16xi32>
    %gather3A_182 = tpu.dynamic_gather %add3A_47[%gather3A_181] in [0] : vector<16xi32>, vector<16xi32> -> vector<16xi32>
    %broadcast_in_dim3A_183 = arith.constant 0 : i32
    %broadcast_in_dim3A_184 = vector.broadcast %broadcast_in_dim3A_183 : i32 to vector<16xi32>
    %lt3A_185 = arith.constant 0 : i32
    %lt3A_186 = vector.broadcast %lt3A_185 : i32 to vector<16xi32>
    %lt3A_187 = arith.cmpi slt, %broadcast_in_dim3A_184, %lt3A_186 : vector<16xi32>
    %add3A_188 = arith.constant 16 : i32
    %add3A_189 = vector.broadcast %add3A_188 : i32 to vector<16xi32>
    %add3A_190 = arith.addi %broadcast_in_dim3A_184, %add3A_189 : vector<16xi32>
    %select_n3A_191 = arith.select %lt3A_187, %add3A_190, %broadcast_in_dim3A_184 : vector<16xi1>, vector<16xi32>
    %broadcast_in_dim3A_192 = vector.shape_cast %select_n3A_191 : vector<16xi32> to vector<16x1xi32>
    %gather3A_193 = vector.shape_cast %broadcast_in_dim3A_192 : vector<16x1xi32> to vector<16xi32>
    %gather3A_194 = tpu.dynamic_gather %add3A_69[%gather3A_193] in [0] : vector<16xi32>, vector<16xi32> -> vector<16xi32>
    %add3A_195 = arith.addi %gather3A_182, %add3A_113 : vector<16xi32>
    %swap3A_196 = arith.constant 0 : i32
    %swap3A_197 = arith.index_cast %swap3A_196 : i32 to index
    %swap3A_198 = arith.constant 0 : index
    %swap3A_199 = tpu.vector_load %arg11[%swap3A_197, %swap3A_198] {strides = array<i32>} : memref<8x128xi32, #tpu.memory_space<vmem>>, vector<16xi32>,
    tpu.vector_store %arg11[%swap3A_197, %swap3A_198], %add3A_195 {strides = array<i32>} : memref<8x128xi32, #tpu.memory_space<vmem>>, vector<16xi32>,
    %add3A_200 = arith.addi %gather3A_194, %add3A_113 : vector<16xi32>
    %min3A_201 = arith.constant 1048575 : i32
    %min3A_202 = vector.broadcast %min3A_201 : i32 to vector<16xi32>
    %min3A_203 = arith.minsi %add3A_200, %min3A_202 : vector<16xi32>
    %swap3A_204 = arith.constant 0 : i32
    %swap3A_205 = arith.index_cast %swap3A_204 : i32 to index
    %swap3A_206 = arith.constant 0 : index
    %swap3A_207 = tpu.vector_load %arg12[%swap3A_205, %swap3A_206] {strides = array<i32>} : memref<8x128xi32, #tpu.memory_space<vmem>>, vector<16xi32>,
    tpu.vector_store %arg12[%swap3A_205, %swap3A_206], %min3A_203 {strides = array<i32>} : memref<8x128xi32, #tpu.memory_space<vmem>>, vector<16xi32>,
    %add3A_208 = arith.addi %gather3A_182, %add3A_132 : vector<16xi32>
    %swap3A_209 = arith.constant 0 : i32
    %swap3A_210 = arith.index_cast %swap3A_209 : i32 to index
    %swap3A_211 = arith.constant 16 : index
    %swap3A_212 = tpu.vector_load %arg11[%swap3A_210, %swap3A_211] {strides = array<i32>} : memref<8x128xi32, #tpu.memory_space<vmem>>, vector<16xi32>,
    tpu.vector_store %arg11[%swap3A_210, %swap3A_211], %add3A_208 {strides = array<i32>} : memref<8x128xi32, #tpu.memory_space<vmem>>, vector<16xi32>,
    %add3A_213 = arith.addi %gather3A_194, %add3A_132 : vector<16xi32>
    %min3A_214 = arith.constant 1048575 : i32
    %min3A_215 = vector.broadcast %min3A_214 : i32 to vector<16xi32>
    %min3A_216 = arith.minsi %add3A_213, %min3A_215 : vector<16xi32>
    %swap3A_217 = arith.constant 0 : i32
    %swap3A_218 = arith.index_cast %swap3A_217 : i32 to index
    %swap3A_219 = arith.constant 16 : index
    %swap3A_220 = tpu.vector_load %arg12[%swap3A_218, %swap3A_219] {strides = array<i32>} : memref<8x128xi32, #tpu.memory_space<vmem>>, vector<16xi32>,
    tpu.vector_store %arg12[%swap3A_218, %swap3A_219], %min3A_216 {strides = array<i32>} : memref<8x128xi32, #tpu.memory_space<vmem>>, vector<16xi32>,
    %add3A_221 = arith.addi %gather3A_182, %add3A_151 : vector<16xi32>
    %swap3A_222 = arith.constant 0 : i32
    %swap3A_223 = arith.index_cast %swap3A_222 : i32 to index
    %swap3A_224 = arith.constant 32 : index
    %swap3A_225 = tpu.vector_load %arg11[%swap3A_223, %swap3A_224] {strides = array<i32>} : memref<8x128xi32, #tpu.memory_space<vmem>>, vector<16xi32>,
    tpu.vector_store %arg11[%swap3A_223, %swap3A_224], %add3A_221 {strides = array<i32>} : memref<8x128xi32, #tpu.memory_space<vmem>>, vector<16xi32>,
    %add3A_226 = arith.addi %gather3A_194, %add3A_151 : vector<16xi32>
    %min3A_227 = arith.constant 1048575 : i32
    %min3A_228 = vector.broadcast %min3A_227 : i32 to vector<16xi32>
    %min3A_229 = arith.minsi %add3A_226, %min3A_228 : vector<16xi32>
    %swap3A_230 = arith.constant 0 : i32
    %swap3A_231 = arith.index_cast %swap3A_230 : i32 to index
    %swap3A_232 = arith.constant 32 : index
    %swap3A_233 = tpu.vector_load %arg12[%swap3A_231, %swap3A_232] {strides = array<i32>} : memref<8x128xi32, #tpu.memory_space<vmem>>, vector<16xi32>,
    tpu.vector_store %arg12[%swap3A_231, %swap3A_232], %min3A_229 {strides = array<i32>} : memref<8x128xi32, #tpu.memory_space<vmem>>, vector<16xi32>,
    %add3A_234 = arith.addi %gather3A_182, %add3A_170 : vector<16xi32>
    %swap3A_235 = arith.constant 0 : i32
    %swap3A_236 = arith.index_cast %swap3A_235 : i32 to index
    %swap3A_237 = arith.constant 48 : index
    %swap3A_238 = tpu.vector_load %arg11[%swap3A_236, %swap3A_237] {strides = array<i32>} : memref<8x128xi32, #tpu.memory_space<vmem>>, vector<16xi32>,
    tpu.vector_store %arg11[%swap3A_236, %swap3A_237], %add3A_234 {strides = array<i32>} : memref<8x128xi32, #tpu.memory_space<vmem>>, vector<16xi32>,
    %add3A_239 = arith.addi %gather3A_194, %add3A_170 : vector<16xi32>
    %min3A_240 = arith.constant 1048575 : i32
    %min3A_241 = vector.broadcast %min3A_240 : i32 to vector<16xi32>
    %min3A_242 = arith.minsi %add3A_239, %min3A_241 : vector<16xi32>
    %swap3A_243 = arith.constant 0 : i32
    %swap3A_244 = arith.index_cast %swap3A_243 : i32 to index
    %swap3A_245 = arith.constant 48 : index
    %swap3A_246 = tpu.vector_load %arg12[%swap3A_244, %swap3A_245] {strides = array<i32>} : memref<8x128xi32, #tpu.memory_space<vmem>>, vector<16xi32>,
    tpu.vector_store %arg12[%swap3A_244, %swap3A_245], %min3A_242 {strides = array<i32>} : memref<8x128xi32, #tpu.memory_space<vmem>>, vector<16xi32>,
    %broadcast_in_dim3A_247 = arith.constant 1 : i32
    %broadcast_in_dim3A_248 = vector.broadcast %broadcast_in_dim3A_247 : i32 to vector<16xi32>
    %lt3A_249 = arith.constant 0 : i32
    %lt3A_250 = vector.broadcast %lt3A_249 : i32 to vector<16xi32>
    %lt3A_251 = arith.cmpi slt, %broadcast_in_dim3A_248, %lt3A_250 : vector<16xi32>
    %add3A_252 = arith.constant 16 : i32
    %add3A_253 = vector.broadcast %add3A_252 : i32 to vector<16xi32>
    %add3A_254 = arith.addi %broadcast_in_dim3A_248, %add3A_253 : vector<16xi32>
    %select_n3A_255 = arith.select %lt3A_251, %add3A_254, %broadcast_in_dim3A_248 : vector<16xi1>, vector<16xi32>
    %broadcast_in_dim3A_256 = vector.shape_cast %select_n3A_255 : vector<16xi32> to vector<16x1xi32>
    %gather3A_257 = vector.shape_cast %broadcast_in_dim3A_256 : vector<16x1xi32> to vector<16xi32>
    %gather3A_258 = tpu.dynamic_gather %add3A_47[%gather3A_257] in [0] : vector<16xi32>, vector<16xi32> -> vector<16xi32>
    %broadcast_in_dim3A_259 = arith.constant 1 : i32
    %broadcast_in_dim3A_260 = vector.broadcast %broadcast_in_dim3A_259 : i32 to vector<16xi32>
    %lt3A_261 = arith.constant 0 : i32
    %lt3A_262 = vector.broadcast %lt3A_261 : i32 to vector<16xi32>
    %lt3A_263 = arith.cmpi slt, %broadcast_in_dim3A_260, %lt3A_262 : vector<16xi32>
    %add3A_264 = arith.constant 16 : i32
    %add3A_265 = vector.broadcast %add3A_264 : i32 to vector<16xi32>
    %add3A_266 = arith.addi %broadcast_in_dim3A_260, %add3A_265 : vector<16xi32>
    %select_n3A_267 = arith.select %lt3A_263, %add3A_266, %broadcast_in_dim3A_260 : vector<16xi1>, vector<16xi32>
    %broadcast_in_dim3A_268 = vector.shape_cast %select_n3A_267 : vector<16xi32> to vector<16x1xi32>
    %gather3A_269 = vector.shape_cast %broadcast_in_dim3A_268 : vector<16x1xi32> to vector<16xi32>
    %gather3A_270 = tpu.dynamic_gather %add3A_69[%gather3A_269] in [0] : vector<16xi32>, vector<16xi32> -> vector<16xi32>
    %add3A_271 = arith.addi %gather3A_258, %add3A_113 : vector<16xi32>
    %swap3A_272 = arith.constant 0 : i32
    %swap3A_273 = arith.index_cast %swap3A_272 : i32 to index
    %swap3A_274 = arith.constant 64 : index
    %swap3A_275 = tpu.vector_load %arg11[%swap3A_273, %swap3A_274] {strides = array<i32>} : memref<8x128xi32, #tpu.memory_space<vmem>>, vector<16xi32>,
    tpu.vector_store %arg11[%swap3A_273, %swap3A_274], %add3A_271 {strides = array<i32>} : memref<8x128xi32, #tpu.memory_space<vmem>>, vector<16xi32>,
    %add3A_276 = arith.addi %gather3A_270, %add3A_113 : vector<16xi32>
    %min3A_277 = arith.constant 1048575 : i32
    %min3A_278 = vector.broadcast %min3A_277 : i32 to vector<16xi32>
    %min3A_279 = arith.minsi %add3A_276, %min3A_278 : vector<16xi32>
    %swap3A_280 = arith.constant 0 : i32
    %swap3A_281 = arith.index_cast %swap3A_280 : i32 to index
    %swap3A_282 = arith.constant 64 : index
    %swap3A_283 = tpu.vector_load %arg12[%swap3A_281, %swap3A_282] {strides = array<i32>} : memref<8x128xi32, #tpu.memory_space<vmem>>, vector<16xi32>,
    tpu.vector_store %arg12[%swap3A_281, %swap3A_282], %min3A_279 {strides = array<i32>} : memref<8x128xi32, #tpu.memory_space<vmem>>, vector<16xi32>,
    %add3A_284 = arith.addi %gather3A_258, %add3A_132 : vector<16xi32>
    %swap3A_285 = arith.constant 0 : i32
    %swap3A_286 = arith.index_cast %swap3A_285 : i32 to index
    %swap3A_287 = arith.constant 80 : index
    %swap3A_288 = tpu.vector_load %arg11[%swap3A_286, %swap3A_287] {strides = array<i32>} : memref<8x128xi32, #tpu.memory_space<vmem>>, vector<16xi32>,
    tpu.vector_store %arg11[%swap3A_286, %swap3A_287], %add3A_284 {strides = array<i32>} : memref<8x128xi32, #tpu.memory_space<vmem>>, vector<16xi32>,
    %add3A_289 = arith.addi %gather3A_270, %add3A_132 : vector<16xi32>
    %min3A_290 = arith.constant 1048575 : i32
    %min3A_291 = vector.broadcast %min3A_290 : i32 to vector<16xi32>
    %min3A_292 = arith.minsi %add3A_289, %min3A_291 : vector<16xi32>
    %swap3A_293 = arith.constant 0 : i32
    %swap3A_294 = arith.index_cast %swap3A_293 : i32 to index
    %swap3A_295 = arith.constant 80 : index
    %swap3A_296 = tpu.vector_load %arg12[%swap3A_294, %swap3A_295] {strides = array<i32>} : memref<8x128xi32, #tpu.memory_space<vmem>>, vector<16xi32>,
    tpu.vector_store %arg12[%swap3A_294, %swap3A_295], %min3A_292 {strides = array<i32>} : memref<8x128xi32, #tpu.memory_space<vmem>>, vector<16xi32>,
    %add3A_297 = arith.addi %gather3A_258, %add3A_151 : vector<16xi32>
    %swap3A_298 = arith.constant 0 : i32
    %swap3A_299 = arith.index_cast %swap3A_298 : i32 to index
    %swap3A_300 = arith.constant 96 : index
    %swap3A_301 = tpu.vector_load %arg11[%swap3A_299, %swap3A_300] {strides = array<i32>} : memref<8x128xi32, #tpu.memory_space<vmem>>, vector<16xi32>,
    tpu.vector_store %arg11[%swap3A_299, %swap3A_300], %add3A_297 {strides = array<i32>} : memref<8x128xi32, #tpu.memory_space<vmem>>, vector<16xi32>,
    %add3A_302 = arith.addi %gather3A_270, %add3A_151 : vector<16xi32>
    %min3A_303 = arith.constant 1048575 : i32
    %min3A_304 = vector.broadcast %min3A_303 : i32 to vector<16xi32>
    %min3A_305 = arith.minsi %add3A_302, %min3A_304 : vector<16xi32>
    %swap3A_306 = arith.constant 0 : i32
    %swap3A_307 = arith.index_cast %swap3A_306 : i32 to index
    %swap3A_308 = arith.constant 96 : index
    %swap3A_309 = tpu.vector_load %arg12[%swap3A_307, %swap3A_308] {strides = array<i32>} : memref<8x128xi32, #tpu.memory_space<vmem>>, vector<16xi32>,
    tpu.vector_store %arg12[%swap3A_307, %swap3A_308], %min3A_305 {strides = array<i32>} : memref<8x128xi32, #tpu.memory_space<vmem>>, vector<16xi32>,
    %add3A_310 = arith.addi %gather3A_258, %add3A_170 : vector<16xi32>
    %swap3A_311 = arith.constant 0 : i32
    %swap3A_312 = arith.index_cast %swap3A_311 : i32 to index
    %swap3A_313 = arith.constant 112 : index
    %swap3A_314 = tpu.vector_load %arg11[%swap3A_312, %swap3A_313] {strides = array<i32>} : memref<8x128xi32, #tpu.memory_space<vmem>>, vector<16xi32>,
    tpu.vector_store %arg11[%swap3A_312, %swap3A_313], %add3A_310 {strides = array<i32>} : memref<8x128xi32, #tpu.memory_space<vmem>>, vector<16xi32>,
    %add3A_315 = arith.addi %gather3A_270, %add3A_170 : vector<16xi32>
    %min3A_316 = arith.constant 1048575 : i32
    %min3A_317 = vector.broadcast %min3A_316 : i32 to vector<16xi32>
    %min3A_318 = arith.minsi %add3A_315, %min3A_317 : vector<16xi32>
    %swap3A_319 = arith.constant 0 : i32
    %swap3A_320 = arith.index_cast %swap3A_319 : i32 to index
    %swap3A_321 = arith.constant 112 : index
    %swap3A_322 = tpu.vector_load %arg12[%swap3A_320, %swap3A_321] {strides = array<i32>} : memref<8x128xi32, #tpu.memory_space<vmem>>, vector<16xi32>,
    tpu.vector_store %arg12[%swap3A_320, %swap3A_321], %min3A_318 {strides = array<i32>} : memref<8x128xi32, #tpu.memory_space<vmem>>, vector<16xi32>,
    %broadcast_in_dim3A_323 = arith.constant 2 : i32
    %broadcast_in_dim3A_324 = vector.broadcast %broadcast_in_dim3A_323 : i32 to vector<16xi32>
    %lt3A_325 = arith.constant 0 : i32
    %lt3A_326 = vector.broadcast %lt3A_325 : i32 to vector<16xi32>
    %lt3A_327 = arith.cmpi slt, %broadcast_in_dim3A_324, %lt3A_326 : vector<16xi32>
    %add3A_328 = arith.constant 16 : i32
    %add3A_329 = vector.broadcast %add3A_328 : i32 to vector<16xi32>
    %add3A_330 = arith.addi %broadcast_in_dim3A_324, %add3A_329 : vector<16xi32>
    %select_n3A_331 = arith.select %lt3A_327, %add3A_330, %broadcast_in_dim3A_324 : vector<16xi1>, vector<16xi32>
    %broadcast_in_dim3A_332 = vector.shape_cast %select_n3A_331 : vector<16xi32> to vector<16x1xi32>
    %gather3A_333 = vector.shape_cast %broadcast_in_dim3A_332 : vector<16x1xi32> to vector<16xi32>
    %gather3A_334 = tpu.dynamic_gather %add3A_47[%gather3A_333] in [0] : vector<16xi32>, vector<16xi32> -> vector<16xi32>
    %broadcast_in_dim3A_335 = arith.constant 2 : i32
    %broadcast_in_dim3A_336 = vector.broadcast %broadcast_in_dim3A_335 : i32 to vector<16xi32>
    %lt3A_337 = arith.constant 0 : i32
    %lt3A_338 = vector.broadcast %lt3A_337 : i32 to vector<16xi32>
    %lt3A_339 = arith.cmpi slt, %broadcast_in_dim3A_336, %lt3A_338 : vector<16xi32>
    %add3A_340 = arith.constant 16 : i32
    %add3A_341 = vector.broadcast %add3A_340 : i32 to vector<16xi32>
    %add3A_342 = arith.addi %broadcast_in_dim3A_336, %add3A_341 : vector<16xi32>
    %select_n3A_343 = arith.select %lt3A_339, %add3A_342, %broadcast_in_dim3A_336 : vector<16xi1>, vector<16xi32>
    %broadcast_in_dim3A_344 = vector.shape_cast %select_n3A_343 : vector<16xi32> to vector<16x1xi32>
    %gather3A_345 = vector.shape_cast %broadcast_in_dim3A_344 : vector<16x1xi32> to vector<16xi32>
    %gather3A_346 = tpu.dynamic_gather %add3A_69[%gather3A_345] in [0] : vector<16xi32>, vector<16xi32> -> vector<16xi32>
    %add3A_347 = arith.addi %gather3A_334, %add3A_113 : vector<16xi32>
    %swap3A_348 = arith.constant 1 : i32
    %swap3A_349 = arith.index_cast %swap3A_348 : i32 to index
    %swap3A_350 = arith.constant 0 : index
    %swap3A_351 = tpu.vector_load %arg11[%swap3A_349, %swap3A_350] {strides = array<i32>} : memref<8x128xi32, #tpu.memory_space<vmem>>, vector<16xi32>,
    tpu.vector_store %arg11[%swap3A_349, %swap3A_350], %add3A_347 {strides = array<i32>} : memref<8x128xi32, #tpu.memory_space<vmem>>, vector<16xi32>,
    %add3A_352 = arith.addi %gather3A_346, %add3A_113 : vector<16xi32>
    %min3A_353 = arith.constant 1048575 : i32
    %min3A_354 = vector.broadcast %min3A_353 : i32 to vector<16xi32>
    %min3A_355 = arith.minsi %add3A_352, %min3A_354 : vector<16xi32>
    %swap3A_356 = arith.constant 1 : i32
    %swap3A_357 = arith.index_cast %swap3A_356 : i32 to index
    %swap3A_358 = arith.constant 0 : index
    %swap3A_359 = tpu.vector_load %arg12[%swap3A_357, %swap3A_358] {strides = array<i32>} : memref<8x128xi32, #tpu.memory_space<vmem>>, vector<16xi32>,
    tpu.vector_store %arg12[%swap3A_357, %swap3A_358], %min3A_355 {strides = array<i32>} : memref<8x128xi32, #tpu.memory_space<vmem>>, vector<16xi32>,
    %add3A_360 = arith.addi %gather3A_334, %add3A_132 : vector<16xi32>
    %swap3A_361 = arith.constant 1 : i32
    %swap3A_362 = arith.index_cast %swap3A_361 : i32 to index
    %swap3A_363 = arith.constant 16 : index
    %swap3A_364 = tpu.vector_load %arg11[%swap3A_362, %swap3A_363] {strides = array<i32>} : memref<8x128xi32, #tpu.memory_space<vmem>>, vector<16xi32>,
    tpu.vector_store %arg11[%swap3A_362, %swap3A_363], %add3A_360 {strides = array<i32>} : memref<8x128xi32, #tpu.memory_space<vmem>>, vector<16xi32>,
    %add3A_365 = arith.addi %gather3A_346, %add3A_132 : vector<16xi32>
    %min3A_366 = arith.constant 1048575 : i32
    %min3A_367 = vector.broadcast %min3A_366 : i32 to vector<16xi32>
    %min3A_368 = arith.minsi %add3A_365, %min3A_367 : vector<16xi32>
    %swap3A_369 = arith.constant 1 : i32
    %swap3A_370 = arith.index_cast %swap3A_369 : i32 to index
    %swap3A_371 = arith.constant 16 : index
    %swap3A_372 = tpu.vector_load %arg12[%swap3A_370, %swap3A_371] {strides = array<i32>} : memref<8x128xi32, #tpu.memory_space<vmem>>, vector<16xi32>,
    tpu.vector_store %arg12[%swap3A_370, %swap3A_371], %min3A_368 {strides = array<i32>} : memref<8x128xi32, #tpu.memory_space<vmem>>, vector<16xi32>,
    %add3A_373 = arith.addi %gather3A_334, %add3A_151 : vector<16xi32>
    %swap3A_374 = arith.constant 1 : i32
    %swap3A_375 = arith.index_cast %swap3A_374 : i32 to index
    %swap3A_376 = arith.constant 32 : index
    %swap3A_377 = tpu.vector_load %arg11[%swap3A_375, %swap3A_376] {strides = array<i32>} : memref<8x128xi32, #tpu.memory_space<vmem>>, vector<16xi32>,
    tpu.vector_store %arg11[%swap3A_375, %swap3A_376], %add3A_373 {strides = array<i32>} : memref<8x128xi32, #tpu.memory_space<vmem>>, vector<16xi32>,
    %add3A_378 = arith.addi %gather3A_346, %add3A_151 : vector<16xi32>
    %min3A_379 = arith.constant 1048575 : i32
    %min3A_380 = vector.broadcast %min3A_379 : i32 to vector<16xi32>
    %min3A_381 = arith.minsi %add3A_378, %min3A_380 : vector<16xi32>
    %swap3A_382 = arith.constant 1 : i32
    %swap3A_383 = arith.index_cast %swap3A_382 : i32 to index
    %swap3A_384 = arith.constant 32 : index
    %swap3A_385 = tpu.vector_load %arg12[%swap3A_383, %swap3A_384] {strides = array<i32>} : memref<8x128xi32, #tpu.memory_space<vmem>>, vector<16xi32>,
    tpu.vector_store %arg12[%swap3A_383, %swap3A_384], %min3A_381 {strides = array<i32>} : memref<8x128xi32, #tpu.memory_space<vmem>>, vector<16xi32>,
    %add3A_386 = arith.addi %gather3A_334, %add3A_170 : vector<16xi32>
    %swap3A_387 = arith.constant 1 : i32
    %swap3A_388 = arith.index_cast %swap3A_387 : i32 to index
    %swap3A_389 = arith.constant 48 : index
    %swap3A_390 = tpu.vector_load %arg11[%swap3A_388, %swap3A_389] {strides = array<i32>} : memref<8x128xi32, #tpu.memory_space<vmem>>, vector<16xi32>,
    tpu.vector_store %arg11[%swap3A_388, %swap3A_389], %add3A_386 {strides = array<i32>} : memref<8x128xi32, #tpu.memory_space<vmem>>, vector<16xi32>,
    %add3A_391 = arith.addi %gather3A_346, %add3A_170 : vector<16xi32>
    %min3A_392 = arith.constant 1048575 : i32
    %min3A_393 = vector.broadcast %min3A_392 : i32 to vector<16xi32>
    %min3A_394 = arith.minsi %add3A_391, %min3A_393 : vector<16xi32>
    %swap3A_395 = arith.constant 1 : i32
    %swap3A_396 = arith.index_cast %swap3A_395 : i32 to index
    %swap3A_397 = arith.constant 48 : index
    %swap3A_398 = tpu.vector_load %arg12[%swap3A_396, %swap3A_397] {strides = array<i32>} : memref<8x128xi32, #tpu.memory_space<vmem>>, vector<16xi32>,
    tpu.vector_store %arg12[%swap3A_396, %swap3A_397], %min3A_394 {strides = array<i32>} : memref<8x128xi32, #tpu.memory_space<vmem>>, vector<16xi32>,
    %broadcast_in_dim3A_399 = arith.constant 3 : i32
    %broadcast_in_dim3A_400 = vector.broadcast %broadcast_in_dim3A_399 : i32 to vector<16xi32>
    %lt3A_401 = arith.constant 0 : i32
    %lt3A_402 = vector.broadcast %lt3A_401 : i32 to vector<16xi32>
    %lt3A_403 = arith.cmpi slt, %broadcast_in_dim3A_400, %lt3A_402 : vector<16xi32>
    %add3A_404 = arith.constant 16 : i32
    %add3A_405 = vector.broadcast %add3A_404 : i32 to vector<16xi32>
    %add3A_406 = arith.addi %broadcast_in_dim3A_400, %add3A_405 : vector<16xi32>
    %select_n3A_407 = arith.select %lt3A_403, %add3A_406, %broadcast_in_dim3A_400 : vector<16xi1>, vector<16xi32>
    %broadcast_in_dim3A_408 = vector.shape_cast %select_n3A_407 : vector<16xi32> to vector<16x1xi32>
    %gather3A_409 = vector.shape_cast %broadcast_in_dim3A_408 : vector<16x1xi32> to vector<16xi32>
    %gather3A_410 = tpu.dynamic_gather %add3A_47[%gather3A_409] in [0] : vector<16xi32>, vector<16xi32> -> vector<16xi32>
    %broadcast_in_dim3A_411 = arith.constant 3 : i32
    %broadcast_in_dim3A_412 = vector.broadcast %broadcast_in_dim3A_411 : i32 to vector<16xi32>
    %lt3A_413 = arith.constant 0 : i32
    %lt3A_414 = vector.broadcast %lt3A_413 : i32 to vector<16xi32>
    %lt3A_415 = arith.cmpi slt, %broadcast_in_dim3A_412, %lt3A_414 : vector<16xi32>
    %add3A_416 = arith.constant 16 : i32
    %add3A_417 = vector.broadcast %add3A_416 : i32 to vector<16xi32>
    %add3A_418 = arith.addi %broadcast_in_dim3A_412, %add3A_417 : vector<16xi32>
    %select_n3A_419 = arith.select %lt3A_415, %add3A_418, %broadcast_in_dim3A_412 : vector<16xi1>, vector<16xi32>
    %broadcast_in_dim3A_420 = vector.shape_cast %select_n3A_419 : vector<16xi32> to vector<16x1xi32>
    %gather3A_421 = vector.shape_cast %broadcast_in_dim3A_420 : vector<16x1xi32> to vector<16xi32>
    %gather3A_422 = tpu.dynamic_gather %add3A_69[%gather3A_421] in [0] : vector<16xi32>, vector<16xi32> -> vector<16xi32>
    %add3A_423 = arith.addi %gather3A_410, %add3A_113 : vector<16xi32>
    %swap3A_424 = arith.constant 1 : i32
    %swap3A_425 = arith.index_cast %swap3A_424 : i32 to index
    %swap3A_426 = arith.constant 64 : index
    %swap3A_427 = tpu.vector_load %arg11[%swap3A_425, %swap3A_426] {strides = array<i32>} : memref<8x128xi32, #tpu.memory_space<vmem>>, vector<16xi32>,
    tpu.vector_store %arg11[%swap3A_425, %swap3A_426], %add3A_423 {strides = array<i32>} : memref<8x128xi32, #tpu.memory_space<vmem>>, vector<16xi32>,
    %add3A_428 = arith.addi %gather3A_422, %add3A_113 : vector<16xi32>
    %min3A_429 = arith.constant 1048575 : i32
    %min3A_430 = vector.broadcast %min3A_429 : i32 to vector<16xi32>
    %min3A_431 = arith.minsi %add3A_428, %min3A_430 : vector<16xi32>
    %swap3A_432 = arith.constant 1 : i32
    %swap3A_433 = arith.index_cast %swap3A_432 : i32 to index
    %swap3A_434 = arith.constant 64 : index
    %swap3A_435 = tpu.vector_load %arg12[%swap3A_433, %swap3A_434] {strides = array<i32>} : memref<8x128xi32, #tpu.memory_space<vmem>>, vector<16xi32>,
    tpu.vector_store %arg12[%swap3A_433, %swap3A_434], %min3A_431 {strides = array<i32>} : memref<8x128xi32, #tpu.memory_space<vmem>>, vector<16xi32>,
    %add3A_436 = arith.addi %gather3A_410, %add3A_132 : vector<16xi32>
    %swap3A_437 = arith.constant 1 : i32
    %swap3A_438 = arith.index_cast %swap3A_437 : i32 to index
    %swap3A_439 = arith.constant 80 : index
    %swap3A_440 = tpu.vector_load %arg11[%swap3A_438, %swap3A_439] {strides = array<i32>} : memref<8x128xi32, #tpu.memory_space<vmem>>, vector<16xi32>,
    tpu.vector_store %arg11[%swap3A_438, %swap3A_439], %add3A_436 {strides = array<i32>} : memref<8x128xi32, #tpu.memory_space<vmem>>, vector<16xi32>,
    %add3A_441 = arith.addi %gather3A_422, %add3A_132 : vector<16xi32>
    %min3A_442 = arith.constant 1048575 : i32
    %min3A_443 = vector.broadcast %min3A_442 : i32 to vector<16xi32>
    %min3A_444 = arith.minsi %add3A_441, %min3A_443 : vector<16xi32>
    %swap3A_445 = arith.constant 1 : i32
    %swap3A_446 = arith.index_cast %swap3A_445 : i32 to index
    %swap3A_447 = arith.constant 80 : index
    %swap3A_448 = tpu.vector_load %arg12[%swap3A_446, %swap3A_447] {strides = array<i32>} : memref<8x128xi32, #tpu.memory_space<vmem>>, vector<16xi32>,
    tpu.vector_store %arg12[%swap3A_446, %swap3A_447], %min3A_444 {strides = array<i32>} : memref<8x128xi32, #tpu.memory_space<vmem>>, vector<16xi32>,
    %add3A_449 = arith.addi %gather3A_410, %add3A_151 : vector<16xi32>
    %swap3A_450 = arith.constant 1 : i32
    %swap3A_451 = arith.index_cast %swap3A_450 : i32 to index
    %swap3A_452 = arith.constant 96 : index
    %swap3A_453 = tpu.vector_load %arg11[%swap3A_451, %swap3A_452] {strides = array<i32>} : memref<8x128xi32, #tpu.memory_space<vmem>>, vector<16xi32>,
    tpu.vector_store %arg11[%swap3A_451, %swap3A_452], %add3A_449 {strides = array<i32>} : memref<8x128xi32, #tpu.memory_space<vmem>>, vector<16xi32>,
    %add3A_454 = arith.addi %gather3A_422, %add3A_151 : vector<16xi32>
    %min3A_455 = arith.constant 1048575 : i32
    %min3A_456 = vector.broadcast %min3A_455 : i32 to vector<16xi32>
    %min3A_457 = arith.minsi %add3A_454, %min3A_456 : vector<16xi32>
    %swap3A_458 = arith.constant 1 : i32
    %swap3A_459 = arith.index_cast %swap3A_458 : i32 to index
    %swap3A_460 = arith.constant 96 : index
    %swap3A_461 = tpu.vector_load %arg12[%swap3A_459, %swap3A_460] {strides = array<i32>} : memref<8x128xi32, #tpu.memory_space<vmem>>, vector<16xi32>,
    tpu.vector_store %arg12[%swap3A_459, %swap3A_460], %min3A_457 {strides = array<i32>} : memref<8x128xi32, #tpu.memory_space<vmem>>, vector<16xi32>,
    %add3A_462 = arith.addi %gather3A_410, %add3A_170 : vector<16xi32>
    %swap3A_463 = arith.constant 1 : i32
    %swap3A_464 = arith.index_cast %swap3A_463 : i32 to index
    %swap3A_465 = arith.constant 112 : index
    %swap3A_466 = tpu.vector_load %arg11[%swap3A_464, %swap3A_465] {strides = array<i32>} : memref<8x128xi32, #tpu.memory_space<vmem>>, vector<16xi32>,
    tpu.vector_store %arg11[%swap3A_464, %swap3A_465], %add3A_462 {strides = array<i32>} : memref<8x128xi32, #tpu.memory_space<vmem>>, vector<16xi32>,
    %add3A_467 = arith.addi %gather3A_422, %add3A_170 : vector<16xi32>
    %min3A_468 = arith.constant 1048575 : i32
    %min3A_469 = vector.broadcast %min3A_468 : i32 to vector<16xi32>
    %min3A_470 = arith.minsi %add3A_467, %min3A_469 : vector<16xi32>
    %swap3A_471 = arith.constant 1 : i32
    %swap3A_472 = arith.index_cast %swap3A_471 : i32 to index
    %swap3A_473 = arith.constant 112 : index
    %swap3A_474 = tpu.vector_load %arg12[%swap3A_472, %swap3A_473] {strides = array<i32>} : memref<8x128xi32, #tpu.memory_space<vmem>>, vector<16xi32>,
    tpu.vector_store %arg12[%swap3A_472, %swap3A_473], %min3A_470 {strides = array<i32>} : memref<8x128xi32, #tpu.memory_space<vmem>>, vector<16xi32>,
    %broadcast_in_dim3A_475 = arith.constant 4 : i32
    %broadcast_in_dim3A_476 = vector.broadcast %broadcast_in_dim3A_475 : i32 to vector<16xi32>
    %lt3A_477 = arith.constant 0 : i32
    %lt3A_478 = vector.broadcast %lt3A_477 : i32 to vector<16xi32>
    %lt3A_479 = arith.cmpi slt, %broadcast_in_dim3A_476, %lt3A_478 : vector<16xi32>
    %add3A_480 = arith.constant 16 : i32
    %add3A_481 = vector.broadcast %add3A_480 : i32 to vector<16xi32>
    %add3A_482 = arith.addi %broadcast_in_dim3A_476, %add3A_481 : vector<16xi32>
    %select_n3A_483 = arith.select %lt3A_479, %add3A_482, %broadcast_in_dim3A_476 : vector<16xi1>, vector<16xi32>
    %broadcast_in_dim3A_484 = vector.shape_cast %select_n3A_483 : vector<16xi32> to vector<16x1xi32>
    %gather3A_485 = vector.shape_cast %broadcast_in_dim3A_484 : vector<16x1xi32> to vector<16xi32>
    %gather3A_486 = tpu.dynamic_gather %add3A_47[%gather3A_485] in [0] : vector<16xi32>, vector<16xi32> -> vector<16xi32>
    %broadcast_in_dim3A_487 = arith.constant 4 : i32
    %broadcast_in_dim3A_488 = vector.broadcast %broadcast_in_dim3A_487 : i32 to vector<16xi32>
    %lt3A_489 = arith.constant 0 : i32
    %lt3A_490 = vector.broadcast %lt3A_489 : i32 to vector<16xi32>
    %lt3A_491 = arith.cmpi slt, %broadcast_in_dim3A_488, %lt3A_490 : vector<16xi32>
    %add3A_492 = arith.constant 16 : i32
    %add3A_493 = vector.broadcast %add3A_492 : i32 to vector<16xi32>
    %add3A_494 = arith.addi %broadcast_in_dim3A_488, %add3A_493 : vector<16xi32>
    %select_n3A_495 = arith.select %lt3A_491, %add3A_494, %broadcast_in_dim3A_488 : vector<16xi1>, vector<16xi32>
    %broadcast_in_dim3A_496 = vector.shape_cast %select_n3A_495 : vector<16xi32> to vector<16x1xi32>
    %gather3A_497 = vector.shape_cast %broadcast_in_dim3A_496 : vector<16x1xi32> to vector<16xi32>
    %gather3A_498 = tpu.dynamic_gather %add3A_69[%gather3A_497] in [0] : vector<16xi32>, vector<16xi32> -> vector<16xi32>
    %add3A_499 = arith.addi %gather3A_486, %add3A_113 : vector<16xi32>
    %swap3A_500 = arith.constant 2 : i32
    %swap3A_501 = arith.index_cast %swap3A_500 : i32 to index
    %swap3A_502 = arith.constant 0 : index
    %swap3A_503 = tpu.vector_load %arg11[%swap3A_501, %swap3A_502] {strides = array<i32>} : memref<8x128xi32, #tpu.memory_space<vmem>>, vector<16xi32>,
    tpu.vector_store %arg11[%swap3A_501, %swap3A_502], %add3A_499 {strides = array<i32>} : memref<8x128xi32, #tpu.memory_space<vmem>>, vector<16xi32>,
    %add3A_504 = arith.addi %gather3A_498, %add3A_113 : vector<16xi32>
    %min3A_505 = arith.constant 1048575 : i32
    %min3A_506 = vector.broadcast %min3A_505 : i32 to vector<16xi32>
    %min3A_507 = arith.minsi %add3A_504, %min3A_506 : vector<16xi32>
    %swap3A_508 = arith.constant 2 : i32
    %swap3A_509 = arith.index_cast %swap3A_508 : i32 to index
    %swap3A_510 = arith.constant 0 : index
    %swap3A_511 = tpu.vector_load %arg12[%swap3A_509, %swap3A_510] {strides = array<i32>} : memref<8x128xi32, #tpu.memory_space<vmem>>, vector<16xi32>,
    tpu.vector_store %arg12[%swap3A_509, %swap3A_510], %min3A_507 {strides = array<i32>} : memref<8x128xi32, #tpu.memory_space<vmem>>, vector<16xi32>,
    %add3A_512 = arith.addi %gather3A_486, %add3A_132 : vector<16xi32>
    %swap3A_513 = arith.constant 2 : i32
    %swap3A_514 = arith.index_cast %swap3A_513 : i32 to index
    %swap3A_515 = arith.constant 16 : index
    %swap3A_516 = tpu.vector_load %arg11[%swap3A_514, %swap3A_515] {strides = array<i32>} : memref<8x128xi32, #tpu.memory_space<vmem>>, vector<16xi32>,
    tpu.vector_store %arg11[%swap3A_514, %swap3A_515], %add3A_512 {strides = array<i32>} : memref<8x128xi32, #tpu.memory_space<vmem>>, vector<16xi32>,
    %add3A_517 = arith.addi %gather3A_498, %add3A_132 : vector<16xi32>
    %min3A_518 = arith.constant 1048575 : i32
    %min3A_519 = vector.broadcast %min3A_518 : i32 to vector<16xi32>
    %min3A_520 = arith.minsi %add3A_517, %min3A_519 : vector<16xi32>
    %swap3A_521 = arith.constant 2 : i32
    %swap3A_522 = arith.index_cast %swap3A_521 : i32 to index
    %swap3A_523 = arith.constant 16 : index
    %swap3A_524 = tpu.vector_load %arg12[%swap3A_522, %swap3A_523] {strides = array<i32>} : memref<8x128xi32, #tpu.memory_space<vmem>>, vector<16xi32>,
    tpu.vector_store %arg12[%swap3A_522, %swap3A_523], %min3A_520 {strides = array<i32>} : memref<8x128xi32, #tpu.memory_space<vmem>>, vector<16xi32>,
    %add3A_525 = arith.addi %gather3A_486, %add3A_151 : vector<16xi32>
    %swap3A_526 = arith.constant 2 : i32
    %swap3A_527 = arith.index_cast %swap3A_526 : i32 to index
    %swap3A_528 = arith.constant 32 : index
    %swap3A_529 = tpu.vector_load %arg11[%swap3A_527, %swap3A_528] {strides = array<i32>} : memref<8x128xi32, #tpu.memory_space<vmem>>, vector<16xi32>,
    tpu.vector_store %arg11[%swap3A_527, %swap3A_528], %add3A_525 {strides = array<i32>} : memref<8x128xi32, #tpu.memory_space<vmem>>, vector<16xi32>,
    %add3A_530 = arith.addi %gather3A_498, %add3A_151 : vector<16xi32>
    %min3A_531 = arith.constant 1048575 : i32
    %min3A_532 = vector.broadcast %min3A_531 : i32 to vector<16xi32>
    %min3A_533 = arith.minsi %add3A_530, %min3A_532 : vector<16xi32>
    %swap3A_534 = arith.constant 2 : i32
    %swap3A_535 = arith.index_cast %swap3A_534 : i32 to index
    %swap3A_536 = arith.constant 32 : index
    %swap3A_537 = tpu.vector_load %arg12[%swap3A_535, %swap3A_536] {strides = array<i32>} : memref<8x128xi32, #tpu.memory_space<vmem>>, vector<16xi32>,
    tpu.vector_store %arg12[%swap3A_535, %swap3A_536], %min3A_533 {strides = array<i32>} : memref<8x128xi32, #tpu.memory_space<vmem>>, vector<16xi32>,
    %add3A_538 = arith.addi %gather3A_486, %add3A_170 : vector<16xi32>
    %swap3A_539 = arith.constant 2 : i32
    %swap3A_540 = arith.index_cast %swap3A_539 : i32 to index
    %swap3A_541 = arith.constant 48 : index
    %swap3A_542 = tpu.vector_load %arg11[%swap3A_540, %swap3A_541] {strides = array<i32>} : memref<8x128xi32, #tpu.memory_space<vmem>>, vector<16xi32>,
    tpu.vector_store %arg11[%swap3A_540, %swap3A_541], %add3A_538 {strides = array<i32>} : memref<8x128xi32, #tpu.memory_space<vmem>>, vector<16xi32>,
    %add3A_543 = arith.addi %gather3A_498, %add3A_170 : vector<16xi32>
    %min3A_544 = arith.constant 1048575 : i32
    %min3A_545 = vector.broadcast %min3A_544 : i32 to vector<16xi32>
    %min3A_546 = arith.minsi %add3A_543, %min3A_545 : vector<16xi32>
    %swap3A_547 = arith.constant 2 : i32
    %swap3A_548 = arith.index_cast %swap3A_547 : i32 to index
    %swap3A_549 = arith.constant 48 : index
    %swap3A_550 = tpu.vector_load %arg12[%swap3A_548, %swap3A_549] {strides = array<i32>} : memref<8x128xi32, #tpu.memory_space<vmem>>, vector<16xi32>,
    tpu.vector_store %arg12[%swap3A_548, %swap3A_549], %min3A_546 {strides = array<i32>} : memref<8x128xi32, #tpu.memory_space<vmem>>, vector<16xi32>,
    %broadcast_in_dim3A_551 = arith.constant 5 : i32
    %broadcast_in_dim3A_552 = vector.broadcast %broadcast_in_dim3A_551 : i32 to vector<16xi32>
    %lt3A_553 = arith.constant 0 : i32
    %lt3A_554 = vector.broadcast %lt3A_553 : i32 to vector<16xi32>
    %lt3A_555 = arith.cmpi slt, %broadcast_in_dim3A_552, %lt3A_554 : vector<16xi32>
    %add3A_556 = arith.constant 16 : i32
    %add3A_557 = vector.broadcast %add3A_556 : i32 to vector<16xi32>
    %add3A_558 = arith.addi %broadcast_in_dim3A_552, %add3A_557 : vector<16xi32>
    %select_n3A_559 = arith.select %lt3A_555, %add3A_558, %broadcast_in_dim3A_552 : vector<16xi1>, vector<16xi32>
    %broadcast_in_dim3A_560 = vector.shape_cast %select_n3A_559 : vector<16xi32> to vector<16x1xi32>
    %gather3A_561 = vector.shape_cast %broadcast_in_dim3A_560 : vector<16x1xi32> to vector<16xi32>
    %gather3A_562 = tpu.dynamic_gather %add3A_47[%gather3A_561] in [0] : vector<16xi32>, vector<16xi32> -> vector<16xi32>
    %broadcast_in_dim3A_563 = arith.constant 5 : i32
    %broadcast_in_dim3A_564 = vector.broadcast %broadcast_in_dim3A_563 : i32 to vector<16xi32>
    %lt3A_565 = arith.constant 0 : i32
    %lt3A_566 = vector.broadcast %lt3A_565 : i32 to vector<16xi32>
    %lt3A_567 = arith.cmpi slt, %broadcast_in_dim3A_564, %lt3A_566 : vector<16xi32>
    %add3A_568 = arith.constant 16 : i32
    %add3A_569 = vector.broadcast %add3A_568 : i32 to vector<16xi32>
    %add3A_570 = arith.addi %broadcast_in_dim3A_564, %add3A_569 : vector<16xi32>
    %select_n3A_571 = arith.select %lt3A_567, %add3A_570, %broadcast_in_dim3A_564 : vector<16xi1>, vector<16xi32>
    %broadcast_in_dim3A_572 = vector.shape_cast %select_n3A_571 : vector<16xi32> to vector<16x1xi32>
    %gather3A_573 = vector.shape_cast %broadcast_in_dim3A_572 : vector<16x1xi32> to vector<16xi32>
    %gather3A_574 = tpu.dynamic_gather %add3A_69[%gather3A_573] in [0] : vector<16xi32>, vector<16xi32> -> vector<16xi32>
    %add3A_575 = arith.addi %gather3A_562, %add3A_113 : vector<16xi32>
    %swap3A_576 = arith.constant 2 : i32
    %swap3A_577 = arith.index_cast %swap3A_576 : i32 to index
    %swap3A_578 = arith.constant 64 : index
    %swap3A_579 = tpu.vector_load %arg11[%swap3A_577, %swap3A_578] {strides = array<i32>} : memref<8x128xi32, #tpu.memory_space<vmem>>, vector<16xi32>,
    tpu.vector_store %arg11[%swap3A_577, %swap3A_578], %add3A_575 {strides = array<i32>} : memref<8x128xi32, #tpu.memory_space<vmem>>, vector<16xi32>,
    %add3A_580 = arith.addi %gather3A_574, %add3A_113 : vector<16xi32>
    %min3A_581 = arith.constant 1048575 : i32
    %min3A_582 = vector.broadcast %min3A_581 : i32 to vector<16xi32>
    %min3A_583 = arith.minsi %add3A_580, %min3A_582 : vector<16xi32>
    %swap3A_584 = arith.constant 2 : i32
    %swap3A_585 = arith.index_cast %swap3A_584 : i32 to index
    %swap3A_586 = arith.constant 64 : index
    %swap3A_587 = tpu.vector_load %arg12[%swap3A_585, %swap3A_586] {strides = array<i32>} : memref<8x128xi32, #tpu.memory_space<vmem>>, vector<16xi32>,
    tpu.vector_store %arg12[%swap3A_585, %swap3A_586], %min3A_583 {strides = array<i32>} : memref<8x128xi32, #tpu.memory_space<vmem>>, vector<16xi32>,
    %add3A_588 = arith.addi %gather3A_562, %add3A_132 : vector<16xi32>
    %swap3A_589 = arith.constant 2 : i32
    %swap3A_590 = arith.index_cast %swap3A_589 : i32 to index
    %swap3A_591 = arith.constant 80 : index
    %swap3A_592 = tpu.vector_load %arg11[%swap3A_590, %swap3A_591] {strides = array<i32>} : memref<8x128xi32, #tpu.memory_space<vmem>>, vector<16xi32>,
    tpu.vector_store %arg11[%swap3A_590, %swap3A_591], %add3A_588 {strides = array<i32>} : memref<8x128xi32, #tpu.memory_space<vmem>>, vector<16xi32>,
    %add3A_593 = arith.addi %gather3A_574, %add3A_132 : vector<16xi32>
    %min3A_594 = arith.constant 1048575 : i32
    %min3A_595 = vector.broadcast %min3A_594 : i32 to vector<16xi32>
    %min3A_596 = arith.minsi %add3A_593, %min3A_595 : vector<16xi32>
    %swap3A_597 = arith.constant 2 : i32
    %swap3A_598 = arith.index_cast %swap3A_597 : i32 to index
    %swap3A_599 = arith.constant 80 : index
    %swap3A_600 = tpu.vector_load %arg12[%swap3A_598, %swap3A_599] {strides = array<i32>} : memref<8x128xi32, #tpu.memory_space<vmem>>, vector<16xi32>,
    tpu.vector_store %arg12[%swap3A_598, %swap3A_599], %min3A_596 {strides = array<i32>} : memref<8x128xi32, #tpu.memory_space<vmem>>, vector<16xi32>,
    %add3A_601 = arith.addi %gather3A_562, %add3A_151 : vector<16xi32>
    %swap3A_602 = arith.constant 2 : i32
    %swap3A_603 = arith.index_cast %swap3A_602 : i32 to index
    %swap3A_604 = arith.constant 96 : index
    %swap3A_605 = tpu.vector_load %arg11[%swap3A_603, %swap3A_604] {strides = array<i32>} : memref<8x128xi32, #tpu.memory_space<vmem>>, vector<16xi32>,
    tpu.vector_store %arg11[%swap3A_603, %swap3A_604], %add3A_601 {strides = array<i32>} : memref<8x128xi32, #tpu.memory_space<vmem>>, vector<16xi32>,
    %add3A_606 = arith.addi %gather3A_574, %add3A_151 : vector<16xi32>
    %min3A_607 = arith.constant 1048575 : i32
    %min3A_608 = vector.broadcast %min3A_607 : i32 to vector<16xi32>
    %min3A_609 = arith.minsi %add3A_606, %min3A_608 : vector<16xi32>
    %swap3A_610 = arith.constant 2 : i32
    %swap3A_611 = arith.index_cast %swap3A_610 : i32 to index
    %swap3A_612 = arith.constant 96 : index
    %swap3A_613 = tpu.vector_load %arg12[%swap3A_611, %swap3A_612] {strides = array<i32>} : memref<8x128xi32, #tpu.memory_space<vmem>>, vector<16xi32>,
    tpu.vector_store %arg12[%swap3A_611, %swap3A_612], %min3A_609 {strides = array<i32>} : memref<8x128xi32, #tpu.memory_space<vmem>>, vector<16xi32>,
    %add3A_614 = arith.addi %gather3A_562, %add3A_170 : vector<16xi32>
    %swap3A_615 = arith.constant 2 : i32
    %swap3A_616 = arith.index_cast %swap3A_615 : i32 to index
    %swap3A_617 = arith.constant 112 : index
    %swap3A_618 = tpu.vector_load %arg11[%swap3A_616, %swap3A_617] {strides = array<i32>} : memref<8x128xi32, #tpu.memory_space<vmem>>, vector<16xi32>,
    tpu.vector_store %arg11[%swap3A_616, %swap3A_617], %add3A_614 {strides = array<i32>} : memref<8x128xi32, #tpu.memory_space<vmem>>, vector<16xi32>,
    %add3A_619 = arith.addi %gather3A_574, %add3A_170 : vector<16xi32>
    %min3A_620 = arith.constant 1048575 : i32
    %min3A_621 = vector.broadcast %min3A_620 : i32 to vector<16xi32>
    %min3A_622 = arith.minsi %add3A_619, %min3A_621 : vector<16xi32>
    %swap3A_623 = arith.constant 2 : i32
    %swap3A_624 = arith.index_cast %swap3A_623 : i32 to index
    %swap3A_625 = arith.constant 112 : index
    %swap3A_626 = tpu.vector_load %arg12[%swap3A_624, %swap3A_625] {strides = array<i32>} : memref<8x128xi32, #tpu.memory_space<vmem>>, vector<16xi32>,
    tpu.vector_store %arg12[%swap3A_624, %swap3A_625], %min3A_622 {strides = array<i32>} : memref<8x128xi32, #tpu.memory_space<vmem>>, vector<16xi32>,
    %broadcast_in_dim3A_627 = arith.constant 6 : i32
    %broadcast_in_dim3A_628 = vector.broadcast %broadcast_in_dim3A_627 : i32 to vector<16xi32>
    %lt3A_629 = arith.constant 0 : i32
    %lt3A_630 = vector.broadcast %lt3A_629 : i32 to vector<16xi32>
    %lt3A_631 = arith.cmpi slt, %broadcast_in_dim3A_628, %lt3A_630 : vector<16xi32>
    %add3A_632 = arith.constant 16 : i32
    %add3A_633 = vector.broadcast %add3A_632 : i32 to vector<16xi32>
    %add3A_634 = arith.addi %broadcast_in_dim3A_628, %add3A_633 : vector<16xi32>
    %select_n3A_635 = arith.select %lt3A_631, %add3A_634, %broadcast_in_dim3A_628 : vector<16xi1>, vector<16xi32>
    %broadcast_in_dim3A_636 = vector.shape_cast %select_n3A_635 : vector<16xi32> to vector<16x1xi32>
    %gather3A_637 = vector.shape_cast %broadcast_in_dim3A_636 : vector<16x1xi32> to vector<16xi32>
    %gather3A_638 = tpu.dynamic_gather %add3A_47[%gather3A_637] in [0] : vector<16xi32>, vector<16xi32> -> vector<16xi32>
    %broadcast_in_dim3A_639 = arith.constant 6 : i32
    %broadcast_in_dim3A_640 = vector.broadcast %broadcast_in_dim3A_639 : i32 to vector<16xi32>
    %lt3A_641 = arith.constant 0 : i32
    %lt3A_642 = vector.broadcast %lt3A_641 : i32 to vector<16xi32>
    %lt3A_643 = arith.cmpi slt, %broadcast_in_dim3A_640, %lt3A_642 : vector<16xi32>
    %add3A_644 = arith.constant 16 : i32
    %add3A_645 = vector.broadcast %add3A_644 : i32 to vector<16xi32>
    %add3A_646 = arith.addi %broadcast_in_dim3A_640, %add3A_645 : vector<16xi32>
    %select_n3A_647 = arith.select %lt3A_643, %add3A_646, %broadcast_in_dim3A_640 : vector<16xi1>, vector<16xi32>
    %broadcast_in_dim3A_648 = vector.shape_cast %select_n3A_647 : vector<16xi32> to vector<16x1xi32>
    %gather3A_649 = vector.shape_cast %broadcast_in_dim3A_648 : vector<16x1xi32> to vector<16xi32>
    %gather3A_650 = tpu.dynamic_gather %add3A_69[%gather3A_649] in [0] : vector<16xi32>, vector<16xi32> -> vector<16xi32>
    %add3A_651 = arith.addi %gather3A_638, %add3A_113 : vector<16xi32>
    %swap3A_652 = arith.constant 3 : i32
    %swap3A_653 = arith.index_cast %swap3A_652 : i32 to index
    %swap3A_654 = arith.constant 0 : index
    %swap3A_655 = tpu.vector_load %arg11[%swap3A_653, %swap3A_654] {strides = array<i32>} : memref<8x128xi32, #tpu.memory_space<vmem>>, vector<16xi32>,
    tpu.vector_store %arg11[%swap3A_653, %swap3A_654], %add3A_651 {strides = array<i32>} : memref<8x128xi32, #tpu.memory_space<vmem>>, vector<16xi32>,
    %add3A_656 = arith.addi %gather3A_650, %add3A_113 : vector<16xi32>
    %min3A_657 = arith.constant 1048575 : i32
    %min3A_658 = vector.broadcast %min3A_657 : i32 to vector<16xi32>
    %min3A_659 = arith.minsi %add3A_656, %min3A_658 : vector<16xi32>
    %swap3A_660 = arith.constant 3 : i32
    %swap3A_661 = arith.index_cast %swap3A_660 : i32 to index
    %swap3A_662 = arith.constant 0 : index
    %swap3A_663 = tpu.vector_load %arg12[%swap3A_661, %swap3A_662] {strides = array<i32>} : memref<8x128xi32, #tpu.memory_space<vmem>>, vector<16xi32>,
    tpu.vector_store %arg12[%swap3A_661, %swap3A_662], %min3A_659 {strides = array<i32>} : memref<8x128xi32, #tpu.memory_space<vmem>>, vector<16xi32>,
    %add3A_664 = arith.addi %gather3A_638, %add3A_132 : vector<16xi32>
    %swap3A_665 = arith.constant 3 : i32
    %swap3A_666 = arith.index_cast %swap3A_665 : i32 to index
    %swap3A_667 = arith.constant 16 : index
    %swap3A_668 = tpu.vector_load %arg11[%swap3A_666, %swap3A_667] {strides = array<i32>} : memref<8x128xi32, #tpu.memory_space<vmem>>, vector<16xi32>,
    tpu.vector_store %arg11[%swap3A_666, %swap3A_667], %add3A_664 {strides = array<i32>} : memref<8x128xi32, #tpu.memory_space<vmem>>, vector<16xi32>,
    %add3A_669 = arith.addi %gather3A_650, %add3A_132 : vector<16xi32>
    %min3A_670 = arith.constant 1048575 : i32
    %min3A_671 = vector.broadcast %min3A_670 : i32 to vector<16xi32>
    %min3A_672 = arith.minsi %add3A_669, %min3A_671 : vector<16xi32>
    %swap3A_673 = arith.constant 3 : i32
    %swap3A_674 = arith.index_cast %swap3A_673 : i32 to index
    %swap3A_675 = arith.constant 16 : index
    %swap3A_676 = tpu.vector_load %arg12[%swap3A_674, %swap3A_675] {strides = array<i32>} : memref<8x128xi32, #tpu.memory_space<vmem>>, vector<16xi32>,
    tpu.vector_store %arg12[%swap3A_674, %swap3A_675], %min3A_672 {strides = array<i32>} : memref<8x128xi32, #tpu.memory_space<vmem>>, vector<16xi32>,
    %add3A_677 = arith.addi %gather3A_638, %add3A_151 : vector<16xi32>
    %swap3A_678 = arith.constant 3 : i32
    %swap3A_679 = arith.index_cast %swap3A_678 : i32 to index
    %swap3A_680 = arith.constant 32 : index
    %swap3A_681 = tpu.vector_load %arg11[%swap3A_679, %swap3A_680] {strides = array<i32>} : memref<8x128xi32, #tpu.memory_space<vmem>>, vector<16xi32>,
    tpu.vector_store %arg11[%swap3A_679, %swap3A_680], %add3A_677 {strides = array<i32>} : memref<8x128xi32, #tpu.memory_space<vmem>>, vector<16xi32>,
    %add3A_682 = arith.addi %gather3A_650, %add3A_151 : vector<16xi32>
    %min3A_683 = arith.constant 1048575 : i32
    %min3A_684 = vector.broadcast %min3A_683 : i32 to vector<16xi32>
    %min3A_685 = arith.minsi %add3A_682, %min3A_684 : vector<16xi32>
    %swap3A_686 = arith.constant 3 : i32
    %swap3A_687 = arith.index_cast %swap3A_686 : i32 to index
    %swap3A_688 = arith.constant 32 : index
    %swap3A_689 = tpu.vector_load %arg12[%swap3A_687, %swap3A_688] {strides = array<i32>} : memref<8x128xi32, #tpu.memory_space<vmem>>, vector<16xi32>,
    tpu.vector_store %arg12[%swap3A_687, %swap3A_688], %min3A_685 {strides = array<i32>} : memref<8x128xi32, #tpu.memory_space<vmem>>, vector<16xi32>,
    %add3A_690 = arith.addi %gather3A_638, %add3A_170 : vector<16xi32>
    %swap3A_691 = arith.constant 3 : i32
    %swap3A_692 = arith.index_cast %swap3A_691 : i32 to index
    %swap3A_693 = arith.constant 48 : index
    %swap3A_694 = tpu.vector_load %arg11[%swap3A_692, %swap3A_693] {strides = array<i32>} : memref<8x128xi32, #tpu.memory_space<vmem>>, vector<16xi32>,
    tpu.vector_store %arg11[%swap3A_692, %swap3A_693], %add3A_690 {strides = array<i32>} : memref<8x128xi32, #tpu.memory_space<vmem>>, vector<16xi32>,
    %add3A_695 = arith.addi %gather3A_650, %add3A_170 : vector<16xi32>
    %min3A_696 = arith.constant 1048575 : i32
    %min3A_697 = vector.broadcast %min3A_696 : i32 to vector<16xi32>
    %min3A_698 = arith.minsi %add3A_695, %min3A_697 : vector<16xi32>
    %swap3A_699 = arith.constant 3 : i32
    %swap3A_700 = arith.index_cast %swap3A_699 : i32 to index
    %swap3A_701 = arith.constant 48 : index
    %swap3A_702 = tpu.vector_load %arg12[%swap3A_700, %swap3A_701] {strides = array<i32>} : memref<8x128xi32, #tpu.memory_space<vmem>>, vector<16xi32>,
    tpu.vector_store %arg12[%swap3A_700, %swap3A_701], %min3A_698 {strides = array<i32>} : memref<8x128xi32, #tpu.memory_space<vmem>>, vector<16xi32>,
    %broadcast_in_dim3A_703 = arith.constant 7 : i32
    %broadcast_in_dim3A_704 = vector.broadcast %broadcast_in_dim3A_703 : i32 to vector<16xi32>
    %lt3A_705 = arith.constant 0 : i32
    %lt3A_706 = vector.broadcast %lt3A_705 : i32 to vector<16xi32>
    %lt3A_707 = arith.cmpi slt, %broadcast_in_dim3A_704, %lt3A_706 : vector<16xi32>
    %add3A_708 = arith.constant 16 : i32
    %add3A_709 = vector.broadcast %add3A_708 : i32 to vector<16xi32>
    %add3A_710 = arith.addi %broadcast_in_dim3A_704, %add3A_709 : vector<16xi32>
    %select_n3A_711 = arith.select %lt3A_707, %add3A_710, %broadcast_in_dim3A_704 : vector<16xi1>, vector<16xi32>
    %broadcast_in_dim3A_712 = vector.shape_cast %select_n3A_711 : vector<16xi32> to vector<16x1xi32>
    %gather3A_713 = vector.shape_cast %broadcast_in_dim3A_712 : vector<16x1xi32> to vector<16xi32>
    %gather3A_714 = tpu.dynamic_gather %add3A_47[%gather3A_713] in [0] : vector<16xi32>, vector<16xi32> -> vector<16xi32>
    %broadcast_in_dim3A_715 = arith.constant 7 : i32
    %broadcast_in_dim3A_716 = vector.broadcast %broadcast_in_dim3A_715 : i32 to vector<16xi32>
    %lt3A_717 = arith.constant 0 : i32
    %lt3A_718 = vector.broadcast %lt3A_717 : i32 to vector<16xi32>
    %lt3A_719 = arith.cmpi slt, %broadcast_in_dim3A_716, %lt3A_718 : vector<16xi32>
    %add3A_720 = arith.constant 16 : i32
    %add3A_721 = vector.broadcast %add3A_720 : i32 to vector<16xi32>
    %add3A_722 = arith.addi %broadcast_in_dim3A_716, %add3A_721 : vector<16xi32>
    %select_n3A_723 = arith.select %lt3A_719, %add3A_722, %broadcast_in_dim3A_716 : vector<16xi1>, vector<16xi32>
    %broadcast_in_dim3A_724 = vector.shape_cast %select_n3A_723 : vector<16xi32> to vector<16x1xi32>
    %gather3A_725 = vector.shape_cast %broadcast_in_dim3A_724 : vector<16x1xi32> to vector<16xi32>
    %gather3A_726 = tpu.dynamic_gather %add3A_69[%gather3A_725] in [0] : vector<16xi32>, vector<16xi32> -> vector<16xi32>
    %add3A_727 = arith.addi %gather3A_714, %add3A_113 : vector<16xi32>
    %swap3A_728 = arith.constant 3 : i32
    %swap3A_729 = arith.index_cast %swap3A_728 : i32 to index
    %swap3A_730 = arith.constant 64 : index
    %swap3A_731 = tpu.vector_load %arg11[%swap3A_729, %swap3A_730] {strides = array<i32>} : memref<8x128xi32, #tpu.memory_space<vmem>>, vector<16xi32>,
    tpu.vector_store %arg11[%swap3A_729, %swap3A_730], %add3A_727 {strides = array<i32>} : memref<8x128xi32, #tpu.memory_space<vmem>>, vector<16xi32>,
    %add3A_732 = arith.addi %gather3A_726, %add3A_113 : vector<16xi32>
    %min3A_733 = arith.constant 1048575 : i32
    %min3A_734 = vector.broadcast %min3A_733 : i32 to vector<16xi32>
    %min3A_735 = arith.minsi %add3A_732, %min3A_734 : vector<16xi32>
    %swap3A_736 = arith.constant 3 : i32
    %swap3A_737 = arith.index_cast %swap3A_736 : i32 to index
    %swap3A_738 = arith.constant 64 : index
    %swap3A_739 = tpu.vector_load %arg12[%swap3A_737, %swap3A_738] {strides = array<i32>} : memref<8x128xi32, #tpu.memory_space<vmem>>, vector<16xi32>,
    tpu.vector_store %arg12[%swap3A_737, %swap3A_738], %min3A_735 {strides = array<i32>} : memref<8x128xi32, #tpu.memory_space<vmem>>, vector<16xi32>,
    %add3A_740 = arith.addi %gather3A_714, %add3A_132 : vector<16xi32>
    %swap3A_741 = arith.constant 3 : i32
    %swap3A_742 = arith.index_cast %swap3A_741 : i32 to index
    %swap3A_743 = arith.constant 80 : index
    %swap3A_744 = tpu.vector_load %arg11[%swap3A_742, %swap3A_743] {strides = array<i32>} : memref<8x128xi32, #tpu.memory_space<vmem>>, vector<16xi32>,
    tpu.vector_store %arg11[%swap3A_742, %swap3A_743], %add3A_740 {strides = array<i32>} : memref<8x128xi32, #tpu.memory_space<vmem>>, vector<16xi32>,
    %add3A_745 = arith.addi %gather3A_726, %add3A_132 : vector<16xi32>
    %min3A_746 = arith.constant 1048575 : i32
    %min3A_747 = vector.broadcast %min3A_746 : i32 to vector<16xi32>
    %min3A_748 = arith.minsi %add3A_745, %min3A_747 : vector<16xi32>
    %swap3A_749 = arith.constant 3 : i32
    %swap3A_750 = arith.index_cast %swap3A_749 : i32 to index
    %swap3A_751 = arith.constant 80 : index
    %swap3A_752 = tpu.vector_load %arg12[%swap3A_750, %swap3A_751] {strides = array<i32>} : memref<8x128xi32, #tpu.memory_space<vmem>>, vector<16xi32>,
    tpu.vector_store %arg12[%swap3A_750, %swap3A_751], %min3A_748 {strides = array<i32>} : memref<8x128xi32, #tpu.memory_space<vmem>>, vector<16xi32>,
    %add3A_753 = arith.addi %gather3A_714, %add3A_151 : vector<16xi32>
    %swap3A_754 = arith.constant 3 : i32
    %swap3A_755 = arith.index_cast %swap3A_754 : i32 to index
    %swap3A_756 = arith.constant 96 : index
    %swap3A_757 = tpu.vector_load %arg11[%swap3A_755, %swap3A_756] {strides = array<i32>} : memref<8x128xi32, #tpu.memory_space<vmem>>, vector<16xi32>,
    tpu.vector_store %arg11[%swap3A_755, %swap3A_756], %add3A_753 {strides = array<i32>} : memref<8x128xi32, #tpu.memory_space<vmem>>, vector<16xi32>,
    %add3A_758 = arith.addi %gather3A_726, %add3A_151 : vector<16xi32>
    %min3A_759 = arith.constant 1048575 : i32
    %min3A_760 = vector.broadcast %min3A_759 : i32 to vector<16xi32>
    %min3A_761 = arith.minsi %add3A_758, %min3A_760 : vector<16xi32>
    %swap3A_762 = arith.constant 3 : i32
    %swap3A_763 = arith.index_cast %swap3A_762 : i32 to index
    %swap3A_764 = arith.constant 96 : index
    %swap3A_765 = tpu.vector_load %arg12[%swap3A_763, %swap3A_764] {strides = array<i32>} : memref<8x128xi32, #tpu.memory_space<vmem>>, vector<16xi32>,
    tpu.vector_store %arg12[%swap3A_763, %swap3A_764], %min3A_761 {strides = array<i32>} : memref<8x128xi32, #tpu.memory_space<vmem>>, vector<16xi32>,
    %add3A_766 = arith.addi %gather3A_714, %add3A_170 : vector<16xi32>
    %swap3A_767 = arith.constant 3 : i32
    %swap3A_768 = arith.index_cast %swap3A_767 : i32 to index
    %swap3A_769 = arith.constant 112 : index
    %swap3A_770 = tpu.vector_load %arg11[%swap3A_768, %swap3A_769] {strides = array<i32>} : memref<8x128xi32, #tpu.memory_space<vmem>>, vector<16xi32>,
    tpu.vector_store %arg11[%swap3A_768, %swap3A_769], %add3A_766 {strides = array<i32>} : memref<8x128xi32, #tpu.memory_space<vmem>>, vector<16xi32>,
    %add3A_771 = arith.addi %gather3A_726, %add3A_170 : vector<16xi32>
    %min3A_772 = arith.constant 1048575 : i32
    %min3A_773 = vector.broadcast %min3A_772 : i32 to vector<16xi32>
    %min3A_774 = arith.minsi %add3A_771, %min3A_773 : vector<16xi32>
    %swap3A_775 = arith.constant 3 : i32
    %swap3A_776 = arith.index_cast %swap3A_775 : i32 to index
    %swap3A_777 = arith.constant 112 : index
    %swap3A_778 = tpu.vector_load %arg12[%swap3A_776, %swap3A_777] {strides = array<i32>} : memref<8x128xi32, #tpu.memory_space<vmem>>, vector<16xi32>,
    tpu.vector_store %arg12[%swap3A_776, %swap3A_777], %min3A_774 {strides = array<i32>} : memref<8x128xi32, #tpu.memory_space<vmem>>, vector<16xi32>,
    %broadcast_in_dim3A_779 = arith.constant 8 : i32
    %broadcast_in_dim3A_780 = vector.broadcast %broadcast_in_dim3A_779 : i32 to vector<16xi32>
    %lt3A_781 = arith.constant 0 : i32
    %lt3A_782 = vector.broadcast %lt3A_781 : i32 to vector<16xi32>
    %lt3A_783 = arith.cmpi slt, %broadcast_in_dim3A_780, %lt3A_782 : vector<16xi32>
    %add3A_784 = arith.constant 16 : i32
    %add3A_785 = vector.broadcast %add3A_784 : i32 to vector<16xi32>
    %add3A_786 = arith.addi %broadcast_in_dim3A_780, %add3A_785 : vector<16xi32>
    %select_n3A_787 = arith.select %lt3A_783, %add3A_786, %broadcast_in_dim3A_780 : vector<16xi1>, vector<16xi32>
    %broadcast_in_dim3A_788 = vector.shape_cast %select_n3A_787 : vector<16xi32> to vector<16x1xi32>
    %gather3A_789 = vector.shape_cast %broadcast_in_dim3A_788 : vector<16x1xi32> to vector<16xi32>
    %gather3A_790 = tpu.dynamic_gather %add3A_47[%gather3A_789] in [0] : vector<16xi32>, vector<16xi32> -> vector<16xi32>
    %broadcast_in_dim3A_791 = arith.constant 8 : i32
    %broadcast_in_dim3A_792 = vector.broadcast %broadcast_in_dim3A_791 : i32 to vector<16xi32>
    %lt3A_793 = arith.constant 0 : i32
    %lt3A_794 = vector.broadcast %lt3A_793 : i32 to vector<16xi32>
    %lt3A_795 = arith.cmpi slt, %broadcast_in_dim3A_792, %lt3A_794 : vector<16xi32>
    %add3A_796 = arith.constant 16 : i32
    %add3A_797 = vector.broadcast %add3A_796 : i32 to vector<16xi32>
    %add3A_798 = arith.addi %broadcast_in_dim3A_792, %add3A_797 : vector<16xi32>
    %select_n3A_799 = arith.select %lt3A_795, %add3A_798, %broadcast_in_dim3A_792 : vector<16xi1>, vector<16xi32>
    %broadcast_in_dim3A_800 = vector.shape_cast %select_n3A_799 : vector<16xi32> to vector<16x1xi32>
    %gather3A_801 = vector.shape_cast %broadcast_in_dim3A_800 : vector<16x1xi32> to vector<16xi32>
    %gather3A_802 = tpu.dynamic_gather %add3A_69[%gather3A_801] in [0] : vector<16xi32>, vector<16xi32> -> vector<16xi32>
    %add3A_803 = arith.addi %gather3A_790, %add3A_113 : vector<16xi32>
    %swap3A_804 = arith.constant 4 : i32
    %swap3A_805 = arith.index_cast %swap3A_804 : i32 to index
    %swap3A_806 = arith.constant 0 : index
    %swap3A_807 = tpu.vector_load %arg11[%swap3A_805, %swap3A_806] {strides = array<i32>} : memref<8x128xi32, #tpu.memory_space<vmem>>, vector<16xi32>,
    tpu.vector_store %arg11[%swap3A_805, %swap3A_806], %add3A_803 {strides = array<i32>} : memref<8x128xi32, #tpu.memory_space<vmem>>, vector<16xi32>,
    %add3A_808 = arith.addi %gather3A_802, %add3A_113 : vector<16xi32>
    %min3A_809 = arith.constant 1048575 : i32
    %min3A_810 = vector.broadcast %min3A_809 : i32 to vector<16xi32>
    %min3A_811 = arith.minsi %add3A_808, %min3A_810 : vector<16xi32>
    %swap3A_812 = arith.constant 4 : i32
    %swap3A_813 = arith.index_cast %swap3A_812 : i32 to index
    %swap3A_814 = arith.constant 0 : index
    %swap3A_815 = tpu.vector_load %arg12[%swap3A_813, %swap3A_814] {strides = array<i32>} : memref<8x128xi32, #tpu.memory_space<vmem>>, vector<16xi32>,
    tpu.vector_store %arg12[%swap3A_813, %swap3A_814], %min3A_811 {strides = array<i32>} : memref<8x128xi32, #tpu.memory_space<vmem>>, vector<16xi32>,
    %add3A_816 = arith.addi %gather3A_790, %add3A_132 : vector<16xi32>
    %swap3A_817 = arith.constant 4 : i32
    %swap3A_818 = arith.index_cast %swap3A_817 : i32 to index
    %swap3A_819 = arith.constant 16 : index
    %swap3A_820 = tpu.vector_load %arg11[%swap3A_818, %swap3A_819] {strides = array<i32>} : memref<8x128xi32, #tpu.memory_space<vmem>>, vector<16xi32>,
    tpu.vector_store %arg11[%swap3A_818, %swap3A_819], %add3A_816 {strides = array<i32>} : memref<8x128xi32, #tpu.memory_space<vmem>>, vector<16xi32>,
    %add3A_821 = arith.addi %gather3A_802, %add3A_132 : vector<16xi32>
    %min3A_822 = arith.constant 1048575 : i32
    %min3A_823 = vector.broadcast %min3A_822 : i32 to vector<16xi32>
    %min3A_824 = arith.minsi %add3A_821, %min3A_823 : vector<16xi32>
    %swap3A_825 = arith.constant 4 : i32
    %swap3A_826 = arith.index_cast %swap3A_825 : i32 to index
    %swap3A_827 = arith.constant 16 : index
    %swap3A_828 = tpu.vector_load %arg12[%swap3A_826, %swap3A_827] {strides = array<i32>} : memref<8x128xi32, #tpu.memory_space<vmem>>, vector<16xi32>,
    tpu.vector_store %arg12[%swap3A_826, %swap3A_827], %min3A_824 {strides = array<i32>} : memref<8x128xi32, #tpu.memory_space<vmem>>, vector<16xi32>,
    %add3A_829 = arith.addi %gather3A_790, %add3A_151 : vector<16xi32>
    %swap3A_830 = arith.constant 4 : i32
    %swap3A_831 = arith.index_cast %swap3A_830 : i32 to index
    %swap3A_832 = arith.constant 32 : index
    %swap3A_833 = tpu.vector_load %arg11[%swap3A_831, %swap3A_832] {strides = array<i32>} : memref<8x128xi32, #tpu.memory_space<vmem>>, vector<16xi32>,
    tpu.vector_store %arg11[%swap3A_831, %swap3A_832], %add3A_829 {strides = array<i32>} : memref<8x128xi32, #tpu.memory_space<vmem>>, vector<16xi32>,
    %add3A_834 = arith.addi %gather3A_802, %add3A_151 : vector<16xi32>
    %min3A_835 = arith.constant 1048575 : i32
    %min3A_836 = vector.broadcast %min3A_835 : i32 to vector<16xi32>
    %min3A_837 = arith.minsi %add3A_834, %min3A_836 : vector<16xi32>
    %swap3A_838 = arith.constant 4 : i32
    %swap3A_839 = arith.index_cast %swap3A_838 : i32 to index
    %swap3A_840 = arith.constant 32 : index
    %swap3A_841 = tpu.vector_load %arg12[%swap3A_839, %swap3A_840] {strides = array<i32>} : memref<8x128xi32, #tpu.memory_space<vmem>>, vector<16xi32>,
    tpu.vector_store %arg12[%swap3A_839, %swap3A_840], %min3A_837 {strides = array<i32>} : memref<8x128xi32, #tpu.memory_space<vmem>>, vector<16xi32>,
    %add3A_842 = arith.addi %gather3A_790, %add3A_170 : vector<16xi32>
    %swap3A_843 = arith.constant 4 : i32
    %swap3A_844 = arith.index_cast %swap3A_843 : i32 to index
    %swap3A_845 = arith.constant 48 : index
    %swap3A_846 = tpu.vector_load %arg11[%swap3A_844, %swap3A_845] {strides = array<i32>} : memref<8x128xi32, #tpu.memory_space<vmem>>, vector<16xi32>,
    tpu.vector_store %arg11[%swap3A_844, %swap3A_845], %add3A_842 {strides = array<i32>} : memref<8x128xi32, #tpu.memory_space<vmem>>, vector<16xi32>,
    %add3A_847 = arith.addi %gather3A_802, %add3A_170 : vector<16xi32>
    %min3A_848 = arith.constant 1048575 : i32
    %min3A_849 = vector.broadcast %min3A_848 : i32 to vector<16xi32>
    %min3A_850 = arith.minsi %add3A_847, %min3A_849 : vector<16xi32>
    %swap3A_851 = arith.constant 4 : i32
    %swap3A_852 = arith.index_cast %swap3A_851 : i32 to index
    %swap3A_853 = arith.constant 48 : index
    %swap3A_854 = tpu.vector_load %arg12[%swap3A_852, %swap3A_853] {strides = array<i32>} : memref<8x128xi32, #tpu.memory_space<vmem>>, vector<16xi32>,
    tpu.vector_store %arg12[%swap3A_852, %swap3A_853], %min3A_850 {strides = array<i32>} : memref<8x128xi32, #tpu.memory_space<vmem>>, vector<16xi32>,
    %broadcast_in_dim3A_855 = arith.constant 9 : i32
    %broadcast_in_dim3A_856 = vector.broadcast %broadcast_in_dim3A_855 : i32 to vector<16xi32>
    %lt3A_857 = arith.constant 0 : i32
    %lt3A_858 = vector.broadcast %lt3A_857 : i32 to vector<16xi32>
    %lt3A_859 = arith.cmpi slt, %broadcast_in_dim3A_856, %lt3A_858 : vector<16xi32>
    %add3A_860 = arith.constant 16 : i32
    %add3A_861 = vector.broadcast %add3A_860 : i32 to vector<16xi32>
    %add3A_862 = arith.addi %broadcast_in_dim3A_856, %add3A_861 : vector<16xi32>
    %select_n3A_863 = arith.select %lt3A_859, %add3A_862, %broadcast_in_dim3A_856 : vector<16xi1>, vector<16xi32>
    %broadcast_in_dim3A_864 = vector.shape_cast %select_n3A_863 : vector<16xi32> to vector<16x1xi32>
    %gather3A_865 = vector.shape_cast %broadcast_in_dim3A_864 : vector<16x1xi32> to vector<16xi32>
    %gather3A_866 = tpu.dynamic_gather %add3A_47[%gather3A_865] in [0] : vector<16xi32>, vector<16xi32> -> vector<16xi32>
    %broadcast_in_dim3A_867 = arith.constant 9 : i32
    %broadcast_in_dim3A_868 = vector.broadcast %broadcast_in_dim3A_867 : i32 to vector<16xi32>
    %lt3A_869 = arith.constant 0 : i32
    %lt3A_870 = vector.broadcast %lt3A_869 : i32 to vector<16xi32>
    %lt3A_871 = arith.cmpi slt, %broadcast_in_dim3A_868, %lt3A_870 : vector<16xi32>
    %add3A_872 = arith.constant 16 : i32
    %add3A_873 = vector.broadcast %add3A_872 : i32 to vector<16xi32>
    %add3A_874 = arith.addi %broadcast_in_dim3A_868, %add3A_873 : vector<16xi32>
    %select_n3A_875 = arith.select %lt3A_871, %add3A_874, %broadcast_in_dim3A_868 : vector<16xi1>, vector<16xi32>
    %broadcast_in_dim3A_876 = vector.shape_cast %select_n3A_875 : vector<16xi32> to vector<16x1xi32>
    %gather3A_877 = vector.shape_cast %broadcast_in_dim3A_876 : vector<16x1xi32> to vector<16xi32>
    %gather3A_878 = tpu.dynamic_gather %add3A_69[%gather3A_877] in [0] : vector<16xi32>, vector<16xi32> -> vector<16xi32>
    %add3A_879 = arith.addi %gather3A_866, %add3A_113 : vector<16xi32>
    %swap3A_880 = arith.constant 4 : i32
    %swap3A_881 = arith.index_cast %swap3A_880 : i32 to index
    %swap3A_882 = arith.constant 64 : index
    %swap3A_883 = tpu.vector_load %arg11[%swap3A_881, %swap3A_882] {strides = array<i32>} : memref<8x128xi32, #tpu.memory_space<vmem>>, vector<16xi32>,
    tpu.vector_store %arg11[%swap3A_881, %swap3A_882], %add3A_879 {strides = array<i32>} : memref<8x128xi32, #tpu.memory_space<vmem>>, vector<16xi32>,
    %add3A_884 = arith.addi %gather3A_878, %add3A_113 : vector<16xi32>
    %min3A_885 = arith.constant 1048575 : i32
    %min3A_886 = vector.broadcast %min3A_885 : i32 to vector<16xi32>
    %min3A_887 = arith.minsi %add3A_884, %min3A_886 : vector<16xi32>
    %swap3A_888 = arith.constant 4 : i32
    %swap3A_889 = arith.index_cast %swap3A_888 : i32 to index
    %swap3A_890 = arith.constant 64 : index
    %swap3A_891 = tpu.vector_load %arg12[%swap3A_889, %swap3A_890] {strides = array<i32>} : memref<8x128xi32, #tpu.memory_space<vmem>>, vector<16xi32>,
    tpu.vector_store %arg12[%swap3A_889, %swap3A_890], %min3A_887 {strides = array<i32>} : memref<8x128xi32, #tpu.memory_space<vmem>>, vector<16xi32>,
    %add3A_892 = arith.addi %gather3A_866, %add3A_132 : vector<16xi32>
    %swap3A_893 = arith.constant 4 : i32
    %swap3A_894 = arith.index_cast %swap3A_893 : i32 to index
    %swap3A_895 = arith.constant 80 : index
    %swap3A_896 = tpu.vector_load %arg11[%swap3A_894, %swap3A_895] {strides = array<i32>} : memref<8x128xi32, #tpu.memory_space<vmem>>, vector<16xi32>,
    tpu.vector_store %arg11[%swap3A_894, %swap3A_895], %add3A_892 {strides = array<i32>} : memref<8x128xi32, #tpu.memory_space<vmem>>, vector<16xi32>,
    %add3A_897 = arith.addi %gather3A_878, %add3A_132 : vector<16xi32>
    %min3A_898 = arith.constant 1048575 : i32
    %min3A_899 = vector.broadcast %min3A_898 : i32 to vector<16xi32>
    %min3A_900 = arith.minsi %add3A_897, %min3A_899 : vector<16xi32>
    %swap3A_901 = arith.constant 4 : i32
    %swap3A_902 = arith.index_cast %swap3A_901 : i32 to index
    %swap3A_903 = arith.constant 80 : index
    %swap3A_904 = tpu.vector_load %arg12[%swap3A_902, %swap3A_903] {strides = array<i32>} : memref<8x128xi32, #tpu.memory_space<vmem>>, vector<16xi32>,
    tpu.vector_store %arg12[%swap3A_902, %swap3A_903], %min3A_900 {strides = array<i32>} : memref<8x128xi32, #tpu.memory_space<vmem>>, vector<16xi32>,
    %add3A_905 = arith.addi %gather3A_866, %add3A_151 : vector<16xi32>
    %swap3A_906 = arith.constant 4 : i32
    %swap3A_907 = arith.index_cast %swap3A_906 : i32 to index
    %swap3A_908 = arith.constant 96 : index
    %swap3A_909 = tpu.vector_load %arg11[%swap3A_907, %swap3A_908] {strides = array<i32>} : memref<8x128xi32, #tpu.memory_space<vmem>>, vector<16xi32>,
    tpu.vector_store %arg11[%swap3A_907, %swap3A_908], %add3A_905 {strides = array<i32>} : memref<8x128xi32, #tpu.memory_space<vmem>>, vector<16xi32>,
    %add3A_910 = arith.addi %gather3A_878, %add3A_151 : vector<16xi32>
    %min3A_911 = arith.constant 1048575 : i32
    %min3A_912 = vector.broadcast %min3A_911 : i32 to vector<16xi32>
    %min3A_913 = arith.minsi %add3A_910, %min3A_912 : vector<16xi32>
    %swap3A_914 = arith.constant 4 : i32
    %swap3A_915 = arith.index_cast %swap3A_914 : i32 to index
    %swap3A_916 = arith.constant 96 : index
    %swap3A_917 = tpu.vector_load %arg12[%swap3A_915, %swap3A_916] {strides = array<i32>} : memref<8x128xi32, #tpu.memory_space<vmem>>, vector<16xi32>,
    tpu.vector_store %arg12[%swap3A_915, %swap3A_916], %min3A_913 {strides = array<i32>} : memref<8x128xi32, #tpu.memory_space<vmem>>, vector<16xi32>,
    %add3A_918 = arith.addi %gather3A_866, %add3A_170 : vector<16xi32>
    %swap3A_919 = arith.constant 4 : i32
    %swap3A_920 = arith.index_cast %swap3A_919 : i32 to index
    %swap3A_921 = arith.constant 112 : index
    %swap3A_922 = tpu.vector_load %arg11[%swap3A_920, %swap3A_921] {strides = array<i32>} : memref<8x128xi32, #tpu.memory_space<vmem>>, vector<16xi32>,
    tpu.vector_store %arg11[%swap3A_920, %swap3A_921], %add3A_918 {strides = array<i32>} : memref<8x128xi32, #tpu.memory_space<vmem>>, vector<16xi32>,
    %add3A_923 = arith.addi %gather3A_878, %add3A_170 : vector<16xi32>
    %min3A_924 = arith.constant 1048575 : i32
    %min3A_925 = vector.broadcast %min3A_924 : i32 to vector<16xi32>
    %min3A_926 = arith.minsi %add3A_923, %min3A_925 : vector<16xi32>
    %swap3A_927 = arith.constant 4 : i32
    %swap3A_928 = arith.index_cast %swap3A_927 : i32 to index
    %swap3A_929 = arith.constant 112 : index
    %swap3A_930 = tpu.vector_load %arg12[%swap3A_928, %swap3A_929] {strides = array<i32>} : memref<8x128xi32, #tpu.memory_space<vmem>>, vector<16xi32>,
    tpu.vector_store %arg12[%swap3A_928, %swap3A_929], %min3A_926 {strides = array<i32>} : memref<8x128xi32, #tpu.memory_space<vmem>>, vector<16xi32>,
    %broadcast_in_dim3A_931 = arith.constant 10 : i32
    %broadcast_in_dim3A_932 = vector.broadcast %broadcast_in_dim3A_931 : i32 to vector<16xi32>
    %lt3A_933 = arith.constant 0 : i32
    %lt3A_934 = vector.broadcast %lt3A_933 : i32 to vector<16xi32>
    %lt3A_935 = arith.cmpi slt, %broadcast_in_dim3A_932, %lt3A_934 : vector<16xi32>
    %add3A_936 = arith.constant 16 : i32
    %add3A_937 = vector.broadcast %add3A_936 : i32 to vector<16xi32>
    %add3A_938 = arith.addi %broadcast_in_dim3A_932, %add3A_937 : vector<16xi32>
    %select_n3A_939 = arith.select %lt3A_935, %add3A_938, %broadcast_in_dim3A_932 : vector<16xi1>, vector<16xi32>
    %broadcast_in_dim3A_940 = vector.shape_cast %select_n3A_939 : vector<16xi32> to vector<16x1xi32>
    %gather3A_941 = vector.shape_cast %broadcast_in_dim3A_940 : vector<16x1xi32> to vector<16xi32>
    %gather3A_942 = tpu.dynamic_gather %add3A_47[%gather3A_941] in [0] : vector<16xi32>, vector<16xi32> -> vector<16xi32>
    %broadcast_in_dim3A_943 = arith.constant 10 : i32
    %broadcast_in_dim3A_944 = vector.broadcast %broadcast_in_dim3A_943 : i32 to vector<16xi32>
    %lt3A_945 = arith.constant 0 : i32
    %lt3A_946 = vector.broadcast %lt3A_945 : i32 to vector<16xi32>
    %lt3A_947 = arith.cmpi slt, %broadcast_in_dim3A_944, %lt3A_946 : vector<16xi32>
    %add3A_948 = arith.constant 16 : i32
    %add3A_949 = vector.broadcast %add3A_948 : i32 to vector<16xi32>
    %add3A_950 = arith.addi %broadcast_in_dim3A_944, %add3A_949 : vector<16xi32>
    %select_n3A_951 = arith.select %lt3A_947, %add3A_950, %broadcast_in_dim3A_944 : vector<16xi1>, vector<16xi32>
    %broadcast_in_dim3A_952 = vector.shape_cast %select_n3A_951 : vector<16xi32> to vector<16x1xi32>
    %gather3A_953 = vector.shape_cast %broadcast_in_dim3A_952 : vector<16x1xi32> to vector<16xi32>
    %gather3A_954 = tpu.dynamic_gather %add3A_69[%gather3A_953] in [0] : vector<16xi32>, vector<16xi32> -> vector<16xi32>
    %add3A_955 = arith.addi %gather3A_942, %add3A_113 : vector<16xi32>
    %swap3A_956 = arith.constant 5 : i32
    %swap3A_957 = arith.index_cast %swap3A_956 : i32 to index
    %swap3A_958 = arith.constant 0 : index
    %swap3A_959 = tpu.vector_load %arg11[%swap3A_957, %swap3A_958] {strides = array<i32>} : memref<8x128xi32, #tpu.memory_space<vmem>>, vector<16xi32>,
    tpu.vector_store %arg11[%swap3A_957, %swap3A_958], %add3A_955 {strides = array<i32>} : memref<8x128xi32, #tpu.memory_space<vmem>>, vector<16xi32>,
    %add3A_960 = arith.addi %gather3A_954, %add3A_113 : vector<16xi32>
    %min3A_961 = arith.constant 1048575 : i32
    %min3A_962 = vector.broadcast %min3A_961 : i32 to vector<16xi32>
    %min3A_963 = arith.minsi %add3A_960, %min3A_962 : vector<16xi32>
    %swap3A_964 = arith.constant 5 : i32
    %swap3A_965 = arith.index_cast %swap3A_964 : i32 to index
    %swap3A_966 = arith.constant 0 : index
    %swap3A_967 = tpu.vector_load %arg12[%swap3A_965, %swap3A_966] {strides = array<i32>} : memref<8x128xi32, #tpu.memory_space<vmem>>, vector<16xi32>,
    tpu.vector_store %arg12[%swap3A_965, %swap3A_966], %min3A_963 {strides = array<i32>} : memref<8x128xi32, #tpu.memory_space<vmem>>, vector<16xi32>,
    %add3A_968 = arith.addi %gather3A_942, %add3A_132 : vector<16xi32>
    %swap3A_969 = arith.constant 5 : i32
    %swap3A_970 = arith.index_cast %swap3A_969 : i32 to index
    %swap3A_971 = arith.constant 16 : index
    %swap3A_972 = tpu.vector_load %arg11[%swap3A_970, %swap3A_971] {strides = array<i32>} : memref<8x128xi32, #tpu.memory_space<vmem>>, vector<16xi32>,
    tpu.vector_store %arg11[%swap3A_970, %swap3A_971], %add3A_968 {strides = array<i32>} : memref<8x128xi32, #tpu.memory_space<vmem>>, vector<16xi32>,
    %add3A_973 = arith.addi %gather3A_954, %add3A_132 : vector<16xi32>
    %min3A_974 = arith.constant 1048575 : i32
    %min3A_975 = vector.broadcast %min3A_974 : i32 to vector<16xi32>
    %min3A_976 = arith.minsi %add3A_973, %min3A_975 : vector<16xi32>
    %swap3A_977 = arith.constant 5 : i32
    %swap3A_978 = arith.index_cast %swap3A_977 : i32 to index
    %swap3A_979 = arith.constant 16 : index
    %swap3A_980 = tpu.vector_load %arg12[%swap3A_978, %swap3A_979] {strides = array<i32>} : memref<8x128xi32, #tpu.memory_space<vmem>>, vector<16xi32>,
    tpu.vector_store %arg12[%swap3A_978, %swap3A_979], %min3A_976 {strides = array<i32>} : memref<8x128xi32, #tpu.memory_space<vmem>>, vector<16xi32>,
    %add3A_981 = arith.addi %gather3A_942, %add3A_151 : vector<16xi32>
    %swap3A_982 = arith.constant 5 : i32
    %swap3A_983 = arith.index_cast %swap3A_982 : i32 to index
    %swap3A_984 = arith.constant 32 : index
    %swap3A_985 = tpu.vector_load %arg11[%swap3A_983, %swap3A_984] {strides = array<i32>} : memref<8x128xi32, #tpu.memory_space<vmem>>, vector<16xi32>,
    tpu.vector_store %arg11[%swap3A_983, %swap3A_984], %add3A_981 {strides = array<i32>} : memref<8x128xi32, #tpu.memory_space<vmem>>, vector<16xi32>,
    %add3A_986 = arith.addi %gather3A_954, %add3A_151 : vector<16xi32>
    %min3A_987 = arith.constant 1048575 : i32
    %min3A_988 = vector.broadcast %min3A_987 : i32 to vector<16xi32>
    %min3A_989 = arith.minsi %add3A_986, %min3A_988 : vector<16xi32>
    %swap3A_990 = arith.constant 5 : i32
    %swap3A_991 = arith.index_cast %swap3A_990 : i32 to index
    %swap3A_992 = arith.constant 32 : index
    %swap3A_993 = tpu.vector_load %arg12[%swap3A_991, %swap3A_992] {strides = array<i32>} : memref<8x128xi32, #tpu.memory_space<vmem>>, vector<16xi32>,
    tpu.vector_store %arg12[%swap3A_991, %swap3A_992], %min3A_989 {strides = array<i32>} : memref<8x128xi32, #tpu.memory_space<vmem>>, vector<16xi32>,
    %add3A_994 = arith.addi %gather3A_942, %add3A_170 : vector<16xi32>
    %swap3A_995 = arith.constant 5 : i32
    %swap3A_996 = arith.index_cast %swap3A_995 : i32 to index
    %swap3A_997 = arith.constant 48 : index
    %swap3A_998 = tpu.vector_load %arg11[%swap3A_996, %swap3A_997] {strides = array<i32>} : memref<8x128xi32, #tpu.memory_space<vmem>>, vector<16xi32>,
    tpu.vector_store %arg11[%swap3A_996, %swap3A_997], %add3A_994 {strides = array<i32>} : memref<8x128xi32, #tpu.memory_space<vmem>>, vector<16xi32>,
    %add3A_999 = arith.addi %gather3A_954, %add3A_170 : vector<16xi32>
    %min3A_1000 = arith.constant 1048575 : i32
    %min3A_1001 = vector.broadcast %min3A_1000 : i32 to vector<16xi32>
    %min3A_1002 = arith.minsi %add3A_999, %min3A_1001 : vector<16xi32>
    %swap3A_1003 = arith.constant 5 : i32
    %swap3A_1004 = arith.index_cast %swap3A_1003 : i32 to index
    %swap3A_1005 = arith.constant 48 : index
    %swap3A_1006 = tpu.vector_load %arg12[%swap3A_1004, %swap3A_1005] {strides = array<i32>} : memref<8x128xi32, #tpu.memory_space<vmem>>, vector<16xi32>,
    tpu.vector_store %arg12[%swap3A_1004, %swap3A_1005], %min3A_1002 {strides = array<i32>} : memref<8x128xi32, #tpu.memory_space<vmem>>, vector<16xi32>,
    %broadcast_in_dim3A_1007 = arith.constant 11 : i32
    %broadcast_in_dim3A_1008 = vector.broadcast %broadcast_in_dim3A_1007 : i32 to vector<16xi32>
    %lt3A_1009 = arith.constant 0 : i32
    %lt3A_1010 = vector.broadcast %lt3A_1009 : i32 to vector<16xi32>
    %lt3A_1011 = arith.cmpi slt, %broadcast_in_dim3A_1008, %lt3A_1010 : vector<16xi32>
    %add3A_1012 = arith.constant 16 : i32
    %add3A_1013 = vector.broadcast %add3A_1012 : i32 to vector<16xi32>
    %add3A_1014 = arith.addi %broadcast_in_dim3A_1008, %add3A_1013 : vector<16xi32>
    %select_n3A_1015 = arith.select %lt3A_1011, %add3A_1014, %broadcast_in_dim3A_1008 : vector<16xi1>, vector<16xi32>
    %broadcast_in_dim3A_1016 = vector.shape_cast %select_n3A_1015 : vector<16xi32> to vector<16x1xi32>
    %gather3A_1017 = vector.shape_cast %broadcast_in_dim3A_1016 : vector<16x1xi32> to vector<16xi32>
    %gather3A_1018 = tpu.dynamic_gather %add3A_47[%gather3A_1017] in [0] : vector<16xi32>, vector<16xi32> -> vector<16xi32>
    %broadcast_in_dim3A_1019 = arith.constant 11 : i32
    %broadcast_in_dim3A_1020 = vector.broadcast %broadcast_in_dim3A_1019 : i32 to vector<16xi32>
    %lt3A_1021 = arith.constant 0 : i32
    %lt3A_1022 = vector.broadcast %lt3A_1021 : i32 to vector<16xi32>
    %lt3A_1023 = arith.cmpi slt, %broadcast_in_dim3A_1020, %lt3A_1022 : vector<16xi32>
    %add3A_1024 = arith.constant 16 : i32
    %add3A_1025 = vector.broadcast %add3A_1024 : i32 to vector<16xi32>
    %add3A_1026 = arith.addi %broadcast_in_dim3A_1020, %add3A_1025 : vector<16xi32>
    %select_n3A_1027 = arith.select %lt3A_1023, %add3A_1026, %broadcast_in_dim3A_1020 : vector<16xi1>, vector<16xi32>
    %broadcast_in_dim3A_1028 = vector.shape_cast %select_n3A_1027 : vector<16xi32> to vector<16x1xi32>
    %gather3A_1029 = vector.shape_cast %broadcast_in_dim3A_1028 : vector<16x1xi32> to vector<16xi32>
    %gather3A_1030 = tpu.dynamic_gather %add3A_69[%gather3A_1029] in [0] : vector<16xi32>, vector<16xi32> -> vector<16xi32>
    %add3A_1031 = arith.addi %gather3A_1018, %add3A_113 : vector<16xi32>
    %swap3A_1032 = arith.constant 5 : i32
    %swap3A_1033 = arith.index_cast %swap3A_1032 : i32 to index
    %swap3A_1034 = arith.constant 64 : index
    %swap3A_1035 = tpu.vector_load %arg11[%swap3A_1033, %swap3A_1034] {strides = array<i32>} : memref<8x128xi32, #tpu.memory_space<vmem>>, vector<16xi32>,
    tpu.vector_store %arg11[%swap3A_1033, %swap3A_1034], %add3A_1031 {strides = array<i32>} : memref<8x128xi32, #tpu.memory_space<vmem>>, vector<16xi32>,
    %add3A_1036 = arith.addi %gather3A_1030, %add3A_113 : vector<16xi32>
    %min3A_1037 = arith.constant 1048575 : i32
    %min3A_1038 = vector.broadcast %min3A_1037 : i32 to vector<16xi32>
    %min3A_1039 = arith.minsi %add3A_1036, %min3A_1038 : vector<16xi32>
    %swap3A_1040 = arith.constant 5 : i32
    %swap3A_1041 = arith.index_cast %swap3A_1040 : i32 to index
    %swap3A_1042 = arith.constant 64 : index
    %swap3A_1043 = tpu.vector_load %arg12[%swap3A_1041, %swap3A_1042] {strides = array<i32>} : memref<8x128xi32, #tpu.memory_space<vmem>>, vector<16xi32>,
    tpu.vector_store %arg12[%swap3A_1041, %swap3A_1042], %min3A_1039 {strides = array<i32>} : memref<8x128xi32, #tpu.memory_space<vmem>>, vector<16xi32>,
    %add3A_1044 = arith.addi %gather3A_1018, %add3A_132 : vector<16xi32>
    %swap3A_1045 = arith.constant 5 : i32
    %swap3A_1046 = arith.index_cast %swap3A_1045 : i32 to index
    %swap3A_1047 = arith.constant 80 : index
    %swap3A_1048 = tpu.vector_load %arg11[%swap3A_1046, %swap3A_1047] {strides = array<i32>} : memref<8x128xi32, #tpu.memory_space<vmem>>, vector<16xi32>,
    tpu.vector_store %arg11[%swap3A_1046, %swap3A_1047], %add3A_1044 {strides = array<i32>} : memref<8x128xi32, #tpu.memory_space<vmem>>, vector<16xi32>,
    %add3A_1049 = arith.addi %gather3A_1030, %add3A_132 : vector<16xi32>
    %min3A_1050 = arith.constant 1048575 : i32
    %min3A_1051 = vector.broadcast %min3A_1050 : i32 to vector<16xi32>
    %min3A_1052 = arith.minsi %add3A_1049, %min3A_1051 : vector<16xi32>
    %swap3A_1053 = arith.constant 5 : i32
    %swap3A_1054 = arith.index_cast %swap3A_1053 : i32 to index
    %swap3A_1055 = arith.constant 80 : index
    %swap3A_1056 = tpu.vector_load %arg12[%swap3A_1054, %swap3A_1055] {strides = array<i32>} : memref<8x128xi32, #tpu.memory_space<vmem>>, vector<16xi32>,
    tpu.vector_store %arg12[%swap3A_1054, %swap3A_1055], %min3A_1052 {strides = array<i32>} : memref<8x128xi32, #tpu.memory_space<vmem>>, vector<16xi32>,
    %add3A_1057 = arith.addi %gather3A_1018, %add3A_151 : vector<16xi32>
    %swap3A_1058 = arith.constant 5 : i32
    %swap3A_1059 = arith.index_cast %swap3A_1058 : i32 to index
    %swap3A_1060 = arith.constant 96 : index
    %swap3A_1061 = tpu.vector_load %arg11[%swap3A_1059, %swap3A_1060] {strides = array<i32>} : memref<8x128xi32, #tpu.memory_space<vmem>>, vector<16xi32>,
    tpu.vector_store %arg11[%swap3A_1059, %swap3A_1060], %add3A_1057 {strides = array<i32>} : memref<8x128xi32, #tpu.memory_space<vmem>>, vector<16xi32>,
    %add3A_1062 = arith.addi %gather3A_1030, %add3A_151 : vector<16xi32>
    %min3A_1063 = arith.constant 1048575 : i32
    %min3A_1064 = vector.broadcast %min3A_1063 : i32 to vector<16xi32>
    %min3A_1065 = arith.minsi %add3A_1062, %min3A_1064 : vector<16xi32>
    %swap3A_1066 = arith.constant 5 : i32
    %swap3A_1067 = arith.index_cast %swap3A_1066 : i32 to index
    %swap3A_1068 = arith.constant 96 : index
    %swap3A_1069 = tpu.vector_load %arg12[%swap3A_1067, %swap3A_1068] {strides = array<i32>} : memref<8x128xi32, #tpu.memory_space<vmem>>, vector<16xi32>,
    tpu.vector_store %arg12[%swap3A_1067, %swap3A_1068], %min3A_1065 {strides = array<i32>} : memref<8x128xi32, #tpu.memory_space<vmem>>, vector<16xi32>,
    %add3A_1070 = arith.addi %gather3A_1018, %add3A_170 : vector<16xi32>
    %swap3A_1071 = arith.constant 5 : i32
    %swap3A_1072 = arith.index_cast %swap3A_1071 : i32 to index
    %swap3A_1073 = arith.constant 112 : index
    %swap3A_1074 = tpu.vector_load %arg11[%swap3A_1072, %swap3A_1073] {strides = array<i32>} : memref<8x128xi32, #tpu.memory_space<vmem>>, vector<16xi32>,
    tpu.vector_store %arg11[%swap3A_1072, %swap3A_1073], %add3A_1070 {strides = array<i32>} : memref<8x128xi32, #tpu.memory_space<vmem>>, vector<16xi32>,
    %add3A_1075 = arith.addi %gather3A_1030, %add3A_170 : vector<16xi32>
    %min3A_1076 = arith.constant 1048575 : i32
    %min3A_1077 = vector.broadcast %min3A_1076 : i32 to vector<16xi32>
    %min3A_1078 = arith.minsi %add3A_1075, %min3A_1077 : vector<16xi32>
    %swap3A_1079 = arith.constant 5 : i32
    %swap3A_1080 = arith.index_cast %swap3A_1079 : i32 to index
    %swap3A_1081 = arith.constant 112 : index
    %swap3A_1082 = tpu.vector_load %arg12[%swap3A_1080, %swap3A_1081] {strides = array<i32>} : memref<8x128xi32, #tpu.memory_space<vmem>>, vector<16xi32>,
    tpu.vector_store %arg12[%swap3A_1080, %swap3A_1081], %min3A_1078 {strides = array<i32>} : memref<8x128xi32, #tpu.memory_space<vmem>>, vector<16xi32>,
    %broadcast_in_dim3A_1083 = arith.constant 12 : i32
    %broadcast_in_dim3A_1084 = vector.broadcast %broadcast_in_dim3A_1083 : i32 to vector<16xi32>
    %lt3A_1085 = arith.constant 0 : i32
    %lt3A_1086 = vector.broadcast %lt3A_1085 : i32 to vector<16xi32>
    %lt3A_1087 = arith.cmpi slt, %broadcast_in_dim3A_1084, %lt3A_1086 : vector<16xi32>
    %add3A_1088 = arith.constant 16 : i32
    %add3A_1089 = vector.broadcast %add3A_1088 : i32 to vector<16xi32>
    %add3A_1090 = arith.addi %broadcast_in_dim3A_1084, %add3A_1089 : vector<16xi32>
    %select_n3A_1091 = arith.select %lt3A_1087, %add3A_1090, %broadcast_in_dim3A_1084 : vector<16xi1>, vector<16xi32>
    %broadcast_in_dim3A_1092 = vector.shape_cast %select_n3A_1091 : vector<16xi32> to vector<16x1xi32>
    %gather3A_1093 = vector.shape_cast %broadcast_in_dim3A_1092 : vector<16x1xi32> to vector<16xi32>
    %gather3A_1094 = tpu.dynamic_gather %add3A_47[%gather3A_1093] in [0] : vector<16xi32>, vector<16xi32> -> vector<16xi32>
    %broadcast_in_dim3A_1095 = arith.constant 12 : i32
    %broadcast_in_dim3A_1096 = vector.broadcast %broadcast_in_dim3A_1095 : i32 to vector<16xi32>
    %lt3A_1097 = arith.constant 0 : i32
    %lt3A_1098 = vector.broadcast %lt3A_1097 : i32 to vector<16xi32>
    %lt3A_1099 = arith.cmpi slt, %broadcast_in_dim3A_1096, %lt3A_1098 : vector<16xi32>
    %add3A_1100 = arith.constant 16 : i32
    %add3A_1101 = vector.broadcast %add3A_1100 : i32 to vector<16xi32>
    %add3A_1102 = arith.addi %broadcast_in_dim3A_1096, %add3A_1101 : vector<16xi32>
    %select_n3A_1103 = arith.select %lt3A_1099, %add3A_1102, %broadcast_in_dim3A_1096 : vector<16xi1>, vector<16xi32>
    %broadcast_in_dim3A_1104 = vector.shape_cast %select_n3A_1103 : vector<16xi32> to vector<16x1xi32>
    %gather3A_1105 = vector.shape_cast %broadcast_in_dim3A_1104 : vector<16x1xi32> to vector<16xi32>
    %gather3A_1106 = tpu.dynamic_gather %add3A_69[%gather3A_1105] in [0] : vector<16xi32>, vector<16xi32> -> vector<16xi32>
    %add3A_1107 = arith.addi %gather3A_1094, %add3A_113 : vector<16xi32>
    %swap3A_1108 = arith.constant 6 : i32
    %swap3A_1109 = arith.index_cast %swap3A_1108 : i32 to index
    %swap3A_1110 = arith.constant 0 : index
    %swap3A_1111 = tpu.vector_load %arg11[%swap3A_1109, %swap3A_1110] {strides = array<i32>} : memref<8x128xi32, #tpu.memory_space<vmem>>, vector<16xi32>,
    tpu.vector_store %arg11[%swap3A_1109, %swap3A_1110], %add3A_1107 {strides = array<i32>} : memref<8x128xi32, #tpu.memory_space<vmem>>, vector<16xi32>,
    %add3A_1112 = arith.addi %gather3A_1106, %add3A_113 : vector<16xi32>
    %min3A_1113 = arith.constant 1048575 : i32
    %min3A_1114 = vector.broadcast %min3A_1113 : i32 to vector<16xi32>
    %min3A_1115 = arith.minsi %add3A_1112, %min3A_1114 : vector<16xi32>
    %swap3A_1116 = arith.constant 6 : i32
    %swap3A_1117 = arith.index_cast %swap3A_1116 : i32 to index
    %swap3A_1118 = arith.constant 0 : index
    %swap3A_1119 = tpu.vector_load %arg12[%swap3A_1117, %swap3A_1118] {strides = array<i32>} : memref<8x128xi32, #tpu.memory_space<vmem>>, vector<16xi32>,
    tpu.vector_store %arg12[%swap3A_1117, %swap3A_1118], %min3A_1115 {strides = array<i32>} : memref<8x128xi32, #tpu.memory_space<vmem>>, vector<16xi32>,
    %add3A_1120 = arith.addi %gather3A_1094, %add3A_132 : vector<16xi32>
    %swap3A_1121 = arith.constant 6 : i32
    %swap3A_1122 = arith.index_cast %swap3A_1121 : i32 to index
    %swap3A_1123 = arith.constant 16 : index
    %swap3A_1124 = tpu.vector_load %arg11[%swap3A_1122, %swap3A_1123] {strides = array<i32>} : memref<8x128xi32, #tpu.memory_space<vmem>>, vector<16xi32>,
    tpu.vector_store %arg11[%swap3A_1122, %swap3A_1123], %add3A_1120 {strides = array<i32>} : memref<8x128xi32, #tpu.memory_space<vmem>>, vector<16xi32>,
    %add3A_1125 = arith.addi %gather3A_1106, %add3A_132 : vector<16xi32>
    %min3A_1126 = arith.constant 1048575 : i32
    %min3A_1127 = vector.broadcast %min3A_1126 : i32 to vector<16xi32>
    %min3A_1128 = arith.minsi %add3A_1125, %min3A_1127 : vector<16xi32>
    %swap3A_1129 = arith.constant 6 : i32
    %swap3A_1130 = arith.index_cast %swap3A_1129 : i32 to index
    %swap3A_1131 = arith.constant 16 : index
    %swap3A_1132 = tpu.vector_load %arg12[%swap3A_1130, %swap3A_1131] {strides = array<i32>} : memref<8x128xi32, #tpu.memory_space<vmem>>, vector<16xi32>,
    tpu.vector_store %arg12[%swap3A_1130, %swap3A_1131], %min3A_1128 {strides = array<i32>} : memref<8x128xi32, #tpu.memory_space<vmem>>, vector<16xi32>,
    %add3A_1133 = arith.addi %gather3A_1094, %add3A_151 : vector<16xi32>
    %swap3A_1134 = arith.constant 6 : i32
    %swap3A_1135 = arith.index_cast %swap3A_1134 : i32 to index
    %swap3A_1136 = arith.constant 32 : index
    %swap3A_1137 = tpu.vector_load %arg11[%swap3A_1135, %swap3A_1136] {strides = array<i32>} : memref<8x128xi32, #tpu.memory_space<vmem>>, vector<16xi32>,
    tpu.vector_store %arg11[%swap3A_1135, %swap3A_1136], %add3A_1133 {strides = array<i32>} : memref<8x128xi32, #tpu.memory_space<vmem>>, vector<16xi32>,
    %add3A_1138 = arith.addi %gather3A_1106, %add3A_151 : vector<16xi32>
    %min3A_1139 = arith.constant 1048575 : i32
    %min3A_1140 = vector.broadcast %min3A_1139 : i32 to vector<16xi32>
    %min3A_1141 = arith.minsi %add3A_1138, %min3A_1140 : vector<16xi32>
    %swap3A_1142 = arith.constant 6 : i32
    %swap3A_1143 = arith.index_cast %swap3A_1142 : i32 to index
    %swap3A_1144 = arith.constant 32 : index
    %swap3A_1145 = tpu.vector_load %arg12[%swap3A_1143, %swap3A_1144] {strides = array<i32>} : memref<8x128xi32, #tpu.memory_space<vmem>>, vector<16xi32>,
    tpu.vector_store %arg12[%swap3A_1143, %swap3A_1144], %min3A_1141 {strides = array<i32>} : memref<8x128xi32, #tpu.memory_space<vmem>>, vector<16xi32>,
    %add3A_1146 = arith.addi %gather3A_1094, %add3A_170 : vector<16xi32>
    %swap3A_1147 = arith.constant 6 : i32
    %swap3A_1148 = arith.index_cast %swap3A_1147 : i32 to index
    %swap3A_1149 = arith.constant 48 : index
    %swap3A_1150 = tpu.vector_load %arg11[%swap3A_1148, %swap3A_1149] {strides = array<i32>} : memref<8x128xi32, #tpu.memory_space<vmem>>, vector<16xi32>,
    tpu.vector_store %arg11[%swap3A_1148, %swap3A_1149], %add3A_1146 {strides = array<i32>} : memref<8x128xi32, #tpu.memory_space<vmem>>, vector<16xi32>,
    %add3A_1151 = arith.addi %gather3A_1106, %add3A_170 : vector<16xi32>
    %min3A_1152 = arith.constant 1048575 : i32
    %min3A_1153 = vector.broadcast %min3A_1152 : i32 to vector<16xi32>
    %min3A_1154 = arith.minsi %add3A_1151, %min3A_1153 : vector<16xi32>
    %swap3A_1155 = arith.constant 6 : i32
    %swap3A_1156 = arith.index_cast %swap3A_1155 : i32 to index
    %swap3A_1157 = arith.constant 48 : index
    %swap3A_1158 = tpu.vector_load %arg12[%swap3A_1156, %swap3A_1157] {strides = array<i32>} : memref<8x128xi32, #tpu.memory_space<vmem>>, vector<16xi32>,
    tpu.vector_store %arg12[%swap3A_1156, %swap3A_1157], %min3A_1154 {strides = array<i32>} : memref<8x128xi32, #tpu.memory_space<vmem>>, vector<16xi32>,
    %broadcast_in_dim3A_1159 = arith.constant 13 : i32
    %broadcast_in_dim3A_1160 = vector.broadcast %broadcast_in_dim3A_1159 : i32 to vector<16xi32>
    %lt3A_1161 = arith.constant 0 : i32
    %lt3A_1162 = vector.broadcast %lt3A_1161 : i32 to vector<16xi32>
    %lt3A_1163 = arith.cmpi slt, %broadcast_in_dim3A_1160, %lt3A_1162 : vector<16xi32>
    %add3A_1164 = arith.constant 16 : i32
    %add3A_1165 = vector.broadcast %add3A_1164 : i32 to vector<16xi32>
    %add3A_1166 = arith.addi %broadcast_in_dim3A_1160, %add3A_1165 : vector<16xi32>
    %select_n3A_1167 = arith.select %lt3A_1163, %add3A_1166, %broadcast_in_dim3A_1160 : vector<16xi1>, vector<16xi32>
    %broadcast_in_dim3A_1168 = vector.shape_cast %select_n3A_1167 : vector<16xi32> to vector<16x1xi32>
    %gather3A_1169 = vector.shape_cast %broadcast_in_dim3A_1168 : vector<16x1xi32> to vector<16xi32>
    %gather3A_1170 = tpu.dynamic_gather %add3A_47[%gather3A_1169] in [0] : vector<16xi32>, vector<16xi32> -> vector<16xi32>
    %broadcast_in_dim3A_1171 = arith.constant 13 : i32
    %broadcast_in_dim3A_1172 = vector.broadcast %broadcast_in_dim3A_1171 : i32 to vector<16xi32>
    %lt3A_1173 = arith.constant 0 : i32
    %lt3A_1174 = vector.broadcast %lt3A_1173 : i32 to vector<16xi32>
    %lt3A_1175 = arith.cmpi slt, %broadcast_in_dim3A_1172, %lt3A_1174 : vector<16xi32>
    %add3A_1176 = arith.constant 16 : i32
    %add3A_1177 = vector.broadcast %add3A_1176 : i32 to vector<16xi32>
    %add3A_1178 = arith.addi %broadcast_in_dim3A_1172, %add3A_1177 : vector<16xi32>
    %select_n3A_1179 = arith.select %lt3A_1175, %add3A_1178, %broadcast_in_dim3A_1172 : vector<16xi1>, vector<16xi32>
    %broadcast_in_dim3A_1180 = vector.shape_cast %select_n3A_1179 : vector<16xi32> to vector<16x1xi32>
    %gather3A_1181 = vector.shape_cast %broadcast_in_dim3A_1180 : vector<16x1xi32> to vector<16xi32>
    %gather3A_1182 = tpu.dynamic_gather %add3A_69[%gather3A_1181] in [0] : vector<16xi32>, vector<16xi32> -> vector<16xi32>
    %add3A_1183 = arith.addi %gather3A_1170, %add3A_113 : vector<16xi32>
    %swap3A_1184 = arith.constant 6 : i32
    %swap3A_1185 = arith.index_cast %swap3A_1184 : i32 to index
    %swap3A_1186 = arith.constant 64 : index
    %swap3A_1187 = tpu.vector_load %arg11[%swap3A_1185, %swap3A_1186] {strides = array<i32>} : memref<8x128xi32, #tpu.memory_space<vmem>>, vector<16xi32>,
    tpu.vector_store %arg11[%swap3A_1185, %swap3A_1186], %add3A_1183 {strides = array<i32>} : memref<8x128xi32, #tpu.memory_space<vmem>>, vector<16xi32>,
    %add3A_1188 = arith.addi %gather3A_1182, %add3A_113 : vector<16xi32>
    %min3A_1189 = arith.constant 1048575 : i32
    %min3A_1190 = vector.broadcast %min3A_1189 : i32 to vector<16xi32>
    %min3A_1191 = arith.minsi %add3A_1188, %min3A_1190 : vector<16xi32>
    %swap3A_1192 = arith.constant 6 : i32
    %swap3A_1193 = arith.index_cast %swap3A_1192 : i32 to index
    %swap3A_1194 = arith.constant 64 : index
    %swap3A_1195 = tpu.vector_load %arg12[%swap3A_1193, %swap3A_1194] {strides = array<i32>} : memref<8x128xi32, #tpu.memory_space<vmem>>, vector<16xi32>,
    tpu.vector_store %arg12[%swap3A_1193, %swap3A_1194], %min3A_1191 {strides = array<i32>} : memref<8x128xi32, #tpu.memory_space<vmem>>, vector<16xi32>,
    %add3A_1196 = arith.addi %gather3A_1170, %add3A_132 : vector<16xi32>
    %swap3A_1197 = arith.constant 6 : i32
    %swap3A_1198 = arith.index_cast %swap3A_1197 : i32 to index
    %swap3A_1199 = arith.constant 80 : index
    %swap3A_1200 = tpu.vector_load %arg11[%swap3A_1198, %swap3A_1199] {strides = array<i32>} : memref<8x128xi32, #tpu.memory_space<vmem>>, vector<16xi32>,
    tpu.vector_store %arg11[%swap3A_1198, %swap3A_1199], %add3A_1196 {strides = array<i32>} : memref<8x128xi32, #tpu.memory_space<vmem>>, vector<16xi32>,
    %add3A_1201 = arith.addi %gather3A_1182, %add3A_132 : vector<16xi32>
    %min3A_1202 = arith.constant 1048575 : i32
    %min3A_1203 = vector.broadcast %min3A_1202 : i32 to vector<16xi32>
    %min3A_1204 = arith.minsi %add3A_1201, %min3A_1203 : vector<16xi32>
    %swap3A_1205 = arith.constant 6 : i32
    %swap3A_1206 = arith.index_cast %swap3A_1205 : i32 to index
    %swap3A_1207 = arith.constant 80 : index
    %swap3A_1208 = tpu.vector_load %arg12[%swap3A_1206, %swap3A_1207] {strides = array<i32>} : memref<8x128xi32, #tpu.memory_space<vmem>>, vector<16xi32>,
    tpu.vector_store %arg12[%swap3A_1206, %swap3A_1207], %min3A_1204 {strides = array<i32>} : memref<8x128xi32, #tpu.memory_space<vmem>>, vector<16xi32>,
    %add3A_1209 = arith.addi %gather3A_1170, %add3A_151 : vector<16xi32>
    %swap3A_1210 = arith.constant 6 : i32
    %swap3A_1211 = arith.index_cast %swap3A_1210 : i32 to index
    %swap3A_1212 = arith.constant 96 : index
    %swap3A_1213 = tpu.vector_load %arg11[%swap3A_1211, %swap3A_1212] {strides = array<i32>} : memref<8x128xi32, #tpu.memory_space<vmem>>, vector<16xi32>,
    tpu.vector_store %arg11[%swap3A_1211, %swap3A_1212], %add3A_1209 {strides = array<i32>} : memref<8x128xi32, #tpu.memory_space<vmem>>, vector<16xi32>,
    %add3A_1214 = arith.addi %gather3A_1182, %add3A_151 : vector<16xi32>
    %min3A_1215 = arith.constant 1048575 : i32
    %min3A_1216 = vector.broadcast %min3A_1215 : i32 to vector<16xi32>
    %min3A_1217 = arith.minsi %add3A_1214, %min3A_1216 : vector<16xi32>
    %swap3A_1218 = arith.constant 6 : i32
    %swap3A_1219 = arith.index_cast %swap3A_1218 : i32 to index
    %swap3A_1220 = arith.constant 96 : index
    %swap3A_1221 = tpu.vector_load %arg12[%swap3A_1219, %swap3A_1220] {strides = array<i32>} : memref<8x128xi32, #tpu.memory_space<vmem>>, vector<16xi32>,
    tpu.vector_store %arg12[%swap3A_1219, %swap3A_1220], %min3A_1217 {strides = array<i32>} : memref<8x128xi32, #tpu.memory_space<vmem>>, vector<16xi32>,
    %add3A_1222 = arith.addi %gather3A_1170, %add3A_170 : vector<16xi32>
    %swap3A_1223 = arith.constant 6 : i32
    %swap3A_1224 = arith.index_cast %swap3A_1223 : i32 to index
    %swap3A_1225 = arith.constant 112 : index
    %swap3A_1226 = tpu.vector_load %arg11[%swap3A_1224, %swap3A_1225] {strides = array<i32>} : memref<8x128xi32, #tpu.memory_space<vmem>>, vector<16xi32>,
    tpu.vector_store %arg11[%swap3A_1224, %swap3A_1225], %add3A_1222 {strides = array<i32>} : memref<8x128xi32, #tpu.memory_space<vmem>>, vector<16xi32>,
    %add3A_1227 = arith.addi %gather3A_1182, %add3A_170 : vector<16xi32>
    %min3A_1228 = arith.constant 1048575 : i32
    %min3A_1229 = vector.broadcast %min3A_1228 : i32 to vector<16xi32>
    %min3A_1230 = arith.minsi %add3A_1227, %min3A_1229 : vector<16xi32>
    %swap3A_1231 = arith.constant 6 : i32
    %swap3A_1232 = arith.index_cast %swap3A_1231 : i32 to index
    %swap3A_1233 = arith.constant 112 : index
    %swap3A_1234 = tpu.vector_load %arg12[%swap3A_1232, %swap3A_1233] {strides = array<i32>} : memref<8x128xi32, #tpu.memory_space<vmem>>, vector<16xi32>,
    tpu.vector_store %arg12[%swap3A_1232, %swap3A_1233], %min3A_1230 {strides = array<i32>} : memref<8x128xi32, #tpu.memory_space<vmem>>, vector<16xi32>,
    %broadcast_in_dim3A_1235 = arith.constant 14 : i32
    %broadcast_in_dim3A_1236 = vector.broadcast %broadcast_in_dim3A_1235 : i32 to vector<16xi32>
    %lt3A_1237 = arith.constant 0 : i32
    %lt3A_1238 = vector.broadcast %lt3A_1237 : i32 to vector<16xi32>
    %lt3A_1239 = arith.cmpi slt, %broadcast_in_dim3A_1236, %lt3A_1238 : vector<16xi32>
    %add3A_1240 = arith.constant 16 : i32
    %add3A_1241 = vector.broadcast %add3A_1240 : i32 to vector<16xi32>
    %add3A_1242 = arith.addi %broadcast_in_dim3A_1236, %add3A_1241 : vector<16xi32>
    %select_n3A_1243 = arith.select %lt3A_1239, %add3A_1242, %broadcast_in_dim3A_1236 : vector<16xi1>, vector<16xi32>
    %broadcast_in_dim3A_1244 = vector.shape_cast %select_n3A_1243 : vector<16xi32> to vector<16x1xi32>
    %gather3A_1245 = vector.shape_cast %broadcast_in_dim3A_1244 : vector<16x1xi32> to vector<16xi32>
    %gather3A_1246 = tpu.dynamic_gather %add3A_47[%gather3A_1245] in [0] : vector<16xi32>, vector<16xi32> -> vector<16xi32>
    %broadcast_in_dim3A_1247 = arith.constant 14 : i32
    %broadcast_in_dim3A_1248 = vector.broadcast %broadcast_in_dim3A_1247 : i32 to vector<16xi32>
    %lt3A_1249 = arith.constant 0 : i32
    %lt3A_1250 = vector.broadcast %lt3A_1249 : i32 to vector<16xi32>
    %lt3A_1251 = arith.cmpi slt, %broadcast_in_dim3A_1248, %lt3A_1250 : vector<16xi32>
    %add3A_1252 = arith.constant 16 : i32
    %add3A_1253 = vector.broadcast %add3A_1252 : i32 to vector<16xi32>
    %add3A_1254 = arith.addi %broadcast_in_dim3A_1248, %add3A_1253 : vector<16xi32>
    %select_n3A_1255 = arith.select %lt3A_1251, %add3A_1254, %broadcast_in_dim3A_1248 : vector<16xi1>, vector<16xi32>
    %broadcast_in_dim3A_1256 = vector.shape_cast %select_n3A_1255 : vector<16xi32> to vector<16x1xi32>
    %gather3A_1257 = vector.shape_cast %broadcast_in_dim3A_1256 : vector<16x1xi32> to vector<16xi32>
    %gather3A_1258 = tpu.dynamic_gather %add3A_69[%gather3A_1257] in [0] : vector<16xi32>, vector<16xi32> -> vector<16xi32>
    %add3A_1259 = arith.addi %gather3A_1246, %add3A_113 : vector<16xi32>
    %swap3A_1260 = arith.constant 7 : i32
    %swap3A_1261 = arith.index_cast %swap3A_1260 : i32 to index
    %swap3A_1262 = arith.constant 0 : index
    %swap3A_1263 = tpu.vector_load %arg11[%swap3A_1261, %swap3A_1262] {strides = array<i32>} : memref<8x128xi32, #tpu.memory_space<vmem>>, vector<16xi32>,
    tpu.vector_store %arg11[%swap3A_1261, %swap3A_1262], %add3A_1259 {strides = array<i32>} : memref<8x128xi32, #tpu.memory_space<vmem>>, vector<16xi32>,
    %add3A_1264 = arith.addi %gather3A_1258, %add3A_113 : vector<16xi32>
    %min3A_1265 = arith.constant 1048575 : i32
    %min3A_1266 = vector.broadcast %min3A_1265 : i32 to vector<16xi32>
    %min3A_1267 = arith.minsi %add3A_1264, %min3A_1266 : vector<16xi32>
    %swap3A_1268 = arith.constant 7 : i32
    %swap3A_1269 = arith.index_cast %swap3A_1268 : i32 to index
    %swap3A_1270 = arith.constant 0 : index
    %swap3A_1271 = tpu.vector_load %arg12[%swap3A_1269, %swap3A_1270] {strides = array<i32>} : memref<8x128xi32, #tpu.memory_space<vmem>>, vector<16xi32>,
    tpu.vector_store %arg12[%swap3A_1269, %swap3A_1270], %min3A_1267 {strides = array<i32>} : memref<8x128xi32, #tpu.memory_space<vmem>>, vector<16xi32>,
    %add3A_1272 = arith.addi %gather3A_1246, %add3A_132 : vector<16xi32>
    %swap3A_1273 = arith.constant 7 : i32
    %swap3A_1274 = arith.index_cast %swap3A_1273 : i32 to index
    %swap3A_1275 = arith.constant 16 : index
    %swap3A_1276 = tpu.vector_load %arg11[%swap3A_1274, %swap3A_1275] {strides = array<i32>} : memref<8x128xi32, #tpu.memory_space<vmem>>, vector<16xi32>,
    tpu.vector_store %arg11[%swap3A_1274, %swap3A_1275], %add3A_1272 {strides = array<i32>} : memref<8x128xi32, #tpu.memory_space<vmem>>, vector<16xi32>,
    %add3A_1277 = arith.addi %gather3A_1258, %add3A_132 : vector<16xi32>
    %min3A_1278 = arith.constant 1048575 : i32
    %min3A_1279 = vector.broadcast %min3A_1278 : i32 to vector<16xi32>
    %min3A_1280 = arith.minsi %add3A_1277, %min3A_1279 : vector<16xi32>
    %swap3A_1281 = arith.constant 7 : i32
    %swap3A_1282 = arith.index_cast %swap3A_1281 : i32 to index
    %swap3A_1283 = arith.constant 16 : index
    %swap3A_1284 = tpu.vector_load %arg12[%swap3A_1282, %swap3A_1283] {strides = array<i32>} : memref<8x128xi32, #tpu.memory_space<vmem>>, vector<16xi32>,
    tpu.vector_store %arg12[%swap3A_1282, %swap3A_1283], %min3A_1280 {strides = array<i32>} : memref<8x128xi32, #tpu.memory_space<vmem>>, vector<16xi32>,
    %add3A_1285 = arith.addi %gather3A_1246, %add3A_151 : vector<16xi32>
    %swap3A_1286 = arith.constant 7 : i32
    %swap3A_1287 = arith.index_cast %swap3A_1286 : i32 to index
    %swap3A_1288 = arith.constant 32 : index
    %swap3A_1289 = tpu.vector_load %arg11[%swap3A_1287, %swap3A_1288] {strides = array<i32>} : memref<8x128xi32, #tpu.memory_space<vmem>>, vector<16xi32>,
    tpu.vector_store %arg11[%swap3A_1287, %swap3A_1288], %add3A_1285 {strides = array<i32>} : memref<8x128xi32, #tpu.memory_space<vmem>>, vector<16xi32>,
    %add3A_1290 = arith.addi %gather3A_1258, %add3A_151 : vector<16xi32>
    %min3A_1291 = arith.constant 1048575 : i32
    %min3A_1292 = vector.broadcast %min3A_1291 : i32 to vector<16xi32>
    %min3A_1293 = arith.minsi %add3A_1290, %min3A_1292 : vector<16xi32>
    %swap3A_1294 = arith.constant 7 : i32
    %swap3A_1295 = arith.index_cast %swap3A_1294 : i32 to index
    %swap3A_1296 = arith.constant 32 : index
    %swap3A_1297 = tpu.vector_load %arg12[%swap3A_1295, %swap3A_1296] {strides = array<i32>} : memref<8x128xi32, #tpu.memory_space<vmem>>, vector<16xi32>,
    tpu.vector_store %arg12[%swap3A_1295, %swap3A_1296], %min3A_1293 {strides = array<i32>} : memref<8x128xi32, #tpu.memory_space<vmem>>, vector<16xi32>,
    %add3A_1298 = arith.addi %gather3A_1246, %add3A_170 : vector<16xi32>
    %swap3A_1299 = arith.constant 7 : i32
    %swap3A_1300 = arith.index_cast %swap3A_1299 : i32 to index
    %swap3A_1301 = arith.constant 48 : index
    %swap3A_1302 = tpu.vector_load %arg11[%swap3A_1300, %swap3A_1301] {strides = array<i32>} : memref<8x128xi32, #tpu.memory_space<vmem>>, vector<16xi32>,
    tpu.vector_store %arg11[%swap3A_1300, %swap3A_1301], %add3A_1298 {strides = array<i32>} : memref<8x128xi32, #tpu.memory_space<vmem>>, vector<16xi32>,
    %add3A_1303 = arith.addi %gather3A_1258, %add3A_170 : vector<16xi32>
    %min3A_1304 = arith.constant 1048575 : i32
    %min3A_1305 = vector.broadcast %min3A_1304 : i32 to vector<16xi32>
    %min3A_1306 = arith.minsi %add3A_1303, %min3A_1305 : vector<16xi32>
    %swap3A_1307 = arith.constant 7 : i32
    %swap3A_1308 = arith.index_cast %swap3A_1307 : i32 to index
    %swap3A_1309 = arith.constant 48 : index
    %swap3A_1310 = tpu.vector_load %arg12[%swap3A_1308, %swap3A_1309] {strides = array<i32>} : memref<8x128xi32, #tpu.memory_space<vmem>>, vector<16xi32>,
    tpu.vector_store %arg12[%swap3A_1308, %swap3A_1309], %min3A_1306 {strides = array<i32>} : memref<8x128xi32, #tpu.memory_space<vmem>>, vector<16xi32>,
    %broadcast_in_dim3A_1311 = arith.constant 15 : i32
    %broadcast_in_dim3A_1312 = vector.broadcast %broadcast_in_dim3A_1311 : i32 to vector<16xi32>
    %lt3A_1313 = arith.constant 0 : i32
    %lt3A_1314 = vector.broadcast %lt3A_1313 : i32 to vector<16xi32>
    %lt3A_1315 = arith.cmpi slt, %broadcast_in_dim3A_1312, %lt3A_1314 : vector<16xi32>
    %add3A_1316 = arith.constant 16 : i32
    %add3A_1317 = vector.broadcast %add3A_1316 : i32 to vector<16xi32>
    %add3A_1318 = arith.addi %broadcast_in_dim3A_1312, %add3A_1317 : vector<16xi32>
    %select_n3A_1319 = arith.select %lt3A_1315, %add3A_1318, %broadcast_in_dim3A_1312 : vector<16xi1>, vector<16xi32>
    %broadcast_in_dim3A_1320 = vector.shape_cast %select_n3A_1319 : vector<16xi32> to vector<16x1xi32>
    %gather3A_1321 = vector.shape_cast %broadcast_in_dim3A_1320 : vector<16x1xi32> to vector<16xi32>
    %gather3A_1322 = tpu.dynamic_gather %add3A_47[%gather3A_1321] in [0] : vector<16xi32>, vector<16xi32> -> vector<16xi32>
    %broadcast_in_dim3A_1323 = arith.constant 15 : i32
    %broadcast_in_dim3A_1324 = vector.broadcast %broadcast_in_dim3A_1323 : i32 to vector<16xi32>
    %lt3A_1325 = arith.constant 0 : i32
    %lt3A_1326 = vector.broadcast %lt3A_1325 : i32 to vector<16xi32>
    %lt3A_1327 = arith.cmpi slt, %broadcast_in_dim3A_1324, %lt3A_1326 : vector<16xi32>
    %add3A_1328 = arith.constant 16 : i32
    %add3A_1329 = vector.broadcast %add3A_1328 : i32 to vector<16xi32>
    %add3A_1330 = arith.addi %broadcast_in_dim3A_1324, %add3A_1329 : vector<16xi32>
    %select_n3A_1331 = arith.select %lt3A_1327, %add3A_1330, %broadcast_in_dim3A_1324 : vector<16xi1>, vector<16xi32>
    %broadcast_in_dim3A_1332 = vector.shape_cast %select_n3A_1331 : vector<16xi32> to vector<16x1xi32>
    %gather3A_1333 = vector.shape_cast %broadcast_in_dim3A_1332 : vector<16x1xi32> to vector<16xi32>
    %gather3A_1334 = tpu.dynamic_gather %add3A_69[%gather3A_1333] in [0] : vector<16xi32>, vector<16xi32> -> vector<16xi32>
    %add3A_1335 = arith.addi %gather3A_1322, %add3A_113 : vector<16xi32>
    %swap3A_1336 = arith.constant 7 : i32
    %swap3A_1337 = arith.index_cast %swap3A_1336 : i32 to index
    %swap3A_1338 = arith.constant 64 : index
    %swap3A_1339 = tpu.vector_load %arg11[%swap3A_1337, %swap3A_1338] {strides = array<i32>} : memref<8x128xi32, #tpu.memory_space<vmem>>, vector<16xi32>,
    tpu.vector_store %arg11[%swap3A_1337, %swap3A_1338], %add3A_1335 {strides = array<i32>} : memref<8x128xi32, #tpu.memory_space<vmem>>, vector<16xi32>,
    %add3A_1340 = arith.addi %gather3A_1334, %add3A_113 : vector<16xi32>
    %min3A_1341 = arith.constant 1048575 : i32
    %min3A_1342 = vector.broadcast %min3A_1341 : i32 to vector<16xi32>
    %min3A_1343 = arith.minsi %add3A_1340, %min3A_1342 : vector<16xi32>
    %swap3A_1344 = arith.constant 7 : i32
    %swap3A_1345 = arith.index_cast %swap3A_1344 : i32 to index
    %swap3A_1346 = arith.constant 64 : index
    %swap3A_1347 = tpu.vector_load %arg12[%swap3A_1345, %swap3A_1346] {strides = array<i32>} : memref<8x128xi32, #tpu.memory_space<vmem>>, vector<16xi32>,
    tpu.vector_store %arg12[%swap3A_1345, %swap3A_1346], %min3A_1343 {strides = array<i32>} : memref<8x128xi32, #tpu.memory_space<vmem>>, vector<16xi32>,
    %add3A_1348 = arith.addi %gather3A_1322, %add3A_132 : vector<16xi32>
    %swap3A_1349 = arith.constant 7 : i32
    %swap3A_1350 = arith.index_cast %swap3A_1349 : i32 to index
    %swap3A_1351 = arith.constant 80 : index
    %swap3A_1352 = tpu.vector_load %arg11[%swap3A_1350, %swap3A_1351] {strides = array<i32>} : memref<8x128xi32, #tpu.memory_space<vmem>>, vector<16xi32>,
    tpu.vector_store %arg11[%swap3A_1350, %swap3A_1351], %add3A_1348 {strides = array<i32>} : memref<8x128xi32, #tpu.memory_space<vmem>>, vector<16xi32>,
    %add3A_1353 = arith.addi %gather3A_1334, %add3A_132 : vector<16xi32>
    %min3A_1354 = arith.constant 1048575 : i32
    %min3A_1355 = vector.broadcast %min3A_1354 : i32 to vector<16xi32>
    %min3A_1356 = arith.minsi %add3A_1353, %min3A_1355 : vector<16xi32>
    %swap3A_1357 = arith.constant 7 : i32
    %swap3A_1358 = arith.index_cast %swap3A_1357 : i32 to index
    %swap3A_1359 = arith.constant 80 : index
    %swap3A_1360 = tpu.vector_load %arg12[%swap3A_1358, %swap3A_1359] {strides = array<i32>} : memref<8x128xi32, #tpu.memory_space<vmem>>, vector<16xi32>,
    tpu.vector_store %arg12[%swap3A_1358, %swap3A_1359], %min3A_1356 {strides = array<i32>} : memref<8x128xi32, #tpu.memory_space<vmem>>, vector<16xi32>,
    %add3A_1361 = arith.addi %gather3A_1322, %add3A_151 : vector<16xi32>
    %swap3A_1362 = arith.constant 7 : i32
    %swap3A_1363 = arith.index_cast %swap3A_1362 : i32 to index
    %swap3A_1364 = arith.constant 96 : index
    %swap3A_1365 = tpu.vector_load %arg11[%swap3A_1363, %swap3A_1364] {strides = array<i32>} : memref<8x128xi32, #tpu.memory_space<vmem>>, vector<16xi32>,
    tpu.vector_store %arg11[%swap3A_1363, %swap3A_1364], %add3A_1361 {strides = array<i32>} : memref<8x128xi32, #tpu.memory_space<vmem>>, vector<16xi32>,
    %add3A_1366 = arith.addi %gather3A_1334, %add3A_151 : vector<16xi32>
    %min3A_1367 = arith.constant 1048575 : i32
    %min3A_1368 = vector.broadcast %min3A_1367 : i32 to vector<16xi32>
    %min3A_1369 = arith.minsi %add3A_1366, %min3A_1368 : vector<16xi32>
    %swap3A_1370 = arith.constant 7 : i32
    %swap3A_1371 = arith.index_cast %swap3A_1370 : i32 to index
    %swap3A_1372 = arith.constant 96 : index
    %swap3A_1373 = tpu.vector_load %arg12[%swap3A_1371, %swap3A_1372] {strides = array<i32>} : memref<8x128xi32, #tpu.memory_space<vmem>>, vector<16xi32>,
    tpu.vector_store %arg12[%swap3A_1371, %swap3A_1372], %min3A_1369 {strides = array<i32>} : memref<8x128xi32, #tpu.memory_space<vmem>>, vector<16xi32>,
    %add3A_1374 = arith.addi %gather3A_1322, %add3A_170 : vector<16xi32>
    %swap3A_1375 = arith.constant 7 : i32
    %swap3A_1376 = arith.index_cast %swap3A_1375 : i32 to index
    %swap3A_1377 = arith.constant 112 : index
    %swap3A_1378 = tpu.vector_load %arg11[%swap3A_1376, %swap3A_1377] {strides = array<i32>} : memref<8x128xi32, #tpu.memory_space<vmem>>, vector<16xi32>,
    tpu.vector_store %arg11[%swap3A_1376, %swap3A_1377], %add3A_1374 {strides = array<i32>} : memref<8x128xi32, #tpu.memory_space<vmem>>, vector<16xi32>,
    %add3A_1379 = arith.addi %gather3A_1334, %add3A_170 : vector<16xi32>
    %min3A_1380 = arith.constant 1048575 : i32
    %min3A_1381 = vector.broadcast %min3A_1380 : i32 to vector<16xi32>
    %min3A_1382 = arith.minsi %add3A_1379, %min3A_1381 : vector<16xi32>
    %swap3A_1383 = arith.constant 7 : i32
    %swap3A_1384 = arith.index_cast %swap3A_1383 : i32 to index
    %swap3A_1385 = arith.constant 112 : index
    %swap3A_1386 = tpu.vector_load %arg12[%swap3A_1384, %swap3A_1385] {strides = array<i32>} : memref<8x128xi32, #tpu.memory_space<vmem>>, vector<16xi32>,
    tpu.vector_store %arg12[%swap3A_1384, %swap3A_1385], %min3A_1382 {strides = array<i32>} : memref<8x128xi32, #tpu.memory_space<vmem>>, vector<16xi32>,
    %dma_start3A_1387 = arith.constant 0 : i32
    %dma_start3A_1388 = arith.constant 0 : i32
    %dma_start3A_1389 = arith.constant 0 : i32
    %dma_start3A_1390 = arith.constant 0 : i32
    %dma_start3A_1391 = tpu.memref_slice %arg13[%dma_start3A_1388, %dma_start3A_1389, %dma_start3A_1390] : memref<8x128x16xf32, #tpu.memory_space<vmem>> -> memref<1x128x16xf32, #tpu.memory_space<vmem>>
    %dma_start3A_1392 = tpu.memref_squeeze %dma_start3A_1391 : memref<1x128x16xf32, #tpu.memory_space<vmem>> -> memref<128x16xf32, #tpu.memory_space<vmem>>
    %dma_start3A_1393 = arith.constant 0 : i32
    %dma_start3A_1394 = tpu.memref_slice %arg11[%dma_start3A_1387, %dma_start3A_1393] : memref<8x128xi32, #tpu.memory_space<vmem>> -> memref<1x128xi32, #tpu.memory_space<vmem>>
    %dma_start3A_1395 = tpu.memref_squeeze %dma_start3A_1394 : memref<1x128xi32, #tpu.memory_space<vmem>> -> memref<128xi32, #tpu.memory_space<vmem>>
    %dma_start3A_1396 = arith.constant 0 : i32
    %dma_start3A_1397 = arith.constant 0 : i32
    %dma_start3A_1398 = tpu.memref_slice %arg2[%dma_start3A_1396, %dma_start3A_1397] : memref<1048576x16xf32, #tpu.memory_space<hbm>> -> memref<1048576x16xf32, #tpu.memory_space<hbm>>
    tpu.enqueue_indirect_dma source(%dma_start3A_1398 : memref<1048576x16xf32, #tpu.memory_space<hbm>>) target(%dma_start3A_1392 : memref<128x16xf32, #tpu.memory_space<vmem>>) offsets(%dma_start3A_1395 : memref<128xi32, #tpu.memory_space<vmem>>) semaphore(%arg23 : memref<!tpu.dma_semaphore, #tpu.memory_space<semaphore_mem>>)
    %dma_start3A_1399 = arith.constant 0 : i32
    %dma_start3A_1400 = arith.constant 0 : i32
    %dma_start3A_1401 = arith.constant 0 : i32
    %dma_start3A_1402 = arith.constant 0 : i32
    %dma_start3A_1403 = tpu.memref_slice %arg14[%dma_start3A_1400, %dma_start3A_1401, %dma_start3A_1402] : memref<8x128x16xf32, #tpu.memory_space<vmem>> -> memref<1x128x16xf32, #tpu.memory_space<vmem>>
    %dma_start3A_1404 = tpu.memref_squeeze %dma_start3A_1403 : memref<1x128x16xf32, #tpu.memory_space<vmem>> -> memref<128x16xf32, #tpu.memory_space<vmem>>
    %dma_start3A_1405 = arith.constant 0 : i32
    %dma_start3A_1406 = tpu.memref_slice %arg12[%dma_start3A_1399, %dma_start3A_1405] : memref<8x128xi32, #tpu.memory_space<vmem>> -> memref<1x128xi32, #tpu.memory_space<vmem>>
    %dma_start3A_1407 = tpu.memref_squeeze %dma_start3A_1406 : memref<1x128xi32, #tpu.memory_space<vmem>> -> memref<128xi32, #tpu.memory_space<vmem>>
    %dma_start3A_1408 = arith.constant 0 : i32
    %dma_start3A_1409 = arith.constant 0 : i32
    %dma_start3A_1410 = tpu.memref_slice %arg3[%dma_start3A_1408, %dma_start3A_1409] : memref<1048576x16xf32, #tpu.memory_space<hbm>> -> memref<1048576x16xf32, #tpu.memory_space<hbm>>
    tpu.enqueue_indirect_dma source(%dma_start3A_1410 : memref<1048576x16xf32, #tpu.memory_space<hbm>>) target(%dma_start3A_1404 : memref<128x16xf32, #tpu.memory_space<vmem>>) offsets(%dma_start3A_1407 : memref<128xi32, #tpu.memory_space<vmem>>) semaphore(%arg23 : memref<!tpu.dma_semaphore, #tpu.memory_space<semaphore_mem>>)
    %dma_start3A_1411 = arith.constant 1 : i32
    %dma_start3A_1412 = arith.constant 1 : i32
    %dma_start3A_1413 = arith.constant 0 : i32
    %dma_start3A_1414 = arith.constant 0 : i32
    %dma_start3A_1415 = tpu.memref_slice %arg13[%dma_start3A_1412, %dma_start3A_1413, %dma_start3A_1414] : memref<8x128x16xf32, #tpu.memory_space<vmem>> -> memref<1x128x16xf32, #tpu.memory_space<vmem>>
    %dma_start3A_1416 = tpu.memref_squeeze %dma_start3A_1415 : memref<1x128x16xf32, #tpu.memory_space<vmem>> -> memref<128x16xf32, #tpu.memory_space<vmem>>
    %dma_start3A_1417 = arith.constant 0 : i32
    %dma_start3A_1418 = tpu.memref_slice %arg11[%dma_start3A_1411, %dma_start3A_1417] : memref<8x128xi32, #tpu.memory_space<vmem>> -> memref<1x128xi32, #tpu.memory_space<vmem>>
    %dma_start3A_1419 = tpu.memref_squeeze %dma_start3A_1418 : memref<1x128xi32, #tpu.memory_space<vmem>> -> memref<128xi32, #tpu.memory_space<vmem>>
    %dma_start3A_1420 = arith.constant 0 : i32
    %dma_start3A_1421 = arith.constant 0 : i32
    %dma_start3A_1422 = tpu.memref_slice %arg2[%dma_start3A_1420, %dma_start3A_1421] : memref<1048576x16xf32, #tpu.memory_space<hbm>> -> memref<1048576x16xf32, #tpu.memory_space<hbm>>
    tpu.enqueue_indirect_dma source(%dma_start3A_1422 : memref<1048576x16xf32, #tpu.memory_space<hbm>>) target(%dma_start3A_1416 : memref<128x16xf32, #tpu.memory_space<vmem>>) offsets(%dma_start3A_1419 : memref<128xi32, #tpu.memory_space<vmem>>) semaphore(%arg23 : memref<!tpu.dma_semaphore, #tpu.memory_space<semaphore_mem>>)
    %dma_start3A_1423 = arith.constant 1 : i32
    %dma_start3A_1424 = arith.constant 1 : i32
    %dma_start3A_1425 = arith.constant 0 : i32
    %dma_start3A_1426 = arith.constant 0 : i32
    %dma_start3A_1427 = tpu.memref_slice %arg14[%dma_start3A_1424, %dma_start3A_1425, %dma_start3A_1426] : memref<8x128x16xf32, #tpu.memory_space<vmem>> -> memref<1x128x16xf32, #tpu.memory_space<vmem>>
    %dma_start3A_1428 = tpu.memref_squeeze %dma_start3A_1427 : memref<1x128x16xf32, #tpu.memory_space<vmem>> -> memref<128x16xf32, #tpu.memory_space<vmem>>
    %dma_start3A_1429 = arith.constant 0 : i32
    %dma_start3A_1430 = tpu.memref_slice %arg12[%dma_start3A_1423, %dma_start3A_1429] : memref<8x128xi32, #tpu.memory_space<vmem>> -> memref<1x128xi32, #tpu.memory_space<vmem>>
    %dma_start3A_1431 = tpu.memref_squeeze %dma_start3A_1430 : memref<1x128xi32, #tpu.memory_space<vmem>> -> memref<128xi32, #tpu.memory_space<vmem>>
    %dma_start3A_1432 = arith.constant 0 : i32
    %dma_start3A_1433 = arith.constant 0 : i32
    %dma_start3A_1434 = tpu.memref_slice %arg3[%dma_start3A_1432, %dma_start3A_1433] : memref<1048576x16xf32, #tpu.memory_space<hbm>> -> memref<1048576x16xf32, #tpu.memory_space<hbm>>
    tpu.enqueue_indirect_dma source(%dma_start3A_1434 : memref<1048576x16xf32, #tpu.memory_space<hbm>>) target(%dma_start3A_1428 : memref<128x16xf32, #tpu.memory_space<vmem>>) offsets(%dma_start3A_1431 : memref<128xi32, #tpu.memory_space<vmem>>) semaphore(%arg23 : memref<!tpu.dma_semaphore, #tpu.memory_space<semaphore_mem>>)
    %dma_start3A_1435 = arith.constant 2 : i32
    %dma_start3A_1436 = arith.constant 2 : i32
    %dma_start3A_1437 = arith.constant 0 : i32
    %dma_start3A_1438 = arith.constant 0 : i32
    %dma_start3A_1439 = tpu.memref_slice %arg13[%dma_start3A_1436, %dma_start3A_1437, %dma_start3A_1438] : memref<8x128x16xf32, #tpu.memory_space<vmem>> -> memref<1x128x16xf32, #tpu.memory_space<vmem>>
    %dma_start3A_1440 = tpu.memref_squeeze %dma_start3A_1439 : memref<1x128x16xf32, #tpu.memory_space<vmem>> -> memref<128x16xf32, #tpu.memory_space<vmem>>
    %dma_start3A_1441 = arith.constant 0 : i32
    %dma_start3A_1442 = tpu.memref_slice %arg11[%dma_start3A_1435, %dma_start3A_1441] : memref<8x128xi32, #tpu.memory_space<vmem>> -> memref<1x128xi32, #tpu.memory_space<vmem>>
    %dma_start3A_1443 = tpu.memref_squeeze %dma_start3A_1442 : memref<1x128xi32, #tpu.memory_space<vmem>> -> memref<128xi32, #tpu.memory_space<vmem>>
    %dma_start3A_1444 = arith.constant 0 : i32
    %dma_start3A_1445 = arith.constant 0 : i32
    %dma_start3A_1446 = tpu.memref_slice %arg2[%dma_start3A_1444, %dma_start3A_1445] : memref<1048576x16xf32, #tpu.memory_space<hbm>> -> memref<1048576x16xf32, #tpu.memory_space<hbm>>
    tpu.enqueue_indirect_dma source(%dma_start3A_1446 : memref<1048576x16xf32, #tpu.memory_space<hbm>>) target(%dma_start3A_1440 : memref<128x16xf32, #tpu.memory_space<vmem>>) offsets(%dma_start3A_1443 : memref<128xi32, #tpu.memory_space<vmem>>) semaphore(%arg23 : memref<!tpu.dma_semaphore, #tpu.memory_space<semaphore_mem>>)
    %dma_start3A_1447 = arith.constant 2 : i32
    %dma_start3A_1448 = arith.constant 2 : i32
    %dma_start3A_1449 = arith.constant 0 : i32
    %dma_start3A_1450 = arith.constant 0 : i32
    %dma_start3A_1451 = tpu.memref_slice %arg14[%dma_start3A_1448, %dma_start3A_1449, %dma_start3A_1450] : memref<8x128x16xf32, #tpu.memory_space<vmem>> -> memref<1x128x16xf32, #tpu.memory_space<vmem>>
    %dma_start3A_1452 = tpu.memref_squeeze %dma_start3A_1451 : memref<1x128x16xf32, #tpu.memory_space<vmem>> -> memref<128x16xf32, #tpu.memory_space<vmem>>
    %dma_start3A_1453 = arith.constant 0 : i32
    %dma_start3A_1454 = tpu.memref_slice %arg12[%dma_start3A_1447, %dma_start3A_1453] : memref<8x128xi32, #tpu.memory_space<vmem>> -> memref<1x128xi32, #tpu.memory_space<vmem>>
    %dma_start3A_1455 = tpu.memref_squeeze %dma_start3A_1454 : memref<1x128xi32, #tpu.memory_space<vmem>> -> memref<128xi32, #tpu.memory_space<vmem>>
    %dma_start3A_1456 = arith.constant 0 : i32
    %dma_start3A_1457 = arith.constant 0 : i32
    %dma_start3A_1458 = tpu.memref_slice %arg3[%dma_start3A_1456, %dma_start3A_1457] : memref<1048576x16xf32, #tpu.memory_space<hbm>> -> memref<1048576x16xf32, #tpu.memory_space<hbm>>
    tpu.enqueue_indirect_dma source(%dma_start3A_1458 : memref<1048576x16xf32, #tpu.memory_space<hbm>>) target(%dma_start3A_1452 : memref<128x16xf32, #tpu.memory_space<vmem>>) offsets(%dma_start3A_1455 : memref<128xi32, #tpu.memory_space<vmem>>) semaphore(%arg23 : memref<!tpu.dma_semaphore, #tpu.memory_space<semaphore_mem>>)
    %dma_start3A_1459 = arith.constant 3 : i32
    %dma_start3A_1460 = arith.constant 3 : i32
    %dma_start3A_1461 = arith.constant 0 : i32
    %dma_start3A_1462 = arith.constant 0 : i32
    %dma_start3A_1463 = tpu.memref_slice %arg13[%dma_start3A_1460, %dma_start3A_1461, %dma_start3A_1462] : memref<8x128x16xf32, #tpu.memory_space<vmem>> -> memref<1x128x16xf32, #tpu.memory_space<vmem>>
    %dma_start3A_1464 = tpu.memref_squeeze %dma_start3A_1463 : memref<1x128x16xf32, #tpu.memory_space<vmem>> -> memref<128x16xf32, #tpu.memory_space<vmem>>
    %dma_start3A_1465 = arith.constant 0 : i32
    %dma_start3A_1466 = tpu.memref_slice %arg11[%dma_start3A_1459, %dma_start3A_1465] : memref<8x128xi32, #tpu.memory_space<vmem>> -> memref<1x128xi32, #tpu.memory_space<vmem>>
    %dma_start3A_1467 = tpu.memref_squeeze %dma_start3A_1466 : memref<1x128xi32, #tpu.memory_space<vmem>> -> memref<128xi32, #tpu.memory_space<vmem>>
    %dma_start3A_1468 = arith.constant 0 : i32
    %dma_start3A_1469 = arith.constant 0 : i32
    %dma_start3A_1470 = tpu.memref_slice %arg2[%dma_start3A_1468, %dma_start3A_1469] : memref<1048576x16xf32, #tpu.memory_space<hbm>> -> memref<1048576x16xf32, #tpu.memory_space<hbm>>
    tpu.enqueue_indirect_dma source(%dma_start3A_1470 : memref<1048576x16xf32, #tpu.memory_space<hbm>>) target(%dma_start3A_1464 : memref<128x16xf32, #tpu.memory_space<vmem>>) offsets(%dma_start3A_1467 : memref<128xi32, #tpu.memory_space<vmem>>) semaphore(%arg23 : memref<!tpu.dma_semaphore, #tpu.memory_space<semaphore_mem>>)
    %dma_start3A_1471 = arith.constant 3 : i32
    %dma_start3A_1472 = arith.constant 3 : i32
    %dma_start3A_1473 = arith.constant 0 : i32
    %dma_start3A_1474 = arith.constant 0 : i32
    %dma_start3A_1475 = tpu.memref_slice %arg14[%dma_start3A_1472, %dma_start3A_1473, %dma_start3A_1474] : memref<8x128x16xf32, #tpu.memory_space<vmem>> -> memref<1x128x16xf32, #tpu.memory_space<vmem>>
    %dma_start3A_1476 = tpu.memref_squeeze %dma_start3A_1475 : memref<1x128x16xf32, #tpu.memory_space<vmem>> -> memref<128x16xf32, #tpu.memory_space<vmem>>
    %dma_start3A_1477 = arith.constant 0 : i32
    %dma_start3A_1478 = tpu.memref_slice %arg12[%dma_start3A_1471, %dma_start3A_1477] : memref<8x128xi32, #tpu.memory_space<vmem>> -> memref<1x128xi32, #tpu.memory_space<vmem>>
    %dma_start3A_1479 = tpu.memref_squeeze %dma_start3A_1478 : memref<1x128xi32, #tpu.memory_space<vmem>> -> memref<128xi32, #tpu.memory_space<vmem>>
    %dma_start3A_1480 = arith.constant 0 : i32
    %dma_start3A_1481 = arith.constant 0 : i32
    %dma_start3A_1482 = tpu.memref_slice %arg3[%dma_start3A_1480, %dma_start3A_1481] : memref<1048576x16xf32, #tpu.memory_space<hbm>> -> memref<1048576x16xf32, #tpu.memory_space<hbm>>
    tpu.enqueue_indirect_dma source(%dma_start3A_1482 : memref<1048576x16xf32, #tpu.memory_space<hbm>>) target(%dma_start3A_1476 : memref<128x16xf32, #tpu.memory_space<vmem>>) offsets(%dma_start3A_1479 : memref<128xi32, #tpu.memory_space<vmem>>) semaphore(%arg23 : memref<!tpu.dma_semaphore, #tpu.memory_space<semaphore_mem>>)
    %dma_start3A_1483 = arith.constant 4 : i32
    %dma_start3A_1484 = arith.constant 4 : i32
    %dma_start3A_1485 = arith.constant 0 : i32
    %dma_start3A_1486 = arith.constant 0 : i32
    %dma_start3A_1487 = tpu.memref_slice %arg13[%dma_start3A_1484, %dma_start3A_1485, %dma_start3A_1486] : memref<8x128x16xf32, #tpu.memory_space<vmem>> -> memref<1x128x16xf32, #tpu.memory_space<vmem>>
    %dma_start3A_1488 = tpu.memref_squeeze %dma_start3A_1487 : memref<1x128x16xf32, #tpu.memory_space<vmem>> -> memref<128x16xf32, #tpu.memory_space<vmem>>
    %dma_start3A_1489 = arith.constant 0 : i32
    %dma_start3A_1490 = tpu.memref_slice %arg11[%dma_start3A_1483, %dma_start3A_1489] : memref<8x128xi32, #tpu.memory_space<vmem>> -> memref<1x128xi32, #tpu.memory_space<vmem>>
    %dma_start3A_1491 = tpu.memref_squeeze %dma_start3A_1490 : memref<1x128xi32, #tpu.memory_space<vmem>> -> memref<128xi32, #tpu.memory_space<vmem>>
    %dma_start3A_1492 = arith.constant 0 : i32
    %dma_start3A_1493 = arith.constant 0 : i32
    %dma_start3A_1494 = tpu.memref_slice %arg2[%dma_start3A_1492, %dma_start3A_1493] : memref<1048576x16xf32, #tpu.memory_space<hbm>> -> memref<1048576x16xf32, #tpu.memory_space<hbm>>
    tpu.enqueue_indirect_dma source(%dma_start3A_1494 : memref<1048576x16xf32, #tpu.memory_space<hbm>>) target(%dma_start3A_1488 : memref<128x16xf32, #tpu.memory_space<vmem>>) offsets(%dma_start3A_1491 : memref<128xi32, #tpu.memory_space<vmem>>) semaphore(%arg23 : memref<!tpu.dma_semaphore, #tpu.memory_space<semaphore_mem>>)
    %dma_start3A_1495 = arith.constant 4 : i32
    %dma_start3A_1496 = arith.constant 4 : i32
    %dma_start3A_1497 = arith.constant 0 : i32
    %dma_start3A_1498 = arith.constant 0 : i32
    %dma_start3A_1499 = tpu.memref_slice %arg14[%dma_start3A_1496, %dma_start3A_1497, %dma_start3A_1498] : memref<8x128x16xf32, #tpu.memory_space<vmem>> -> memref<1x128x16xf32, #tpu.memory_space<vmem>>
    %dma_start3A_1500 = tpu.memref_squeeze %dma_start3A_1499 : memref<1x128x16xf32, #tpu.memory_space<vmem>> -> memref<128x16xf32, #tpu.memory_space<vmem>>
    %dma_start3A_1501 = arith.constant 0 : i32
    %dma_start3A_1502 = tpu.memref_slice %arg12[%dma_start3A_1495, %dma_start3A_1501] : memref<8x128xi32, #tpu.memory_space<vmem>> -> memref<1x128xi32, #tpu.memory_space<vmem>>
    %dma_start3A_1503 = tpu.memref_squeeze %dma_start3A_1502 : memref<1x128xi32, #tpu.memory_space<vmem>> -> memref<128xi32, #tpu.memory_space<vmem>>
    %dma_start3A_1504 = arith.constant 0 : i32
    %dma_start3A_1505 = arith.constant 0 : i32
    %dma_start3A_1506 = tpu.memref_slice %arg3[%dma_start3A_1504, %dma_start3A_1505] : memref<1048576x16xf32, #tpu.memory_space<hbm>> -> memref<1048576x16xf32, #tpu.memory_space<hbm>>
    tpu.enqueue_indirect_dma source(%dma_start3A_1506 : memref<1048576x16xf32, #tpu.memory_space<hbm>>) target(%dma_start3A_1500 : memref<128x16xf32, #tpu.memory_space<vmem>>) offsets(%dma_start3A_1503 : memref<128xi32, #tpu.memory_space<vmem>>) semaphore(%arg23 : memref<!tpu.dma_semaphore, #tpu.memory_space<semaphore_mem>>)
    %dma_start3A_1507 = arith.constant 5 : i32
    %dma_start3A_1508 = arith.constant 5 : i32
    %dma_start3A_1509 = arith.constant 0 : i32
    %dma_start3A_1510 = arith.constant 0 : i32
    %dma_start3A_1511 = tpu.memref_slice %arg13[%dma_start3A_1508, %dma_start3A_1509, %dma_start3A_1510] : memref<8x128x16xf32, #tpu.memory_space<vmem>> -> memref<1x128x16xf32, #tpu.memory_space<vmem>>
    %dma_start3A_1512 = tpu.memref_squeeze %dma_start3A_1511 : memref<1x128x16xf32, #tpu.memory_space<vmem>> -> memref<128x16xf32, #tpu.memory_space<vmem>>
    %dma_start3A_1513 = arith.constant 0 : i32
    %dma_start3A_1514 = tpu.memref_slice %arg11[%dma_start3A_1507, %dma_start3A_1513] : memref<8x128xi32, #tpu.memory_space<vmem>> -> memref<1x128xi32, #tpu.memory_space<vmem>>
    %dma_start3A_1515 = tpu.memref_squeeze %dma_start3A_1514 : memref<1x128xi32, #tpu.memory_space<vmem>> -> memref<128xi32, #tpu.memory_space<vmem>>
    %dma_start3A_1516 = arith.constant 0 : i32
    %dma_start3A_1517 = arith.constant 0 : i32
    %dma_start3A_1518 = tpu.memref_slice %arg2[%dma_start3A_1516, %dma_start3A_1517] : memref<1048576x16xf32, #tpu.memory_space<hbm>> -> memref<1048576x16xf32, #tpu.memory_space<hbm>>
    tpu.enqueue_indirect_dma source(%dma_start3A_1518 : memref<1048576x16xf32, #tpu.memory_space<hbm>>) target(%dma_start3A_1512 : memref<128x16xf32, #tpu.memory_space<vmem>>) offsets(%dma_start3A_1515 : memref<128xi32, #tpu.memory_space<vmem>>) semaphore(%arg23 : memref<!tpu.dma_semaphore, #tpu.memory_space<semaphore_mem>>)
    %dma_start3A_1519 = arith.constant 5 : i32
    %dma_start3A_1520 = arith.constant 5 : i32
    %dma_start3A_1521 = arith.constant 0 : i32
    %dma_start3A_1522 = arith.constant 0 : i32
    %dma_start3A_1523 = tpu.memref_slice %arg14[%dma_start3A_1520, %dma_start3A_1521, %dma_start3A_1522] : memref<8x128x16xf32, #tpu.memory_space<vmem>> -> memref<1x128x16xf32, #tpu.memory_space<vmem>>
    %dma_start3A_1524 = tpu.memref_squeeze %dma_start3A_1523 : memref<1x128x16xf32, #tpu.memory_space<vmem>> -> memref<128x16xf32, #tpu.memory_space<vmem>>
    %dma_start3A_1525 = arith.constant 0 : i32
    %dma_start3A_1526 = tpu.memref_slice %arg12[%dma_start3A_1519, %dma_start3A_1525] : memref<8x128xi32, #tpu.memory_space<vmem>> -> memref<1x128xi32, #tpu.memory_space<vmem>>
    %dma_start3A_1527 = tpu.memref_squeeze %dma_start3A_1526 : memref<1x128xi32, #tpu.memory_space<vmem>> -> memref<128xi32, #tpu.memory_space<vmem>>
    %dma_start3A_1528 = arith.constant 0 : i32
    %dma_start3A_1529 = arith.constant 0 : i32
    %dma_start3A_1530 = tpu.memref_slice %arg3[%dma_start3A_1528, %dma_start3A_1529] : memref<1048576x16xf32, #tpu.memory_space<hbm>> -> memref<1048576x16xf32, #tpu.memory_space<hbm>>
    tpu.enqueue_indirect_dma source(%dma_start3A_1530 : memref<1048576x16xf32, #tpu.memory_space<hbm>>) target(%dma_start3A_1524 : memref<128x16xf32, #tpu.memory_space<vmem>>) offsets(%dma_start3A_1527 : memref<128xi32, #tpu.memory_space<vmem>>) semaphore(%arg23 : memref<!tpu.dma_semaphore, #tpu.memory_space<semaphore_mem>>)
    %dma_start3A_1531 = arith.constant 6 : i32
    %dma_start3A_1532 = arith.constant 6 : i32
    %dma_start3A_1533 = arith.constant 0 : i32
    %dma_start3A_1534 = arith.constant 0 : i32
    %dma_start3A_1535 = tpu.memref_slice %arg13[%dma_start3A_1532, %dma_start3A_1533, %dma_start3A_1534] : memref<8x128x16xf32, #tpu.memory_space<vmem>> -> memref<1x128x16xf32, #tpu.memory_space<vmem>>
    %dma_start3A_1536 = tpu.memref_squeeze %dma_start3A_1535 : memref<1x128x16xf32, #tpu.memory_space<vmem>> -> memref<128x16xf32, #tpu.memory_space<vmem>>
    %dma_start3A_1537 = arith.constant 0 : i32
    %dma_start3A_1538 = tpu.memref_slice %arg11[%dma_start3A_1531, %dma_start3A_1537] : memref<8x128xi32, #tpu.memory_space<vmem>> -> memref<1x128xi32, #tpu.memory_space<vmem>>
    %dma_start3A_1539 = tpu.memref_squeeze %dma_start3A_1538 : memref<1x128xi32, #tpu.memory_space<vmem>> -> memref<128xi32, #tpu.memory_space<vmem>>
    %dma_start3A_1540 = arith.constant 0 : i32
    %dma_start3A_1541 = arith.constant 0 : i32
    %dma_start3A_1542 = tpu.memref_slice %arg2[%dma_start3A_1540, %dma_start3A_1541] : memref<1048576x16xf32, #tpu.memory_space<hbm>> -> memref<1048576x16xf32, #tpu.memory_space<hbm>>
    tpu.enqueue_indirect_dma source(%dma_start3A_1542 : memref<1048576x16xf32, #tpu.memory_space<hbm>>) target(%dma_start3A_1536 : memref<128x16xf32, #tpu.memory_space<vmem>>) offsets(%dma_start3A_1539 : memref<128xi32, #tpu.memory_space<vmem>>) semaphore(%arg23 : memref<!tpu.dma_semaphore, #tpu.memory_space<semaphore_mem>>)
    %dma_start3A_1543 = arith.constant 6 : i32
    %dma_start3A_1544 = arith.constant 6 : i32
    %dma_start3A_1545 = arith.constant 0 : i32
    %dma_start3A_1546 = arith.constant 0 : i32
    %dma_start3A_1547 = tpu.memref_slice %arg14[%dma_start3A_1544, %dma_start3A_1545, %dma_start3A_1546] : memref<8x128x16xf32, #tpu.memory_space<vmem>> -> memref<1x128x16xf32, #tpu.memory_space<vmem>>
    %dma_start3A_1548 = tpu.memref_squeeze %dma_start3A_1547 : memref<1x128x16xf32, #tpu.memory_space<vmem>> -> memref<128x16xf32, #tpu.memory_space<vmem>>
    %dma_start3A_1549 = arith.constant 0 : i32
    %dma_start3A_1550 = tpu.memref_slice %arg12[%dma_start3A_1543, %dma_start3A_1549] : memref<8x128xi32, #tpu.memory_space<vmem>> -> memref<1x128xi32, #tpu.memory_space<vmem>>
    %dma_start3A_1551 = tpu.memref_squeeze %dma_start3A_1550 : memref<1x128xi32, #tpu.memory_space<vmem>> -> memref<128xi32, #tpu.memory_space<vmem>>
    %dma_start3A_1552 = arith.constant 0 : i32
    %dma_start3A_1553 = arith.constant 0 : i32
    %dma_start3A_1554 = tpu.memref_slice %arg3[%dma_start3A_1552, %dma_start3A_1553] : memref<1048576x16xf32, #tpu.memory_space<hbm>> -> memref<1048576x16xf32, #tpu.memory_space<hbm>>
    tpu.enqueue_indirect_dma source(%dma_start3A_1554 : memref<1048576x16xf32, #tpu.memory_space<hbm>>) target(%dma_start3A_1548 : memref<128x16xf32, #tpu.memory_space<vmem>>) offsets(%dma_start3A_1551 : memref<128xi32, #tpu.memory_space<vmem>>) semaphore(%arg23 : memref<!tpu.dma_semaphore, #tpu.memory_space<semaphore_mem>>)
    %dma_start3A_1555 = arith.constant 7 : i32
    %dma_start3A_1556 = arith.constant 7 : i32
    %dma_start3A_1557 = arith.constant 0 : i32
    %dma_start3A_1558 = arith.constant 0 : i32
    %dma_start3A_1559 = tpu.memref_slice %arg13[%dma_start3A_1556, %dma_start3A_1557, %dma_start3A_1558] : memref<8x128x16xf32, #tpu.memory_space<vmem>> -> memref<1x128x16xf32, #tpu.memory_space<vmem>>
    %dma_start3A_1560 = tpu.memref_squeeze %dma_start3A_1559 : memref<1x128x16xf32, #tpu.memory_space<vmem>> -> memref<128x16xf32, #tpu.memory_space<vmem>>
    %dma_start3A_1561 = arith.constant 0 : i32
    %dma_start3A_1562 = tpu.memref_slice %arg11[%dma_start3A_1555, %dma_start3A_1561] : memref<8x128xi32, #tpu.memory_space<vmem>> -> memref<1x128xi32, #tpu.memory_space<vmem>>
    %dma_start3A_1563 = tpu.memref_squeeze %dma_start3A_1562 : memref<1x128xi32, #tpu.memory_space<vmem>> -> memref<128xi32, #tpu.memory_space<vmem>>
    %dma_start3A_1564 = arith.constant 0 : i32
    %dma_start3A_1565 = arith.constant 0 : i32
    %dma_start3A_1566 = tpu.memref_slice %arg2[%dma_start3A_1564, %dma_start3A_1565] : memref<1048576x16xf32, #tpu.memory_space<hbm>> -> memref<1048576x16xf32, #tpu.memory_space<hbm>>
    tpu.enqueue_indirect_dma source(%dma_start3A_1566 : memref<1048576x16xf32, #tpu.memory_space<hbm>>) target(%dma_start3A_1560 : memref<128x16xf32, #tpu.memory_space<vmem>>) offsets(%dma_start3A_1563 : memref<128xi32, #tpu.memory_space<vmem>>) semaphore(%arg23 : memref<!tpu.dma_semaphore, #tpu.memory_space<semaphore_mem>>)
    %dma_start3A_1567 = arith.constant 7 : i32
    %dma_start3A_1568 = arith.constant 7 : i32
    %dma_start3A_1569 = arith.constant 0 : i32
    %dma_start3A_1570 = arith.constant 0 : i32
    %dma_start3A_1571 = tpu.memref_slice %arg14[%dma_start3A_1568, %dma_start3A_1569, %dma_start3A_1570] : memref<8x128x16xf32, #tpu.memory_space<vmem>> -> memref<1x128x16xf32, #tpu.memory_space<vmem>>
    %dma_start3A_1572 = tpu.memref_squeeze %dma_start3A_1571 : memref<1x128x16xf32, #tpu.memory_space<vmem>> -> memref<128x16xf32, #tpu.memory_space<vmem>>
    %dma_start3A_1573 = arith.constant 0 : i32
    %dma_start3A_1574 = tpu.memref_slice %arg12[%dma_start3A_1567, %dma_start3A_1573] : memref<8x128xi32, #tpu.memory_space<vmem>> -> memref<1x128xi32, #tpu.memory_space<vmem>>
    %dma_start3A_1575 = tpu.memref_squeeze %dma_start3A_1574 : memref<1x128xi32, #tpu.memory_space<vmem>> -> memref<128xi32, #tpu.memory_space<vmem>>
    %dma_start3A_1576 = arith.constant 0 : i32
    %dma_start3A_1577 = arith.constant 0 : i32
    %dma_start3A_1578 = tpu.memref_slice %arg3[%dma_start3A_1576, %dma_start3A_1577] : memref<1048576x16xf32, #tpu.memory_space<hbm>> -> memref<1048576x16xf32, #tpu.memory_space<hbm>>
    tpu.enqueue_indirect_dma source(%dma_start3A_1578 : memref<1048576x16xf32, #tpu.memory_space<hbm>>) target(%dma_start3A_1572 : memref<128x16xf32, #tpu.memory_space<vmem>>) offsets(%dma_start3A_1575 : memref<128xi32, #tpu.memory_space<vmem>>) semaphore(%arg23 : memref<!tpu.dma_semaphore, #tpu.memory_space<semaphore_mem>>)
    %dma_wait3A = arith.constant 0 : i32
    %dma_wait3A_1579 = arith.constant 0 : i32
    %dma_wait3A_1580 = tpu.memref_slice %arg4[%dma_wait3A, %dma_wait3A_1579] : memref<260x64xf32, #tpu.memory_space<hbm>> -> memref<260x64xf32, #tpu.memory_space<hbm>>
    tpu.wait_indirect_dma semaphore(%arg20 : memref<!tpu.dma_semaphore, #tpu.memory_space<semaphore_mem>>) src(%dma_wait3A_1580 : memref<260x64xf32, #tpu.memory_space<hbm>>) dst(%arg15 : memref<16x64xf32, #tpu.memory_space<vmem>>)
    %broadcast_in_dim3A_1581 = arith.constant 0.000000e+00 : f32
    %broadcast_in_dim3A_1582 = vector.broadcast %broadcast_in_dim3A_1581 : f32 to vector<16xf32>
    %dma_wait3A_1583 = arith.constant 0 : i32
    %dma_wait3A_1584 = arith.constant 0 : i32
    %dma_wait3A_1585 = arith.constant 0 : i32
    %dma_wait3A_1586 = arith.constant 0 : i32
    %dma_wait3A_1587 = tpu.memref_slice %arg13[%dma_wait3A_1584, %dma_wait3A_1585, %dma_wait3A_1586] : memref<8x128x16xf32, #tpu.memory_space<vmem>> -> memref<1x128x16xf32, #tpu.memory_space<vmem>>
    %dma_wait3A_1588 = tpu.memref_squeeze %dma_wait3A_1587 : memref<1x128x16xf32, #tpu.memory_space<vmem>> -> memref<128x16xf32, #tpu.memory_space<vmem>>
    %dma_wait3A_1589 = arith.constant 0 : i32
    %dma_wait3A_1590 = tpu.memref_slice %arg11[%dma_wait3A_1583, %dma_wait3A_1589] : memref<8x128xi32, #tpu.memory_space<vmem>> -> memref<1x128xi32, #tpu.memory_space<vmem>>
    %dma_wait3A_1591 = tpu.memref_squeeze %dma_wait3A_1590 : memref<1x128xi32, #tpu.memory_space<vmem>> -> memref<128xi32, #tpu.memory_space<vmem>>
    %dma_wait3A_1592 = arith.constant 0 : i32
    %dma_wait3A_1593 = arith.constant 0 : i32
    %dma_wait3A_1594 = tpu.memref_slice %arg2[%dma_wait3A_1592, %dma_wait3A_1593] : memref<1048576x16xf32, #tpu.memory_space<hbm>> -> memref<1048576x16xf32, #tpu.memory_space<hbm>>
    tpu.wait_indirect_dma semaphore(%arg23 : memref<!tpu.dma_semaphore, #tpu.memory_space<semaphore_mem>>) src(%dma_wait3A_1594 : memref<1048576x16xf32, #tpu.memory_space<hbm>>) dst(%dma_wait3A_1588 : memref<128x16xf32, #tpu.memory_space<vmem>>)
    %dma_wait3A_1595 = arith.constant 0 : i32
    %dma_wait3A_1596 = arith.constant 0 : i32
    %dma_wait3A_1597 = arith.constant 0 : i32
    %dma_wait3A_1598 = arith.constant 0 : i32
    %dma_wait3A_1599 = tpu.memref_slice %arg14[%dma_wait3A_1596, %dma_wait3A_1597, %dma_wait3A_1598] : memref<8x128x16xf32, #tpu.memory_space<vmem>> -> memref<1x128x16xf32, #tpu.memory_space<vmem>>
    %dma_wait3A_1600 = tpu.memref_squeeze %dma_wait3A_1599 : memref<1x128x16xf32, #tpu.memory_space<vmem>> -> memref<128x16xf32, #tpu.memory_space<vmem>>
    %dma_wait3A_1601 = arith.constant 0 : i32
    %dma_wait3A_1602 = tpu.memref_slice %arg12[%dma_wait3A_1595, %dma_wait3A_1601] : memref<8x128xi32, #tpu.memory_space<vmem>> -> memref<1x128xi32, #tpu.memory_space<vmem>>
    %dma_wait3A_1603 = tpu.memref_squeeze %dma_wait3A_1602 : memref<1x128xi32, #tpu.memory_space<vmem>> -> memref<128xi32, #tpu.memory_space<vmem>>
    %dma_wait3A_1604 = arith.constant 0 : i32
    %dma_wait3A_1605 = arith.constant 0 : i32
    %dma_wait3A_1606 = tpu.memref_slice %arg3[%dma_wait3A_1604, %dma_wait3A_1605] : memref<1048576x16xf32, #tpu.memory_space<hbm>> -> memref<1048576x16xf32, #tpu.memory_space<hbm>>
    tpu.wait_indirect_dma semaphore(%arg23 : memref<!tpu.dma_semaphore, #tpu.memory_space<semaphore_mem>>) src(%dma_wait3A_1606 : memref<1048576x16xf32, #tpu.memory_space<hbm>>) dst(%dma_wait3A_1600 : memref<128x16xf32, #tpu.memory_space<vmem>>)
    %broadcast_in_dim3A_1607 = arith.constant 0 : i32
    %broadcast_in_dim3A_1608 = vector.broadcast %broadcast_in_dim3A_1607 : i32 to vector<16xi32>
    %broadcast_in_dim3A_1609 = arith.constant 0 : i32
    %broadcast_in_dim3A_1610 = vector.broadcast %broadcast_in_dim3A_1609 : i32 to vector<16xi32>
    %lt3A_1611 = arith.constant 0 : i32
    %lt3A_1612 = vector.broadcast %lt3A_1611 : i32 to vector<16xi32>
    %lt3A_1613 = arith.cmpi slt, %broadcast_in_dim3A_1610, %lt3A_1612 : vector<16xi32>
    %add3A_1614 = arith.constant 16 : i32
    %add3A_1615 = vector.broadcast %add3A_1614 : i32 to vector<16xi32>
    %add3A_1616 = arith.addi %broadcast_in_dim3A_1610, %add3A_1615 : vector<16xi32>
    %select_n3A_1617 = arith.select %lt3A_1613, %add3A_1616, %broadcast_in_dim3A_1610 : vector<16xi1>, vector<16xi32>
    %broadcast_in_dim3A_1618 = vector.shape_cast %select_n3A_1617 : vector<16xi32> to vector<16x1xi32>
    %gather3A_1619 = vector.shape_cast %broadcast_in_dim3A_1618 : vector<16x1xi32> to vector<16xi32>
    %gather3A_1620 = tpu.dynamic_gather %rem3A_72[%gather3A_1619] in [0] : vector<16xi32>, vector<16xi32> -> vector<16xi32>
    %broadcast_in_dim3A_1621 = arith.constant 0 : i32
    %broadcast_in_dim3A_1622 = vector.broadcast %broadcast_in_dim3A_1621 : i32 to vector<16xi32>
    %lt3A_1623 = arith.constant 0 : i32
    %lt3A_1624 = vector.broadcast %lt3A_1623 : i32 to vector<16xi32>
    %lt3A_1625 = arith.cmpi slt, %broadcast_in_dim3A_1622, %lt3A_1624 : vector<16xi32>
    %add3A_1626 = arith.constant 16 : i32
    %add3A_1627 = vector.broadcast %add3A_1626 : i32 to vector<16xi32>
    %add3A_1628 = arith.addi %broadcast_in_dim3A_1622, %add3A_1627 : vector<16xi32>
    %select_n3A_1629 = arith.select %lt3A_1625, %add3A_1628, %broadcast_in_dim3A_1622 : vector<16xi1>, vector<16xi32>
    %broadcast_in_dim3A_1630 = vector.shape_cast %select_n3A_1629 : vector<16xi32> to vector<16x1xi32>
    %gather3A_1631 = vector.shape_cast %broadcast_in_dim3A_1630 : vector<16x1xi32> to vector<16xi32>
    %gather3A_1632 = tpu.dynamic_gather %rem3A_75[%gather3A_1631] in [0] : vector<16xi32>, vector<16xi32> -> vector<16xi32>
    %broadcast_in_dim3A_1633 = arith.constant 0 : i32
    %broadcast_in_dim3A_1634 = vector.broadcast %broadcast_in_dim3A_1633 : i32 to vector<16xi32>
    %lt3A_1635 = arith.constant 0 : i32
    %lt3A_1636 = vector.broadcast %lt3A_1635 : i32 to vector<16xi32>
    %lt3A_1637 = arith.cmpi slt, %broadcast_in_dim3A_1634, %lt3A_1636 : vector<16xi32>
    %add3A_1638 = arith.constant 16 : i32
    %add3A_1639 = vector.broadcast %add3A_1638 : i32 to vector<16xi32>
    %add3A_1640 = arith.addi %broadcast_in_dim3A_1634, %add3A_1639 : vector<16xi32>
    %select_n3A_1641 = arith.select %lt3A_1637, %add3A_1640, %broadcast_in_dim3A_1634 : vector<16xi1>, vector<16xi32>
    %broadcast_in_dim3A_1642 = vector.shape_cast %select_n3A_1641 : vector<16xi32> to vector<16x1xi32>
    %gather3A_1643 = vector.shape_cast %broadcast_in_dim3A_1642 : vector<16x1xi32> to vector<16xi32>
    %gather3A_1644 = tpu.dynamic_gather %select_n3A[%gather3A_1643] in [0] : vector<16xf32>, vector<16xi32> -> vector<16xf32>
    %broadcast_in_dim3A_1645 = arith.constant 0 : i32
    %broadcast_in_dim3A_1646 = vector.broadcast %broadcast_in_dim3A_1645 : i32 to vector<16xi32>
    %lt3A_1647 = arith.constant 0 : i32
    %lt3A_1648 = vector.broadcast %lt3A_1647 : i32 to vector<16xi32>
    %lt3A_1649 = arith.cmpi slt, %broadcast_in_dim3A_1646, %lt3A_1648 : vector<16xi32>
    %add3A_1650 = arith.constant 16 : i32
    %add3A_1651 = vector.broadcast %add3A_1650 : i32 to vector<16xi32>
    %add3A_1652 = arith.addi %broadcast_in_dim3A_1646, %add3A_1651 : vector<16xi32>
    %select_n3A_1653 = arith.select %lt3A_1649, %add3A_1652, %broadcast_in_dim3A_1646 : vector<16xi1>, vector<16xi32>
    %broadcast_in_dim3A_1654 = vector.shape_cast %select_n3A_1653 : vector<16xi32> to vector<16x1xi32>
    %gather3A_1655 = vector.shape_cast %broadcast_in_dim3A_1654 : vector<16x1xi32> to vector<16xi32>
    %gather3A_1656 = tpu.dynamic_gather %select_n3A_87[%gather3A_1655] in [0] : vector<16xf32>, vector<16xi32> -> vector<16xf32>
    %broadcast_in_dim3A_1657 = arith.constant 0 : i32
    %broadcast_in_dim3A_1658 = vector.broadcast %broadcast_in_dim3A_1657 : i32 to vector<16xi32>
    %lt3A_1659 = arith.constant 0 : i32
    %lt3A_1660 = vector.broadcast %lt3A_1659 : i32 to vector<16xi32>
    %lt3A_1661 = arith.cmpi slt, %broadcast_in_dim3A_1658, %lt3A_1660 : vector<16xi32>
    %add3A_1662 = arith.constant 16 : i32
    %add3A_1663 = vector.broadcast %add3A_1662 : i32 to vector<16xi32>
    %add3A_1664 = arith.addi %broadcast_in_dim3A_1658, %add3A_1663 : vector<16xi32>
    %select_n3A_1665 = arith.select %lt3A_1661, %add3A_1664, %broadcast_in_dim3A_1658 : vector<16xi1>, vector<16xi32>
    %broadcast_in_dim3A_1666 = vector.shape_cast %select_n3A_1665 : vector<16xi32> to vector<16x1xi32>
    %gather3A_1667 = vector.shape_cast %broadcast_in_dim3A_1666 : vector<16x1xi32> to vector<16xi32>
    %gather3A_1668 = tpu.dynamic_gather %select_n3A_94[%gather3A_1667] in [0] : vector<16xf32>, vector<16xi32> -> vector<16xf32>
    %add3A_1669 = arith.constant 0 : i32
    %add3A_1670 = vector.broadcast %add3A_1669 : i32 to vector<16xi32>
    %add3A_1671 = arith.addi %iota3A, %add3A_1670 : vector<16xi32>
    %gather3A_1672 = tpu.vector_load_idx %arg13[%broadcast_in_dim3A_1608, %add3A_1671, %gather3A_1620] : memref<8x128x16xf32, #tpu.memory_space<vmem>>[vector<16xi32>, vector<16xi32>, vector<16xi32>], vector<16xf32>,
    %gather3A_1673 = tpu.vector_load_idx %arg14[%broadcast_in_dim3A_1608, %add3A_1671, %gather3A_1632] : memref<8x128x16xf32, #tpu.memory_space<vmem>>[vector<16xi32>, vector<16xi32>, vector<16xi32>], vector<16xf32>,
    %get3A = arith.constant 0 : i32
    %get3A_1674 = arith.index_cast %get3A : i32 to index
    %get3A_1675 = arith.constant 0 : index
    %get3A_1676 = tpu.vector_load %arg15[%get3A_1674, %get3A_1675] {strides = array<i32>} : memref<16x64xf32, #tpu.memory_space<vmem>>, vector<16xf32>,
    %mul3A_1677 = arith.mulf %gather3A_1668, %gather3A_1672 : vector<16xf32>
    %mul3A_1678 = arith.mulf %gather3A_1656, %gather3A_1673 : vector<16xf32>
    %sub3A_1679 = arith.subf %mul3A_1677, %mul3A_1678 : vector<16xf32>
    %mul3A_1680 = arith.mulf %gather3A_1644, %get3A_1676 : vector<16xf32>
    %sub3A_1681 = arith.subf %sub3A_1679, %mul3A_1680 : vector<16xf32>
    %mul3A_1682 = arith.mulf %sub3A_1681, %sub3A_1681 : vector<16xf32>
    %add3A_1683 = arith.addf %broadcast_in_dim3A_1582, %mul3A_1682 : vector<16xf32>
    %add3A_1684 = arith.constant 16 : i32
    %add3A_1685 = vector.broadcast %add3A_1684 : i32 to vector<16xi32>
    %add3A_1686 = arith.addi %iota3A, %add3A_1685 : vector<16xi32>
    %gather3A_1687 = tpu.vector_load_idx %arg13[%broadcast_in_dim3A_1608, %add3A_1686, %gather3A_1620] : memref<8x128x16xf32, #tpu.memory_space<vmem>>[vector<16xi32>, vector<16xi32>, vector<16xi32>], vector<16xf32>,
    %gather3A_1688 = tpu.vector_load_idx %arg14[%broadcast_in_dim3A_1608, %add3A_1686, %gather3A_1632] : memref<8x128x16xf32, #tpu.memory_space<vmem>>[vector<16xi32>, vector<16xi32>, vector<16xi32>], vector<16xf32>,
    %get3A_1689 = arith.constant 0 : i32
    %get3A_1690 = arith.index_cast %get3A_1689 : i32 to index
    %get3A_1691 = arith.constant 16 : index
    %get3A_1692 = tpu.vector_load %arg15[%get3A_1690, %get3A_1691] {strides = array<i32>} : memref<16x64xf32, #tpu.memory_space<vmem>>, vector<16xf32>,
    %mul3A_1693 = arith.mulf %gather3A_1668, %gather3A_1687 : vector<16xf32>
    %mul3A_1694 = arith.mulf %gather3A_1656, %gather3A_1688 : vector<16xf32>
    %sub3A_1695 = arith.subf %mul3A_1693, %mul3A_1694 : vector<16xf32>
    %mul3A_1696 = arith.mulf %gather3A_1644, %get3A_1692 : vector<16xf32>
    %sub3A_1697 = arith.subf %sub3A_1695, %mul3A_1696 : vector<16xf32>
    %mul3A_1698 = arith.mulf %sub3A_1697, %sub3A_1697 : vector<16xf32>
    %add3A_1699 = arith.addf %add3A_1683, %mul3A_1698 : vector<16xf32>
    %add3A_1700 = arith.constant 32 : i32
    %add3A_1701 = vector.broadcast %add3A_1700 : i32 to vector<16xi32>
    %add3A_1702 = arith.addi %iota3A, %add3A_1701 : vector<16xi32>
    %gather3A_1703 = tpu.vector_load_idx %arg13[%broadcast_in_dim3A_1608, %add3A_1702, %gather3A_1620] : memref<8x128x16xf32, #tpu.memory_space<vmem>>[vector<16xi32>, vector<16xi32>, vector<16xi32>], vector<16xf32>,
    %gather3A_1704 = tpu.vector_load_idx %arg14[%broadcast_in_dim3A_1608, %add3A_1702, %gather3A_1632] : memref<8x128x16xf32, #tpu.memory_space<vmem>>[vector<16xi32>, vector<16xi32>, vector<16xi32>], vector<16xf32>,
    %get3A_1705 = arith.constant 0 : i32
    %get3A_1706 = arith.index_cast %get3A_1705 : i32 to index
    %get3A_1707 = arith.constant 32 : index
    %get3A_1708 = tpu.vector_load %arg15[%get3A_1706, %get3A_1707] {strides = array<i32>} : memref<16x64xf32, #tpu.memory_space<vmem>>, vector<16xf32>,
    %mul3A_1709 = arith.mulf %gather3A_1668, %gather3A_1703 : vector<16xf32>
    %mul3A_1710 = arith.mulf %gather3A_1656, %gather3A_1704 : vector<16xf32>
    %sub3A_1711 = arith.subf %mul3A_1709, %mul3A_1710 : vector<16xf32>
    %mul3A_1712 = arith.mulf %gather3A_1644, %get3A_1708 : vector<16xf32>
    %sub3A_1713 = arith.subf %sub3A_1711, %mul3A_1712 : vector<16xf32>
    %mul3A_1714 = arith.mulf %sub3A_1713, %sub3A_1713 : vector<16xf32>
    %add3A_1715 = arith.addf %add3A_1699, %mul3A_1714 : vector<16xf32>
    %add3A_1716 = arith.constant 48 : i32
    %add3A_1717 = vector.broadcast %add3A_1716 : i32 to vector<16xi32>
    %add3A_1718 = arith.addi %iota3A, %add3A_1717 : vector<16xi32>
    %gather3A_1719 = tpu.vector_load_idx %arg13[%broadcast_in_dim3A_1608, %add3A_1718, %gather3A_1620] : memref<8x128x16xf32, #tpu.memory_space<vmem>>[vector<16xi32>, vector<16xi32>, vector<16xi32>], vector<16xf32>,
    %gather3A_1720 = tpu.vector_load_idx %arg14[%broadcast_in_dim3A_1608, %add3A_1718, %gather3A_1632] : memref<8x128x16xf32, #tpu.memory_space<vmem>>[vector<16xi32>, vector<16xi32>, vector<16xi32>], vector<16xf32>,
    %get3A_1721 = arith.constant 0 : i32
    %get3A_1722 = arith.index_cast %get3A_1721 : i32 to index
    %get3A_1723 = arith.constant 48 : index
    %get3A_1724 = tpu.vector_load %arg15[%get3A_1722, %get3A_1723] {strides = array<i32>} : memref<16x64xf32, #tpu.memory_space<vmem>>, vector<16xf32>,
    %mul3A_1725 = arith.mulf %gather3A_1668, %gather3A_1719 : vector<16xf32>
    %mul3A_1726 = arith.mulf %gather3A_1656, %gather3A_1720 : vector<16xf32>
    %sub3A_1727 = arith.subf %mul3A_1725, %mul3A_1726 : vector<16xf32>
    %mul3A_1728 = arith.mulf %gather3A_1644, %get3A_1724 : vector<16xf32>
    %sub3A_1729 = arith.subf %sub3A_1727, %mul3A_1728 : vector<16xf32>
    %mul3A_1730 = arith.mulf %sub3A_1729, %sub3A_1729 : vector<16xf32>
    %add3A_1731 = arith.addf %add3A_1715, %mul3A_1730 : vector<16xf32>
    %broadcast_in_dim3A_1732 = arith.constant 1 : i32
    %broadcast_in_dim3A_1733 = vector.broadcast %broadcast_in_dim3A_1732 : i32 to vector<16xi32>
    %lt3A_1734 = arith.constant 0 : i32
    %lt3A_1735 = vector.broadcast %lt3A_1734 : i32 to vector<16xi32>
    %lt3A_1736 = arith.cmpi slt, %broadcast_in_dim3A_1733, %lt3A_1735 : vector<16xi32>
    %add3A_1737 = arith.constant 16 : i32
    %add3A_1738 = vector.broadcast %add3A_1737 : i32 to vector<16xi32>
    %add3A_1739 = arith.addi %broadcast_in_dim3A_1733, %add3A_1738 : vector<16xi32>
    %select_n3A_1740 = arith.select %lt3A_1736, %add3A_1739, %broadcast_in_dim3A_1733 : vector<16xi1>, vector<16xi32>
    %broadcast_in_dim3A_1741 = vector.shape_cast %select_n3A_1740 : vector<16xi32> to vector<16x1xi32>
    %gather3A_1742 = vector.shape_cast %broadcast_in_dim3A_1741 : vector<16x1xi32> to vector<16xi32>
    %gather3A_1743 = tpu.dynamic_gather %rem3A_72[%gather3A_1742] in [0] : vector<16xi32>, vector<16xi32> -> vector<16xi32>
    %broadcast_in_dim3A_1744 = arith.constant 1 : i32
    %broadcast_in_dim3A_1745 = vector.broadcast %broadcast_in_dim3A_1744 : i32 to vector<16xi32>
    %lt3A_1746 = arith.constant 0 : i32
    %lt3A_1747 = vector.broadcast %lt3A_1746 : i32 to vector<16xi32>
    %lt3A_1748 = arith.cmpi slt, %broadcast_in_dim3A_1745, %lt3A_1747 : vector<16xi32>
    %add3A_1749 = arith.constant 16 : i32
    %add3A_1750 = vector.broadcast %add3A_1749 : i32 to vector<16xi32>
    %add3A_1751 = arith.addi %broadcast_in_dim3A_1745, %add3A_1750 : vector<16xi32>
    %select_n3A_1752 = arith.select %lt3A_1748, %add3A_1751, %broadcast_in_dim3A_1745 : vector<16xi1>, vector<16xi32>
    %broadcast_in_dim3A_1753 = vector.shape_cast %select_n3A_1752 : vector<16xi32> to vector<16x1xi32>
    %gather3A_1754 = vector.shape_cast %broadcast_in_dim3A_1753 : vector<16x1xi32> to vector<16xi32>
    %gather3A_1755 = tpu.dynamic_gather %rem3A_75[%gather3A_1754] in [0] : vector<16xi32>, vector<16xi32> -> vector<16xi32>
    %broadcast_in_dim3A_1756 = arith.constant 1 : i32
    %broadcast_in_dim3A_1757 = vector.broadcast %broadcast_in_dim3A_1756 : i32 to vector<16xi32>
    %lt3A_1758 = arith.constant 0 : i32
    %lt3A_1759 = vector.broadcast %lt3A_1758 : i32 to vector<16xi32>
    %lt3A_1760 = arith.cmpi slt, %broadcast_in_dim3A_1757, %lt3A_1759 : vector<16xi32>
    %add3A_1761 = arith.constant 16 : i32
    %add3A_1762 = vector.broadcast %add3A_1761 : i32 to vector<16xi32>
    %add3A_1763 = arith.addi %broadcast_in_dim3A_1757, %add3A_1762 : vector<16xi32>
    %select_n3A_1764 = arith.select %lt3A_1760, %add3A_1763, %broadcast_in_dim3A_1757 : vector<16xi1>, vector<16xi32>
    %broadcast_in_dim3A_1765 = vector.shape_cast %select_n3A_1764 : vector<16xi32> to vector<16x1xi32>
    %gather3A_1766 = vector.shape_cast %broadcast_in_dim3A_1765 : vector<16x1xi32> to vector<16xi32>
    %gather3A_1767 = tpu.dynamic_gather %select_n3A[%gather3A_1766] in [0] : vector<16xf32>, vector<16xi32> -> vector<16xf32>
    %broadcast_in_dim3A_1768 = arith.constant 1 : i32
    %broadcast_in_dim3A_1769 = vector.broadcast %broadcast_in_dim3A_1768 : i32 to vector<16xi32>
    %lt3A_1770 = arith.constant 0 : i32
    %lt3A_1771 = vector.broadcast %lt3A_1770 : i32 to vector<16xi32>
    %lt3A_1772 = arith.cmpi slt, %broadcast_in_dim3A_1769, %lt3A_1771 : vector<16xi32>
    %add3A_1773 = arith.constant 16 : i32
    %add3A_1774 = vector.broadcast %add3A_1773 : i32 to vector<16xi32>
    %add3A_1775 = arith.addi %broadcast_in_dim3A_1769, %add3A_1774 : vector<16xi32>
    %select_n3A_1776 = arith.select %lt3A_1772, %add3A_1775, %broadcast_in_dim3A_1769 : vector<16xi1>, vector<16xi32>
    %broadcast_in_dim3A_1777 = vector.shape_cast %select_n3A_1776 : vector<16xi32> to vector<16x1xi32>
    %gather3A_1778 = vector.shape_cast %broadcast_in_dim3A_1777 : vector<16x1xi32> to vector<16xi32>
    %gather3A_1779 = tpu.dynamic_gather %select_n3A_87[%gather3A_1778] in [0] : vector<16xf32>, vector<16xi32> -> vector<16xf32>
    %broadcast_in_dim3A_1780 = arith.constant 1 : i32
    %broadcast_in_dim3A_1781 = vector.broadcast %broadcast_in_dim3A_1780 : i32 to vector<16xi32>
    %lt3A_1782 = arith.constant 0 : i32
    %lt3A_1783 = vector.broadcast %lt3A_1782 : i32 to vector<16xi32>
    %lt3A_1784 = arith.cmpi slt, %broadcast_in_dim3A_1781, %lt3A_1783 : vector<16xi32>
    %add3A_1785 = arith.constant 16 : i32
    %add3A_1786 = vector.broadcast %add3A_1785 : i32 to vector<16xi32>
    %add3A_1787 = arith.addi %broadcast_in_dim3A_1781, %add3A_1786 : vector<16xi32>
    %select_n3A_1788 = arith.select %lt3A_1784, %add3A_1787, %broadcast_in_dim3A_1781 : vector<16xi1>, vector<16xi32>
    %broadcast_in_dim3A_1789 = vector.shape_cast %select_n3A_1788 : vector<16xi32> to vector<16x1xi32>
    %gather3A_1790 = vector.shape_cast %broadcast_in_dim3A_1789 : vector<16x1xi32> to vector<16xi32>
    %gather3A_1791 = tpu.dynamic_gather %select_n3A_94[%gather3A_1790] in [0] : vector<16xf32>, vector<16xi32> -> vector<16xf32>
    %add3A_1792 = arith.constant 64 : i32
    %add3A_1793 = vector.broadcast %add3A_1792 : i32 to vector<16xi32>
    %add3A_1794 = arith.addi %iota3A, %add3A_1793 : vector<16xi32>
    %gather3A_1795 = tpu.vector_load_idx %arg13[%broadcast_in_dim3A_1608, %add3A_1794, %gather3A_1743] : memref<8x128x16xf32, #tpu.memory_space<vmem>>[vector<16xi32>, vector<16xi32>, vector<16xi32>], vector<16xf32>,
    %gather3A_1796 = tpu.vector_load_idx %arg14[%broadcast_in_dim3A_1608, %add3A_1794, %gather3A_1755] : memref<8x128x16xf32, #tpu.memory_space<vmem>>[vector<16xi32>, vector<16xi32>, vector<16xi32>], vector<16xf32>,
    %get3A_1797 = arith.constant 1 : i32
    %get3A_1798 = arith.index_cast %get3A_1797 : i32 to index
    %get3A_1799 = arith.constant 0 : index
    %get3A_1800 = tpu.vector_load %arg15[%get3A_1798, %get3A_1799] {strides = array<i32>} : memref<16x64xf32, #tpu.memory_space<vmem>>, vector<16xf32>,
    %mul3A_1801 = arith.mulf %gather3A_1791, %gather3A_1795 : vector<16xf32>
    %mul3A_1802 = arith.mulf %gather3A_1779, %gather3A_1796 : vector<16xf32>
    %sub3A_1803 = arith.subf %mul3A_1801, %mul3A_1802 : vector<16xf32>
    %mul3A_1804 = arith.mulf %gather3A_1767, %get3A_1800 : vector<16xf32>
    %sub3A_1805 = arith.subf %sub3A_1803, %mul3A_1804 : vector<16xf32>
    %mul3A_1806 = arith.mulf %sub3A_1805, %sub3A_1805 : vector<16xf32>
    %add3A_1807 = arith.addf %add3A_1731, %mul3A_1806 : vector<16xf32>
    %add3A_1808 = arith.constant 80 : i32
    %add3A_1809 = vector.broadcast %add3A_1808 : i32 to vector<16xi32>
    %add3A_1810 = arith.addi %iota3A, %add3A_1809 : vector<16xi32>
    %gather3A_1811 = tpu.vector_load_idx %arg13[%broadcast_in_dim3A_1608, %add3A_1810, %gather3A_1743] : memref<8x128x16xf32, #tpu.memory_space<vmem>>[vector<16xi32>, vector<16xi32>, vector<16xi32>], vector<16xf32>,
    %gather3A_1812 = tpu.vector_load_idx %arg14[%broadcast_in_dim3A_1608, %add3A_1810, %gather3A_1755] : memref<8x128x16xf32, #tpu.memory_space<vmem>>[vector<16xi32>, vector<16xi32>, vector<16xi32>], vector<16xf32>,
    %get3A_1813 = arith.constant 1 : i32
    %get3A_1814 = arith.index_cast %get3A_1813 : i32 to index
    %get3A_1815 = arith.constant 16 : index
    %get3A_1816 = tpu.vector_load %arg15[%get3A_1814, %get3A_1815] {strides = array<i32>} : memref<16x64xf32, #tpu.memory_space<vmem>>, vector<16xf32>,
    %mul3A_1817 = arith.mulf %gather3A_1791, %gather3A_1811 : vector<16xf32>
    %mul3A_1818 = arith.mulf %gather3A_1779, %gather3A_1812 : vector<16xf32>
    %sub3A_1819 = arith.subf %mul3A_1817, %mul3A_1818 : vector<16xf32>
    %mul3A_1820 = arith.mulf %gather3A_1767, %get3A_1816 : vector<16xf32>
    %sub3A_1821 = arith.subf %sub3A_1819, %mul3A_1820 : vector<16xf32>
    %mul3A_1822 = arith.mulf %sub3A_1821, %sub3A_1821 : vector<16xf32>
    %add3A_1823 = arith.addf %add3A_1807, %mul3A_1822 : vector<16xf32>
    %add3A_1824 = arith.constant 96 : i32
    %add3A_1825 = vector.broadcast %add3A_1824 : i32 to vector<16xi32>
    %add3A_1826 = arith.addi %iota3A, %add3A_1825 : vector<16xi32>
    %gather3A_1827 = tpu.vector_load_idx %arg13[%broadcast_in_dim3A_1608, %add3A_1826, %gather3A_1743] : memref<8x128x16xf32, #tpu.memory_space<vmem>>[vector<16xi32>, vector<16xi32>, vector<16xi32>], vector<16xf32>,
    %gather3A_1828 = tpu.vector_load_idx %arg14[%broadcast_in_dim3A_1608, %add3A_1826, %gather3A_1755] : memref<8x128x16xf32, #tpu.memory_space<vmem>>[vector<16xi32>, vector<16xi32>, vector<16xi32>], vector<16xf32>,
    %get3A_1829 = arith.constant 1 : i32
    %get3A_1830 = arith.index_cast %get3A_1829 : i32 to index
    %get3A_1831 = arith.constant 32 : index
    %get3A_1832 = tpu.vector_load %arg15[%get3A_1830, %get3A_1831] {strides = array<i32>} : memref<16x64xf32, #tpu.memory_space<vmem>>, vector<16xf32>,
    %mul3A_1833 = arith.mulf %gather3A_1791, %gather3A_1827 : vector<16xf32>
    %mul3A_1834 = arith.mulf %gather3A_1779, %gather3A_1828 : vector<16xf32>
    %sub3A_1835 = arith.subf %mul3A_1833, %mul3A_1834 : vector<16xf32>
    %mul3A_1836 = arith.mulf %gather3A_1767, %get3A_1832 : vector<16xf32>
    %sub3A_1837 = arith.subf %sub3A_1835, %mul3A_1836 : vector<16xf32>
    %mul3A_1838 = arith.mulf %sub3A_1837, %sub3A_1837 : vector<16xf32>
    %add3A_1839 = arith.addf %add3A_1823, %mul3A_1838 : vector<16xf32>
    %add3A_1840 = arith.constant 112 : i32
    %add3A_1841 = vector.broadcast %add3A_1840 : i32 to vector<16xi32>
    %add3A_1842 = arith.addi %iota3A, %add3A_1841 : vector<16xi32>
    %gather3A_1843 = tpu.vector_load_idx %arg13[%broadcast_in_dim3A_1608, %add3A_1842, %gather3A_1743] : memref<8x128x16xf32, #tpu.memory_space<vmem>>[vector<16xi32>, vector<16xi32>, vector<16xi32>], vector<16xf32>,
    %gather3A_1844 = tpu.vector_load_idx %arg14[%broadcast_in_dim3A_1608, %add3A_1842, %gather3A_1755] : memref<8x128x16xf32, #tpu.memory_space<vmem>>[vector<16xi32>, vector<16xi32>, vector<16xi32>], vector<16xf32>,
    %get3A_1845 = arith.constant 1 : i32
    %get3A_1846 = arith.index_cast %get3A_1845 : i32 to index
    %get3A_1847 = arith.constant 48 : index
    %get3A_1848 = tpu.vector_load %arg15[%get3A_1846, %get3A_1847] {strides = array<i32>} : memref<16x64xf32, #tpu.memory_space<vmem>>, vector<16xf32>,
    %mul3A_1849 = arith.mulf %gather3A_1791, %gather3A_1843 : vector<16xf32>
    %mul3A_1850 = arith.mulf %gather3A_1779, %gather3A_1844 : vector<16xf32>
    %sub3A_1851 = arith.subf %mul3A_1849, %mul3A_1850 : vector<16xf32>
    %mul3A_1852 = arith.mulf %gather3A_1767, %get3A_1848 : vector<16xf32>
    %sub3A_1853 = arith.subf %sub3A_1851, %mul3A_1852 : vector<16xf32>
    %mul3A_1854 = arith.mulf %sub3A_1853, %sub3A_1853 : vector<16xf32>
    %add3A_1855 = arith.addf %add3A_1839, %mul3A_1854 : vector<16xf32>
    %dma_wait3A_1856 = arith.constant 1 : i32
    %dma_wait3A_1857 = arith.constant 1 : i32
    %dma_wait3A_1858 = arith.constant 0 : i32
    %dma_wait3A_1859 = arith.constant 0 : i32
    %dma_wait3A_1860 = tpu.memref_slice %arg13[%dma_wait3A_1857, %dma_wait3A_1858, %dma_wait3A_1859] : memref<8x128x16xf32, #tpu.memory_space<vmem>> -> memref<1x128x16xf32, #tpu.memory_space<vmem>>
    %dma_wait3A_1861 = tpu.memref_squeeze %dma_wait3A_1860 : memref<1x128x16xf32, #tpu.memory_space<vmem>> -> memref<128x16xf32, #tpu.memory_space<vmem>>
    %dma_wait3A_1862 = arith.constant 0 : i32
    %dma_wait3A_1863 = tpu.memref_slice %arg11[%dma_wait3A_1856, %dma_wait3A_1862] : memref<8x128xi32, #tpu.memory_space<vmem>> -> memref<1x128xi32, #tpu.memory_space<vmem>>
    %dma_wait3A_1864 = tpu.memref_squeeze %dma_wait3A_1863 : memref<1x128xi32, #tpu.memory_space<vmem>> -> memref<128xi32, #tpu.memory_space<vmem>>
    %dma_wait3A_1865 = arith.constant 0 : i32
    %dma_wait3A_1866 = arith.constant 0 : i32
    %dma_wait3A_1867 = tpu.memref_slice %arg2[%dma_wait3A_1865, %dma_wait3A_1866] : memref<1048576x16xf32, #tpu.memory_space<hbm>> -> memref<1048576x16xf32, #tpu.memory_space<hbm>>
    tpu.wait_indirect_dma semaphore(%arg23 : memref<!tpu.dma_semaphore, #tpu.memory_space<semaphore_mem>>) src(%dma_wait3A_1867 : memref<1048576x16xf32, #tpu.memory_space<hbm>>) dst(%dma_wait3A_1861 : memref<128x16xf32, #tpu.memory_space<vmem>>)
    %dma_wait3A_1868 = arith.constant 1 : i32
    %dma_wait3A_1869 = arith.constant 1 : i32
    %dma_wait3A_1870 = arith.constant 0 : i32
    %dma_wait3A_1871 = arith.constant 0 : i32
    %dma_wait3A_1872 = tpu.memref_slice %arg14[%dma_wait3A_1869, %dma_wait3A_1870, %dma_wait3A_1871] : memref<8x128x16xf32, #tpu.memory_space<vmem>> -> memref<1x128x16xf32, #tpu.memory_space<vmem>>
    %dma_wait3A_1873 = tpu.memref_squeeze %dma_wait3A_1872 : memref<1x128x16xf32, #tpu.memory_space<vmem>> -> memref<128x16xf32, #tpu.memory_space<vmem>>
    %dma_wait3A_1874 = arith.constant 0 : i32
    %dma_wait3A_1875 = tpu.memref_slice %arg12[%dma_wait3A_1868, %dma_wait3A_1874] : memref<8x128xi32, #tpu.memory_space<vmem>> -> memref<1x128xi32, #tpu.memory_space<vmem>>
    %dma_wait3A_1876 = tpu.memref_squeeze %dma_wait3A_1875 : memref<1x128xi32, #tpu.memory_space<vmem>> -> memref<128xi32, #tpu.memory_space<vmem>>
    %dma_wait3A_1877 = arith.constant 0 : i32
    %dma_wait3A_1878 = arith.constant 0 : i32
    %dma_wait3A_1879 = tpu.memref_slice %arg3[%dma_wait3A_1877, %dma_wait3A_1878] : memref<1048576x16xf32, #tpu.memory_space<hbm>> -> memref<1048576x16xf32, #tpu.memory_space<hbm>>
    tpu.wait_indirect_dma semaphore(%arg23 : memref<!tpu.dma_semaphore, #tpu.memory_space<semaphore_mem>>) src(%dma_wait3A_1879 : memref<1048576x16xf32, #tpu.memory_space<hbm>>) dst(%dma_wait3A_1873 : memref<128x16xf32, #tpu.memory_space<vmem>>)
    %broadcast_in_dim3A_1880 = arith.constant 1 : i32
    %broadcast_in_dim3A_1881 = vector.broadcast %broadcast_in_dim3A_1880 : i32 to vector<16xi32>
    %broadcast_in_dim3A_1882 = arith.constant 2 : i32
    %broadcast_in_dim3A_1883 = vector.broadcast %broadcast_in_dim3A_1882 : i32 to vector<16xi32>
    %lt3A_1884 = arith.constant 0 : i32
    %lt3A_1885 = vector.broadcast %lt3A_1884 : i32 to vector<16xi32>
    %lt3A_1886 = arith.cmpi slt, %broadcast_in_dim3A_1883, %lt3A_1885 : vector<16xi32>
    %add3A_1887 = arith.constant 16 : i32
    %add3A_1888 = vector.broadcast %add3A_1887 : i32 to vector<16xi32>
    %add3A_1889 = arith.addi %broadcast_in_dim3A_1883, %add3A_1888 : vector<16xi32>
    %select_n3A_1890 = arith.select %lt3A_1886, %add3A_1889, %broadcast_in_dim3A_1883 : vector<16xi1>, vector<16xi32>
    %broadcast_in_dim3A_1891 = vector.shape_cast %select_n3A_1890 : vector<16xi32> to vector<16x1xi32>
    %gather3A_1892 = vector.shape_cast %broadcast_in_dim3A_1891 : vector<16x1xi32> to vector<16xi32>
    %gather3A_1893 = tpu.dynamic_gather %rem3A_72[%gather3A_1892] in [0] : vector<16xi32>, vector<16xi32> -> vector<16xi32>
    %broadcast_in_dim3A_1894 = arith.constant 2 : i32
    %broadcast_in_dim3A_1895 = vector.broadcast %broadcast_in_dim3A_1894 : i32 to vector<16xi32>
    %lt3A_1896 = arith.constant 0 : i32
    %lt3A_1897 = vector.broadcast %lt3A_1896 : i32 to vector<16xi32>
    %lt3A_1898 = arith.cmpi slt, %broadcast_in_dim3A_1895, %lt3A_1897 : vector<16xi32>
    %add3A_1899 = arith.constant 16 : i32
    %add3A_1900 = vector.broadcast %add3A_1899 : i32 to vector<16xi32>
    %add3A_1901 = arith.addi %broadcast_in_dim3A_1895, %add3A_1900 : vector<16xi32>
    %select_n3A_1902 = arith.select %lt3A_1898, %add3A_1901, %broadcast_in_dim3A_1895 : vector<16xi1>, vector<16xi32>
    %broadcast_in_dim3A_1903 = vector.shape_cast %select_n3A_1902 : vector<16xi32> to vector<16x1xi32>
    %gather3A_1904 = vector.shape_cast %broadcast_in_dim3A_1903 : vector<16x1xi32> to vector<16xi32>
    %gather3A_1905 = tpu.dynamic_gather %rem3A_75[%gather3A_1904] in [0] : vector<16xi32>, vector<16xi32> -> vector<16xi32>
    %broadcast_in_dim3A_1906 = arith.constant 2 : i32
    %broadcast_in_dim3A_1907 = vector.broadcast %broadcast_in_dim3A_1906 : i32 to vector<16xi32>
    %lt3A_1908 = arith.constant 0 : i32
    %lt3A_1909 = vector.broadcast %lt3A_1908 : i32 to vector<16xi32>
    %lt3A_1910 = arith.cmpi slt, %broadcast_in_dim3A_1907, %lt3A_1909 : vector<16xi32>
    %add3A_1911 = arith.constant 16 : i32
    %add3A_1912 = vector.broadcast %add3A_1911 : i32 to vector<16xi32>
    %add3A_1913 = arith.addi %broadcast_in_dim3A_1907, %add3A_1912 : vector<16xi32>
    %select_n3A_1914 = arith.select %lt3A_1910, %add3A_1913, %broadcast_in_dim3A_1907 : vector<16xi1>, vector<16xi32>
    %broadcast_in_dim3A_1915 = vector.shape_cast %select_n3A_1914 : vector<16xi32> to vector<16x1xi32>
    %gather3A_1916 = vector.shape_cast %broadcast_in_dim3A_1915 : vector<16x1xi32> to vector<16xi32>
    %gather3A_1917 = tpu.dynamic_gather %select_n3A[%gather3A_1916] in [0] : vector<16xf32>, vector<16xi32> -> vector<16xf32>
    %broadcast_in_dim3A_1918 = arith.constant 2 : i32
    %broadcast_in_dim3A_1919 = vector.broadcast %broadcast_in_dim3A_1918 : i32 to vector<16xi32>
    %lt3A_1920 = arith.constant 0 : i32
    %lt3A_1921 = vector.broadcast %lt3A_1920 : i32 to vector<16xi32>
    %lt3A_1922 = arith.cmpi slt, %broadcast_in_dim3A_1919, %lt3A_1921 : vector<16xi32>
    %add3A_1923 = arith.constant 16 : i32
    %add3A_1924 = vector.broadcast %add3A_1923 : i32 to vector<16xi32>
    %add3A_1925 = arith.addi %broadcast_in_dim3A_1919, %add3A_1924 : vector<16xi32>
    %select_n3A_1926 = arith.select %lt3A_1922, %add3A_1925, %broadcast_in_dim3A_1919 : vector<16xi1>, vector<16xi32>
    %broadcast_in_dim3A_1927 = vector.shape_cast %select_n3A_1926 : vector<16xi32> to vector<16x1xi32>
    %gather3A_1928 = vector.shape_cast %broadcast_in_dim3A_1927 : vector<16x1xi32> to vector<16xi32>
    %gather3A_1929 = tpu.dynamic_gather %select_n3A_87[%gather3A_1928] in [0] : vector<16xf32>, vector<16xi32> -> vector<16xf32>
    %broadcast_in_dim3A_1930 = arith.constant 2 : i32
    %broadcast_in_dim3A_1931 = vector.broadcast %broadcast_in_dim3A_1930 : i32 to vector<16xi32>
    %lt3A_1932 = arith.constant 0 : i32
    %lt3A_1933 = vector.broadcast %lt3A_1932 : i32 to vector<16xi32>
    %lt3A_1934 = arith.cmpi slt, %broadcast_in_dim3A_1931, %lt3A_1933 : vector<16xi32>
    %add3A_1935 = arith.constant 16 : i32
    %add3A_1936 = vector.broadcast %add3A_1935 : i32 to vector<16xi32>
    %add3A_1937 = arith.addi %broadcast_in_dim3A_1931, %add3A_1936 : vector<16xi32>
    %select_n3A_1938 = arith.select %lt3A_1934, %add3A_1937, %broadcast_in_dim3A_1931 : vector<16xi1>, vector<16xi32>
    %broadcast_in_dim3A_1939 = vector.shape_cast %select_n3A_1938 : vector<16xi32> to vector<16x1xi32>
    %gather3A_1940 = vector.shape_cast %broadcast_in_dim3A_1939 : vector<16x1xi32> to vector<16xi32>
    %gather3A_1941 = tpu.dynamic_gather %select_n3A_94[%gather3A_1940] in [0] : vector<16xf32>, vector<16xi32> -> vector<16xf32>
    %add3A_1942 = arith.constant 0 : i32
    %add3A_1943 = vector.broadcast %add3A_1942 : i32 to vector<16xi32>
    %add3A_1944 = arith.addi %iota3A, %add3A_1943 : vector<16xi32>
    %gather3A_1945 = tpu.vector_load_idx %arg13[%broadcast_in_dim3A_1881, %add3A_1944, %gather3A_1893] : memref<8x128x16xf32, #tpu.memory_space<vmem>>[vector<16xi32>, vector<16xi32>, vector<16xi32>], vector<16xf32>,
    %gather3A_1946 = tpu.vector_load_idx %arg14[%broadcast_in_dim3A_1881, %add3A_1944, %gather3A_1905] : memref<8x128x16xf32, #tpu.memory_space<vmem>>[vector<16xi32>, vector<16xi32>, vector<16xi32>], vector<16xf32>,
    %get3A_1947 = arith.constant 2 : i32
    %get3A_1948 = arith.index_cast %get3A_1947 : i32 to index
    %get3A_1949 = arith.constant 0 : index
    %get3A_1950 = tpu.vector_load %arg15[%get3A_1948, %get3A_1949] {strides = array<i32>} : memref<16x64xf32, #tpu.memory_space<vmem>>, vector<16xf32>,
    %mul3A_1951 = arith.mulf %gather3A_1941, %gather3A_1945 : vector<16xf32>
    %mul3A_1952 = arith.mulf %gather3A_1929, %gather3A_1946 : vector<16xf32>
    %sub3A_1953 = arith.subf %mul3A_1951, %mul3A_1952 : vector<16xf32>
    %mul3A_1954 = arith.mulf %gather3A_1917, %get3A_1950 : vector<16xf32>
    %sub3A_1955 = arith.subf %sub3A_1953, %mul3A_1954 : vector<16xf32>
    %mul3A_1956 = arith.mulf %sub3A_1955, %sub3A_1955 : vector<16xf32>
    %add3A_1957 = arith.addf %add3A_1855, %mul3A_1956 : vector<16xf32>
    %add3A_1958 = arith.constant 16 : i32
    %add3A_1959 = vector.broadcast %add3A_1958 : i32 to vector<16xi32>
    %add3A_1960 = arith.addi %iota3A, %add3A_1959 : vector<16xi32>
    %gather3A_1961 = tpu.vector_load_idx %arg13[%broadcast_in_dim3A_1881, %add3A_1960, %gather3A_1893] : memref<8x128x16xf32, #tpu.memory_space<vmem>>[vector<16xi32>, vector<16xi32>, vector<16xi32>], vector<16xf32>,
    %gather3A_1962 = tpu.vector_load_idx %arg14[%broadcast_in_dim3A_1881, %add3A_1960, %gather3A_1905] : memref<8x128x16xf32, #tpu.memory_space<vmem>>[vector<16xi32>, vector<16xi32>, vector<16xi32>], vector<16xf32>,
    %get3A_1963 = arith.constant 2 : i32
    %get3A_1964 = arith.index_cast %get3A_1963 : i32 to index
    %get3A_1965 = arith.constant 16 : index
    %get3A_1966 = tpu.vector_load %arg15[%get3A_1964, %get3A_1965] {strides = array<i32>} : memref<16x64xf32, #tpu.memory_space<vmem>>, vector<16xf32>,
    %mul3A_1967 = arith.mulf %gather3A_1941, %gather3A_1961 : vector<16xf32>
    %mul3A_1968 = arith.mulf %gather3A_1929, %gather3A_1962 : vector<16xf32>
    %sub3A_1969 = arith.subf %mul3A_1967, %mul3A_1968 : vector<16xf32>
    %mul3A_1970 = arith.mulf %gather3A_1917, %get3A_1966 : vector<16xf32>
    %sub3A_1971 = arith.subf %sub3A_1969, %mul3A_1970 : vector<16xf32>
    %mul3A_1972 = arith.mulf %sub3A_1971, %sub3A_1971 : vector<16xf32>
    %add3A_1973 = arith.addf %add3A_1957, %mul3A_1972 : vector<16xf32>
    %add3A_1974 = arith.constant 32 : i32
    %add3A_1975 = vector.broadcast %add3A_1974 : i32 to vector<16xi32>
    %add3A_1976 = arith.addi %iota3A, %add3A_1975 : vector<16xi32>
    %gather3A_1977 = tpu.vector_load_idx %arg13[%broadcast_in_dim3A_1881, %add3A_1976, %gather3A_1893] : memref<8x128x16xf32, #tpu.memory_space<vmem>>[vector<16xi32>, vector<16xi32>, vector<16xi32>], vector<16xf32>,
    %gather3A_1978 = tpu.vector_load_idx %arg14[%broadcast_in_dim3A_1881, %add3A_1976, %gather3A_1905] : memref<8x128x16xf32, #tpu.memory_space<vmem>>[vector<16xi32>, vector<16xi32>, vector<16xi32>], vector<16xf32>,
    %get3A_1979 = arith.constant 2 : i32
    %get3A_1980 = arith.index_cast %get3A_1979 : i32 to index
    %get3A_1981 = arith.constant 32 : index
    %get3A_1982 = tpu.vector_load %arg15[%get3A_1980, %get3A_1981] {strides = array<i32>} : memref<16x64xf32, #tpu.memory_space<vmem>>, vector<16xf32>,
    %mul3A_1983 = arith.mulf %gather3A_1941, %gather3A_1977 : vector<16xf32>
    %mul3A_1984 = arith.mulf %gather3A_1929, %gather3A_1978 : vector<16xf32>
    %sub3A_1985 = arith.subf %mul3A_1983, %mul3A_1984 : vector<16xf32>
    %mul3A_1986 = arith.mulf %gather3A_1917, %get3A_1982 : vector<16xf32>
    %sub3A_1987 = arith.subf %sub3A_1985, %mul3A_1986 : vector<16xf32>
    %mul3A_1988 = arith.mulf %sub3A_1987, %sub3A_1987 : vector<16xf32>
    %add3A_1989 = arith.addf %add3A_1973, %mul3A_1988 : vector<16xf32>
    %add3A_1990 = arith.constant 48 : i32
    %add3A_1991 = vector.broadcast %add3A_1990 : i32 to vector<16xi32>
    %add3A_1992 = arith.addi %iota3A, %add3A_1991 : vector<16xi32>
    %gather3A_1993 = tpu.vector_load_idx %arg13[%broadcast_in_dim3A_1881, %add3A_1992, %gather3A_1893] : memref<8x128x16xf32, #tpu.memory_space<vmem>>[vector<16xi32>, vector<16xi32>, vector<16xi32>], vector<16xf32>,
    %gather3A_1994 = tpu.vector_load_idx %arg14[%broadcast_in_dim3A_1881, %add3A_1992, %gather3A_1905] : memref<8x128x16xf32, #tpu.memory_space<vmem>>[vector<16xi32>, vector<16xi32>, vector<16xi32>], vector<16xf32>,
    %get3A_1995 = arith.constant 2 : i32
    %get3A_1996 = arith.index_cast %get3A_1995 : i32 to index
    %get3A_1997 = arith.constant 48 : index
    %get3A_1998 = tpu.vector_load %arg15[%get3A_1996, %get3A_1997] {strides = array<i32>} : memref<16x64xf32, #tpu.memory_space<vmem>>, vector<16xf32>,
    %mul3A_1999 = arith.mulf %gather3A_1941, %gather3A_1993 : vector<16xf32>
    %mul3A_2000 = arith.mulf %gather3A_1929, %gather3A_1994 : vector<16xf32>
    %sub3A_2001 = arith.subf %mul3A_1999, %mul3A_2000 : vector<16xf32>
    %mul3A_2002 = arith.mulf %gather3A_1917, %get3A_1998 : vector<16xf32>
    %sub3A_2003 = arith.subf %sub3A_2001, %mul3A_2002 : vector<16xf32>
    %mul3A_2004 = arith.mulf %sub3A_2003, %sub3A_2003 : vector<16xf32>
    %add3A_2005 = arith.addf %add3A_1989, %mul3A_2004 : vector<16xf32>
    %broadcast_in_dim3A_2006 = arith.constant 3 : i32
    %broadcast_in_dim3A_2007 = vector.broadcast %broadcast_in_dim3A_2006 : i32 to vector<16xi32>
    %lt3A_2008 = arith.constant 0 : i32
    %lt3A_2009 = vector.broadcast %lt3A_2008 : i32 to vector<16xi32>
    %lt3A_2010 = arith.cmpi slt, %broadcast_in_dim3A_2007, %lt3A_2009 : vector<16xi32>
    %add3A_2011 = arith.constant 16 : i32
    %add3A_2012 = vector.broadcast %add3A_2011 : i32 to vector<16xi32>
    %add3A_2013 = arith.addi %broadcast_in_dim3A_2007, %add3A_2012 : vector<16xi32>
    %select_n3A_2014 = arith.select %lt3A_2010, %add3A_2013, %broadcast_in_dim3A_2007 : vector<16xi1>, vector<16xi32>
    %broadcast_in_dim3A_2015 = vector.shape_cast %select_n3A_2014 : vector<16xi32> to vector<16x1xi32>
    %gather3A_2016 = vector.shape_cast %broadcast_in_dim3A_2015 : vector<16x1xi32> to vector<16xi32>
    %gather3A_2017 = tpu.dynamic_gather %rem3A_72[%gather3A_2016] in [0] : vector<16xi32>, vector<16xi32> -> vector<16xi32>
    %broadcast_in_dim3A_2018 = arith.constant 3 : i32
    %broadcast_in_dim3A_2019 = vector.broadcast %broadcast_in_dim3A_2018 : i32 to vector<16xi32>
    %lt3A_2020 = arith.constant 0 : i32
    %lt3A_2021 = vector.broadcast %lt3A_2020 : i32 to vector<16xi32>
    %lt3A_2022 = arith.cmpi slt, %broadcast_in_dim3A_2019, %lt3A_2021 : vector<16xi32>
    %add3A_2023 = arith.constant 16 : i32
    %add3A_2024 = vector.broadcast %add3A_2023 : i32 to vector<16xi32>
    %add3A_2025 = arith.addi %broadcast_in_dim3A_2019, %add3A_2024 : vector<16xi32>
    %select_n3A_2026 = arith.select %lt3A_2022, %add3A_2025, %broadcast_in_dim3A_2019 : vector<16xi1>, vector<16xi32>
    %broadcast_in_dim3A_2027 = vector.shape_cast %select_n3A_2026 : vector<16xi32> to vector<16x1xi32>
    %gather3A_2028 = vector.shape_cast %broadcast_in_dim3A_2027 : vector<16x1xi32> to vector<16xi32>
    %gather3A_2029 = tpu.dynamic_gather %rem3A_75[%gather3A_2028] in [0] : vector<16xi32>, vector<16xi32> -> vector<16xi32>
    %broadcast_in_dim3A_2030 = arith.constant 3 : i32
    %broadcast_in_dim3A_2031 = vector.broadcast %broadcast_in_dim3A_2030 : i32 to vector<16xi32>
    %lt3A_2032 = arith.constant 0 : i32
    %lt3A_2033 = vector.broadcast %lt3A_2032 : i32 to vector<16xi32>
    %lt3A_2034 = arith.cmpi slt, %broadcast_in_dim3A_2031, %lt3A_2033 : vector<16xi32>
    %add3A_2035 = arith.constant 16 : i32
    %add3A_2036 = vector.broadcast %add3A_2035 : i32 to vector<16xi32>
    %add3A_2037 = arith.addi %broadcast_in_dim3A_2031, %add3A_2036 : vector<16xi32>
    %select_n3A_2038 = arith.select %lt3A_2034, %add3A_2037, %broadcast_in_dim3A_2031 : vector<16xi1>, vector<16xi32>
    %broadcast_in_dim3A_2039 = vector.shape_cast %select_n3A_2038 : vector<16xi32> to vector<16x1xi32>
    %gather3A_2040 = vector.shape_cast %broadcast_in_dim3A_2039 : vector<16x1xi32> to vector<16xi32>
    %gather3A_2041 = tpu.dynamic_gather %select_n3A[%gather3A_2040] in [0] : vector<16xf32>, vector<16xi32> -> vector<16xf32>
    %broadcast_in_dim3A_2042 = arith.constant 3 : i32
    %broadcast_in_dim3A_2043 = vector.broadcast %broadcast_in_dim3A_2042 : i32 to vector<16xi32>
    %lt3A_2044 = arith.constant 0 : i32
    %lt3A_2045 = vector.broadcast %lt3A_2044 : i32 to vector<16xi32>
    %lt3A_2046 = arith.cmpi slt, %broadcast_in_dim3A_2043, %lt3A_2045 : vector<16xi32>
    %add3A_2047 = arith.constant 16 : i32
    %add3A_2048 = vector.broadcast %add3A_2047 : i32 to vector<16xi32>
    %add3A_2049 = arith.addi %broadcast_in_dim3A_2043, %add3A_2048 : vector<16xi32>
    %select_n3A_2050 = arith.select %lt3A_2046, %add3A_2049, %broadcast_in_dim3A_2043 : vector<16xi1>, vector<16xi32>
    %broadcast_in_dim3A_2051 = vector.shape_cast %select_n3A_2050 : vector<16xi32> to vector<16x1xi32>
    %gather3A_2052 = vector.shape_cast %broadcast_in_dim3A_2051 : vector<16x1xi32> to vector<16xi32>
    %gather3A_2053 = tpu.dynamic_gather %select_n3A_87[%gather3A_2052] in [0] : vector<16xf32>, vector<16xi32> -> vector<16xf32>
    %broadcast_in_dim3A_2054 = arith.constant 3 : i32
    %broadcast_in_dim3A_2055 = vector.broadcast %broadcast_in_dim3A_2054 : i32 to vector<16xi32>
    %lt3A_2056 = arith.constant 0 : i32
    %lt3A_2057 = vector.broadcast %lt3A_2056 : i32 to vector<16xi32>
    %lt3A_2058 = arith.cmpi slt, %broadcast_in_dim3A_2055, %lt3A_2057 : vector<16xi32>
    %add3A_2059 = arith.constant 16 : i32
    %add3A_2060 = vector.broadcast %add3A_2059 : i32 to vector<16xi32>
    %add3A_2061 = arith.addi %broadcast_in_dim3A_2055, %add3A_2060 : vector<16xi32>
    %select_n3A_2062 = arith.select %lt3A_2058, %add3A_2061, %broadcast_in_dim3A_2055 : vector<16xi1>, vector<16xi32>
    %broadcast_in_dim3A_2063 = vector.shape_cast %select_n3A_2062 : vector<16xi32> to vector<16x1xi32>
    %gather3A_2064 = vector.shape_cast %broadcast_in_dim3A_2063 : vector<16x1xi32> to vector<16xi32>
    %gather3A_2065 = tpu.dynamic_gather %select_n3A_94[%gather3A_2064] in [0] : vector<16xf32>, vector<16xi32> -> vector<16xf32>
    %add3A_2066 = arith.constant 64 : i32
    %add3A_2067 = vector.broadcast %add3A_2066 : i32 to vector<16xi32>
    %add3A_2068 = arith.addi %iota3A, %add3A_2067 : vector<16xi32>
    %gather3A_2069 = tpu.vector_load_idx %arg13[%broadcast_in_dim3A_1881, %add3A_2068, %gather3A_2017] : memref<8x128x16xf32, #tpu.memory_space<vmem>>[vector<16xi32>, vector<16xi32>, vector<16xi32>], vector<16xf32>,
    %gather3A_2070 = tpu.vector_load_idx %arg14[%broadcast_in_dim3A_1881, %add3A_2068, %gather3A_2029] : memref<8x128x16xf32, #tpu.memory_space<vmem>>[vector<16xi32>, vector<16xi32>, vector<16xi32>], vector<16xf32>,
    %get3A_2071 = arith.constant 3 : i32
    %get3A_2072 = arith.index_cast %get3A_2071 : i32 to index
    %get3A_2073 = arith.constant 0 : index
    %get3A_2074 = tpu.vector_load %arg15[%get3A_2072, %get3A_2073] {strides = array<i32>} : memref<16x64xf32, #tpu.memory_space<vmem>>, vector<16xf32>,
    %mul3A_2075 = arith.mulf %gather3A_2065, %gather3A_2069 : vector<16xf32>
    %mul3A_2076 = arith.mulf %gather3A_2053, %gather3A_2070 : vector<16xf32>
    %sub3A_2077 = arith.subf %mul3A_2075, %mul3A_2076 : vector<16xf32>
    %mul3A_2078 = arith.mulf %gather3A_2041, %get3A_2074 : vector<16xf32>
    %sub3A_2079 = arith.subf %sub3A_2077, %mul3A_2078 : vector<16xf32>
    %mul3A_2080 = arith.mulf %sub3A_2079, %sub3A_2079 : vector<16xf32>
    %add3A_2081 = arith.addf %add3A_2005, %mul3A_2080 : vector<16xf32>
    %add3A_2082 = arith.constant 80 : i32
    %add3A_2083 = vector.broadcast %add3A_2082 : i32 to vector<16xi32>
    %add3A_2084 = arith.addi %iota3A, %add3A_2083 : vector<16xi32>
    %gather3A_2085 = tpu.vector_load_idx %arg13[%broadcast_in_dim3A_1881, %add3A_2084, %gather3A_2017] : memref<8x128x16xf32, #tpu.memory_space<vmem>>[vector<16xi32>, vector<16xi32>, vector<16xi32>], vector<16xf32>,
    %gather3A_2086 = tpu.vector_load_idx %arg14[%broadcast_in_dim3A_1881, %add3A_2084, %gather3A_2029] : memref<8x128x16xf32, #tpu.memory_space<vmem>>[vector<16xi32>, vector<16xi32>, vector<16xi32>], vector<16xf32>,
    %get3A_2087 = arith.constant 3 : i32
    %get3A_2088 = arith.index_cast %get3A_2087 : i32 to index
    %get3A_2089 = arith.constant 16 : index
    %get3A_2090 = tpu.vector_load %arg15[%get3A_2088, %get3A_2089] {strides = array<i32>} : memref<16x64xf32, #tpu.memory_space<vmem>>, vector<16xf32>,
    %mul3A_2091 = arith.mulf %gather3A_2065, %gather3A_2085 : vector<16xf32>
    %mul3A_2092 = arith.mulf %gather3A_2053, %gather3A_2086 : vector<16xf32>
    %sub3A_2093 = arith.subf %mul3A_2091, %mul3A_2092 : vector<16xf32>
    %mul3A_2094 = arith.mulf %gather3A_2041, %get3A_2090 : vector<16xf32>
    %sub3A_2095 = arith.subf %sub3A_2093, %mul3A_2094 : vector<16xf32>
    %mul3A_2096 = arith.mulf %sub3A_2095, %sub3A_2095 : vector<16xf32>
    %add3A_2097 = arith.addf %add3A_2081, %mul3A_2096 : vector<16xf32>
    %add3A_2098 = arith.constant 96 : i32
    %add3A_2099 = vector.broadcast %add3A_2098 : i32 to vector<16xi32>
    %add3A_2100 = arith.addi %iota3A, %add3A_2099 : vector<16xi32>
    %gather3A_2101 = tpu.vector_load_idx %arg13[%broadcast_in_dim3A_1881, %add3A_2100, %gather3A_2017] : memref<8x128x16xf32, #tpu.memory_space<vmem>>[vector<16xi32>, vector<16xi32>, vector<16xi32>], vector<16xf32>,
    %gather3A_2102 = tpu.vector_load_idx %arg14[%broadcast_in_dim3A_1881, %add3A_2100, %gather3A_2029] : memref<8x128x16xf32, #tpu.memory_space<vmem>>[vector<16xi32>, vector<16xi32>, vector<16xi32>], vector<16xf32>,
    %get3A_2103 = arith.constant 3 : i32
    %get3A_2104 = arith.index_cast %get3A_2103 : i32 to index
    %get3A_2105 = arith.constant 32 : index
    %get3A_2106 = tpu.vector_load %arg15[%get3A_2104, %get3A_2105] {strides = array<i32>} : memref<16x64xf32, #tpu.memory_space<vmem>>, vector<16xf32>,
    %mul3A_2107 = arith.mulf %gather3A_2065, %gather3A_2101 : vector<16xf32>
    %mul3A_2108 = arith.mulf %gather3A_2053, %gather3A_2102 : vector<16xf32>
    %sub3A_2109 = arith.subf %mul3A_2107, %mul3A_2108 : vector<16xf32>
    %mul3A_2110 = arith.mulf %gather3A_2041, %get3A_2106 : vector<16xf32>
    %sub3A_2111 = arith.subf %sub3A_2109, %mul3A_2110 : vector<16xf32>
    %mul3A_2112 = arith.mulf %sub3A_2111, %sub3A_2111 : vector<16xf32>
    %add3A_2113 = arith.addf %add3A_2097, %mul3A_2112 : vector<16xf32>
    %add3A_2114 = arith.constant 112 : i32
    %add3A_2115 = vector.broadcast %add3A_2114 : i32 to vector<16xi32>
    %add3A_2116 = arith.addi %iota3A, %add3A_2115 : vector<16xi32>
    %gather3A_2117 = tpu.vector_load_idx %arg13[%broadcast_in_dim3A_1881, %add3A_2116, %gather3A_2017] : memref<8x128x16xf32, #tpu.memory_space<vmem>>[vector<16xi32>, vector<16xi32>, vector<16xi32>], vector<16xf32>,
    %gather3A_2118 = tpu.vector_load_idx %arg14[%broadcast_in_dim3A_1881, %add3A_2116, %gather3A_2029] : memref<8x128x16xf32, #tpu.memory_space<vmem>>[vector<16xi32>, vector<16xi32>, vector<16xi32>], vector<16xf32>,
    %get3A_2119 = arith.constant 3 : i32
    %get3A_2120 = arith.index_cast %get3A_2119 : i32 to index
    %get3A_2121 = arith.constant 48 : index
    %get3A_2122 = tpu.vector_load %arg15[%get3A_2120, %get3A_2121] {strides = array<i32>} : memref<16x64xf32, #tpu.memory_space<vmem>>, vector<16xf32>,
    %mul3A_2123 = arith.mulf %gather3A_2065, %gather3A_2117 : vector<16xf32>
    %mul3A_2124 = arith.mulf %gather3A_2053, %gather3A_2118 : vector<16xf32>
    %sub3A_2125 = arith.subf %mul3A_2123, %mul3A_2124 : vector<16xf32>
    %mul3A_2126 = arith.mulf %gather3A_2041, %get3A_2122 : vector<16xf32>
    %sub3A_2127 = arith.subf %sub3A_2125, %mul3A_2126 : vector<16xf32>
    %mul3A_2128 = arith.mulf %sub3A_2127, %sub3A_2127 : vector<16xf32>
    %add3A_2129 = arith.addf %add3A_2113, %mul3A_2128 : vector<16xf32>
    %dma_wait3A_2130 = arith.constant 2 : i32
    %dma_wait3A_2131 = arith.constant 2 : i32
    %dma_wait3A_2132 = arith.constant 0 : i32
    %dma_wait3A_2133 = arith.constant 0 : i32
    %dma_wait3A_2134 = tpu.memref_slice %arg13[%dma_wait3A_2131, %dma_wait3A_2132, %dma_wait3A_2133] : memref<8x128x16xf32, #tpu.memory_space<vmem>> -> memref<1x128x16xf32, #tpu.memory_space<vmem>>
    %dma_wait3A_2135 = tpu.memref_squeeze %dma_wait3A_2134 : memref<1x128x16xf32, #tpu.memory_space<vmem>> -> memref<128x16xf32, #tpu.memory_space<vmem>>
    %dma_wait3A_2136 = arith.constant 0 : i32
    %dma_wait3A_2137 = tpu.memref_slice %arg11[%dma_wait3A_2130, %dma_wait3A_2136] : memref<8x128xi32, #tpu.memory_space<vmem>> -> memref<1x128xi32, #tpu.memory_space<vmem>>
    %dma_wait3A_2138 = tpu.memref_squeeze %dma_wait3A_2137 : memref<1x128xi32, #tpu.memory_space<vmem>> -> memref<128xi32, #tpu.memory_space<vmem>>
    %dma_wait3A_2139 = arith.constant 0 : i32
    %dma_wait3A_2140 = arith.constant 0 : i32
    %dma_wait3A_2141 = tpu.memref_slice %arg2[%dma_wait3A_2139, %dma_wait3A_2140] : memref<1048576x16xf32, #tpu.memory_space<hbm>> -> memref<1048576x16xf32, #tpu.memory_space<hbm>>
    tpu.wait_indirect_dma semaphore(%arg23 : memref<!tpu.dma_semaphore, #tpu.memory_space<semaphore_mem>>) src(%dma_wait3A_2141 : memref<1048576x16xf32, #tpu.memory_space<hbm>>) dst(%dma_wait3A_2135 : memref<128x16xf32, #tpu.memory_space<vmem>>)
    %dma_wait3A_2142 = arith.constant 2 : i32
    %dma_wait3A_2143 = arith.constant 2 : i32
    %dma_wait3A_2144 = arith.constant 0 : i32
    %dma_wait3A_2145 = arith.constant 0 : i32
    %dma_wait3A_2146 = tpu.memref_slice %arg14[%dma_wait3A_2143, %dma_wait3A_2144, %dma_wait3A_2145] : memref<8x128x16xf32, #tpu.memory_space<vmem>> -> memref<1x128x16xf32, #tpu.memory_space<vmem>>
    %dma_wait3A_2147 = tpu.memref_squeeze %dma_wait3A_2146 : memref<1x128x16xf32, #tpu.memory_space<vmem>> -> memref<128x16xf32, #tpu.memory_space<vmem>>
    %dma_wait3A_2148 = arith.constant 0 : i32
    %dma_wait3A_2149 = tpu.memref_slice %arg12[%dma_wait3A_2142, %dma_wait3A_2148] : memref<8x128xi32, #tpu.memory_space<vmem>> -> memref<1x128xi32, #tpu.memory_space<vmem>>
    %dma_wait3A_2150 = tpu.memref_squeeze %dma_wait3A_2149 : memref<1x128xi32, #tpu.memory_space<vmem>> -> memref<128xi32, #tpu.memory_space<vmem>>
    %dma_wait3A_2151 = arith.constant 0 : i32
    %dma_wait3A_2152 = arith.constant 0 : i32
    %dma_wait3A_2153 = tpu.memref_slice %arg3[%dma_wait3A_2151, %dma_wait3A_2152] : memref<1048576x16xf32, #tpu.memory_space<hbm>> -> memref<1048576x16xf32, #tpu.memory_space<hbm>>
    tpu.wait_indirect_dma semaphore(%arg23 : memref<!tpu.dma_semaphore, #tpu.memory_space<semaphore_mem>>) src(%dma_wait3A_2153 : memref<1048576x16xf32, #tpu.memory_space<hbm>>) dst(%dma_wait3A_2147 : memref<128x16xf32, #tpu.memory_space<vmem>>)
    %broadcast_in_dim3A_2154 = arith.constant 2 : i32
    %broadcast_in_dim3A_2155 = vector.broadcast %broadcast_in_dim3A_2154 : i32 to vector<16xi32>
    %broadcast_in_dim3A_2156 = arith.constant 4 : i32
    %broadcast_in_dim3A_2157 = vector.broadcast %broadcast_in_dim3A_2156 : i32 to vector<16xi32>
    %lt3A_2158 = arith.constant 0 : i32
    %lt3A_2159 = vector.broadcast %lt3A_2158 : i32 to vector<16xi32>
    %lt3A_2160 = arith.cmpi slt, %broadcast_in_dim3A_2157, %lt3A_2159 : vector<16xi32>
    %add3A_2161 = arith.constant 16 : i32
    %add3A_2162 = vector.broadcast %add3A_2161 : i32 to vector<16xi32>
    %add3A_2163 = arith.addi %broadcast_in_dim3A_2157, %add3A_2162 : vector<16xi32>
    %select_n3A_2164 = arith.select %lt3A_2160, %add3A_2163, %broadcast_in_dim3A_2157 : vector<16xi1>, vector<16xi32>
    %broadcast_in_dim3A_2165 = vector.shape_cast %select_n3A_2164 : vector<16xi32> to vector<16x1xi32>
    %gather3A_2166 = vector.shape_cast %broadcast_in_dim3A_2165 : vector<16x1xi32> to vector<16xi32>
    %gather3A_2167 = tpu.dynamic_gather %rem3A_72[%gather3A_2166] in [0] : vector<16xi32>, vector<16xi32> -> vector<16xi32>
    %broadcast_in_dim3A_2168 = arith.constant 4 : i32
    %broadcast_in_dim3A_2169 = vector.broadcast %broadcast_in_dim3A_2168 : i32 to vector<16xi32>
    %lt3A_2170 = arith.constant 0 : i32
    %lt3A_2171 = vector.broadcast %lt3A_2170 : i32 to vector<16xi32>
    %lt3A_2172 = arith.cmpi slt, %broadcast_in_dim3A_2169, %lt3A_2171 : vector<16xi32>
    %add3A_2173 = arith.constant 16 : i32
    %add3A_2174 = vector.broadcast %add3A_2173 : i32 to vector<16xi32>
    %add3A_2175 = arith.addi %broadcast_in_dim3A_2169, %add3A_2174 : vector<16xi32>
    %select_n3A_2176 = arith.select %lt3A_2172, %add3A_2175, %broadcast_in_dim3A_2169 : vector<16xi1>, vector<16xi32>
    %broadcast_in_dim3A_2177 = vector.shape_cast %select_n3A_2176 : vector<16xi32> to vector<16x1xi32>
    %gather3A_2178 = vector.shape_cast %broadcast_in_dim3A_2177 : vector<16x1xi32> to vector<16xi32>
    %gather3A_2179 = tpu.dynamic_gather %rem3A_75[%gather3A_2178] in [0] : vector<16xi32>, vector<16xi32> -> vector<16xi32>
    %broadcast_in_dim3A_2180 = arith.constant 4 : i32
    %broadcast_in_dim3A_2181 = vector.broadcast %broadcast_in_dim3A_2180 : i32 to vector<16xi32>
    %lt3A_2182 = arith.constant 0 : i32
    %lt3A_2183 = vector.broadcast %lt3A_2182 : i32 to vector<16xi32>
    %lt3A_2184 = arith.cmpi slt, %broadcast_in_dim3A_2181, %lt3A_2183 : vector<16xi32>
    %add3A_2185 = arith.constant 16 : i32
    %add3A_2186 = vector.broadcast %add3A_2185 : i32 to vector<16xi32>
    %add3A_2187 = arith.addi %broadcast_in_dim3A_2181, %add3A_2186 : vector<16xi32>
    %select_n3A_2188 = arith.select %lt3A_2184, %add3A_2187, %broadcast_in_dim3A_2181 : vector<16xi1>, vector<16xi32>
    %broadcast_in_dim3A_2189 = vector.shape_cast %select_n3A_2188 : vector<16xi32> to vector<16x1xi32>
    %gather3A_2190 = vector.shape_cast %broadcast_in_dim3A_2189 : vector<16x1xi32> to vector<16xi32>
    %gather3A_2191 = tpu.dynamic_gather %select_n3A[%gather3A_2190] in [0] : vector<16xf32>, vector<16xi32> -> vector<16xf32>
    %broadcast_in_dim3A_2192 = arith.constant 4 : i32
    %broadcast_in_dim3A_2193 = vector.broadcast %broadcast_in_dim3A_2192 : i32 to vector<16xi32>
    %lt3A_2194 = arith.constant 0 : i32
    %lt3A_2195 = vector.broadcast %lt3A_2194 : i32 to vector<16xi32>
    %lt3A_2196 = arith.cmpi slt, %broadcast_in_dim3A_2193, %lt3A_2195 : vector<16xi32>
    %add3A_2197 = arith.constant 16 : i32
    %add3A_2198 = vector.broadcast %add3A_2197 : i32 to vector<16xi32>
    %add3A_2199 = arith.addi %broadcast_in_dim3A_2193, %add3A_2198 : vector<16xi32>
    %select_n3A_2200 = arith.select %lt3A_2196, %add3A_2199, %broadcast_in_dim3A_2193 : vector<16xi1>, vector<16xi32>
    %broadcast_in_dim3A_2201 = vector.shape_cast %select_n3A_2200 : vector<16xi32> to vector<16x1xi32>
    %gather3A_2202 = vector.shape_cast %broadcast_in_dim3A_2201 : vector<16x1xi32> to vector<16xi32>
    %gather3A_2203 = tpu.dynamic_gather %select_n3A_87[%gather3A_2202] in [0] : vector<16xf32>, vector<16xi32> -> vector<16xf32>
    %broadcast_in_dim3A_2204 = arith.constant 4 : i32
    %broadcast_in_dim3A_2205 = vector.broadcast %broadcast_in_dim3A_2204 : i32 to vector<16xi32>
    %lt3A_2206 = arith.constant 0 : i32
    %lt3A_2207 = vector.broadcast %lt3A_2206 : i32 to vector<16xi32>
    %lt3A_2208 = arith.cmpi slt, %broadcast_in_dim3A_2205, %lt3A_2207 : vector<16xi32>
    %add3A_2209 = arith.constant 16 : i32
    %add3A_2210 = vector.broadcast %add3A_2209 : i32 to vector<16xi32>
    %add3A_2211 = arith.addi %broadcast_in_dim3A_2205, %add3A_2210 : vector<16xi32>
    %select_n3A_2212 = arith.select %lt3A_2208, %add3A_2211, %broadcast_in_dim3A_2205 : vector<16xi1>, vector<16xi32>
    %broadcast_in_dim3A_2213 = vector.shape_cast %select_n3A_2212 : vector<16xi32> to vector<16x1xi32>
    %gather3A_2214 = vector.shape_cast %broadcast_in_dim3A_2213 : vector<16x1xi32> to vector<16xi32>
    %gather3A_2215 = tpu.dynamic_gather %select_n3A_94[%gather3A_2214] in [0] : vector<16xf32>, vector<16xi32> -> vector<16xf32>
    %add3A_2216 = arith.constant 0 : i32
    %add3A_2217 = vector.broadcast %add3A_2216 : i32 to vector<16xi32>
    %add3A_2218 = arith.addi %iota3A, %add3A_2217 : vector<16xi32>
    %gather3A_2219 = tpu.vector_load_idx %arg13[%broadcast_in_dim3A_2155, %add3A_2218, %gather3A_2167] : memref<8x128x16xf32, #tpu.memory_space<vmem>>[vector<16xi32>, vector<16xi32>, vector<16xi32>], vector<16xf32>,
    %gather3A_2220 = tpu.vector_load_idx %arg14[%broadcast_in_dim3A_2155, %add3A_2218, %gather3A_2179] : memref<8x128x16xf32, #tpu.memory_space<vmem>>[vector<16xi32>, vector<16xi32>, vector<16xi32>], vector<16xf32>,
    %get3A_2221 = arith.constant 4 : i32
    %get3A_2222 = arith.index_cast %get3A_2221 : i32 to index
    %get3A_2223 = arith.constant 0 : index
    %get3A_2224 = tpu.vector_load %arg15[%get3A_2222, %get3A_2223] {strides = array<i32>} : memref<16x64xf32, #tpu.memory_space<vmem>>, vector<16xf32>,
    %mul3A_2225 = arith.mulf %gather3A_2215, %gather3A_2219 : vector<16xf32>
    %mul3A_2226 = arith.mulf %gather3A_2203, %gather3A_2220 : vector<16xf32>
    %sub3A_2227 = arith.subf %mul3A_2225, %mul3A_2226 : vector<16xf32>
    %mul3A_2228 = arith.mulf %gather3A_2191, %get3A_2224 : vector<16xf32>
    %sub3A_2229 = arith.subf %sub3A_2227, %mul3A_2228 : vector<16xf32>
    %mul3A_2230 = arith.mulf %sub3A_2229, %sub3A_2229 : vector<16xf32>
    %add3A_2231 = arith.addf %add3A_2129, %mul3A_2230 : vector<16xf32>
    %add3A_2232 = arith.constant 16 : i32
    %add3A_2233 = vector.broadcast %add3A_2232 : i32 to vector<16xi32>
    %add3A_2234 = arith.addi %iota3A, %add3A_2233 : vector<16xi32>
    %gather3A_2235 = tpu.vector_load_idx %arg13[%broadcast_in_dim3A_2155, %add3A_2234, %gather3A_2167] : memref<8x128x16xf32, #tpu.memory_space<vmem>>[vector<16xi32>, vector<16xi32>, vector<16xi32>], vector<16xf32>,
    %gather3A_2236 = tpu.vector_load_idx %arg14[%broadcast_in_dim3A_2155, %add3A_2234, %gather3A_2179] : memref<8x128x16xf32, #tpu.memory_space<vmem>>[vector<16xi32>, vector<16xi32>, vector<16xi32>], vector<16xf32>,
    %get3A_2237 = arith.constant 4 : i32
    %get3A_2238 = arith.index_cast %get3A_2237 : i32 to index
    %get3A_2239 = arith.constant 16 : index
    %get3A_2240 = tpu.vector_load %arg15[%get3A_2238, %get3A_2239] {strides = array<i32>} : memref<16x64xf32, #tpu.memory_space<vmem>>, vector<16xf32>,
    %mul3A_2241 = arith.mulf %gather3A_2215, %gather3A_2235 : vector<16xf32>
    %mul3A_2242 = arith.mulf %gather3A_2203, %gather3A_2236 : vector<16xf32>
    %sub3A_2243 = arith.subf %mul3A_2241, %mul3A_2242 : vector<16xf32>
    %mul3A_2244 = arith.mulf %gather3A_2191, %get3A_2240 : vector<16xf32>
    %sub3A_2245 = arith.subf %sub3A_2243, %mul3A_2244 : vector<16xf32>
    %mul3A_2246 = arith.mulf %sub3A_2245, %sub3A_2245 : vector<16xf32>
    %add3A_2247 = arith.addf %add3A_2231, %mul3A_2246 : vector<16xf32>
    %add3A_2248 = arith.constant 32 : i32
    %add3A_2249 = vector.broadcast %add3A_2248 : i32 to vector<16xi32>
    %add3A_2250 = arith.addi %iota3A, %add3A_2249 : vector<16xi32>
    %gather3A_2251 = tpu.vector_load_idx %arg13[%broadcast_in_dim3A_2155, %add3A_2250, %gather3A_2167] : memref<8x128x16xf32, #tpu.memory_space<vmem>>[vector<16xi32>, vector<16xi32>, vector<16xi32>], vector<16xf32>,
    %gather3A_2252 = tpu.vector_load_idx %arg14[%broadcast_in_dim3A_2155, %add3A_2250, %gather3A_2179] : memref<8x128x16xf32, #tpu.memory_space<vmem>>[vector<16xi32>, vector<16xi32>, vector<16xi32>], vector<16xf32>,
    %get3A_2253 = arith.constant 4 : i32
    %get3A_2254 = arith.index_cast %get3A_2253 : i32 to index
    %get3A_2255 = arith.constant 32 : index
    %get3A_2256 = tpu.vector_load %arg15[%get3A_2254, %get3A_2255] {strides = array<i32>} : memref<16x64xf32, #tpu.memory_space<vmem>>, vector<16xf32>,
    %mul3A_2257 = arith.mulf %gather3A_2215, %gather3A_2251 : vector<16xf32>
    %mul3A_2258 = arith.mulf %gather3A_2203, %gather3A_2252 : vector<16xf32>
    %sub3A_2259 = arith.subf %mul3A_2257, %mul3A_2258 : vector<16xf32>
    %mul3A_2260 = arith.mulf %gather3A_2191, %get3A_2256 : vector<16xf32>
    %sub3A_2261 = arith.subf %sub3A_2259, %mul3A_2260 : vector<16xf32>
    %mul3A_2262 = arith.mulf %sub3A_2261, %sub3A_2261 : vector<16xf32>
    %add3A_2263 = arith.addf %add3A_2247, %mul3A_2262 : vector<16xf32>
    %add3A_2264 = arith.constant 48 : i32
    %add3A_2265 = vector.broadcast %add3A_2264 : i32 to vector<16xi32>
    %add3A_2266 = arith.addi %iota3A, %add3A_2265 : vector<16xi32>
    %gather3A_2267 = tpu.vector_load_idx %arg13[%broadcast_in_dim3A_2155, %add3A_2266, %gather3A_2167] : memref<8x128x16xf32, #tpu.memory_space<vmem>>[vector<16xi32>, vector<16xi32>, vector<16xi32>], vector<16xf32>,
    %gather3A_2268 = tpu.vector_load_idx %arg14[%broadcast_in_dim3A_2155, %add3A_2266, %gather3A_2179] : memref<8x128x16xf32, #tpu.memory_space<vmem>>[vector<16xi32>, vector<16xi32>, vector<16xi32>], vector<16xf32>,
    %get3A_2269 = arith.constant 4 : i32
    %get3A_2270 = arith.index_cast %get3A_2269 : i32 to index
    %get3A_2271 = arith.constant 48 : index
    %get3A_2272 = tpu.vector_load %arg15[%get3A_2270, %get3A_2271] {strides = array<i32>} : memref<16x64xf32, #tpu.memory_space<vmem>>, vector<16xf32>,
    %mul3A_2273 = arith.mulf %gather3A_2215, %gather3A_2267 : vector<16xf32>
    %mul3A_2274 = arith.mulf %gather3A_2203, %gather3A_2268 : vector<16xf32>
    %sub3A_2275 = arith.subf %mul3A_2273, %mul3A_2274 : vector<16xf32>
    %mul3A_2276 = arith.mulf %gather3A_2191, %get3A_2272 : vector<16xf32>
    %sub3A_2277 = arith.subf %sub3A_2275, %mul3A_2276 : vector<16xf32>
    %mul3A_2278 = arith.mulf %sub3A_2277, %sub3A_2277 : vector<16xf32>
    %add3A_2279 = arith.addf %add3A_2263, %mul3A_2278 : vector<16xf32>
    %broadcast_in_dim3A_2280 = arith.constant 5 : i32
    %broadcast_in_dim3A_2281 = vector.broadcast %broadcast_in_dim3A_2280 : i32 to vector<16xi32>
    %lt3A_2282 = arith.constant 0 : i32
    %lt3A_2283 = vector.broadcast %lt3A_2282 : i32 to vector<16xi32>
    %lt3A_2284 = arith.cmpi slt, %broadcast_in_dim3A_2281, %lt3A_2283 : vector<16xi32>
    %add3A_2285 = arith.constant 16 : i32
    %add3A_2286 = vector.broadcast %add3A_2285 : i32 to vector<16xi32>
    %add3A_2287 = arith.addi %broadcast_in_dim3A_2281, %add3A_2286 : vector<16xi32>
    %select_n3A_2288 = arith.select %lt3A_2284, %add3A_2287, %broadcast_in_dim3A_2281 : vector<16xi1>, vector<16xi32>
    %broadcast_in_dim3A_2289 = vector.shape_cast %select_n3A_2288 : vector<16xi32> to vector<16x1xi32>
    %gather3A_2290 = vector.shape_cast %broadcast_in_dim3A_2289 : vector<16x1xi32> to vector<16xi32>
    %gather3A_2291 = tpu.dynamic_gather %rem3A_72[%gather3A_2290] in [0] : vector<16xi32>, vector<16xi32> -> vector<16xi32>
    %broadcast_in_dim3A_2292 = arith.constant 5 : i32
    %broadcast_in_dim3A_2293 = vector.broadcast %broadcast_in_dim3A_2292 : i32 to vector<16xi32>
    %lt3A_2294 = arith.constant 0 : i32
    %lt3A_2295 = vector.broadcast %lt3A_2294 : i32 to vector<16xi32>
    %lt3A_2296 = arith.cmpi slt, %broadcast_in_dim3A_2293, %lt3A_2295 : vector<16xi32>
    %add3A_2297 = arith.constant 16 : i32
    %add3A_2298 = vector.broadcast %add3A_2297 : i32 to vector<16xi32>
    %add3A_2299 = arith.addi %broadcast_in_dim3A_2293, %add3A_2298 : vector<16xi32>
    %select_n3A_2300 = arith.select %lt3A_2296, %add3A_2299, %broadcast_in_dim3A_2293 : vector<16xi1>, vector<16xi32>
    %broadcast_in_dim3A_2301 = vector.shape_cast %select_n3A_2300 : vector<16xi32> to vector<16x1xi32>
    %gather3A_2302 = vector.shape_cast %broadcast_in_dim3A_2301 : vector<16x1xi32> to vector<16xi32>
    %gather3A_2303 = tpu.dynamic_gather %rem3A_75[%gather3A_2302] in [0] : vector<16xi32>, vector<16xi32> -> vector<16xi32>
    %broadcast_in_dim3A_2304 = arith.constant 5 : i32
    %broadcast_in_dim3A_2305 = vector.broadcast %broadcast_in_dim3A_2304 : i32 to vector<16xi32>
    %lt3A_2306 = arith.constant 0 : i32
    %lt3A_2307 = vector.broadcast %lt3A_2306 : i32 to vector<16xi32>
    %lt3A_2308 = arith.cmpi slt, %broadcast_in_dim3A_2305, %lt3A_2307 : vector<16xi32>
    %add3A_2309 = arith.constant 16 : i32
    %add3A_2310 = vector.broadcast %add3A_2309 : i32 to vector<16xi32>
    %add3A_2311 = arith.addi %broadcast_in_dim3A_2305, %add3A_2310 : vector<16xi32>
    %select_n3A_2312 = arith.select %lt3A_2308, %add3A_2311, %broadcast_in_dim3A_2305 : vector<16xi1>, vector<16xi32>
    %broadcast_in_dim3A_2313 = vector.shape_cast %select_n3A_2312 : vector<16xi32> to vector<16x1xi32>
    %gather3A_2314 = vector.shape_cast %broadcast_in_dim3A_2313 : vector<16x1xi32> to vector<16xi32>
    %gather3A_2315 = tpu.dynamic_gather %select_n3A[%gather3A_2314] in [0] : vector<16xf32>, vector<16xi32> -> vector<16xf32>
    %broadcast_in_dim3A_2316 = arith.constant 5 : i32
    %broadcast_in_dim3A_2317 = vector.broadcast %broadcast_in_dim3A_2316 : i32 to vector<16xi32>
    %lt3A_2318 = arith.constant 0 : i32
    %lt3A_2319 = vector.broadcast %lt3A_2318 : i32 to vector<16xi32>
    %lt3A_2320 = arith.cmpi slt, %broadcast_in_dim3A_2317, %lt3A_2319 : vector<16xi32>
    %add3A_2321 = arith.constant 16 : i32
    %add3A_2322 = vector.broadcast %add3A_2321 : i32 to vector<16xi32>
    %add3A_2323 = arith.addi %broadcast_in_dim3A_2317, %add3A_2322 : vector<16xi32>
    %select_n3A_2324 = arith.select %lt3A_2320, %add3A_2323, %broadcast_in_dim3A_2317 : vector<16xi1>, vector<16xi32>
    %broadcast_in_dim3A_2325 = vector.shape_cast %select_n3A_2324 : vector<16xi32> to vector<16x1xi32>
    %gather3A_2326 = vector.shape_cast %broadcast_in_dim3A_2325 : vector<16x1xi32> to vector<16xi32>
    %gather3A_2327 = tpu.dynamic_gather %select_n3A_87[%gather3A_2326] in [0] : vector<16xf32>, vector<16xi32> -> vector<16xf32>
    %broadcast_in_dim3A_2328 = arith.constant 5 : i32
    %broadcast_in_dim3A_2329 = vector.broadcast %broadcast_in_dim3A_2328 : i32 to vector<16xi32>
    %lt3A_2330 = arith.constant 0 : i32
    %lt3A_2331 = vector.broadcast %lt3A_2330 : i32 to vector<16xi32>
    %lt3A_2332 = arith.cmpi slt, %broadcast_in_dim3A_2329, %lt3A_2331 : vector<16xi32>
    %add3A_2333 = arith.constant 16 : i32
    %add3A_2334 = vector.broadcast %add3A_2333 : i32 to vector<16xi32>
    %add3A_2335 = arith.addi %broadcast_in_dim3A_2329, %add3A_2334 : vector<16xi32>
    %select_n3A_2336 = arith.select %lt3A_2332, %add3A_2335, %broadcast_in_dim3A_2329 : vector<16xi1>, vector<16xi32>
    %broadcast_in_dim3A_2337 = vector.shape_cast %select_n3A_2336 : vector<16xi32> to vector<16x1xi32>
    %gather3A_2338 = vector.shape_cast %broadcast_in_dim3A_2337 : vector<16x1xi32> to vector<16xi32>
    %gather3A_2339 = tpu.dynamic_gather %select_n3A_94[%gather3A_2338] in [0] : vector<16xf32>, vector<16xi32> -> vector<16xf32>
    %add3A_2340 = arith.constant 64 : i32
    %add3A_2341 = vector.broadcast %add3A_2340 : i32 to vector<16xi32>
    %add3A_2342 = arith.addi %iota3A, %add3A_2341 : vector<16xi32>
    %gather3A_2343 = tpu.vector_load_idx %arg13[%broadcast_in_dim3A_2155, %add3A_2342, %gather3A_2291] : memref<8x128x16xf32, #tpu.memory_space<vmem>>[vector<16xi32>, vector<16xi32>, vector<16xi32>], vector<16xf32>,
    %gather3A_2344 = tpu.vector_load_idx %arg14[%broadcast_in_dim3A_2155, %add3A_2342, %gather3A_2303] : memref<8x128x16xf32, #tpu.memory_space<vmem>>[vector<16xi32>, vector<16xi32>, vector<16xi32>], vector<16xf32>,
    %get3A_2345 = arith.constant 5 : i32
    %get3A_2346 = arith.index_cast %get3A_2345 : i32 to index
    %get3A_2347 = arith.constant 0 : index
    %get3A_2348 = tpu.vector_load %arg15[%get3A_2346, %get3A_2347] {strides = array<i32>} : memref<16x64xf32, #tpu.memory_space<vmem>>, vector<16xf32>,
    %mul3A_2349 = arith.mulf %gather3A_2339, %gather3A_2343 : vector<16xf32>
    %mul3A_2350 = arith.mulf %gather3A_2327, %gather3A_2344 : vector<16xf32>
    %sub3A_2351 = arith.subf %mul3A_2349, %mul3A_2350 : vector<16xf32>
    %mul3A_2352 = arith.mulf %gather3A_2315, %get3A_2348 : vector<16xf32>
    %sub3A_2353 = arith.subf %sub3A_2351, %mul3A_2352 : vector<16xf32>
    %mul3A_2354 = arith.mulf %sub3A_2353, %sub3A_2353 : vector<16xf32>
    %add3A_2355 = arith.addf %add3A_2279, %mul3A_2354 : vector<16xf32>
    %add3A_2356 = arith.constant 80 : i32
    %add3A_2357 = vector.broadcast %add3A_2356 : i32 to vector<16xi32>
    %add3A_2358 = arith.addi %iota3A, %add3A_2357 : vector<16xi32>
    %gather3A_2359 = tpu.vector_load_idx %arg13[%broadcast_in_dim3A_2155, %add3A_2358, %gather3A_2291] : memref<8x128x16xf32, #tpu.memory_space<vmem>>[vector<16xi32>, vector<16xi32>, vector<16xi32>], vector<16xf32>,
    %gather3A_2360 = tpu.vector_load_idx %arg14[%broadcast_in_dim3A_2155, %add3A_2358, %gather3A_2303] : memref<8x128x16xf32, #tpu.memory_space<vmem>>[vector<16xi32>, vector<16xi32>, vector<16xi32>], vector<16xf32>,
    %get3A_2361 = arith.constant 5 : i32
    %get3A_2362 = arith.index_cast %get3A_2361 : i32 to index
    %get3A_2363 = arith.constant 16 : index
    %get3A_2364 = tpu.vector_load %arg15[%get3A_2362, %get3A_2363] {strides = array<i32>} : memref<16x64xf32, #tpu.memory_space<vmem>>, vector<16xf32>,
    %mul3A_2365 = arith.mulf %gather3A_2339, %gather3A_2359 : vector<16xf32>
    %mul3A_2366 = arith.mulf %gather3A_2327, %gather3A_2360 : vector<16xf32>
    %sub3A_2367 = arith.subf %mul3A_2365, %mul3A_2366 : vector<16xf32>
    %mul3A_2368 = arith.mulf %gather3A_2315, %get3A_2364 : vector<16xf32>
    %sub3A_2369 = arith.subf %sub3A_2367, %mul3A_2368 : vector<16xf32>
    %mul3A_2370 = arith.mulf %sub3A_2369, %sub3A_2369 : vector<16xf32>
    %add3A_2371 = arith.addf %add3A_2355, %mul3A_2370 : vector<16xf32>
    %add3A_2372 = arith.constant 96 : i32
    %add3A_2373 = vector.broadcast %add3A_2372 : i32 to vector<16xi32>
    %add3A_2374 = arith.addi %iota3A, %add3A_2373 : vector<16xi32>
    %gather3A_2375 = tpu.vector_load_idx %arg13[%broadcast_in_dim3A_2155, %add3A_2374, %gather3A_2291] : memref<8x128x16xf32, #tpu.memory_space<vmem>>[vector<16xi32>, vector<16xi32>, vector<16xi32>], vector<16xf32>,
    %gather3A_2376 = tpu.vector_load_idx %arg14[%broadcast_in_dim3A_2155, %add3A_2374, %gather3A_2303] : memref<8x128x16xf32, #tpu.memory_space<vmem>>[vector<16xi32>, vector<16xi32>, vector<16xi32>], vector<16xf32>,
    %get3A_2377 = arith.constant 5 : i32
    %get3A_2378 = arith.index_cast %get3A_2377 : i32 to index
    %get3A_2379 = arith.constant 32 : index
    %get3A_2380 = tpu.vector_load %arg15[%get3A_2378, %get3A_2379] {strides = array<i32>} : memref<16x64xf32, #tpu.memory_space<vmem>>, vector<16xf32>,
    %mul3A_2381 = arith.mulf %gather3A_2339, %gather3A_2375 : vector<16xf32>
    %mul3A_2382 = arith.mulf %gather3A_2327, %gather3A_2376 : vector<16xf32>
    %sub3A_2383 = arith.subf %mul3A_2381, %mul3A_2382 : vector<16xf32>
    %mul3A_2384 = arith.mulf %gather3A_2315, %get3A_2380 : vector<16xf32>
    %sub3A_2385 = arith.subf %sub3A_2383, %mul3A_2384 : vector<16xf32>
    %mul3A_2386 = arith.mulf %sub3A_2385, %sub3A_2385 : vector<16xf32>
    %add3A_2387 = arith.addf %add3A_2371, %mul3A_2386 : vector<16xf32>
    %add3A_2388 = arith.constant 112 : i32
    %add3A_2389 = vector.broadcast %add3A_2388 : i32 to vector<16xi32>
    %add3A_2390 = arith.addi %iota3A, %add3A_2389 : vector<16xi32>
    %gather3A_2391 = tpu.vector_load_idx %arg13[%broadcast_in_dim3A_2155, %add3A_2390, %gather3A_2291] : memref<8x128x16xf32, #tpu.memory_space<vmem>>[vector<16xi32>, vector<16xi32>, vector<16xi32>], vector<16xf32>,
    %gather3A_2392 = tpu.vector_load_idx %arg14[%broadcast_in_dim3A_2155, %add3A_2390, %gather3A_2303] : memref<8x128x16xf32, #tpu.memory_space<vmem>>[vector<16xi32>, vector<16xi32>, vector<16xi32>], vector<16xf32>,
    %get3A_2393 = arith.constant 5 : i32
    %get3A_2394 = arith.index_cast %get3A_2393 : i32 to index
    %get3A_2395 = arith.constant 48 : index
    %get3A_2396 = tpu.vector_load %arg15[%get3A_2394, %get3A_2395] {strides = array<i32>} : memref<16x64xf32, #tpu.memory_space<vmem>>, vector<16xf32>,
    %mul3A_2397 = arith.mulf %gather3A_2339, %gather3A_2391 : vector<16xf32>
    %mul3A_2398 = arith.mulf %gather3A_2327, %gather3A_2392 : vector<16xf32>
    %sub3A_2399 = arith.subf %mul3A_2397, %mul3A_2398 : vector<16xf32>
    %mul3A_2400 = arith.mulf %gather3A_2315, %get3A_2396 : vector<16xf32>
    %sub3A_2401 = arith.subf %sub3A_2399, %mul3A_2400 : vector<16xf32>
    %mul3A_2402 = arith.mulf %sub3A_2401, %sub3A_2401 : vector<16xf32>
    %add3A_2403 = arith.addf %add3A_2387, %mul3A_2402 : vector<16xf32>
    %dma_wait3A_2404 = arith.constant 3 : i32
    %dma_wait3A_2405 = arith.constant 3 : i32
    %dma_wait3A_2406 = arith.constant 0 : i32
    %dma_wait3A_2407 = arith.constant 0 : i32
    %dma_wait3A_2408 = tpu.memref_slice %arg13[%dma_wait3A_2405, %dma_wait3A_2406, %dma_wait3A_2407] : memref<8x128x16xf32, #tpu.memory_space<vmem>> -> memref<1x128x16xf32, #tpu.memory_space<vmem>>
    %dma_wait3A_2409 = tpu.memref_squeeze %dma_wait3A_2408 : memref<1x128x16xf32, #tpu.memory_space<vmem>> -> memref<128x16xf32, #tpu.memory_space<vmem>>
    %dma_wait3A_2410 = arith.constant 0 : i32
    %dma_wait3A_2411 = tpu.memref_slice %arg11[%dma_wait3A_2404, %dma_wait3A_2410] : memref<8x128xi32, #tpu.memory_space<vmem>> -> memref<1x128xi32, #tpu.memory_space<vmem>>
    %dma_wait3A_2412 = tpu.memref_squeeze %dma_wait3A_2411 : memref<1x128xi32, #tpu.memory_space<vmem>> -> memref<128xi32, #tpu.memory_space<vmem>>
    %dma_wait3A_2413 = arith.constant 0 : i32
    %dma_wait3A_2414 = arith.constant 0 : i32
    %dma_wait3A_2415 = tpu.memref_slice %arg2[%dma_wait3A_2413, %dma_wait3A_2414] : memref<1048576x16xf32, #tpu.memory_space<hbm>> -> memref<1048576x16xf32, #tpu.memory_space<hbm>>
    tpu.wait_indirect_dma semaphore(%arg23 : memref<!tpu.dma_semaphore, #tpu.memory_space<semaphore_mem>>) src(%dma_wait3A_2415 : memref<1048576x16xf32, #tpu.memory_space<hbm>>) dst(%dma_wait3A_2409 : memref<128x16xf32, #tpu.memory_space<vmem>>)
    %dma_wait3A_2416 = arith.constant 3 : i32
    %dma_wait3A_2417 = arith.constant 3 : i32
    %dma_wait3A_2418 = arith.constant 0 : i32
    %dma_wait3A_2419 = arith.constant 0 : i32
    %dma_wait3A_2420 = tpu.memref_slice %arg14[%dma_wait3A_2417, %dma_wait3A_2418, %dma_wait3A_2419] : memref<8x128x16xf32, #tpu.memory_space<vmem>> -> memref<1x128x16xf32, #tpu.memory_space<vmem>>
    %dma_wait3A_2421 = tpu.memref_squeeze %dma_wait3A_2420 : memref<1x128x16xf32, #tpu.memory_space<vmem>> -> memref<128x16xf32, #tpu.memory_space<vmem>>
    %dma_wait3A_2422 = arith.constant 0 : i32
    %dma_wait3A_2423 = tpu.memref_slice %arg12[%dma_wait3A_2416, %dma_wait3A_2422] : memref<8x128xi32, #tpu.memory_space<vmem>> -> memref<1x128xi32, #tpu.memory_space<vmem>>
    %dma_wait3A_2424 = tpu.memref_squeeze %dma_wait3A_2423 : memref<1x128xi32, #tpu.memory_space<vmem>> -> memref<128xi32, #tpu.memory_space<vmem>>
    %dma_wait3A_2425 = arith.constant 0 : i32
    %dma_wait3A_2426 = arith.constant 0 : i32
    %dma_wait3A_2427 = tpu.memref_slice %arg3[%dma_wait3A_2425, %dma_wait3A_2426] : memref<1048576x16xf32, #tpu.memory_space<hbm>> -> memref<1048576x16xf32, #tpu.memory_space<hbm>>
    tpu.wait_indirect_dma semaphore(%arg23 : memref<!tpu.dma_semaphore, #tpu.memory_space<semaphore_mem>>) src(%dma_wait3A_2427 : memref<1048576x16xf32, #tpu.memory_space<hbm>>) dst(%dma_wait3A_2421 : memref<128x16xf32, #tpu.memory_space<vmem>>)
    %broadcast_in_dim3A_2428 = arith.constant 3 : i32
    %broadcast_in_dim3A_2429 = vector.broadcast %broadcast_in_dim3A_2428 : i32 to vector<16xi32>
    %broadcast_in_dim3A_2430 = arith.constant 6 : i32
    %broadcast_in_dim3A_2431 = vector.broadcast %broadcast_in_dim3A_2430 : i32 to vector<16xi32>
    %lt3A_2432 = arith.constant 0 : i32
    %lt3A_2433 = vector.broadcast %lt3A_2432 : i32 to vector<16xi32>
    %lt3A_2434 = arith.cmpi slt, %broadcast_in_dim3A_2431, %lt3A_2433 : vector<16xi32>
    %add3A_2435 = arith.constant 16 : i32
    %add3A_2436 = vector.broadcast %add3A_2435 : i32 to vector<16xi32>
    %add3A_2437 = arith.addi %broadcast_in_dim3A_2431, %add3A_2436 : vector<16xi32>
    %select_n3A_2438 = arith.select %lt3A_2434, %add3A_2437, %broadcast_in_dim3A_2431 : vector<16xi1>, vector<16xi32>
    %broadcast_in_dim3A_2439 = vector.shape_cast %select_n3A_2438 : vector<16xi32> to vector<16x1xi32>
    %gather3A_2440 = vector.shape_cast %broadcast_in_dim3A_2439 : vector<16x1xi32> to vector<16xi32>
    %gather3A_2441 = tpu.dynamic_gather %rem3A_72[%gather3A_2440] in [0] : vector<16xi32>, vector<16xi32> -> vector<16xi32>
    %broadcast_in_dim3A_2442 = arith.constant 6 : i32
    %broadcast_in_dim3A_2443 = vector.broadcast %broadcast_in_dim3A_2442 : i32 to vector<16xi32>
    %lt3A_2444 = arith.constant 0 : i32
    %lt3A_2445 = vector.broadcast %lt3A_2444 : i32 to vector<16xi32>
    %lt3A_2446 = arith.cmpi slt, %broadcast_in_dim3A_2443, %lt3A_2445 : vector<16xi32>
    %add3A_2447 = arith.constant 16 : i32
    %add3A_2448 = vector.broadcast %add3A_2447 : i32 to vector<16xi32>
    %add3A_2449 = arith.addi %broadcast_in_dim3A_2443, %add3A_2448 : vector<16xi32>
    %select_n3A_2450 = arith.select %lt3A_2446, %add3A_2449, %broadcast_in_dim3A_2443 : vector<16xi1>, vector<16xi32>
    %broadcast_in_dim3A_2451 = vector.shape_cast %select_n3A_2450 : vector<16xi32> to vector<16x1xi32>
    %gather3A_2452 = vector.shape_cast %broadcast_in_dim3A_2451 : vector<16x1xi32> to vector<16xi32>
    %gather3A_2453 = tpu.dynamic_gather %rem3A_75[%gather3A_2452] in [0] : vector<16xi32>, vector<16xi32> -> vector<16xi32>
    %broadcast_in_dim3A_2454 = arith.constant 6 : i32
    %broadcast_in_dim3A_2455 = vector.broadcast %broadcast_in_dim3A_2454 : i32 to vector<16xi32>
    %lt3A_2456 = arith.constant 0 : i32
    %lt3A_2457 = vector.broadcast %lt3A_2456 : i32 to vector<16xi32>
    %lt3A_2458 = arith.cmpi slt, %broadcast_in_dim3A_2455, %lt3A_2457 : vector<16xi32>
    %add3A_2459 = arith.constant 16 : i32
    %add3A_2460 = vector.broadcast %add3A_2459 : i32 to vector<16xi32>
    %add3A_2461 = arith.addi %broadcast_in_dim3A_2455, %add3A_2460 : vector<16xi32>
    %select_n3A_2462 = arith.select %lt3A_2458, %add3A_2461, %broadcast_in_dim3A_2455 : vector<16xi1>, vector<16xi32>
    %broadcast_in_dim3A_2463 = vector.shape_cast %select_n3A_2462 : vector<16xi32> to vector<16x1xi32>
    %gather3A_2464 = vector.shape_cast %broadcast_in_dim3A_2463 : vector<16x1xi32> to vector<16xi32>
    %gather3A_2465 = tpu.dynamic_gather %select_n3A[%gather3A_2464] in [0] : vector<16xf32>, vector<16xi32> -> vector<16xf32>
    %broadcast_in_dim3A_2466 = arith.constant 6 : i32
    %broadcast_in_dim3A_2467 = vector.broadcast %broadcast_in_dim3A_2466 : i32 to vector<16xi32>
    %lt3A_2468 = arith.constant 0 : i32
    %lt3A_2469 = vector.broadcast %lt3A_2468 : i32 to vector<16xi32>
    %lt3A_2470 = arith.cmpi slt, %broadcast_in_dim3A_2467, %lt3A_2469 : vector<16xi32>
    %add3A_2471 = arith.constant 16 : i32
    %add3A_2472 = vector.broadcast %add3A_2471 : i32 to vector<16xi32>
    %add3A_2473 = arith.addi %broadcast_in_dim3A_2467, %add3A_2472 : vector<16xi32>
    %select_n3A_2474 = arith.select %lt3A_2470, %add3A_2473, %broadcast_in_dim3A_2467 : vector<16xi1>, vector<16xi32>
    %broadcast_in_dim3A_2475 = vector.shape_cast %select_n3A_2474 : vector<16xi32> to vector<16x1xi32>
    %gather3A_2476 = vector.shape_cast %broadcast_in_dim3A_2475 : vector<16x1xi32> to vector<16xi32>
    %gather3A_2477 = tpu.dynamic_gather %select_n3A_87[%gather3A_2476] in [0] : vector<16xf32>, vector<16xi32> -> vector<16xf32>
    %broadcast_in_dim3A_2478 = arith.constant 6 : i32
    %broadcast_in_dim3A_2479 = vector.broadcast %broadcast_in_dim3A_2478 : i32 to vector<16xi32>
    %lt3A_2480 = arith.constant 0 : i32
    %lt3A_2481 = vector.broadcast %lt3A_2480 : i32 to vector<16xi32>
    %lt3A_2482 = arith.cmpi slt, %broadcast_in_dim3A_2479, %lt3A_2481 : vector<16xi32>
    %add3A_2483 = arith.constant 16 : i32
    %add3A_2484 = vector.broadcast %add3A_2483 : i32 to vector<16xi32>
    %add3A_2485 = arith.addi %broadcast_in_dim3A_2479, %add3A_2484 : vector<16xi32>
    %select_n3A_2486 = arith.select %lt3A_2482, %add3A_2485, %broadcast_in_dim3A_2479 : vector<16xi1>, vector<16xi32>
    %broadcast_in_dim3A_2487 = vector.shape_cast %select_n3A_2486 : vector<16xi32> to vector<16x1xi32>
    %gather3A_2488 = vector.shape_cast %broadcast_in_dim3A_2487 : vector<16x1xi32> to vector<16xi32>
    %gather3A_2489 = tpu.dynamic_gather %select_n3A_94[%gather3A_2488] in [0] : vector<16xf32>, vector<16xi32> -> vector<16xf32>
    %add3A_2490 = arith.constant 0 : i32
    %add3A_2491 = vector.broadcast %add3A_2490 : i32 to vector<16xi32>
    %add3A_2492 = arith.addi %iota3A, %add3A_2491 : vector<16xi32>
    %gather3A_2493 = tpu.vector_load_idx %arg13[%broadcast_in_dim3A_2429, %add3A_2492, %gather3A_2441] : memref<8x128x16xf32, #tpu.memory_space<vmem>>[vector<16xi32>, vector<16xi32>, vector<16xi32>], vector<16xf32>,
    %gather3A_2494 = tpu.vector_load_idx %arg14[%broadcast_in_dim3A_2429, %add3A_2492, %gather3A_2453] : memref<8x128x16xf32, #tpu.memory_space<vmem>>[vector<16xi32>, vector<16xi32>, vector<16xi32>], vector<16xf32>,
    %get3A_2495 = arith.constant 6 : i32
    %get3A_2496 = arith.index_cast %get3A_2495 : i32 to index
    %get3A_2497 = arith.constant 0 : index
    %get3A_2498 = tpu.vector_load %arg15[%get3A_2496, %get3A_2497] {strides = array<i32>} : memref<16x64xf32, #tpu.memory_space<vmem>>, vector<16xf32>,
    %mul3A_2499 = arith.mulf %gather3A_2489, %gather3A_2493 : vector<16xf32>
    %mul3A_2500 = arith.mulf %gather3A_2477, %gather3A_2494 : vector<16xf32>
    %sub3A_2501 = arith.subf %mul3A_2499, %mul3A_2500 : vector<16xf32>
    %mul3A_2502 = arith.mulf %gather3A_2465, %get3A_2498 : vector<16xf32>
    %sub3A_2503 = arith.subf %sub3A_2501, %mul3A_2502 : vector<16xf32>
    %mul3A_2504 = arith.mulf %sub3A_2503, %sub3A_2503 : vector<16xf32>
    %add3A_2505 = arith.addf %add3A_2403, %mul3A_2504 : vector<16xf32>
    %add3A_2506 = arith.constant 16 : i32
    %add3A_2507 = vector.broadcast %add3A_2506 : i32 to vector<16xi32>
    %add3A_2508 = arith.addi %iota3A, %add3A_2507 : vector<16xi32>
    %gather3A_2509 = tpu.vector_load_idx %arg13[%broadcast_in_dim3A_2429, %add3A_2508, %gather3A_2441] : memref<8x128x16xf32, #tpu.memory_space<vmem>>[vector<16xi32>, vector<16xi32>, vector<16xi32>], vector<16xf32>,
    %gather3A_2510 = tpu.vector_load_idx %arg14[%broadcast_in_dim3A_2429, %add3A_2508, %gather3A_2453] : memref<8x128x16xf32, #tpu.memory_space<vmem>>[vector<16xi32>, vector<16xi32>, vector<16xi32>], vector<16xf32>,
    %get3A_2511 = arith.constant 6 : i32
    %get3A_2512 = arith.index_cast %get3A_2511 : i32 to index
    %get3A_2513 = arith.constant 16 : index
    %get3A_2514 = tpu.vector_load %arg15[%get3A_2512, %get3A_2513] {strides = array<i32>} : memref<16x64xf32, #tpu.memory_space<vmem>>, vector<16xf32>,
    %mul3A_2515 = arith.mulf %gather3A_2489, %gather3A_2509 : vector<16xf32>
    %mul3A_2516 = arith.mulf %gather3A_2477, %gather3A_2510 : vector<16xf32>
    %sub3A_2517 = arith.subf %mul3A_2515, %mul3A_2516 : vector<16xf32>
    %mul3A_2518 = arith.mulf %gather3A_2465, %get3A_2514 : vector<16xf32>
    %sub3A_2519 = arith.subf %sub3A_2517, %mul3A_2518 : vector<16xf32>
    %mul3A_2520 = arith.mulf %sub3A_2519, %sub3A_2519 : vector<16xf32>
    %add3A_2521 = arith.addf %add3A_2505, %mul3A_2520 : vector<16xf32>
    %add3A_2522 = arith.constant 32 : i32
    %add3A_2523 = vector.broadcast %add3A_2522 : i32 to vector<16xi32>
    %add3A_2524 = arith.addi %iota3A, %add3A_2523 : vector<16xi32>
    %gather3A_2525 = tpu.vector_load_idx %arg13[%broadcast_in_dim3A_2429, %add3A_2524, %gather3A_2441] : memref<8x128x16xf32, #tpu.memory_space<vmem>>[vector<16xi32>, vector<16xi32>, vector<16xi32>], vector<16xf32>,
    %gather3A_2526 = tpu.vector_load_idx %arg14[%broadcast_in_dim3A_2429, %add3A_2524, %gather3A_2453] : memref<8x128x16xf32, #tpu.memory_space<vmem>>[vector<16xi32>, vector<16xi32>, vector<16xi32>], vector<16xf32>,
    %get3A_2527 = arith.constant 6 : i32
    %get3A_2528 = arith.index_cast %get3A_2527 : i32 to index
    %get3A_2529 = arith.constant 32 : index
    %get3A_2530 = tpu.vector_load %arg15[%get3A_2528, %get3A_2529] {strides = array<i32>} : memref<16x64xf32, #tpu.memory_space<vmem>>, vector<16xf32>,
    %mul3A_2531 = arith.mulf %gather3A_2489, %gather3A_2525 : vector<16xf32>
    %mul3A_2532 = arith.mulf %gather3A_2477, %gather3A_2526 : vector<16xf32>
    %sub3A_2533 = arith.subf %mul3A_2531, %mul3A_2532 : vector<16xf32>
    %mul3A_2534 = arith.mulf %gather3A_2465, %get3A_2530 : vector<16xf32>
    %sub3A_2535 = arith.subf %sub3A_2533, %mul3A_2534 : vector<16xf32>
    %mul3A_2536 = arith.mulf %sub3A_2535, %sub3A_2535 : vector<16xf32>
    %add3A_2537 = arith.addf %add3A_2521, %mul3A_2536 : vector<16xf32>
    %add3A_2538 = arith.constant 48 : i32
    %add3A_2539 = vector.broadcast %add3A_2538 : i32 to vector<16xi32>
    %add3A_2540 = arith.addi %iota3A, %add3A_2539 : vector<16xi32>
    %gather3A_2541 = tpu.vector_load_idx %arg13[%broadcast_in_dim3A_2429, %add3A_2540, %gather3A_2441] : memref<8x128x16xf32, #tpu.memory_space<vmem>>[vector<16xi32>, vector<16xi32>, vector<16xi32>], vector<16xf32>,
    %gather3A_2542 = tpu.vector_load_idx %arg14[%broadcast_in_dim3A_2429, %add3A_2540, %gather3A_2453] : memref<8x128x16xf32, #tpu.memory_space<vmem>>[vector<16xi32>, vector<16xi32>, vector<16xi32>], vector<16xf32>,
    %get3A_2543 = arith.constant 6 : i32
    %get3A_2544 = arith.index_cast %get3A_2543 : i32 to index
    %get3A_2545 = arith.constant 48 : index
    %get3A_2546 = tpu.vector_load %arg15[%get3A_2544, %get3A_2545] {strides = array<i32>} : memref<16x64xf32, #tpu.memory_space<vmem>>, vector<16xf32>,
    %mul3A_2547 = arith.mulf %gather3A_2489, %gather3A_2541 : vector<16xf32>
    %mul3A_2548 = arith.mulf %gather3A_2477, %gather3A_2542 : vector<16xf32>
    %sub3A_2549 = arith.subf %mul3A_2547, %mul3A_2548 : vector<16xf32>
    %mul3A_2550 = arith.mulf %gather3A_2465, %get3A_2546 : vector<16xf32>
    %sub3A_2551 = arith.subf %sub3A_2549, %mul3A_2550 : vector<16xf32>
    %mul3A_2552 = arith.mulf %sub3A_2551, %sub3A_2551 : vector<16xf32>
    %add3A_2553 = arith.addf %add3A_2537, %mul3A_2552 : vector<16xf32>
    %broadcast_in_dim3A_2554 = arith.constant 7 : i32
    %broadcast_in_dim3A_2555 = vector.broadcast %broadcast_in_dim3A_2554 : i32 to vector<16xi32>
    %lt3A_2556 = arith.constant 0 : i32
    %lt3A_2557 = vector.broadcast %lt3A_2556 : i32 to vector<16xi32>
    %lt3A_2558 = arith.cmpi slt, %broadcast_in_dim3A_2555, %lt3A_2557 : vector<16xi32>
    %add3A_2559 = arith.constant 16 : i32
    %add3A_2560 = vector.broadcast %add3A_2559 : i32 to vector<16xi32>
    %add3A_2561 = arith.addi %broadcast_in_dim3A_2555, %add3A_2560 : vector<16xi32>
    %select_n3A_2562 = arith.select %lt3A_2558, %add3A_2561, %broadcast_in_dim3A_2555 : vector<16xi1>, vector<16xi32>
    %broadcast_in_dim3A_2563 = vector.shape_cast %select_n3A_2562 : vector<16xi32> to vector<16x1xi32>
    %gather3A_2564 = vector.shape_cast %broadcast_in_dim3A_2563 : vector<16x1xi32> to vector<16xi32>
    %gather3A_2565 = tpu.dynamic_gather %rem3A_72[%gather3A_2564] in [0] : vector<16xi32>, vector<16xi32> -> vector<16xi32>
    %broadcast_in_dim3A_2566 = arith.constant 7 : i32
    %broadcast_in_dim3A_2567 = vector.broadcast %broadcast_in_dim3A_2566 : i32 to vector<16xi32>
    %lt3A_2568 = arith.constant 0 : i32
    %lt3A_2569 = vector.broadcast %lt3A_2568 : i32 to vector<16xi32>
    %lt3A_2570 = arith.cmpi slt, %broadcast_in_dim3A_2567, %lt3A_2569 : vector<16xi32>
    %add3A_2571 = arith.constant 16 : i32
    %add3A_2572 = vector.broadcast %add3A_2571 : i32 to vector<16xi32>
    %add3A_2573 = arith.addi %broadcast_in_dim3A_2567, %add3A_2572 : vector<16xi32>
    %select_n3A_2574 = arith.select %lt3A_2570, %add3A_2573, %broadcast_in_dim3A_2567 : vector<16xi1>, vector<16xi32>
    %broadcast_in_dim3A_2575 = vector.shape_cast %select_n3A_2574 : vector<16xi32> to vector<16x1xi32>
    %gather3A_2576 = vector.shape_cast %broadcast_in_dim3A_2575 : vector<16x1xi32> to vector<16xi32>
    %gather3A_2577 = tpu.dynamic_gather %rem3A_75[%gather3A_2576] in [0] : vector<16xi32>, vector<16xi32> -> vector<16xi32>
    %broadcast_in_dim3A_2578 = arith.constant 7 : i32
    %broadcast_in_dim3A_2579 = vector.broadcast %broadcast_in_dim3A_2578 : i32 to vector<16xi32>
    %lt3A_2580 = arith.constant 0 : i32
    %lt3A_2581 = vector.broadcast %lt3A_2580 : i32 to vector<16xi32>
    %lt3A_2582 = arith.cmpi slt, %broadcast_in_dim3A_2579, %lt3A_2581 : vector<16xi32>
    %add3A_2583 = arith.constant 16 : i32
    %add3A_2584 = vector.broadcast %add3A_2583 : i32 to vector<16xi32>
    %add3A_2585 = arith.addi %broadcast_in_dim3A_2579, %add3A_2584 : vector<16xi32>
    %select_n3A_2586 = arith.select %lt3A_2582, %add3A_2585, %broadcast_in_dim3A_2579 : vector<16xi1>, vector<16xi32>
    %broadcast_in_dim3A_2587 = vector.shape_cast %select_n3A_2586 : vector<16xi32> to vector<16x1xi32>
    %gather3A_2588 = vector.shape_cast %broadcast_in_dim3A_2587 : vector<16x1xi32> to vector<16xi32>
    %gather3A_2589 = tpu.dynamic_gather %select_n3A[%gather3A_2588] in [0] : vector<16xf32>, vector<16xi32> -> vector<16xf32>
    %broadcast_in_dim3A_2590 = arith.constant 7 : i32
    %broadcast_in_dim3A_2591 = vector.broadcast %broadcast_in_dim3A_2590 : i32 to vector<16xi32>
    %lt3A_2592 = arith.constant 0 : i32
    %lt3A_2593 = vector.broadcast %lt3A_2592 : i32 to vector<16xi32>
    %lt3A_2594 = arith.cmpi slt, %broadcast_in_dim3A_2591, %lt3A_2593 : vector<16xi32>
    %add3A_2595 = arith.constant 16 : i32
    %add3A_2596 = vector.broadcast %add3A_2595 : i32 to vector<16xi32>
    %add3A_2597 = arith.addi %broadcast_in_dim3A_2591, %add3A_2596 : vector<16xi32>
    %select_n3A_2598 = arith.select %lt3A_2594, %add3A_2597, %broadcast_in_dim3A_2591 : vector<16xi1>, vector<16xi32>
    %broadcast_in_dim3A_2599 = vector.shape_cast %select_n3A_2598 : vector<16xi32> to vector<16x1xi32>
    %gather3A_2600 = vector.shape_cast %broadcast_in_dim3A_2599 : vector<16x1xi32> to vector<16xi32>
    %gather3A_2601 = tpu.dynamic_gather %select_n3A_87[%gather3A_2600] in [0] : vector<16xf32>, vector<16xi32> -> vector<16xf32>
    %broadcast_in_dim3A_2602 = arith.constant 7 : i32
    %broadcast_in_dim3A_2603 = vector.broadcast %broadcast_in_dim3A_2602 : i32 to vector<16xi32>
    %lt3A_2604 = arith.constant 0 : i32
    %lt3A_2605 = vector.broadcast %lt3A_2604 : i32 to vector<16xi32>
    %lt3A_2606 = arith.cmpi slt, %broadcast_in_dim3A_2603, %lt3A_2605 : vector<16xi32>
    %add3A_2607 = arith.constant 16 : i32
    %add3A_2608 = vector.broadcast %add3A_2607 : i32 to vector<16xi32>
    %add3A_2609 = arith.addi %broadcast_in_dim3A_2603, %add3A_2608 : vector<16xi32>
    %select_n3A_2610 = arith.select %lt3A_2606, %add3A_2609, %broadcast_in_dim3A_2603 : vector<16xi1>, vector<16xi32>
    %broadcast_in_dim3A_2611 = vector.shape_cast %select_n3A_2610 : vector<16xi32> to vector<16x1xi32>
    %gather3A_2612 = vector.shape_cast %broadcast_in_dim3A_2611 : vector<16x1xi32> to vector<16xi32>
    %gather3A_2613 = tpu.dynamic_gather %select_n3A_94[%gather3A_2612] in [0] : vector<16xf32>, vector<16xi32> -> vector<16xf32>
    %add3A_2614 = arith.constant 64 : i32
    %add3A_2615 = vector.broadcast %add3A_2614 : i32 to vector<16xi32>
    %add3A_2616 = arith.addi %iota3A, %add3A_2615 : vector<16xi32>
    %gather3A_2617 = tpu.vector_load_idx %arg13[%broadcast_in_dim3A_2429, %add3A_2616, %gather3A_2565] : memref<8x128x16xf32, #tpu.memory_space<vmem>>[vector<16xi32>, vector<16xi32>, vector<16xi32>], vector<16xf32>,
    %gather3A_2618 = tpu.vector_load_idx %arg14[%broadcast_in_dim3A_2429, %add3A_2616, %gather3A_2577] : memref<8x128x16xf32, #tpu.memory_space<vmem>>[vector<16xi32>, vector<16xi32>, vector<16xi32>], vector<16xf32>,
    %get3A_2619 = arith.constant 7 : i32
    %get3A_2620 = arith.index_cast %get3A_2619 : i32 to index
    %get3A_2621 = arith.constant 0 : index
    %get3A_2622 = tpu.vector_load %arg15[%get3A_2620, %get3A_2621] {strides = array<i32>} : memref<16x64xf32, #tpu.memory_space<vmem>>, vector<16xf32>,
    %mul3A_2623 = arith.mulf %gather3A_2613, %gather3A_2617 : vector<16xf32>
    %mul3A_2624 = arith.mulf %gather3A_2601, %gather3A_2618 : vector<16xf32>
    %sub3A_2625 = arith.subf %mul3A_2623, %mul3A_2624 : vector<16xf32>
    %mul3A_2626 = arith.mulf %gather3A_2589, %get3A_2622 : vector<16xf32>
    %sub3A_2627 = arith.subf %sub3A_2625, %mul3A_2626 : vector<16xf32>
    %mul3A_2628 = arith.mulf %sub3A_2627, %sub3A_2627 : vector<16xf32>
    %add3A_2629 = arith.addf %add3A_2553, %mul3A_2628 : vector<16xf32>
    %add3A_2630 = arith.constant 80 : i32
    %add3A_2631 = vector.broadcast %add3A_2630 : i32 to vector<16xi32>
    %add3A_2632 = arith.addi %iota3A, %add3A_2631 : vector<16xi32>
    %gather3A_2633 = tpu.vector_load_idx %arg13[%broadcast_in_dim3A_2429, %add3A_2632, %gather3A_2565] : memref<8x128x16xf32, #tpu.memory_space<vmem>>[vector<16xi32>, vector<16xi32>, vector<16xi32>], vector<16xf32>,
    %gather3A_2634 = tpu.vector_load_idx %arg14[%broadcast_in_dim3A_2429, %add3A_2632, %gather3A_2577] : memref<8x128x16xf32, #tpu.memory_space<vmem>>[vector<16xi32>, vector<16xi32>, vector<16xi32>], vector<16xf32>,
    %get3A_2635 = arith.constant 7 : i32
    %get3A_2636 = arith.index_cast %get3A_2635 : i32 to index
    %get3A_2637 = arith.constant 16 : index
    %get3A_2638 = tpu.vector_load %arg15[%get3A_2636, %get3A_2637] {strides = array<i32>} : memref<16x64xf32, #tpu.memory_space<vmem>>, vector<16xf32>,
    %mul3A_2639 = arith.mulf %gather3A_2613, %gather3A_2633 : vector<16xf32>
    %mul3A_2640 = arith.mulf %gather3A_2601, %gather3A_2634 : vector<16xf32>
    %sub3A_2641 = arith.subf %mul3A_2639, %mul3A_2640 : vector<16xf32>
    %mul3A_2642 = arith.mulf %gather3A_2589, %get3A_2638 : vector<16xf32>
    %sub3A_2643 = arith.subf %sub3A_2641, %mul3A_2642 : vector<16xf32>
    %mul3A_2644 = arith.mulf %sub3A_2643, %sub3A_2643 : vector<16xf32>
    %add3A_2645 = arith.addf %add3A_2629, %mul3A_2644 : vector<16xf32>
    %add3A_2646 = arith.constant 96 : i32
    %add3A_2647 = vector.broadcast %add3A_2646 : i32 to vector<16xi32>
    %add3A_2648 = arith.addi %iota3A, %add3A_2647 : vector<16xi32>
    %gather3A_2649 = tpu.vector_load_idx %arg13[%broadcast_in_dim3A_2429, %add3A_2648, %gather3A_2565] : memref<8x128x16xf32, #tpu.memory_space<vmem>>[vector<16xi32>, vector<16xi32>, vector<16xi32>], vector<16xf32>,
    %gather3A_2650 = tpu.vector_load_idx %arg14[%broadcast_in_dim3A_2429, %add3A_2648, %gather3A_2577] : memref<8x128x16xf32, #tpu.memory_space<vmem>>[vector<16xi32>, vector<16xi32>, vector<16xi32>], vector<16xf32>,
    %get3A_2651 = arith.constant 7 : i32
    %get3A_2652 = arith.index_cast %get3A_2651 : i32 to index
    %get3A_2653 = arith.constant 32 : index
    %get3A_2654 = tpu.vector_load %arg15[%get3A_2652, %get3A_2653] {strides = array<i32>} : memref<16x64xf32, #tpu.memory_space<vmem>>, vector<16xf32>,
    %mul3A_2655 = arith.mulf %gather3A_2613, %gather3A_2649 : vector<16xf32>
    %mul3A_2656 = arith.mulf %gather3A_2601, %gather3A_2650 : vector<16xf32>
    %sub3A_2657 = arith.subf %mul3A_2655, %mul3A_2656 : vector<16xf32>
    %mul3A_2658 = arith.mulf %gather3A_2589, %get3A_2654 : vector<16xf32>
    %sub3A_2659 = arith.subf %sub3A_2657, %mul3A_2658 : vector<16xf32>
    %mul3A_2660 = arith.mulf %sub3A_2659, %sub3A_2659 : vector<16xf32>
    %add3A_2661 = arith.addf %add3A_2645, %mul3A_2660 : vector<16xf32>
    %add3A_2662 = arith.constant 112 : i32
    %add3A_2663 = vector.broadcast %add3A_2662 : i32 to vector<16xi32>
    %add3A_2664 = arith.addi %iota3A, %add3A_2663 : vector<16xi32>
    %gather3A_2665 = tpu.vector_load_idx %arg13[%broadcast_in_dim3A_2429, %add3A_2664, %gather3A_2565] : memref<8x128x16xf32, #tpu.memory_space<vmem>>[vector<16xi32>, vector<16xi32>, vector<16xi32>], vector<16xf32>,
    %gather3A_2666 = tpu.vector_load_idx %arg14[%broadcast_in_dim3A_2429, %add3A_2664, %gather3A_2577] : memref<8x128x16xf32, #tpu.memory_space<vmem>>[vector<16xi32>, vector<16xi32>, vector<16xi32>], vector<16xf32>,
    %get3A_2667 = arith.constant 7 : i32
    %get3A_2668 = arith.index_cast %get3A_2667 : i32 to index
    %get3A_2669 = arith.constant 48 : index
    %get3A_2670 = tpu.vector_load %arg15[%get3A_2668, %get3A_2669] {strides = array<i32>} : memref<16x64xf32, #tpu.memory_space<vmem>>, vector<16xf32>,
    %mul3A_2671 = arith.mulf %gather3A_2613, %gather3A_2665 : vector<16xf32>
    %mul3A_2672 = arith.mulf %gather3A_2601, %gather3A_2666 : vector<16xf32>
    %sub3A_2673 = arith.subf %mul3A_2671, %mul3A_2672 : vector<16xf32>
    %mul3A_2674 = arith.mulf %gather3A_2589, %get3A_2670 : vector<16xf32>
    %sub3A_2675 = arith.subf %sub3A_2673, %mul3A_2674 : vector<16xf32>
    %mul3A_2676 = arith.mulf %sub3A_2675, %sub3A_2675 : vector<16xf32>
    %add3A_2677 = arith.addf %add3A_2661, %mul3A_2676 : vector<16xf32>
    %dma_wait3A_2678 = arith.constant 4 : i32
    %dma_wait3A_2679 = arith.constant 4 : i32
    %dma_wait3A_2680 = arith.constant 0 : i32
    %dma_wait3A_2681 = arith.constant 0 : i32
    %dma_wait3A_2682 = tpu.memref_slice %arg13[%dma_wait3A_2679, %dma_wait3A_2680, %dma_wait3A_2681] : memref<8x128x16xf32, #tpu.memory_space<vmem>> -> memref<1x128x16xf32, #tpu.memory_space<vmem>>
    %dma_wait3A_2683 = tpu.memref_squeeze %dma_wait3A_2682 : memref<1x128x16xf32, #tpu.memory_space<vmem>> -> memref<128x16xf32, #tpu.memory_space<vmem>>
    %dma_wait3A_2684 = arith.constant 0 : i32
    %dma_wait3A_2685 = tpu.memref_slice %arg11[%dma_wait3A_2678, %dma_wait3A_2684] : memref<8x128xi32, #tpu.memory_space<vmem>> -> memref<1x128xi32, #tpu.memory_space<vmem>>
    %dma_wait3A_2686 = tpu.memref_squeeze %dma_wait3A_2685 : memref<1x128xi32, #tpu.memory_space<vmem>> -> memref<128xi32, #tpu.memory_space<vmem>>
    %dma_wait3A_2687 = arith.constant 0 : i32
    %dma_wait3A_2688 = arith.constant 0 : i32
    %dma_wait3A_2689 = tpu.memref_slice %arg2[%dma_wait3A_2687, %dma_wait3A_2688] : memref<1048576x16xf32, #tpu.memory_space<hbm>> -> memref<1048576x16xf32, #tpu.memory_space<hbm>>
    tpu.wait_indirect_dma semaphore(%arg23 : memref<!tpu.dma_semaphore, #tpu.memory_space<semaphore_mem>>) src(%dma_wait3A_2689 : memref<1048576x16xf32, #tpu.memory_space<hbm>>) dst(%dma_wait3A_2683 : memref<128x16xf32, #tpu.memory_space<vmem>>)
    %dma_wait3A_2690 = arith.constant 4 : i32
    %dma_wait3A_2691 = arith.constant 4 : i32
    %dma_wait3A_2692 = arith.constant 0 : i32
    %dma_wait3A_2693 = arith.constant 0 : i32
    %dma_wait3A_2694 = tpu.memref_slice %arg14[%dma_wait3A_2691, %dma_wait3A_2692, %dma_wait3A_2693] : memref<8x128x16xf32, #tpu.memory_space<vmem>> -> memref<1x128x16xf32, #tpu.memory_space<vmem>>
    %dma_wait3A_2695 = tpu.memref_squeeze %dma_wait3A_2694 : memref<1x128x16xf32, #tpu.memory_space<vmem>> -> memref<128x16xf32, #tpu.memory_space<vmem>>
    %dma_wait3A_2696 = arith.constant 0 : i32
    %dma_wait3A_2697 = tpu.memref_slice %arg12[%dma_wait3A_2690, %dma_wait3A_2696] : memref<8x128xi32, #tpu.memory_space<vmem>> -> memref<1x128xi32, #tpu.memory_space<vmem>>
    %dma_wait3A_2698 = tpu.memref_squeeze %dma_wait3A_2697 : memref<1x128xi32, #tpu.memory_space<vmem>> -> memref<128xi32, #tpu.memory_space<vmem>>
    %dma_wait3A_2699 = arith.constant 0 : i32
    %dma_wait3A_2700 = arith.constant 0 : i32
    %dma_wait3A_2701 = tpu.memref_slice %arg3[%dma_wait3A_2699, %dma_wait3A_2700] : memref<1048576x16xf32, #tpu.memory_space<hbm>> -> memref<1048576x16xf32, #tpu.memory_space<hbm>>
    tpu.wait_indirect_dma semaphore(%arg23 : memref<!tpu.dma_semaphore, #tpu.memory_space<semaphore_mem>>) src(%dma_wait3A_2701 : memref<1048576x16xf32, #tpu.memory_space<hbm>>) dst(%dma_wait3A_2695 : memref<128x16xf32, #tpu.memory_space<vmem>>)
    %broadcast_in_dim3A_2702 = arith.constant 4 : i32
    %broadcast_in_dim3A_2703 = vector.broadcast %broadcast_in_dim3A_2702 : i32 to vector<16xi32>
    %broadcast_in_dim3A_2704 = arith.constant 8 : i32
    %broadcast_in_dim3A_2705 = vector.broadcast %broadcast_in_dim3A_2704 : i32 to vector<16xi32>
    %lt3A_2706 = arith.constant 0 : i32
    %lt3A_2707 = vector.broadcast %lt3A_2706 : i32 to vector<16xi32>
    %lt3A_2708 = arith.cmpi slt, %broadcast_in_dim3A_2705, %lt3A_2707 : vector<16xi32>
    %add3A_2709 = arith.constant 16 : i32
    %add3A_2710 = vector.broadcast %add3A_2709 : i32 to vector<16xi32>
    %add3A_2711 = arith.addi %broadcast_in_dim3A_2705, %add3A_2710 : vector<16xi32>
    %select_n3A_2712 = arith.select %lt3A_2708, %add3A_2711, %broadcast_in_dim3A_2705 : vector<16xi1>, vector<16xi32>
    %broadcast_in_dim3A_2713 = vector.shape_cast %select_n3A_2712 : vector<16xi32> to vector<16x1xi32>
    %gather3A_2714 = vector.shape_cast %broadcast_in_dim3A_2713 : vector<16x1xi32> to vector<16xi32>
    %gather3A_2715 = tpu.dynamic_gather %rem3A_72[%gather3A_2714] in [0] : vector<16xi32>, vector<16xi32> -> vector<16xi32>
    %broadcast_in_dim3A_2716 = arith.constant 8 : i32
    %broadcast_in_dim3A_2717 = vector.broadcast %broadcast_in_dim3A_2716 : i32 to vector<16xi32>
    %lt3A_2718 = arith.constant 0 : i32
    %lt3A_2719 = vector.broadcast %lt3A_2718 : i32 to vector<16xi32>
    %lt3A_2720 = arith.cmpi slt, %broadcast_in_dim3A_2717, %lt3A_2719 : vector<16xi32>
    %add3A_2721 = arith.constant 16 : i32
    %add3A_2722 = vector.broadcast %add3A_2721 : i32 to vector<16xi32>
    %add3A_2723 = arith.addi %broadcast_in_dim3A_2717, %add3A_2722 : vector<16xi32>
    %select_n3A_2724 = arith.select %lt3A_2720, %add3A_2723, %broadcast_in_dim3A_2717 : vector<16xi1>, vector<16xi32>
    %broadcast_in_dim3A_2725 = vector.shape_cast %select_n3A_2724 : vector<16xi32> to vector<16x1xi32>
    %gather3A_2726 = vector.shape_cast %broadcast_in_dim3A_2725 : vector<16x1xi32> to vector<16xi32>
    %gather3A_2727 = tpu.dynamic_gather %rem3A_75[%gather3A_2726] in [0] : vector<16xi32>, vector<16xi32> -> vector<16xi32>
    %broadcast_in_dim3A_2728 = arith.constant 8 : i32
    %broadcast_in_dim3A_2729 = vector.broadcast %broadcast_in_dim3A_2728 : i32 to vector<16xi32>
    %lt3A_2730 = arith.constant 0 : i32
    %lt3A_2731 = vector.broadcast %lt3A_2730 : i32 to vector<16xi32>
    %lt3A_2732 = arith.cmpi slt, %broadcast_in_dim3A_2729, %lt3A_2731 : vector<16xi32>
    %add3A_2733 = arith.constant 16 : i32
    %add3A_2734 = vector.broadcast %add3A_2733 : i32 to vector<16xi32>
    %add3A_2735 = arith.addi %broadcast_in_dim3A_2729, %add3A_2734 : vector<16xi32>
    %select_n3A_2736 = arith.select %lt3A_2732, %add3A_2735, %broadcast_in_dim3A_2729 : vector<16xi1>, vector<16xi32>
    %broadcast_in_dim3A_2737 = vector.shape_cast %select_n3A_2736 : vector<16xi32> to vector<16x1xi32>
    %gather3A_2738 = vector.shape_cast %broadcast_in_dim3A_2737 : vector<16x1xi32> to vector<16xi32>
    %gather3A_2739 = tpu.dynamic_gather %select_n3A[%gather3A_2738] in [0] : vector<16xf32>, vector<16xi32> -> vector<16xf32>
    %broadcast_in_dim3A_2740 = arith.constant 8 : i32
    %broadcast_in_dim3A_2741 = vector.broadcast %broadcast_in_dim3A_2740 : i32 to vector<16xi32>
    %lt3A_2742 = arith.constant 0 : i32
    %lt3A_2743 = vector.broadcast %lt3A_2742 : i32 to vector<16xi32>
    %lt3A_2744 = arith.cmpi slt, %broadcast_in_dim3A_2741, %lt3A_2743 : vector<16xi32>
    %add3A_2745 = arith.constant 16 : i32
    %add3A_2746 = vector.broadcast %add3A_2745 : i32 to vector<16xi32>
    %add3A_2747 = arith.addi %broadcast_in_dim3A_2741, %add3A_2746 : vector<16xi32>
    %select_n3A_2748 = arith.select %lt3A_2744, %add3A_2747, %broadcast_in_dim3A_2741 : vector<16xi1>, vector<16xi32>
    %broadcast_in_dim3A_2749 = vector.shape_cast %select_n3A_2748 : vector<16xi32> to vector<16x1xi32>
    %gather3A_2750 = vector.shape_cast %broadcast_in_dim3A_2749 : vector<16x1xi32> to vector<16xi32>
    %gather3A_2751 = tpu.dynamic_gather %select_n3A_87[%gather3A_2750] in [0] : vector<16xf32>, vector<16xi32> -> vector<16xf32>
    %broadcast_in_dim3A_2752 = arith.constant 8 : i32
    %broadcast_in_dim3A_2753 = vector.broadcast %broadcast_in_dim3A_2752 : i32 to vector<16xi32>
    %lt3A_2754 = arith.constant 0 : i32
    %lt3A_2755 = vector.broadcast %lt3A_2754 : i32 to vector<16xi32>
    %lt3A_2756 = arith.cmpi slt, %broadcast_in_dim3A_2753, %lt3A_2755 : vector<16xi32>
    %add3A_2757 = arith.constant 16 : i32
    %add3A_2758 = vector.broadcast %add3A_2757 : i32 to vector<16xi32>
    %add3A_2759 = arith.addi %broadcast_in_dim3A_2753, %add3A_2758 : vector<16xi32>
    %select_n3A_2760 = arith.select %lt3A_2756, %add3A_2759, %broadcast_in_dim3A_2753 : vector<16xi1>, vector<16xi32>
    %broadcast_in_dim3A_2761 = vector.shape_cast %select_n3A_2760 : vector<16xi32> to vector<16x1xi32>
    %gather3A_2762 = vector.shape_cast %broadcast_in_dim3A_2761 : vector<16x1xi32> to vector<16xi32>
    %gather3A_2763 = tpu.dynamic_gather %select_n3A_94[%gather3A_2762] in [0] : vector<16xf32>, vector<16xi32> -> vector<16xf32>
    %add3A_2764 = arith.constant 0 : i32
    %add3A_2765 = vector.broadcast %add3A_2764 : i32 to vector<16xi32>
    %add3A_2766 = arith.addi %iota3A, %add3A_2765 : vector<16xi32>
    %gather3A_2767 = tpu.vector_load_idx %arg13[%broadcast_in_dim3A_2703, %add3A_2766, %gather3A_2715] : memref<8x128x16xf32, #tpu.memory_space<vmem>>[vector<16xi32>, vector<16xi32>, vector<16xi32>], vector<16xf32>,
    %gather3A_2768 = tpu.vector_load_idx %arg14[%broadcast_in_dim3A_2703, %add3A_2766, %gather3A_2727] : memref<8x128x16xf32, #tpu.memory_space<vmem>>[vector<16xi32>, vector<16xi32>, vector<16xi32>], vector<16xf32>,
    %get3A_2769 = arith.constant 8 : i32
    %get3A_2770 = arith.index_cast %get3A_2769 : i32 to index
    %get3A_2771 = arith.constant 0 : index
    %get3A_2772 = tpu.vector_load %arg15[%get3A_2770, %get3A_2771] {strides = array<i32>} : memref<16x64xf32, #tpu.memory_space<vmem>>, vector<16xf32>,
    %mul3A_2773 = arith.mulf %gather3A_2763, %gather3A_2767 : vector<16xf32>
    %mul3A_2774 = arith.mulf %gather3A_2751, %gather3A_2768 : vector<16xf32>
    %sub3A_2775 = arith.subf %mul3A_2773, %mul3A_2774 : vector<16xf32>
    %mul3A_2776 = arith.mulf %gather3A_2739, %get3A_2772 : vector<16xf32>
    %sub3A_2777 = arith.subf %sub3A_2775, %mul3A_2776 : vector<16xf32>
    %mul3A_2778 = arith.mulf %sub3A_2777, %sub3A_2777 : vector<16xf32>
    %add3A_2779 = arith.addf %add3A_2677, %mul3A_2778 : vector<16xf32>
    %add3A_2780 = arith.constant 16 : i32
    %add3A_2781 = vector.broadcast %add3A_2780 : i32 to vector<16xi32>
    %add3A_2782 = arith.addi %iota3A, %add3A_2781 : vector<16xi32>
    %gather3A_2783 = tpu.vector_load_idx %arg13[%broadcast_in_dim3A_2703, %add3A_2782, %gather3A_2715] : memref<8x128x16xf32, #tpu.memory_space<vmem>>[vector<16xi32>, vector<16xi32>, vector<16xi32>], vector<16xf32>,
    %gather3A_2784 = tpu.vector_load_idx %arg14[%broadcast_in_dim3A_2703, %add3A_2782, %gather3A_2727] : memref<8x128x16xf32, #tpu.memory_space<vmem>>[vector<16xi32>, vector<16xi32>, vector<16xi32>], vector<16xf32>,
    %get3A_2785 = arith.constant 8 : i32
    %get3A_2786 = arith.index_cast %get3A_2785 : i32 to index
    %get3A_2787 = arith.constant 16 : index
    %get3A_2788 = tpu.vector_load %arg15[%get3A_2786, %get3A_2787] {strides = array<i32>} : memref<16x64xf32, #tpu.memory_space<vmem>>, vector<16xf32>,
    %mul3A_2789 = arith.mulf %gather3A_2763, %gather3A_2783 : vector<16xf32>
    %mul3A_2790 = arith.mulf %gather3A_2751, %gather3A_2784 : vector<16xf32>
    %sub3A_2791 = arith.subf %mul3A_2789, %mul3A_2790 : vector<16xf32>
    %mul3A_2792 = arith.mulf %gather3A_2739, %get3A_2788 : vector<16xf32>
    %sub3A_2793 = arith.subf %sub3A_2791, %mul3A_2792 : vector<16xf32>
    %mul3A_2794 = arith.mulf %sub3A_2793, %sub3A_2793 : vector<16xf32>
    %add3A_2795 = arith.addf %add3A_2779, %mul3A_2794 : vector<16xf32>
    %add3A_2796 = arith.constant 32 : i32
    %add3A_2797 = vector.broadcast %add3A_2796 : i32 to vector<16xi32>
    %add3A_2798 = arith.addi %iota3A, %add3A_2797 : vector<16xi32>
    %gather3A_2799 = tpu.vector_load_idx %arg13[%broadcast_in_dim3A_2703, %add3A_2798, %gather3A_2715] : memref<8x128x16xf32, #tpu.memory_space<vmem>>[vector<16xi32>, vector<16xi32>, vector<16xi32>], vector<16xf32>,
    %gather3A_2800 = tpu.vector_load_idx %arg14[%broadcast_in_dim3A_2703, %add3A_2798, %gather3A_2727] : memref<8x128x16xf32, #tpu.memory_space<vmem>>[vector<16xi32>, vector<16xi32>, vector<16xi32>], vector<16xf32>,
    %get3A_2801 = arith.constant 8 : i32
    %get3A_2802 = arith.index_cast %get3A_2801 : i32 to index
    %get3A_2803 = arith.constant 32 : index
    %get3A_2804 = tpu.vector_load %arg15[%get3A_2802, %get3A_2803] {strides = array<i32>} : memref<16x64xf32, #tpu.memory_space<vmem>>, vector<16xf32>,
    %mul3A_2805 = arith.mulf %gather3A_2763, %gather3A_2799 : vector<16xf32>
    %mul3A_2806 = arith.mulf %gather3A_2751, %gather3A_2800 : vector<16xf32>
    %sub3A_2807 = arith.subf %mul3A_2805, %mul3A_2806 : vector<16xf32>
    %mul3A_2808 = arith.mulf %gather3A_2739, %get3A_2804 : vector<16xf32>
    %sub3A_2809 = arith.subf %sub3A_2807, %mul3A_2808 : vector<16xf32>
    %mul3A_2810 = arith.mulf %sub3A_2809, %sub3A_2809 : vector<16xf32>
    %add3A_2811 = arith.addf %add3A_2795, %mul3A_2810 : vector<16xf32>
    %add3A_2812 = arith.constant 48 : i32
    %add3A_2813 = vector.broadcast %add3A_2812 : i32 to vector<16xi32>
    %add3A_2814 = arith.addi %iota3A, %add3A_2813 : vector<16xi32>
    %gather3A_2815 = tpu.vector_load_idx %arg13[%broadcast_in_dim3A_2703, %add3A_2814, %gather3A_2715] : memref<8x128x16xf32, #tpu.memory_space<vmem>>[vector<16xi32>, vector<16xi32>, vector<16xi32>], vector<16xf32>,
    %gather3A_2816 = tpu.vector_load_idx %arg14[%broadcast_in_dim3A_2703, %add3A_2814, %gather3A_2727] : memref<8x128x16xf32, #tpu.memory_space<vmem>>[vector<16xi32>, vector<16xi32>, vector<16xi32>], vector<16xf32>,
    %get3A_2817 = arith.constant 8 : i32
    %get3A_2818 = arith.index_cast %get3A_2817 : i32 to index
    %get3A_2819 = arith.constant 48 : index
    %get3A_2820 = tpu.vector_load %arg15[%get3A_2818, %get3A_2819] {strides = array<i32>} : memref<16x64xf32, #tpu.memory_space<vmem>>, vector<16xf32>,
    %mul3A_2821 = arith.mulf %gather3A_2763, %gather3A_2815 : vector<16xf32>
    %mul3A_2822 = arith.mulf %gather3A_2751, %gather3A_2816 : vector<16xf32>
    %sub3A_2823 = arith.subf %mul3A_2821, %mul3A_2822 : vector<16xf32>
    %mul3A_2824 = arith.mulf %gather3A_2739, %get3A_2820 : vector<16xf32>
    %sub3A_2825 = arith.subf %sub3A_2823, %mul3A_2824 : vector<16xf32>
    %mul3A_2826 = arith.mulf %sub3A_2825, %sub3A_2825 : vector<16xf32>
    %add3A_2827 = arith.addf %add3A_2811, %mul3A_2826 : vector<16xf32>
    %broadcast_in_dim3A_2828 = arith.constant 9 : i32
    %broadcast_in_dim3A_2829 = vector.broadcast %broadcast_in_dim3A_2828 : i32 to vector<16xi32>
    %lt3A_2830 = arith.constant 0 : i32
    %lt3A_2831 = vector.broadcast %lt3A_2830 : i32 to vector<16xi32>
    %lt3A_2832 = arith.cmpi slt, %broadcast_in_dim3A_2829, %lt3A_2831 : vector<16xi32>
    %add3A_2833 = arith.constant 16 : i32
    %add3A_2834 = vector.broadcast %add3A_2833 : i32 to vector<16xi32>
    %add3A_2835 = arith.addi %broadcast_in_dim3A_2829, %add3A_2834 : vector<16xi32>
    %select_n3A_2836 = arith.select %lt3A_2832, %add3A_2835, %broadcast_in_dim3A_2829 : vector<16xi1>, vector<16xi32>
    %broadcast_in_dim3A_2837 = vector.shape_cast %select_n3A_2836 : vector<16xi32> to vector<16x1xi32>
    %gather3A_2838 = vector.shape_cast %broadcast_in_dim3A_2837 : vector<16x1xi32> to vector<16xi32>
    %gather3A_2839 = tpu.dynamic_gather %rem3A_72[%gather3A_2838] in [0] : vector<16xi32>, vector<16xi32> -> vector<16xi32>
    %broadcast_in_dim3A_2840 = arith.constant 9 : i32
    %broadcast_in_dim3A_2841 = vector.broadcast %broadcast_in_dim3A_2840 : i32 to vector<16xi32>
    %lt3A_2842 = arith.constant 0 : i32
    %lt3A_2843 = vector.broadcast %lt3A_2842 : i32 to vector<16xi32>
    %lt3A_2844 = arith.cmpi slt, %broadcast_in_dim3A_2841, %lt3A_2843 : vector<16xi32>
    %add3A_2845 = arith.constant 16 : i32
    %add3A_2846 = vector.broadcast %add3A_2845 : i32 to vector<16xi32>
    %add3A_2847 = arith.addi %broadcast_in_dim3A_2841, %add3A_2846 : vector<16xi32>
    %select_n3A_2848 = arith.select %lt3A_2844, %add3A_2847, %broadcast_in_dim3A_2841 : vector<16xi1>, vector<16xi32>
    %broadcast_in_dim3A_2849 = vector.shape_cast %select_n3A_2848 : vector<16xi32> to vector<16x1xi32>
    %gather3A_2850 = vector.shape_cast %broadcast_in_dim3A_2849 : vector<16x1xi32> to vector<16xi32>
    %gather3A_2851 = tpu.dynamic_gather %rem3A_75[%gather3A_2850] in [0] : vector<16xi32>, vector<16xi32> -> vector<16xi32>
    %broadcast_in_dim3A_2852 = arith.constant 9 : i32
    %broadcast_in_dim3A_2853 = vector.broadcast %broadcast_in_dim3A_2852 : i32 to vector<16xi32>
    %lt3A_2854 = arith.constant 0 : i32
    %lt3A_2855 = vector.broadcast %lt3A_2854 : i32 to vector<16xi32>
    %lt3A_2856 = arith.cmpi slt, %broadcast_in_dim3A_2853, %lt3A_2855 : vector<16xi32>
    %add3A_2857 = arith.constant 16 : i32
    %add3A_2858 = vector.broadcast %add3A_2857 : i32 to vector<16xi32>
    %add3A_2859 = arith.addi %broadcast_in_dim3A_2853, %add3A_2858 : vector<16xi32>
    %select_n3A_2860 = arith.select %lt3A_2856, %add3A_2859, %broadcast_in_dim3A_2853 : vector<16xi1>, vector<16xi32>
    %broadcast_in_dim3A_2861 = vector.shape_cast %select_n3A_2860 : vector<16xi32> to vector<16x1xi32>
    %gather3A_2862 = vector.shape_cast %broadcast_in_dim3A_2861 : vector<16x1xi32> to vector<16xi32>
    %gather3A_2863 = tpu.dynamic_gather %select_n3A[%gather3A_2862] in [0] : vector<16xf32>, vector<16xi32> -> vector<16xf32>
    %broadcast_in_dim3A_2864 = arith.constant 9 : i32
    %broadcast_in_dim3A_2865 = vector.broadcast %broadcast_in_dim3A_2864 : i32 to vector<16xi32>
    %lt3A_2866 = arith.constant 0 : i32
    %lt3A_2867 = vector.broadcast %lt3A_2866 : i32 to vector<16xi32>
    %lt3A_2868 = arith.cmpi slt, %broadcast_in_dim3A_2865, %lt3A_2867 : vector<16xi32>
    %add3A_2869 = arith.constant 16 : i32
    %add3A_2870 = vector.broadcast %add3A_2869 : i32 to vector<16xi32>
    %add3A_2871 = arith.addi %broadcast_in_dim3A_2865, %add3A_2870 : vector<16xi32>
    %select_n3A_2872 = arith.select %lt3A_2868, %add3A_2871, %broadcast_in_dim3A_2865 : vector<16xi1>, vector<16xi32>
    %broadcast_in_dim3A_2873 = vector.shape_cast %select_n3A_2872 : vector<16xi32> to vector<16x1xi32>
    %gather3A_2874 = vector.shape_cast %broadcast_in_dim3A_2873 : vector<16x1xi32> to vector<16xi32>
    %gather3A_2875 = tpu.dynamic_gather %select_n3A_87[%gather3A_2874] in [0] : vector<16xf32>, vector<16xi32> -> vector<16xf32>
    %broadcast_in_dim3A_2876 = arith.constant 9 : i32
    %broadcast_in_dim3A_2877 = vector.broadcast %broadcast_in_dim3A_2876 : i32 to vector<16xi32>
    %lt3A_2878 = arith.constant 0 : i32
    %lt3A_2879 = vector.broadcast %lt3A_2878 : i32 to vector<16xi32>
    %lt3A_2880 = arith.cmpi slt, %broadcast_in_dim3A_2877, %lt3A_2879 : vector<16xi32>
    %add3A_2881 = arith.constant 16 : i32
    %add3A_2882 = vector.broadcast %add3A_2881 : i32 to vector<16xi32>
    %add3A_2883 = arith.addi %broadcast_in_dim3A_2877, %add3A_2882 : vector<16xi32>
    %select_n3A_2884 = arith.select %lt3A_2880, %add3A_2883, %broadcast_in_dim3A_2877 : vector<16xi1>, vector<16xi32>
    %broadcast_in_dim3A_2885 = vector.shape_cast %select_n3A_2884 : vector<16xi32> to vector<16x1xi32>
    %gather3A_2886 = vector.shape_cast %broadcast_in_dim3A_2885 : vector<16x1xi32> to vector<16xi32>
    %gather3A_2887 = tpu.dynamic_gather %select_n3A_94[%gather3A_2886] in [0] : vector<16xf32>, vector<16xi32> -> vector<16xf32>
    %add3A_2888 = arith.constant 64 : i32
    %add3A_2889 = vector.broadcast %add3A_2888 : i32 to vector<16xi32>
    %add3A_2890 = arith.addi %iota3A, %add3A_2889 : vector<16xi32>
    %gather3A_2891 = tpu.vector_load_idx %arg13[%broadcast_in_dim3A_2703, %add3A_2890, %gather3A_2839] : memref<8x128x16xf32, #tpu.memory_space<vmem>>[vector<16xi32>, vector<16xi32>, vector<16xi32>], vector<16xf32>,
    %gather3A_2892 = tpu.vector_load_idx %arg14[%broadcast_in_dim3A_2703, %add3A_2890, %gather3A_2851] : memref<8x128x16xf32, #tpu.memory_space<vmem>>[vector<16xi32>, vector<16xi32>, vector<16xi32>], vector<16xf32>,
    %get3A_2893 = arith.constant 9 : i32
    %get3A_2894 = arith.index_cast %get3A_2893 : i32 to index
    %get3A_2895 = arith.constant 0 : index
    %get3A_2896 = tpu.vector_load %arg15[%get3A_2894, %get3A_2895] {strides = array<i32>} : memref<16x64xf32, #tpu.memory_space<vmem>>, vector<16xf32>,
    %mul3A_2897 = arith.mulf %gather3A_2887, %gather3A_2891 : vector<16xf32>
    %mul3A_2898 = arith.mulf %gather3A_2875, %gather3A_2892 : vector<16xf32>
    %sub3A_2899 = arith.subf %mul3A_2897, %mul3A_2898 : vector<16xf32>
    %mul3A_2900 = arith.mulf %gather3A_2863, %get3A_2896 : vector<16xf32>
    %sub3A_2901 = arith.subf %sub3A_2899, %mul3A_2900 : vector<16xf32>
    %mul3A_2902 = arith.mulf %sub3A_2901, %sub3A_2901 : vector<16xf32>
    %add3A_2903 = arith.addf %add3A_2827, %mul3A_2902 : vector<16xf32>
    %add3A_2904 = arith.constant 80 : i32
    %add3A_2905 = vector.broadcast %add3A_2904 : i32 to vector<16xi32>
    %add3A_2906 = arith.addi %iota3A, %add3A_2905 : vector<16xi32>
    %gather3A_2907 = tpu.vector_load_idx %arg13[%broadcast_in_dim3A_2703, %add3A_2906, %gather3A_2839] : memref<8x128x16xf32, #tpu.memory_space<vmem>>[vector<16xi32>, vector<16xi32>, vector<16xi32>], vector<16xf32>,
    %gather3A_2908 = tpu.vector_load_idx %arg14[%broadcast_in_dim3A_2703, %add3A_2906, %gather3A_2851] : memref<8x128x16xf32, #tpu.memory_space<vmem>>[vector<16xi32>, vector<16xi32>, vector<16xi32>], vector<16xf32>,
    %get3A_2909 = arith.constant 9 : i32
    %get3A_2910 = arith.index_cast %get3A_2909 : i32 to index
    %get3A_2911 = arith.constant 16 : index
    %get3A_2912 = tpu.vector_load %arg15[%get3A_2910, %get3A_2911] {strides = array<i32>} : memref<16x64xf32, #tpu.memory_space<vmem>>, vector<16xf32>,
    %mul3A_2913 = arith.mulf %gather3A_2887, %gather3A_2907 : vector<16xf32>
    %mul3A_2914 = arith.mulf %gather3A_2875, %gather3A_2908 : vector<16xf32>
    %sub3A_2915 = arith.subf %mul3A_2913, %mul3A_2914 : vector<16xf32>
    %mul3A_2916 = arith.mulf %gather3A_2863, %get3A_2912 : vector<16xf32>
    %sub3A_2917 = arith.subf %sub3A_2915, %mul3A_2916 : vector<16xf32>
    %mul3A_2918 = arith.mulf %sub3A_2917, %sub3A_2917 : vector<16xf32>
    %add3A_2919 = arith.addf %add3A_2903, %mul3A_2918 : vector<16xf32>
    %add3A_2920 = arith.constant 96 : i32
    %add3A_2921 = vector.broadcast %add3A_2920 : i32 to vector<16xi32>
    %add3A_2922 = arith.addi %iota3A, %add3A_2921 : vector<16xi32>
    %gather3A_2923 = tpu.vector_load_idx %arg13[%broadcast_in_dim3A_2703, %add3A_2922, %gather3A_2839] : memref<8x128x16xf32, #tpu.memory_space<vmem>>[vector<16xi32>, vector<16xi32>, vector<16xi32>], vector<16xf32>,
    %gather3A_2924 = tpu.vector_load_idx %arg14[%broadcast_in_dim3A_2703, %add3A_2922, %gather3A_2851] : memref<8x128x16xf32, #tpu.memory_space<vmem>>[vector<16xi32>, vector<16xi32>, vector<16xi32>], vector<16xf32>,
    %get3A_2925 = arith.constant 9 : i32
    %get3A_2926 = arith.index_cast %get3A_2925 : i32 to index
    %get3A_2927 = arith.constant 32 : index
    %get3A_2928 = tpu.vector_load %arg15[%get3A_2926, %get3A_2927] {strides = array<i32>} : memref<16x64xf32, #tpu.memory_space<vmem>>, vector<16xf32>,
    %mul3A_2929 = arith.mulf %gather3A_2887, %gather3A_2923 : vector<16xf32>
    %mul3A_2930 = arith.mulf %gather3A_2875, %gather3A_2924 : vector<16xf32>
    %sub3A_2931 = arith.subf %mul3A_2929, %mul3A_2930 : vector<16xf32>
    %mul3A_2932 = arith.mulf %gather3A_2863, %get3A_2928 : vector<16xf32>
    %sub3A_2933 = arith.subf %sub3A_2931, %mul3A_2932 : vector<16xf32>
    %mul3A_2934 = arith.mulf %sub3A_2933, %sub3A_2933 : vector<16xf32>
    %add3A_2935 = arith.addf %add3A_2919, %mul3A_2934 : vector<16xf32>
    %add3A_2936 = arith.constant 112 : i32
    %add3A_2937 = vector.broadcast %add3A_2936 : i32 to vector<16xi32>
    %add3A_2938 = arith.addi %iota3A, %add3A_2937 : vector<16xi32>
    %gather3A_2939 = tpu.vector_load_idx %arg13[%broadcast_in_dim3A_2703, %add3A_2938, %gather3A_2839] : memref<8x128x16xf32, #tpu.memory_space<vmem>>[vector<16xi32>, vector<16xi32>, vector<16xi32>], vector<16xf32>,
    %gather3A_2940 = tpu.vector_load_idx %arg14[%broadcast_in_dim3A_2703, %add3A_2938, %gather3A_2851] : memref<8x128x16xf32, #tpu.memory_space<vmem>>[vector<16xi32>, vector<16xi32>, vector<16xi32>], vector<16xf32>,
    %get3A_2941 = arith.constant 9 : i32
    %get3A_2942 = arith.index_cast %get3A_2941 : i32 to index
    %get3A_2943 = arith.constant 48 : index
    %get3A_2944 = tpu.vector_load %arg15[%get3A_2942, %get3A_2943] {strides = array<i32>} : memref<16x64xf32, #tpu.memory_space<vmem>>, vector<16xf32>,
    %mul3A_2945 = arith.mulf %gather3A_2887, %gather3A_2939 : vector<16xf32>
    %mul3A_2946 = arith.mulf %gather3A_2875, %gather3A_2940 : vector<16xf32>
    %sub3A_2947 = arith.subf %mul3A_2945, %mul3A_2946 : vector<16xf32>
    %mul3A_2948 = arith.mulf %gather3A_2863, %get3A_2944 : vector<16xf32>
    %sub3A_2949 = arith.subf %sub3A_2947, %mul3A_2948 : vector<16xf32>
    %mul3A_2950 = arith.mulf %sub3A_2949, %sub3A_2949 : vector<16xf32>
    %add3A_2951 = arith.addf %add3A_2935, %mul3A_2950 : vector<16xf32>
    %dma_wait3A_2952 = arith.constant 5 : i32
    %dma_wait3A_2953 = arith.constant 5 : i32
    %dma_wait3A_2954 = arith.constant 0 : i32
    %dma_wait3A_2955 = arith.constant 0 : i32
    %dma_wait3A_2956 = tpu.memref_slice %arg13[%dma_wait3A_2953, %dma_wait3A_2954, %dma_wait3A_2955] : memref<8x128x16xf32, #tpu.memory_space<vmem>> -> memref<1x128x16xf32, #tpu.memory_space<vmem>>
    %dma_wait3A_2957 = tpu.memref_squeeze %dma_wait3A_2956 : memref<1x128x16xf32, #tpu.memory_space<vmem>> -> memref<128x16xf32, #tpu.memory_space<vmem>>
    %dma_wait3A_2958 = arith.constant 0 : i32
    %dma_wait3A_2959 = tpu.memref_slice %arg11[%dma_wait3A_2952, %dma_wait3A_2958] : memref<8x128xi32, #tpu.memory_space<vmem>> -> memref<1x128xi32, #tpu.memory_space<vmem>>
    %dma_wait3A_2960 = tpu.memref_squeeze %dma_wait3A_2959 : memref<1x128xi32, #tpu.memory_space<vmem>> -> memref<128xi32, #tpu.memory_space<vmem>>
    %dma_wait3A_2961 = arith.constant 0 : i32
    %dma_wait3A_2962 = arith.constant 0 : i32
    %dma_wait3A_2963 = tpu.memref_slice %arg2[%dma_wait3A_2961, %dma_wait3A_2962] : memref<1048576x16xf32, #tpu.memory_space<hbm>> -> memref<1048576x16xf32, #tpu.memory_space<hbm>>
    tpu.wait_indirect_dma semaphore(%arg23 : memref<!tpu.dma_semaphore, #tpu.memory_space<semaphore_mem>>) src(%dma_wait3A_2963 : memref<1048576x16xf32, #tpu.memory_space<hbm>>) dst(%dma_wait3A_2957 : memref<128x16xf32, #tpu.memory_space<vmem>>)
    %dma_wait3A_2964 = arith.constant 5 : i32
    %dma_wait3A_2965 = arith.constant 5 : i32
    %dma_wait3A_2966 = arith.constant 0 : i32
    %dma_wait3A_2967 = arith.constant 0 : i32
    %dma_wait3A_2968 = tpu.memref_slice %arg14[%dma_wait3A_2965, %dma_wait3A_2966, %dma_wait3A_2967] : memref<8x128x16xf32, #tpu.memory_space<vmem>> -> memref<1x128x16xf32, #tpu.memory_space<vmem>>
    %dma_wait3A_2969 = tpu.memref_squeeze %dma_wait3A_2968 : memref<1x128x16xf32, #tpu.memory_space<vmem>> -> memref<128x16xf32, #tpu.memory_space<vmem>>
    %dma_wait3A_2970 = arith.constant 0 : i32
    %dma_wait3A_2971 = tpu.memref_slice %arg12[%dma_wait3A_2964, %dma_wait3A_2970] : memref<8x128xi32, #tpu.memory_space<vmem>> -> memref<1x128xi32, #tpu.memory_space<vmem>>
    %dma_wait3A_2972 = tpu.memref_squeeze %dma_wait3A_2971 : memref<1x128xi32, #tpu.memory_space<vmem>> -> memref<128xi32, #tpu.memory_space<vmem>>
    %dma_wait3A_2973 = arith.constant 0 : i32
    %dma_wait3A_2974 = arith.constant 0 : i32
    %dma_wait3A_2975 = tpu.memref_slice %arg3[%dma_wait3A_2973, %dma_wait3A_2974] : memref<1048576x16xf32, #tpu.memory_space<hbm>> -> memref<1048576x16xf32, #tpu.memory_space<hbm>>
    tpu.wait_indirect_dma semaphore(%arg23 : memref<!tpu.dma_semaphore, #tpu.memory_space<semaphore_mem>>) src(%dma_wait3A_2975 : memref<1048576x16xf32, #tpu.memory_space<hbm>>) dst(%dma_wait3A_2969 : memref<128x16xf32, #tpu.memory_space<vmem>>)
    %broadcast_in_dim3A_2976 = arith.constant 5 : i32
    %broadcast_in_dim3A_2977 = vector.broadcast %broadcast_in_dim3A_2976 : i32 to vector<16xi32>
    %broadcast_in_dim3A_2978 = arith.constant 10 : i32
    %broadcast_in_dim3A_2979 = vector.broadcast %broadcast_in_dim3A_2978 : i32 to vector<16xi32>
    %lt3A_2980 = arith.constant 0 : i32
    %lt3A_2981 = vector.broadcast %lt3A_2980 : i32 to vector<16xi32>
    %lt3A_2982 = arith.cmpi slt, %broadcast_in_dim3A_2979, %lt3A_2981 : vector<16xi32>
    %add3A_2983 = arith.constant 16 : i32
    %add3A_2984 = vector.broadcast %add3A_2983 : i32 to vector<16xi32>
    %add3A_2985 = arith.addi %broadcast_in_dim3A_2979, %add3A_2984 : vector<16xi32>
    %select_n3A_2986 = arith.select %lt3A_2982, %add3A_2985, %broadcast_in_dim3A_2979 : vector<16xi1>, vector<16xi32>
    %broadcast_in_dim3A_2987 = vector.shape_cast %select_n3A_2986 : vector<16xi32> to vector<16x1xi32>
    %gather3A_2988 = vector.shape_cast %broadcast_in_dim3A_2987 : vector<16x1xi32> to vector<16xi32>
    %gather3A_2989 = tpu.dynamic_gather %rem3A_72[%gather3A_2988] in [0] : vector<16xi32>, vector<16xi32> -> vector<16xi32>
    %broadcast_in_dim3A_2990 = arith.constant 10 : i32
    %broadcast_in_dim3A_2991 = vector.broadcast %broadcast_in_dim3A_2990 : i32 to vector<16xi32>
    %lt3A_2992 = arith.constant 0 : i32
    %lt3A_2993 = vector.broadcast %lt3A_2992 : i32 to vector<16xi32>
    %lt3A_2994 = arith.cmpi slt, %broadcast_in_dim3A_2991, %lt3A_2993 : vector<16xi32>
    %add3A_2995 = arith.constant 16 : i32
    %add3A_2996 = vector.broadcast %add3A_2995 : i32 to vector<16xi32>
    %add3A_2997 = arith.addi %broadcast_in_dim3A_2991, %add3A_2996 : vector<16xi32>
    %select_n3A_2998 = arith.select %lt3A_2994, %add3A_2997, %broadcast_in_dim3A_2991 : vector<16xi1>, vector<16xi32>
    %broadcast_in_dim3A_2999 = vector.shape_cast %select_n3A_2998 : vector<16xi32> to vector<16x1xi32>
    %gather3A_3000 = vector.shape_cast %broadcast_in_dim3A_2999 : vector<16x1xi32> to vector<16xi32>
    %gather3A_3001 = tpu.dynamic_gather %rem3A_75[%gather3A_3000] in [0] : vector<16xi32>, vector<16xi32> -> vector<16xi32>
    %broadcast_in_dim3A_3002 = arith.constant 10 : i32
    %broadcast_in_dim3A_3003 = vector.broadcast %broadcast_in_dim3A_3002 : i32 to vector<16xi32>
    %lt3A_3004 = arith.constant 0 : i32
    %lt3A_3005 = vector.broadcast %lt3A_3004 : i32 to vector<16xi32>
    %lt3A_3006 = arith.cmpi slt, %broadcast_in_dim3A_3003, %lt3A_3005 : vector<16xi32>
    %add3A_3007 = arith.constant 16 : i32
    %add3A_3008 = vector.broadcast %add3A_3007 : i32 to vector<16xi32>
    %add3A_3009 = arith.addi %broadcast_in_dim3A_3003, %add3A_3008 : vector<16xi32>
    %select_n3A_3010 = arith.select %lt3A_3006, %add3A_3009, %broadcast_in_dim3A_3003 : vector<16xi1>, vector<16xi32>
    %broadcast_in_dim3A_3011 = vector.shape_cast %select_n3A_3010 : vector<16xi32> to vector<16x1xi32>
    %gather3A_3012 = vector.shape_cast %broadcast_in_dim3A_3011 : vector<16x1xi32> to vector<16xi32>
    %gather3A_3013 = tpu.dynamic_gather %select_n3A[%gather3A_3012] in [0] : vector<16xf32>, vector<16xi32> -> vector<16xf32>
    %broadcast_in_dim3A_3014 = arith.constant 10 : i32
    %broadcast_in_dim3A_3015 = vector.broadcast %broadcast_in_dim3A_3014 : i32 to vector<16xi32>
    %lt3A_3016 = arith.constant 0 : i32
    %lt3A_3017 = vector.broadcast %lt3A_3016 : i32 to vector<16xi32>
    %lt3A_3018 = arith.cmpi slt, %broadcast_in_dim3A_3015, %lt3A_3017 : vector<16xi32>
    %add3A_3019 = arith.constant 16 : i32
    %add3A_3020 = vector.broadcast %add3A_3019 : i32 to vector<16xi32>
    %add3A_3021 = arith.addi %broadcast_in_dim3A_3015, %add3A_3020 : vector<16xi32>
    %select_n3A_3022 = arith.select %lt3A_3018, %add3A_3021, %broadcast_in_dim3A_3015 : vector<16xi1>, vector<16xi32>
    %broadcast_in_dim3A_3023 = vector.shape_cast %select_n3A_3022 : vector<16xi32> to vector<16x1xi32>
    %gather3A_3024 = vector.shape_cast %broadcast_in_dim3A_3023 : vector<16x1xi32> to vector<16xi32>
    %gather3A_3025 = tpu.dynamic_gather %select_n3A_87[%gather3A_3024] in [0] : vector<16xf32>, vector<16xi32> -> vector<16xf32>
    %broadcast_in_dim3A_3026 = arith.constant 10 : i32
    %broadcast_in_dim3A_3027 = vector.broadcast %broadcast_in_dim3A_3026 : i32 to vector<16xi32>
    %lt3A_3028 = arith.constant 0 : i32
    %lt3A_3029 = vector.broadcast %lt3A_3028 : i32 to vector<16xi32>
    %lt3A_3030 = arith.cmpi slt, %broadcast_in_dim3A_3027, %lt3A_3029 : vector<16xi32>
    %add3A_3031 = arith.constant 16 : i32
    %add3A_3032 = vector.broadcast %add3A_3031 : i32 to vector<16xi32>
    %add3A_3033 = arith.addi %broadcast_in_dim3A_3027, %add3A_3032 : vector<16xi32>
    %select_n3A_3034 = arith.select %lt3A_3030, %add3A_3033, %broadcast_in_dim3A_3027 : vector<16xi1>, vector<16xi32>
    %broadcast_in_dim3A_3035 = vector.shape_cast %select_n3A_3034 : vector<16xi32> to vector<16x1xi32>
    %gather3A_3036 = vector.shape_cast %broadcast_in_dim3A_3035 : vector<16x1xi32> to vector<16xi32>
    %gather3A_3037 = tpu.dynamic_gather %select_n3A_94[%gather3A_3036] in [0] : vector<16xf32>, vector<16xi32> -> vector<16xf32>
    %add3A_3038 = arith.constant 0 : i32
    %add3A_3039 = vector.broadcast %add3A_3038 : i32 to vector<16xi32>
    %add3A_3040 = arith.addi %iota3A, %add3A_3039 : vector<16xi32>
    %gather3A_3041 = tpu.vector_load_idx %arg13[%broadcast_in_dim3A_2977, %add3A_3040, %gather3A_2989] : memref<8x128x16xf32, #tpu.memory_space<vmem>>[vector<16xi32>, vector<16xi32>, vector<16xi32>], vector<16xf32>,
    %gather3A_3042 = tpu.vector_load_idx %arg14[%broadcast_in_dim3A_2977, %add3A_3040, %gather3A_3001] : memref<8x128x16xf32, #tpu.memory_space<vmem>>[vector<16xi32>, vector<16xi32>, vector<16xi32>], vector<16xf32>,
    %get3A_3043 = arith.constant 10 : i32
    %get3A_3044 = arith.index_cast %get3A_3043 : i32 to index
    %get3A_3045 = arith.constant 0 : index
    %get3A_3046 = tpu.vector_load %arg15[%get3A_3044, %get3A_3045] {strides = array<i32>} : memref<16x64xf32, #tpu.memory_space<vmem>>, vector<16xf32>,
    %mul3A_3047 = arith.mulf %gather3A_3037, %gather3A_3041 : vector<16xf32>
    %mul3A_3048 = arith.mulf %gather3A_3025, %gather3A_3042 : vector<16xf32>
    %sub3A_3049 = arith.subf %mul3A_3047, %mul3A_3048 : vector<16xf32>
    %mul3A_3050 = arith.mulf %gather3A_3013, %get3A_3046 : vector<16xf32>
    %sub3A_3051 = arith.subf %sub3A_3049, %mul3A_3050 : vector<16xf32>
    %mul3A_3052 = arith.mulf %sub3A_3051, %sub3A_3051 : vector<16xf32>
    %add3A_3053 = arith.addf %add3A_2951, %mul3A_3052 : vector<16xf32>
    %add3A_3054 = arith.constant 16 : i32
    %add3A_3055 = vector.broadcast %add3A_3054 : i32 to vector<16xi32>
    %add3A_3056 = arith.addi %iota3A, %add3A_3055 : vector<16xi32>
    %gather3A_3057 = tpu.vector_load_idx %arg13[%broadcast_in_dim3A_2977, %add3A_3056, %gather3A_2989] : memref<8x128x16xf32, #tpu.memory_space<vmem>>[vector<16xi32>, vector<16xi32>, vector<16xi32>], vector<16xf32>,
    %gather3A_3058 = tpu.vector_load_idx %arg14[%broadcast_in_dim3A_2977, %add3A_3056, %gather3A_3001] : memref<8x128x16xf32, #tpu.memory_space<vmem>>[vector<16xi32>, vector<16xi32>, vector<16xi32>], vector<16xf32>,
    %get3A_3059 = arith.constant 10 : i32
    %get3A_3060 = arith.index_cast %get3A_3059 : i32 to index
    %get3A_3061 = arith.constant 16 : index
    %get3A_3062 = tpu.vector_load %arg15[%get3A_3060, %get3A_3061] {strides = array<i32>} : memref<16x64xf32, #tpu.memory_space<vmem>>, vector<16xf32>,
    %mul3A_3063 = arith.mulf %gather3A_3037, %gather3A_3057 : vector<16xf32>
    %mul3A_3064 = arith.mulf %gather3A_3025, %gather3A_3058 : vector<16xf32>
    %sub3A_3065 = arith.subf %mul3A_3063, %mul3A_3064 : vector<16xf32>
    %mul3A_3066 = arith.mulf %gather3A_3013, %get3A_3062 : vector<16xf32>
    %sub3A_3067 = arith.subf %sub3A_3065, %mul3A_3066 : vector<16xf32>
    %mul3A_3068 = arith.mulf %sub3A_3067, %sub3A_3067 : vector<16xf32>
    %add3A_3069 = arith.addf %add3A_3053, %mul3A_3068 : vector<16xf32>
    %add3A_3070 = arith.constant 32 : i32
    %add3A_3071 = vector.broadcast %add3A_3070 : i32 to vector<16xi32>
    %add3A_3072 = arith.addi %iota3A, %add3A_3071 : vector<16xi32>
    %gather3A_3073 = tpu.vector_load_idx %arg13[%broadcast_in_dim3A_2977, %add3A_3072, %gather3A_2989] : memref<8x128x16xf32, #tpu.memory_space<vmem>>[vector<16xi32>, vector<16xi32>, vector<16xi32>], vector<16xf32>,
    %gather3A_3074 = tpu.vector_load_idx %arg14[%broadcast_in_dim3A_2977, %add3A_3072, %gather3A_3001] : memref<8x128x16xf32, #tpu.memory_space<vmem>>[vector<16xi32>, vector<16xi32>, vector<16xi32>], vector<16xf32>,
    %get3A_3075 = arith.constant 10 : i32
    %get3A_3076 = arith.index_cast %get3A_3075 : i32 to index
    %get3A_3077 = arith.constant 32 : index
    %get3A_3078 = tpu.vector_load %arg15[%get3A_3076, %get3A_3077] {strides = array<i32>} : memref<16x64xf32, #tpu.memory_space<vmem>>, vector<16xf32>,
    %mul3A_3079 = arith.mulf %gather3A_3037, %gather3A_3073 : vector<16xf32>
    %mul3A_3080 = arith.mulf %gather3A_3025, %gather3A_3074 : vector<16xf32>
    %sub3A_3081 = arith.subf %mul3A_3079, %mul3A_3080 : vector<16xf32>
    %mul3A_3082 = arith.mulf %gather3A_3013, %get3A_3078 : vector<16xf32>
    %sub3A_3083 = arith.subf %sub3A_3081, %mul3A_3082 : vector<16xf32>
    %mul3A_3084 = arith.mulf %sub3A_3083, %sub3A_3083 : vector<16xf32>
    %add3A_3085 = arith.addf %add3A_3069, %mul3A_3084 : vector<16xf32>
    %add3A_3086 = arith.constant 48 : i32
    %add3A_3087 = vector.broadcast %add3A_3086 : i32 to vector<16xi32>
    %add3A_3088 = arith.addi %iota3A, %add3A_3087 : vector<16xi32>
    %gather3A_3089 = tpu.vector_load_idx %arg13[%broadcast_in_dim3A_2977, %add3A_3088, %gather3A_2989] : memref<8x128x16xf32, #tpu.memory_space<vmem>>[vector<16xi32>, vector<16xi32>, vector<16xi32>], vector<16xf32>,
    %gather3A_3090 = tpu.vector_load_idx %arg14[%broadcast_in_dim3A_2977, %add3A_3088, %gather3A_3001] : memref<8x128x16xf32, #tpu.memory_space<vmem>>[vector<16xi32>, vector<16xi32>, vector<16xi32>], vector<16xf32>,
    %get3A_3091 = arith.constant 10 : i32
    %get3A_3092 = arith.index_cast %get3A_3091 : i32 to index
    %get3A_3093 = arith.constant 48 : index
    %get3A_3094 = tpu.vector_load %arg15[%get3A_3092, %get3A_3093] {strides = array<i32>} : memref<16x64xf32, #tpu.memory_space<vmem>>, vector<16xf32>,
    %mul3A_3095 = arith.mulf %gather3A_3037, %gather3A_3089 : vector<16xf32>
    %mul3A_3096 = arith.mulf %gather3A_3025, %gather3A_3090 : vector<16xf32>
    %sub3A_3097 = arith.subf %mul3A_3095, %mul3A_3096 : vector<16xf32>
    %mul3A_3098 = arith.mulf %gather3A_3013, %get3A_3094 : vector<16xf32>
    %sub3A_3099 = arith.subf %sub3A_3097, %mul3A_3098 : vector<16xf32>
    %mul3A_3100 = arith.mulf %sub3A_3099, %sub3A_3099 : vector<16xf32>
    %add3A_3101 = arith.addf %add3A_3085, %mul3A_3100 : vector<16xf32>
    %broadcast_in_dim3A_3102 = arith.constant 11 : i32
    %broadcast_in_dim3A_3103 = vector.broadcast %broadcast_in_dim3A_3102 : i32 to vector<16xi32>
    %lt3A_3104 = arith.constant 0 : i32
    %lt3A_3105 = vector.broadcast %lt3A_3104 : i32 to vector<16xi32>
    %lt3A_3106 = arith.cmpi slt, %broadcast_in_dim3A_3103, %lt3A_3105 : vector<16xi32>
    %add3A_3107 = arith.constant 16 : i32
    %add3A_3108 = vector.broadcast %add3A_3107 : i32 to vector<16xi32>
    %add3A_3109 = arith.addi %broadcast_in_dim3A_3103, %add3A_3108 : vector<16xi32>
    %select_n3A_3110 = arith.select %lt3A_3106, %add3A_3109, %broadcast_in_dim3A_3103 : vector<16xi1>, vector<16xi32>
    %broadcast_in_dim3A_3111 = vector.shape_cast %select_n3A_3110 : vector<16xi32> to vector<16x1xi32>
    %gather3A_3112 = vector.shape_cast %broadcast_in_dim3A_3111 : vector<16x1xi32> to vector<16xi32>
    %gather3A_3113 = tpu.dynamic_gather %rem3A_72[%gather3A_3112] in [0] : vector<16xi32>, vector<16xi32> -> vector<16xi32>
    %broadcast_in_dim3A_3114 = arith.constant 11 : i32
    %broadcast_in_dim3A_3115 = vector.broadcast %broadcast_in_dim3A_3114 : i32 to vector<16xi32>
    %lt3A_3116 = arith.constant 0 : i32
    %lt3A_3117 = vector.broadcast %lt3A_3116 : i32 to vector<16xi32>
    %lt3A_3118 = arith.cmpi slt, %broadcast_in_dim3A_3115, %lt3A_3117 : vector<16xi32>
    %add3A_3119 = arith.constant 16 : i32
    %add3A_3120 = vector.broadcast %add3A_3119 : i32 to vector<16xi32>
    %add3A_3121 = arith.addi %broadcast_in_dim3A_3115, %add3A_3120 : vector<16xi32>
    %select_n3A_3122 = arith.select %lt3A_3118, %add3A_3121, %broadcast_in_dim3A_3115 : vector<16xi1>, vector<16xi32>
    %broadcast_in_dim3A_3123 = vector.shape_cast %select_n3A_3122 : vector<16xi32> to vector<16x1xi32>
    %gather3A_3124 = vector.shape_cast %broadcast_in_dim3A_3123 : vector<16x1xi32> to vector<16xi32>
    %gather3A_3125 = tpu.dynamic_gather %rem3A_75[%gather3A_3124] in [0] : vector<16xi32>, vector<16xi32> -> vector<16xi32>
    %broadcast_in_dim3A_3126 = arith.constant 11 : i32
    %broadcast_in_dim3A_3127 = vector.broadcast %broadcast_in_dim3A_3126 : i32 to vector<16xi32>
    %lt3A_3128 = arith.constant 0 : i32
    %lt3A_3129 = vector.broadcast %lt3A_3128 : i32 to vector<16xi32>
    %lt3A_3130 = arith.cmpi slt, %broadcast_in_dim3A_3127, %lt3A_3129 : vector<16xi32>
    %add3A_3131 = arith.constant 16 : i32
    %add3A_3132 = vector.broadcast %add3A_3131 : i32 to vector<16xi32>
    %add3A_3133 = arith.addi %broadcast_in_dim3A_3127, %add3A_3132 : vector<16xi32>
    %select_n3A_3134 = arith.select %lt3A_3130, %add3A_3133, %broadcast_in_dim3A_3127 : vector<16xi1>, vector<16xi32>
    %broadcast_in_dim3A_3135 = vector.shape_cast %select_n3A_3134 : vector<16xi32> to vector<16x1xi32>
    %gather3A_3136 = vector.shape_cast %broadcast_in_dim3A_3135 : vector<16x1xi32> to vector<16xi32>
    %gather3A_3137 = tpu.dynamic_gather %select_n3A[%gather3A_3136] in [0] : vector<16xf32>, vector<16xi32> -> vector<16xf32>
    %broadcast_in_dim3A_3138 = arith.constant 11 : i32
    %broadcast_in_dim3A_3139 = vector.broadcast %broadcast_in_dim3A_3138 : i32 to vector<16xi32>
    %lt3A_3140 = arith.constant 0 : i32
    %lt3A_3141 = vector.broadcast %lt3A_3140 : i32 to vector<16xi32>
    %lt3A_3142 = arith.cmpi slt, %broadcast_in_dim3A_3139, %lt3A_3141 : vector<16xi32>
    %add3A_3143 = arith.constant 16 : i32
    %add3A_3144 = vector.broadcast %add3A_3143 : i32 to vector<16xi32>
    %add3A_3145 = arith.addi %broadcast_in_dim3A_3139, %add3A_3144 : vector<16xi32>
    %select_n3A_3146 = arith.select %lt3A_3142, %add3A_3145, %broadcast_in_dim3A_3139 : vector<16xi1>, vector<16xi32>
    %broadcast_in_dim3A_3147 = vector.shape_cast %select_n3A_3146 : vector<16xi32> to vector<16x1xi32>
    %gather3A_3148 = vector.shape_cast %broadcast_in_dim3A_3147 : vector<16x1xi32> to vector<16xi32>
    %gather3A_3149 = tpu.dynamic_gather %select_n3A_87[%gather3A_3148] in [0] : vector<16xf32>, vector<16xi32> -> vector<16xf32>
    %broadcast_in_dim3A_3150 = arith.constant 11 : i32
    %broadcast_in_dim3A_3151 = vector.broadcast %broadcast_in_dim3A_3150 : i32 to vector<16xi32>
    %lt3A_3152 = arith.constant 0 : i32
    %lt3A_3153 = vector.broadcast %lt3A_3152 : i32 to vector<16xi32>
    %lt3A_3154 = arith.cmpi slt, %broadcast_in_dim3A_3151, %lt3A_3153 : vector<16xi32>
    %add3A_3155 = arith.constant 16 : i32
    %add3A_3156 = vector.broadcast %add3A_3155 : i32 to vector<16xi32>
    %add3A_3157 = arith.addi %broadcast_in_dim3A_3151, %add3A_3156 : vector<16xi32>
    %select_n3A_3158 = arith.select %lt3A_3154, %add3A_3157, %broadcast_in_dim3A_3151 : vector<16xi1>, vector<16xi32>
    %broadcast_in_dim3A_3159 = vector.shape_cast %select_n3A_3158 : vector<16xi32> to vector<16x1xi32>
    %gather3A_3160 = vector.shape_cast %broadcast_in_dim3A_3159 : vector<16x1xi32> to vector<16xi32>
    %gather3A_3161 = tpu.dynamic_gather %select_n3A_94[%gather3A_3160] in [0] : vector<16xf32>, vector<16xi32> -> vector<16xf32>
    %add3A_3162 = arith.constant 64 : i32
    %add3A_3163 = vector.broadcast %add3A_3162 : i32 to vector<16xi32>
    %add3A_3164 = arith.addi %iota3A, %add3A_3163 : vector<16xi32>
    %gather3A_3165 = tpu.vector_load_idx %arg13[%broadcast_in_dim3A_2977, %add3A_3164, %gather3A_3113] : memref<8x128x16xf32, #tpu.memory_space<vmem>>[vector<16xi32>, vector<16xi32>, vector<16xi32>], vector<16xf32>,
    %gather3A_3166 = tpu.vector_load_idx %arg14[%broadcast_in_dim3A_2977, %add3A_3164, %gather3A_3125] : memref<8x128x16xf32, #tpu.memory_space<vmem>>[vector<16xi32>, vector<16xi32>, vector<16xi32>], vector<16xf32>,
    %get3A_3167 = arith.constant 11 : i32
    %get3A_3168 = arith.index_cast %get3A_3167 : i32 to index
    %get3A_3169 = arith.constant 0 : index
    %get3A_3170 = tpu.vector_load %arg15[%get3A_3168, %get3A_3169] {strides = array<i32>} : memref<16x64xf32, #tpu.memory_space<vmem>>, vector<16xf32>,
    %mul3A_3171 = arith.mulf %gather3A_3161, %gather3A_3165 : vector<16xf32>
    %mul3A_3172 = arith.mulf %gather3A_3149, %gather3A_3166 : vector<16xf32>
    %sub3A_3173 = arith.subf %mul3A_3171, %mul3A_3172 : vector<16xf32>
    %mul3A_3174 = arith.mulf %gather3A_3137, %get3A_3170 : vector<16xf32>
    %sub3A_3175 = arith.subf %sub3A_3173, %mul3A_3174 : vector<16xf32>
    %mul3A_3176 = arith.mulf %sub3A_3175, %sub3A_3175 : vector<16xf32>
    %add3A_3177 = arith.addf %add3A_3101, %mul3A_3176 : vector<16xf32>
    %add3A_3178 = arith.constant 80 : i32
    %add3A_3179 = vector.broadcast %add3A_3178 : i32 to vector<16xi32>
    %add3A_3180 = arith.addi %iota3A, %add3A_3179 : vector<16xi32>
    %gather3A_3181 = tpu.vector_load_idx %arg13[%broadcast_in_dim3A_2977, %add3A_3180, %gather3A_3113] : memref<8x128x16xf32, #tpu.memory_space<vmem>>[vector<16xi32>, vector<16xi32>, vector<16xi32>], vector<16xf32>,
    %gather3A_3182 = tpu.vector_load_idx %arg14[%broadcast_in_dim3A_2977, %add3A_3180, %gather3A_3125] : memref<8x128x16xf32, #tpu.memory_space<vmem>>[vector<16xi32>, vector<16xi32>, vector<16xi32>], vector<16xf32>,
    %get3A_3183 = arith.constant 11 : i32
    %get3A_3184 = arith.index_cast %get3A_3183 : i32 to index
    %get3A_3185 = arith.constant 16 : index
    %get3A_3186 = tpu.vector_load %arg15[%get3A_3184, %get3A_3185] {strides = array<i32>} : memref<16x64xf32, #tpu.memory_space<vmem>>, vector<16xf32>,
    %mul3A_3187 = arith.mulf %gather3A_3161, %gather3A_3181 : vector<16xf32>
    %mul3A_3188 = arith.mulf %gather3A_3149, %gather3A_3182 : vector<16xf32>
    %sub3A_3189 = arith.subf %mul3A_3187, %mul3A_3188 : vector<16xf32>
    %mul3A_3190 = arith.mulf %gather3A_3137, %get3A_3186 : vector<16xf32>
    %sub3A_3191 = arith.subf %sub3A_3189, %mul3A_3190 : vector<16xf32>
    %mul3A_3192 = arith.mulf %sub3A_3191, %sub3A_3191 : vector<16xf32>
    %add3A_3193 = arith.addf %add3A_3177, %mul3A_3192 : vector<16xf32>
    %add3A_3194 = arith.constant 96 : i32
    %add3A_3195 = vector.broadcast %add3A_3194 : i32 to vector<16xi32>
    %add3A_3196 = arith.addi %iota3A, %add3A_3195 : vector<16xi32>
    %gather3A_3197 = tpu.vector_load_idx %arg13[%broadcast_in_dim3A_2977, %add3A_3196, %gather3A_3113] : memref<8x128x16xf32, #tpu.memory_space<vmem>>[vector<16xi32>, vector<16xi32>, vector<16xi32>], vector<16xf32>,
    %gather3A_3198 = tpu.vector_load_idx %arg14[%broadcast_in_dim3A_2977, %add3A_3196, %gather3A_3125] : memref<8x128x16xf32, #tpu.memory_space<vmem>>[vector<16xi32>, vector<16xi32>, vector<16xi32>], vector<16xf32>,
    %get3A_3199 = arith.constant 11 : i32
    %get3A_3200 = arith.index_cast %get3A_3199 : i32 to index
    %get3A_3201 = arith.constant 32 : index
    %get3A_3202 = tpu.vector_load %arg15[%get3A_3200, %get3A_3201] {strides = array<i32>} : memref<16x64xf32, #tpu.memory_space<vmem>>, vector<16xf32>,
    %mul3A_3203 = arith.mulf %gather3A_3161, %gather3A_3197 : vector<16xf32>
    %mul3A_3204 = arith.mulf %gather3A_3149, %gather3A_3198 : vector<16xf32>
    %sub3A_3205 = arith.subf %mul3A_3203, %mul3A_3204 : vector<16xf32>
    %mul3A_3206 = arith.mulf %gather3A_3137, %get3A_3202 : vector<16xf32>
    %sub3A_3207 = arith.subf %sub3A_3205, %mul3A_3206 : vector<16xf32>
    %mul3A_3208 = arith.mulf %sub3A_3207, %sub3A_3207 : vector<16xf32>
    %add3A_3209 = arith.addf %add3A_3193, %mul3A_3208 : vector<16xf32>
    %add3A_3210 = arith.constant 112 : i32
    %add3A_3211 = vector.broadcast %add3A_3210 : i32 to vector<16xi32>
    %add3A_3212 = arith.addi %iota3A, %add3A_3211 : vector<16xi32>
    %gather3A_3213 = tpu.vector_load_idx %arg13[%broadcast_in_dim3A_2977, %add3A_3212, %gather3A_3113] : memref<8x128x16xf32, #tpu.memory_space<vmem>>[vector<16xi32>, vector<16xi32>, vector<16xi32>], vector<16xf32>,
    %gather3A_3214 = tpu.vector_load_idx %arg14[%broadcast_in_dim3A_2977, %add3A_3212, %gather3A_3125] : memref<8x128x16xf32, #tpu.memory_space<vmem>>[vector<16xi32>, vector<16xi32>, vector<16xi32>], vector<16xf32>,
    %get3A_3215 = arith.constant 11 : i32
    %get3A_3216 = arith.index_cast %get3A_3215 : i32 to index
    %get3A_3217 = arith.constant 48 : index
    %get3A_3218 = tpu.vector_load %arg15[%get3A_3216, %get3A_3217] {strides = array<i32>} : memref<16x64xf32, #tpu.memory_space<vmem>>, vector<16xf32>,
    %mul3A_3219 = arith.mulf %gather3A_3161, %gather3A_3213 : vector<16xf32>
    %mul3A_3220 = arith.mulf %gather3A_3149, %gather3A_3214 : vector<16xf32>
    %sub3A_3221 = arith.subf %mul3A_3219, %mul3A_3220 : vector<16xf32>
    %mul3A_3222 = arith.mulf %gather3A_3137, %get3A_3218 : vector<16xf32>
    %sub3A_3223 = arith.subf %sub3A_3221, %mul3A_3222 : vector<16xf32>
    %mul3A_3224 = arith.mulf %sub3A_3223, %sub3A_3223 : vector<16xf32>
    %add3A_3225 = arith.addf %add3A_3209, %mul3A_3224 : vector<16xf32>
    %dma_wait3A_3226 = arith.constant 6 : i32
    %dma_wait3A_3227 = arith.constant 6 : i32
    %dma_wait3A_3228 = arith.constant 0 : i32
    %dma_wait3A_3229 = arith.constant 0 : i32
    %dma_wait3A_3230 = tpu.memref_slice %arg13[%dma_wait3A_3227, %dma_wait3A_3228, %dma_wait3A_3229] : memref<8x128x16xf32, #tpu.memory_space<vmem>> -> memref<1x128x16xf32, #tpu.memory_space<vmem>>
    %dma_wait3A_3231 = tpu.memref_squeeze %dma_wait3A_3230 : memref<1x128x16xf32, #tpu.memory_space<vmem>> -> memref<128x16xf32, #tpu.memory_space<vmem>>
    %dma_wait3A_3232 = arith.constant 0 : i32
    %dma_wait3A_3233 = tpu.memref_slice %arg11[%dma_wait3A_3226, %dma_wait3A_3232] : memref<8x128xi32, #tpu.memory_space<vmem>> -> memref<1x128xi32, #tpu.memory_space<vmem>>
    %dma_wait3A_3234 = tpu.memref_squeeze %dma_wait3A_3233 : memref<1x128xi32, #tpu.memory_space<vmem>> -> memref<128xi32, #tpu.memory_space<vmem>>
    %dma_wait3A_3235 = arith.constant 0 : i32
    %dma_wait3A_3236 = arith.constant 0 : i32
    %dma_wait3A_3237 = tpu.memref_slice %arg2[%dma_wait3A_3235, %dma_wait3A_3236] : memref<1048576x16xf32, #tpu.memory_space<hbm>> -> memref<1048576x16xf32, #tpu.memory_space<hbm>>
    tpu.wait_indirect_dma semaphore(%arg23 : memref<!tpu.dma_semaphore, #tpu.memory_space<semaphore_mem>>) src(%dma_wait3A_3237 : memref<1048576x16xf32, #tpu.memory_space<hbm>>) dst(%dma_wait3A_3231 : memref<128x16xf32, #tpu.memory_space<vmem>>)
    %dma_wait3A_3238 = arith.constant 6 : i32
    %dma_wait3A_3239 = arith.constant 6 : i32
    %dma_wait3A_3240 = arith.constant 0 : i32
    %dma_wait3A_3241 = arith.constant 0 : i32
    %dma_wait3A_3242 = tpu.memref_slice %arg14[%dma_wait3A_3239, %dma_wait3A_3240, %dma_wait3A_3241] : memref<8x128x16xf32, #tpu.memory_space<vmem>> -> memref<1x128x16xf32, #tpu.memory_space<vmem>>
    %dma_wait3A_3243 = tpu.memref_squeeze %dma_wait3A_3242 : memref<1x128x16xf32, #tpu.memory_space<vmem>> -> memref<128x16xf32, #tpu.memory_space<vmem>>
    %dma_wait3A_3244 = arith.constant 0 : i32
    %dma_wait3A_3245 = tpu.memref_slice %arg12[%dma_wait3A_3238, %dma_wait3A_3244] : memref<8x128xi32, #tpu.memory_space<vmem>> -> memref<1x128xi32, #tpu.memory_space<vmem>>
    %dma_wait3A_3246 = tpu.memref_squeeze %dma_wait3A_3245 : memref<1x128xi32, #tpu.memory_space<vmem>> -> memref<128xi32, #tpu.memory_space<vmem>>
    %dma_wait3A_3247 = arith.constant 0 : i32
    %dma_wait3A_3248 = arith.constant 0 : i32
    %dma_wait3A_3249 = tpu.memref_slice %arg3[%dma_wait3A_3247, %dma_wait3A_3248] : memref<1048576x16xf32, #tpu.memory_space<hbm>> -> memref<1048576x16xf32, #tpu.memory_space<hbm>>
    tpu.wait_indirect_dma semaphore(%arg23 : memref<!tpu.dma_semaphore, #tpu.memory_space<semaphore_mem>>) src(%dma_wait3A_3249 : memref<1048576x16xf32, #tpu.memory_space<hbm>>) dst(%dma_wait3A_3243 : memref<128x16xf32, #tpu.memory_space<vmem>>)
    %broadcast_in_dim3A_3250 = arith.constant 6 : i32
    %broadcast_in_dim3A_3251 = vector.broadcast %broadcast_in_dim3A_3250 : i32 to vector<16xi32>
    %broadcast_in_dim3A_3252 = arith.constant 12 : i32
    %broadcast_in_dim3A_3253 = vector.broadcast %broadcast_in_dim3A_3252 : i32 to vector<16xi32>
    %lt3A_3254 = arith.constant 0 : i32
    %lt3A_3255 = vector.broadcast %lt3A_3254 : i32 to vector<16xi32>
    %lt3A_3256 = arith.cmpi slt, %broadcast_in_dim3A_3253, %lt3A_3255 : vector<16xi32>
    %add3A_3257 = arith.constant 16 : i32
    %add3A_3258 = vector.broadcast %add3A_3257 : i32 to vector<16xi32>
    %add3A_3259 = arith.addi %broadcast_in_dim3A_3253, %add3A_3258 : vector<16xi32>
    %select_n3A_3260 = arith.select %lt3A_3256, %add3A_3259, %broadcast_in_dim3A_3253 : vector<16xi1>, vector<16xi32>
    %broadcast_in_dim3A_3261 = vector.shape_cast %select_n3A_3260 : vector<16xi32> to vector<16x1xi32>
    %gather3A_3262 = vector.shape_cast %broadcast_in_dim3A_3261 : vector<16x1xi32> to vector<16xi32>
    %gather3A_3263 = tpu.dynamic_gather %rem3A_72[%gather3A_3262] in [0] : vector<16xi32>, vector<16xi32> -> vector<16xi32>
    %broadcast_in_dim3A_3264 = arith.constant 12 : i32
    %broadcast_in_dim3A_3265 = vector.broadcast %broadcast_in_dim3A_3264 : i32 to vector<16xi32>
    %lt3A_3266 = arith.constant 0 : i32
    %lt3A_3267 = vector.broadcast %lt3A_3266 : i32 to vector<16xi32>
    %lt3A_3268 = arith.cmpi slt, %broadcast_in_dim3A_3265, %lt3A_3267 : vector<16xi32>
    %add3A_3269 = arith.constant 16 : i32
    %add3A_3270 = vector.broadcast %add3A_3269 : i32 to vector<16xi32>
    %add3A_3271 = arith.addi %broadcast_in_dim3A_3265, %add3A_3270 : vector<16xi32>
    %select_n3A_3272 = arith.select %lt3A_3268, %add3A_3271, %broadcast_in_dim3A_3265 : vector<16xi1>, vector<16xi32>
    %broadcast_in_dim3A_3273 = vector.shape_cast %select_n3A_3272 : vector<16xi32> to vector<16x1xi32>
    %gather3A_3274 = vector.shape_cast %broadcast_in_dim3A_3273 : vector<16x1xi32> to vector<16xi32>
    %gather3A_3275 = tpu.dynamic_gather %rem3A_75[%gather3A_3274] in [0] : vector<16xi32>, vector<16xi32> -> vector<16xi32>
    %broadcast_in_dim3A_3276 = arith.constant 12 : i32
    %broadcast_in_dim3A_3277 = vector.broadcast %broadcast_in_dim3A_3276 : i32 to vector<16xi32>
    %lt3A_3278 = arith.constant 0 : i32
    %lt3A_3279 = vector.broadcast %lt3A_3278 : i32 to vector<16xi32>
    %lt3A_3280 = arith.cmpi slt, %broadcast_in_dim3A_3277, %lt3A_3279 : vector<16xi32>
    %add3A_3281 = arith.constant 16 : i32
    %add3A_3282 = vector.broadcast %add3A_3281 : i32 to vector<16xi32>
    %add3A_3283 = arith.addi %broadcast_in_dim3A_3277, %add3A_3282 : vector<16xi32>
    %select_n3A_3284 = arith.select %lt3A_3280, %add3A_3283, %broadcast_in_dim3A_3277 : vector<16xi1>, vector<16xi32>
    %broadcast_in_dim3A_3285 = vector.shape_cast %select_n3A_3284 : vector<16xi32> to vector<16x1xi32>
    %gather3A_3286 = vector.shape_cast %broadcast_in_dim3A_3285 : vector<16x1xi32> to vector<16xi32>
    %gather3A_3287 = tpu.dynamic_gather %select_n3A[%gather3A_3286] in [0] : vector<16xf32>, vector<16xi32> -> vector<16xf32>
    %broadcast_in_dim3A_3288 = arith.constant 12 : i32
    %broadcast_in_dim3A_3289 = vector.broadcast %broadcast_in_dim3A_3288 : i32 to vector<16xi32>
    %lt3A_3290 = arith.constant 0 : i32
    %lt3A_3291 = vector.broadcast %lt3A_3290 : i32 to vector<16xi32>
    %lt3A_3292 = arith.cmpi slt, %broadcast_in_dim3A_3289, %lt3A_3291 : vector<16xi32>
    %add3A_3293 = arith.constant 16 : i32
    %add3A_3294 = vector.broadcast %add3A_3293 : i32 to vector<16xi32>
    %add3A_3295 = arith.addi %broadcast_in_dim3A_3289, %add3A_3294 : vector<16xi32>
    %select_n3A_3296 = arith.select %lt3A_3292, %add3A_3295, %broadcast_in_dim3A_3289 : vector<16xi1>, vector<16xi32>
    %broadcast_in_dim3A_3297 = vector.shape_cast %select_n3A_3296 : vector<16xi32> to vector<16x1xi32>
    %gather3A_3298 = vector.shape_cast %broadcast_in_dim3A_3297 : vector<16x1xi32> to vector<16xi32>
    %gather3A_3299 = tpu.dynamic_gather %select_n3A_87[%gather3A_3298] in [0] : vector<16xf32>, vector<16xi32> -> vector<16xf32>
    %broadcast_in_dim3A_3300 = arith.constant 12 : i32
    %broadcast_in_dim3A_3301 = vector.broadcast %broadcast_in_dim3A_3300 : i32 to vector<16xi32>
    %lt3A_3302 = arith.constant 0 : i32
    %lt3A_3303 = vector.broadcast %lt3A_3302 : i32 to vector<16xi32>
    %lt3A_3304 = arith.cmpi slt, %broadcast_in_dim3A_3301, %lt3A_3303 : vector<16xi32>
    %add3A_3305 = arith.constant 16 : i32
    %add3A_3306 = vector.broadcast %add3A_3305 : i32 to vector<16xi32>
    %add3A_3307 = arith.addi %broadcast_in_dim3A_3301, %add3A_3306 : vector<16xi32>
    %select_n3A_3308 = arith.select %lt3A_3304, %add3A_3307, %broadcast_in_dim3A_3301 : vector<16xi1>, vector<16xi32>
    %broadcast_in_dim3A_3309 = vector.shape_cast %select_n3A_3308 : vector<16xi32> to vector<16x1xi32>
    %gather3A_3310 = vector.shape_cast %broadcast_in_dim3A_3309 : vector<16x1xi32> to vector<16xi32>
    %gather3A_3311 = tpu.dynamic_gather %select_n3A_94[%gather3A_3310] in [0] : vector<16xf32>, vector<16xi32> -> vector<16xf32>
    %add3A_3312 = arith.constant 0 : i32
    %add3A_3313 = vector.broadcast %add3A_3312 : i32 to vector<16xi32>
    %add3A_3314 = arith.addi %iota3A, %add3A_3313 : vector<16xi32>
    %gather3A_3315 = tpu.vector_load_idx %arg13[%broadcast_in_dim3A_3251, %add3A_3314, %gather3A_3263] : memref<8x128x16xf32, #tpu.memory_space<vmem>>[vector<16xi32>, vector<16xi32>, vector<16xi32>], vector<16xf32>,
    %gather3A_3316 = tpu.vector_load_idx %arg14[%broadcast_in_dim3A_3251, %add3A_3314, %gather3A_3275] : memref<8x128x16xf32, #tpu.memory_space<vmem>>[vector<16xi32>, vector<16xi32>, vector<16xi32>], vector<16xf32>,
    %get3A_3317 = arith.constant 12 : i32
    %get3A_3318 = arith.index_cast %get3A_3317 : i32 to index
    %get3A_3319 = arith.constant 0 : index
    %get3A_3320 = tpu.vector_load %arg15[%get3A_3318, %get3A_3319] {strides = array<i32>} : memref<16x64xf32, #tpu.memory_space<vmem>>, vector<16xf32>,
    %mul3A_3321 = arith.mulf %gather3A_3311, %gather3A_3315 : vector<16xf32>
    %mul3A_3322 = arith.mulf %gather3A_3299, %gather3A_3316 : vector<16xf32>
    %sub3A_3323 = arith.subf %mul3A_3321, %mul3A_3322 : vector<16xf32>
    %mul3A_3324 = arith.mulf %gather3A_3287, %get3A_3320 : vector<16xf32>
    %sub3A_3325 = arith.subf %sub3A_3323, %mul3A_3324 : vector<16xf32>
    %mul3A_3326 = arith.mulf %sub3A_3325, %sub3A_3325 : vector<16xf32>
    %add3A_3327 = arith.addf %add3A_3225, %mul3A_3326 : vector<16xf32>
    %add3A_3328 = arith.constant 16 : i32
    %add3A_3329 = vector.broadcast %add3A_3328 : i32 to vector<16xi32>
    %add3A_3330 = arith.addi %iota3A, %add3A_3329 : vector<16xi32>
    %gather3A_3331 = tpu.vector_load_idx %arg13[%broadcast_in_dim3A_3251, %add3A_3330, %gather3A_3263] : memref<8x128x16xf32, #tpu.memory_space<vmem>>[vector<16xi32>, vector<16xi32>, vector<16xi32>], vector<16xf32>,
    %gather3A_3332 = tpu.vector_load_idx %arg14[%broadcast_in_dim3A_3251, %add3A_3330, %gather3A_3275] : memref<8x128x16xf32, #tpu.memory_space<vmem>>[vector<16xi32>, vector<16xi32>, vector<16xi32>], vector<16xf32>,
    %get3A_3333 = arith.constant 12 : i32
    %get3A_3334 = arith.index_cast %get3A_3333 : i32 to index
    %get3A_3335 = arith.constant 16 : index
    %get3A_3336 = tpu.vector_load %arg15[%get3A_3334, %get3A_3335] {strides = array<i32>} : memref<16x64xf32, #tpu.memory_space<vmem>>, vector<16xf32>,
    %mul3A_3337 = arith.mulf %gather3A_3311, %gather3A_3331 : vector<16xf32>
    %mul3A_3338 = arith.mulf %gather3A_3299, %gather3A_3332 : vector<16xf32>
    %sub3A_3339 = arith.subf %mul3A_3337, %mul3A_3338 : vector<16xf32>
    %mul3A_3340 = arith.mulf %gather3A_3287, %get3A_3336 : vector<16xf32>
    %sub3A_3341 = arith.subf %sub3A_3339, %mul3A_3340 : vector<16xf32>
    %mul3A_3342 = arith.mulf %sub3A_3341, %sub3A_3341 : vector<16xf32>
    %add3A_3343 = arith.addf %add3A_3327, %mul3A_3342 : vector<16xf32>
    %add3A_3344 = arith.constant 32 : i32
    %add3A_3345 = vector.broadcast %add3A_3344 : i32 to vector<16xi32>
    %add3A_3346 = arith.addi %iota3A, %add3A_3345 : vector<16xi32>
    %gather3A_3347 = tpu.vector_load_idx %arg13[%broadcast_in_dim3A_3251, %add3A_3346, %gather3A_3263] : memref<8x128x16xf32, #tpu.memory_space<vmem>>[vector<16xi32>, vector<16xi32>, vector<16xi32>], vector<16xf32>,
    %gather3A_3348 = tpu.vector_load_idx %arg14[%broadcast_in_dim3A_3251, %add3A_3346, %gather3A_3275] : memref<8x128x16xf32, #tpu.memory_space<vmem>>[vector<16xi32>, vector<16xi32>, vector<16xi32>], vector<16xf32>,
    %get3A_3349 = arith.constant 12 : i32
    %get3A_3350 = arith.index_cast %get3A_3349 : i32 to index
    %get3A_3351 = arith.constant 32 : index
    %get3A_3352 = tpu.vector_load %arg15[%get3A_3350, %get3A_3351] {strides = array<i32>} : memref<16x64xf32, #tpu.memory_space<vmem>>, vector<16xf32>,
    %mul3A_3353 = arith.mulf %gather3A_3311, %gather3A_3347 : vector<16xf32>
    %mul3A_3354 = arith.mulf %gather3A_3299, %gather3A_3348 : vector<16xf32>
    %sub3A_3355 = arith.subf %mul3A_3353, %mul3A_3354 : vector<16xf32>
    %mul3A_3356 = arith.mulf %gather3A_3287, %get3A_3352 : vector<16xf32>
    %sub3A_3357 = arith.subf %sub3A_3355, %mul3A_3356 : vector<16xf32>
    %mul3A_3358 = arith.mulf %sub3A_3357, %sub3A_3357 : vector<16xf32>
    %add3A_3359 = arith.addf %add3A_3343, %mul3A_3358 : vector<16xf32>
    %add3A_3360 = arith.constant 48 : i32
    %add3A_3361 = vector.broadcast %add3A_3360 : i32 to vector<16xi32>
    %add3A_3362 = arith.addi %iota3A, %add3A_3361 : vector<16xi32>
    %gather3A_3363 = tpu.vector_load_idx %arg13[%broadcast_in_dim3A_3251, %add3A_3362, %gather3A_3263] : memref<8x128x16xf32, #tpu.memory_space<vmem>>[vector<16xi32>, vector<16xi32>, vector<16xi32>], vector<16xf32>,
    %gather3A_3364 = tpu.vector_load_idx %arg14[%broadcast_in_dim3A_3251, %add3A_3362, %gather3A_3275] : memref<8x128x16xf32, #tpu.memory_space<vmem>>[vector<16xi32>, vector<16xi32>, vector<16xi32>], vector<16xf32>,
    %get3A_3365 = arith.constant 12 : i32
    %get3A_3366 = arith.index_cast %get3A_3365 : i32 to index
    %get3A_3367 = arith.constant 48 : index
    %get3A_3368 = tpu.vector_load %arg15[%get3A_3366, %get3A_3367] {strides = array<i32>} : memref<16x64xf32, #tpu.memory_space<vmem>>, vector<16xf32>,
    %mul3A_3369 = arith.mulf %gather3A_3311, %gather3A_3363 : vector<16xf32>
    %mul3A_3370 = arith.mulf %gather3A_3299, %gather3A_3364 : vector<16xf32>
    %sub3A_3371 = arith.subf %mul3A_3369, %mul3A_3370 : vector<16xf32>
    %mul3A_3372 = arith.mulf %gather3A_3287, %get3A_3368 : vector<16xf32>
    %sub3A_3373 = arith.subf %sub3A_3371, %mul3A_3372 : vector<16xf32>
    %mul3A_3374 = arith.mulf %sub3A_3373, %sub3A_3373 : vector<16xf32>
    %add3A_3375 = arith.addf %add3A_3359, %mul3A_3374 : vector<16xf32>
    %broadcast_in_dim3A_3376 = arith.constant 13 : i32
    %broadcast_in_dim3A_3377 = vector.broadcast %broadcast_in_dim3A_3376 : i32 to vector<16xi32>
    %lt3A_3378 = arith.constant 0 : i32
    %lt3A_3379 = vector.broadcast %lt3A_3378 : i32 to vector<16xi32>
    %lt3A_3380 = arith.cmpi slt, %broadcast_in_dim3A_3377, %lt3A_3379 : vector<16xi32>
    %add3A_3381 = arith.constant 16 : i32
    %add3A_3382 = vector.broadcast %add3A_3381 : i32 to vector<16xi32>
    %add3A_3383 = arith.addi %broadcast_in_dim3A_3377, %add3A_3382 : vector<16xi32>
    %select_n3A_3384 = arith.select %lt3A_3380, %add3A_3383, %broadcast_in_dim3A_3377 : vector<16xi1>, vector<16xi32>
    %broadcast_in_dim3A_3385 = vector.shape_cast %select_n3A_3384 : vector<16xi32> to vector<16x1xi32>
    %gather3A_3386 = vector.shape_cast %broadcast_in_dim3A_3385 : vector<16x1xi32> to vector<16xi32>
    %gather3A_3387 = tpu.dynamic_gather %rem3A_72[%gather3A_3386] in [0] : vector<16xi32>, vector<16xi32> -> vector<16xi32>
    %broadcast_in_dim3A_3388 = arith.constant 13 : i32
    %broadcast_in_dim3A_3389 = vector.broadcast %broadcast_in_dim3A_3388 : i32 to vector<16xi32>
    %lt3A_3390 = arith.constant 0 : i32
    %lt3A_3391 = vector.broadcast %lt3A_3390 : i32 to vector<16xi32>
    %lt3A_3392 = arith.cmpi slt, %broadcast_in_dim3A_3389, %lt3A_3391 : vector<16xi32>
    %add3A_3393 = arith.constant 16 : i32
    %add3A_3394 = vector.broadcast %add3A_3393 : i32 to vector<16xi32>
    %add3A_3395 = arith.addi %broadcast_in_dim3A_3389, %add3A_3394 : vector<16xi32>
    %select_n3A_3396 = arith.select %lt3A_3392, %add3A_3395, %broadcast_in_dim3A_3389 : vector<16xi1>, vector<16xi32>
    %broadcast_in_dim3A_3397 = vector.shape_cast %select_n3A_3396 : vector<16xi32> to vector<16x1xi32>
    %gather3A_3398 = vector.shape_cast %broadcast_in_dim3A_3397 : vector<16x1xi32> to vector<16xi32>
    %gather3A_3399 = tpu.dynamic_gather %rem3A_75[%gather3A_3398] in [0] : vector<16xi32>, vector<16xi32> -> vector<16xi32>
    %broadcast_in_dim3A_3400 = arith.constant 13 : i32
    %broadcast_in_dim3A_3401 = vector.broadcast %broadcast_in_dim3A_3400 : i32 to vector<16xi32>
    %lt3A_3402 = arith.constant 0 : i32
    %lt3A_3403 = vector.broadcast %lt3A_3402 : i32 to vector<16xi32>
    %lt3A_3404 = arith.cmpi slt, %broadcast_in_dim3A_3401, %lt3A_3403 : vector<16xi32>
    %add3A_3405 = arith.constant 16 : i32
    %add3A_3406 = vector.broadcast %add3A_3405 : i32 to vector<16xi32>
    %add3A_3407 = arith.addi %broadcast_in_dim3A_3401, %add3A_3406 : vector<16xi32>
    %select_n3A_3408 = arith.select %lt3A_3404, %add3A_3407, %broadcast_in_dim3A_3401 : vector<16xi1>, vector<16xi32>
    %broadcast_in_dim3A_3409 = vector.shape_cast %select_n3A_3408 : vector<16xi32> to vector<16x1xi32>
    %gather3A_3410 = vector.shape_cast %broadcast_in_dim3A_3409 : vector<16x1xi32> to vector<16xi32>
    %gather3A_3411 = tpu.dynamic_gather %select_n3A[%gather3A_3410] in [0] : vector<16xf32>, vector<16xi32> -> vector<16xf32>
    %broadcast_in_dim3A_3412 = arith.constant 13 : i32
    %broadcast_in_dim3A_3413 = vector.broadcast %broadcast_in_dim3A_3412 : i32 to vector<16xi32>
    %lt3A_3414 = arith.constant 0 : i32
    %lt3A_3415 = vector.broadcast %lt3A_3414 : i32 to vector<16xi32>
    %lt3A_3416 = arith.cmpi slt, %broadcast_in_dim3A_3413, %lt3A_3415 : vector<16xi32>
    %add3A_3417 = arith.constant 16 : i32
    %add3A_3418 = vector.broadcast %add3A_3417 : i32 to vector<16xi32>
    %add3A_3419 = arith.addi %broadcast_in_dim3A_3413, %add3A_3418 : vector<16xi32>
    %select_n3A_3420 = arith.select %lt3A_3416, %add3A_3419, %broadcast_in_dim3A_3413 : vector<16xi1>, vector<16xi32>
    %broadcast_in_dim3A_3421 = vector.shape_cast %select_n3A_3420 : vector<16xi32> to vector<16x1xi32>
    %gather3A_3422 = vector.shape_cast %broadcast_in_dim3A_3421 : vector<16x1xi32> to vector<16xi32>
    %gather3A_3423 = tpu.dynamic_gather %select_n3A_87[%gather3A_3422] in [0] : vector<16xf32>, vector<16xi32> -> vector<16xf32>
    %broadcast_in_dim3A_3424 = arith.constant 13 : i32
    %broadcast_in_dim3A_3425 = vector.broadcast %broadcast_in_dim3A_3424 : i32 to vector<16xi32>
    %lt3A_3426 = arith.constant 0 : i32
    %lt3A_3427 = vector.broadcast %lt3A_3426 : i32 to vector<16xi32>
    %lt3A_3428 = arith.cmpi slt, %broadcast_in_dim3A_3425, %lt3A_3427 : vector<16xi32>
    %add3A_3429 = arith.constant 16 : i32
    %add3A_3430 = vector.broadcast %add3A_3429 : i32 to vector<16xi32>
    %add3A_3431 = arith.addi %broadcast_in_dim3A_3425, %add3A_3430 : vector<16xi32>
    %select_n3A_3432 = arith.select %lt3A_3428, %add3A_3431, %broadcast_in_dim3A_3425 : vector<16xi1>, vector<16xi32>
    %broadcast_in_dim3A_3433 = vector.shape_cast %select_n3A_3432 : vector<16xi32> to vector<16x1xi32>
    %gather3A_3434 = vector.shape_cast %broadcast_in_dim3A_3433 : vector<16x1xi32> to vector<16xi32>
    %gather3A_3435 = tpu.dynamic_gather %select_n3A_94[%gather3A_3434] in [0] : vector<16xf32>, vector<16xi32> -> vector<16xf32>
    %add3A_3436 = arith.constant 64 : i32
    %add3A_3437 = vector.broadcast %add3A_3436 : i32 to vector<16xi32>
    %add3A_3438 = arith.addi %iota3A, %add3A_3437 : vector<16xi32>
    %gather3A_3439 = tpu.vector_load_idx %arg13[%broadcast_in_dim3A_3251, %add3A_3438, %gather3A_3387] : memref<8x128x16xf32, #tpu.memory_space<vmem>>[vector<16xi32>, vector<16xi32>, vector<16xi32>], vector<16xf32>,
    %gather3A_3440 = tpu.vector_load_idx %arg14[%broadcast_in_dim3A_3251, %add3A_3438, %gather3A_3399] : memref<8x128x16xf32, #tpu.memory_space<vmem>>[vector<16xi32>, vector<16xi32>, vector<16xi32>], vector<16xf32>,
    %get3A_3441 = arith.constant 13 : i32
    %get3A_3442 = arith.index_cast %get3A_3441 : i32 to index
    %get3A_3443 = arith.constant 0 : index
    %get3A_3444 = tpu.vector_load %arg15[%get3A_3442, %get3A_3443] {strides = array<i32>} : memref<16x64xf32, #tpu.memory_space<vmem>>, vector<16xf32>,
    %mul3A_3445 = arith.mulf %gather3A_3435, %gather3A_3439 : vector<16xf32>
    %mul3A_3446 = arith.mulf %gather3A_3423, %gather3A_3440 : vector<16xf32>
    %sub3A_3447 = arith.subf %mul3A_3445, %mul3A_3446 : vector<16xf32>
    %mul3A_3448 = arith.mulf %gather3A_3411, %get3A_3444 : vector<16xf32>
    %sub3A_3449 = arith.subf %sub3A_3447, %mul3A_3448 : vector<16xf32>
    %mul3A_3450 = arith.mulf %sub3A_3449, %sub3A_3449 : vector<16xf32>
    %add3A_3451 = arith.addf %add3A_3375, %mul3A_3450 : vector<16xf32>
    %add3A_3452 = arith.constant 80 : i32
    %add3A_3453 = vector.broadcast %add3A_3452 : i32 to vector<16xi32>
    %add3A_3454 = arith.addi %iota3A, %add3A_3453 : vector<16xi32>
    %gather3A_3455 = tpu.vector_load_idx %arg13[%broadcast_in_dim3A_3251, %add3A_3454, %gather3A_3387] : memref<8x128x16xf32, #tpu.memory_space<vmem>>[vector<16xi32>, vector<16xi32>, vector<16xi32>], vector<16xf32>,
    %gather3A_3456 = tpu.vector_load_idx %arg14[%broadcast_in_dim3A_3251, %add3A_3454, %gather3A_3399] : memref<8x128x16xf32, #tpu.memory_space<vmem>>[vector<16xi32>, vector<16xi32>, vector<16xi32>], vector<16xf32>,
    %get3A_3457 = arith.constant 13 : i32
    %get3A_3458 = arith.index_cast %get3A_3457 : i32 to index
    %get3A_3459 = arith.constant 16 : index
    %get3A_3460 = tpu.vector_load %arg15[%get3A_3458, %get3A_3459] {strides = array<i32>} : memref<16x64xf32, #tpu.memory_space<vmem>>, vector<16xf32>,
    %mul3A_3461 = arith.mulf %gather3A_3435, %gather3A_3455 : vector<16xf32>
    %mul3A_3462 = arith.mulf %gather3A_3423, %gather3A_3456 : vector<16xf32>
    %sub3A_3463 = arith.subf %mul3A_3461, %mul3A_3462 : vector<16xf32>
    %mul3A_3464 = arith.mulf %gather3A_3411, %get3A_3460 : vector<16xf32>
    %sub3A_3465 = arith.subf %sub3A_3463, %mul3A_3464 : vector<16xf32>
    %mul3A_3466 = arith.mulf %sub3A_3465, %sub3A_3465 : vector<16xf32>
    %add3A_3467 = arith.addf %add3A_3451, %mul3A_3466 : vector<16xf32>
    %add3A_3468 = arith.constant 96 : i32
    %add3A_3469 = vector.broadcast %add3A_3468 : i32 to vector<16xi32>
    %add3A_3470 = arith.addi %iota3A, %add3A_3469 : vector<16xi32>
    %gather3A_3471 = tpu.vector_load_idx %arg13[%broadcast_in_dim3A_3251, %add3A_3470, %gather3A_3387] : memref<8x128x16xf32, #tpu.memory_space<vmem>>[vector<16xi32>, vector<16xi32>, vector<16xi32>], vector<16xf32>,
    %gather3A_3472 = tpu.vector_load_idx %arg14[%broadcast_in_dim3A_3251, %add3A_3470, %gather3A_3399] : memref<8x128x16xf32, #tpu.memory_space<vmem>>[vector<16xi32>, vector<16xi32>, vector<16xi32>], vector<16xf32>,
    %get3A_3473 = arith.constant 13 : i32
    %get3A_3474 = arith.index_cast %get3A_3473 : i32 to index
    %get3A_3475 = arith.constant 32 : index
    %get3A_3476 = tpu.vector_load %arg15[%get3A_3474, %get3A_3475] {strides = array<i32>} : memref<16x64xf32, #tpu.memory_space<vmem>>, vector<16xf32>,
    %mul3A_3477 = arith.mulf %gather3A_3435, %gather3A_3471 : vector<16xf32>
    %mul3A_3478 = arith.mulf %gather3A_3423, %gather3A_3472 : vector<16xf32>
    %sub3A_3479 = arith.subf %mul3A_3477, %mul3A_3478 : vector<16xf32>
    %mul3A_3480 = arith.mulf %gather3A_3411, %get3A_3476 : vector<16xf32>
    %sub3A_3481 = arith.subf %sub3A_3479, %mul3A_3480 : vector<16xf32>
    %mul3A_3482 = arith.mulf %sub3A_3481, %sub3A_3481 : vector<16xf32>
    %add3A_3483 = arith.addf %add3A_3467, %mul3A_3482 : vector<16xf32>
    %add3A_3484 = arith.constant 112 : i32
    %add3A_3485 = vector.broadcast %add3A_3484 : i32 to vector<16xi32>
    %add3A_3486 = arith.addi %iota3A, %add3A_3485 : vector<16xi32>
    %gather3A_3487 = tpu.vector_load_idx %arg13[%broadcast_in_dim3A_3251, %add3A_3486, %gather3A_3387] : memref<8x128x16xf32, #tpu.memory_space<vmem>>[vector<16xi32>, vector<16xi32>, vector<16xi32>], vector<16xf32>,
    %gather3A_3488 = tpu.vector_load_idx %arg14[%broadcast_in_dim3A_3251, %add3A_3486, %gather3A_3399] : memref<8x128x16xf32, #tpu.memory_space<vmem>>[vector<16xi32>, vector<16xi32>, vector<16xi32>], vector<16xf32>,
    %get3A_3489 = arith.constant 13 : i32
    %get3A_3490 = arith.index_cast %get3A_3489 : i32 to index
    %get3A_3491 = arith.constant 48 : index
    %get3A_3492 = tpu.vector_load %arg15[%get3A_3490, %get3A_3491] {strides = array<i32>} : memref<16x64xf32, #tpu.memory_space<vmem>>, vector<16xf32>,
    %mul3A_3493 = arith.mulf %gather3A_3435, %gather3A_3487 : vector<16xf32>
    %mul3A_3494 = arith.mulf %gather3A_3423, %gather3A_3488 : vector<16xf32>
    %sub3A_3495 = arith.subf %mul3A_3493, %mul3A_3494 : vector<16xf32>
    %mul3A_3496 = arith.mulf %gather3A_3411, %get3A_3492 : vector<16xf32>
    %sub3A_3497 = arith.subf %sub3A_3495, %mul3A_3496 : vector<16xf32>
    %mul3A_3498 = arith.mulf %sub3A_3497, %sub3A_3497 : vector<16xf32>
    %add3A_3499 = arith.addf %add3A_3483, %mul3A_3498 : vector<16xf32>
    %dma_wait3A_3500 = arith.constant 7 : i32
    %dma_wait3A_3501 = arith.constant 7 : i32
    %dma_wait3A_3502 = arith.constant 0 : i32
    %dma_wait3A_3503 = arith.constant 0 : i32
    %dma_wait3A_3504 = tpu.memref_slice %arg13[%dma_wait3A_3501, %dma_wait3A_3502, %dma_wait3A_3503] : memref<8x128x16xf32, #tpu.memory_space<vmem>> -> memref<1x128x16xf32, #tpu.memory_space<vmem>>
    %dma_wait3A_3505 = tpu.memref_squeeze %dma_wait3A_3504 : memref<1x128x16xf32, #tpu.memory_space<vmem>> -> memref<128x16xf32, #tpu.memory_space<vmem>>
    %dma_wait3A_3506 = arith.constant 0 : i32
    %dma_wait3A_3507 = tpu.memref_slice %arg11[%dma_wait3A_3500, %dma_wait3A_3506] : memref<8x128xi32, #tpu.memory_space<vmem>> -> memref<1x128xi32, #tpu.memory_space<vmem>>
    %dma_wait3A_3508 = tpu.memref_squeeze %dma_wait3A_3507 : memref<1x128xi32, #tpu.memory_space<vmem>> -> memref<128xi32, #tpu.memory_space<vmem>>
    %dma_wait3A_3509 = arith.constant 0 : i32
    %dma_wait3A_3510 = arith.constant 0 : i32
    %dma_wait3A_3511 = tpu.memref_slice %arg2[%dma_wait3A_3509, %dma_wait3A_3510] : memref<1048576x16xf32, #tpu.memory_space<hbm>> -> memref<1048576x16xf32, #tpu.memory_space<hbm>>
    tpu.wait_indirect_dma semaphore(%arg23 : memref<!tpu.dma_semaphore, #tpu.memory_space<semaphore_mem>>) src(%dma_wait3A_3511 : memref<1048576x16xf32, #tpu.memory_space<hbm>>) dst(%dma_wait3A_3505 : memref<128x16xf32, #tpu.memory_space<vmem>>)
    %dma_wait3A_3512 = arith.constant 7 : i32
    %dma_wait3A_3513 = arith.constant 7 : i32
    %dma_wait3A_3514 = arith.constant 0 : i32
    %dma_wait3A_3515 = arith.constant 0 : i32
    %dma_wait3A_3516 = tpu.memref_slice %arg14[%dma_wait3A_3513, %dma_wait3A_3514, %dma_wait3A_3515] : memref<8x128x16xf32, #tpu.memory_space<vmem>> -> memref<1x128x16xf32, #tpu.memory_space<vmem>>
    %dma_wait3A_3517 = tpu.memref_squeeze %dma_wait3A_3516 : memref<1x128x16xf32, #tpu.memory_space<vmem>> -> memref<128x16xf32, #tpu.memory_space<vmem>>
    %dma_wait3A_3518 = arith.constant 0 : i32
    %dma_wait3A_3519 = tpu.memref_slice %arg12[%dma_wait3A_3512, %dma_wait3A_3518] : memref<8x128xi32, #tpu.memory_space<vmem>> -> memref<1x128xi32, #tpu.memory_space<vmem>>
    %dma_wait3A_3520 = tpu.memref_squeeze %dma_wait3A_3519 : memref<1x128xi32, #tpu.memory_space<vmem>> -> memref<128xi32, #tpu.memory_space<vmem>>
    %dma_wait3A_3521 = arith.constant 0 : i32
    %dma_wait3A_3522 = arith.constant 0 : i32
    %dma_wait3A_3523 = tpu.memref_slice %arg3[%dma_wait3A_3521, %dma_wait3A_3522] : memref<1048576x16xf32, #tpu.memory_space<hbm>> -> memref<1048576x16xf32, #tpu.memory_space<hbm>>
    tpu.wait_indirect_dma semaphore(%arg23 : memref<!tpu.dma_semaphore, #tpu.memory_space<semaphore_mem>>) src(%dma_wait3A_3523 : memref<1048576x16xf32, #tpu.memory_space<hbm>>) dst(%dma_wait3A_3517 : memref<128x16xf32, #tpu.memory_space<vmem>>)
    %broadcast_in_dim3A_3524 = arith.constant 7 : i32
    %broadcast_in_dim3A_3525 = vector.broadcast %broadcast_in_dim3A_3524 : i32 to vector<16xi32>
    %broadcast_in_dim3A_3526 = arith.constant 14 : i32
    %broadcast_in_dim3A_3527 = vector.broadcast %broadcast_in_dim3A_3526 : i32 to vector<16xi32>
    %lt3A_3528 = arith.constant 0 : i32
    %lt3A_3529 = vector.broadcast %lt3A_3528 : i32 to vector<16xi32>
    %lt3A_3530 = arith.cmpi slt, %broadcast_in_dim3A_3527, %lt3A_3529 : vector<16xi32>
    %add3A_3531 = arith.constant 16 : i32
    %add3A_3532 = vector.broadcast %add3A_3531 : i32 to vector<16xi32>
    %add3A_3533 = arith.addi %broadcast_in_dim3A_3527, %add3A_3532 : vector<16xi32>
    %select_n3A_3534 = arith.select %lt3A_3530, %add3A_3533, %broadcast_in_dim3A_3527 : vector<16xi1>, vector<16xi32>
    %broadcast_in_dim3A_3535 = vector.shape_cast %select_n3A_3534 : vector<16xi32> to vector<16x1xi32>
    %gather3A_3536 = vector.shape_cast %broadcast_in_dim3A_3535 : vector<16x1xi32> to vector<16xi32>
    %gather3A_3537 = tpu.dynamic_gather %rem3A_72[%gather3A_3536] in [0] : vector<16xi32>, vector<16xi32> -> vector<16xi32>
    %broadcast_in_dim3A_3538 = arith.constant 14 : i32
    %broadcast_in_dim3A_3539 = vector.broadcast %broadcast_in_dim3A_3538 : i32 to vector<16xi32>
    %lt3A_3540 = arith.constant 0 : i32
    %lt3A_3541 = vector.broadcast %lt3A_3540 : i32 to vector<16xi32>
    %lt3A_3542 = arith.cmpi slt, %broadcast_in_dim3A_3539, %lt3A_3541 : vector<16xi32>
    %add3A_3543 = arith.constant 16 : i32
    %add3A_3544 = vector.broadcast %add3A_3543 : i32 to vector<16xi32>
    %add3A_3545 = arith.addi %broadcast_in_dim3A_3539, %add3A_3544 : vector<16xi32>
    %select_n3A_3546 = arith.select %lt3A_3542, %add3A_3545, %broadcast_in_dim3A_3539 : vector<16xi1>, vector<16xi32>
    %broadcast_in_dim3A_3547 = vector.shape_cast %select_n3A_3546 : vector<16xi32> to vector<16x1xi32>
    %gather3A_3548 = vector.shape_cast %broadcast_in_dim3A_3547 : vector<16x1xi32> to vector<16xi32>
    %gather3A_3549 = tpu.dynamic_gather %rem3A_75[%gather3A_3548] in [0] : vector<16xi32>, vector<16xi32> -> vector<16xi32>
    %broadcast_in_dim3A_3550 = arith.constant 14 : i32
    %broadcast_in_dim3A_3551 = vector.broadcast %broadcast_in_dim3A_3550 : i32 to vector<16xi32>
    %lt3A_3552 = arith.constant 0 : i32
    %lt3A_3553 = vector.broadcast %lt3A_3552 : i32 to vector<16xi32>
    %lt3A_3554 = arith.cmpi slt, %broadcast_in_dim3A_3551, %lt3A_3553 : vector<16xi32>
    %add3A_3555 = arith.constant 16 : i32
    %add3A_3556 = vector.broadcast %add3A_3555 : i32 to vector<16xi32>
    %add3A_3557 = arith.addi %broadcast_in_dim3A_3551, %add3A_3556 : vector<16xi32>
    %select_n3A_3558 = arith.select %lt3A_3554, %add3A_3557, %broadcast_in_dim3A_3551 : vector<16xi1>, vector<16xi32>
    %broadcast_in_dim3A_3559 = vector.shape_cast %select_n3A_3558 : vector<16xi32> to vector<16x1xi32>
    %gather3A_3560 = vector.shape_cast %broadcast_in_dim3A_3559 : vector<16x1xi32> to vector<16xi32>
    %gather3A_3561 = tpu.dynamic_gather %select_n3A[%gather3A_3560] in [0] : vector<16xf32>, vector<16xi32> -> vector<16xf32>
    %broadcast_in_dim3A_3562 = arith.constant 14 : i32
    %broadcast_in_dim3A_3563 = vector.broadcast %broadcast_in_dim3A_3562 : i32 to vector<16xi32>
    %lt3A_3564 = arith.constant 0 : i32
    %lt3A_3565 = vector.broadcast %lt3A_3564 : i32 to vector<16xi32>
    %lt3A_3566 = arith.cmpi slt, %broadcast_in_dim3A_3563, %lt3A_3565 : vector<16xi32>
    %add3A_3567 = arith.constant 16 : i32
    %add3A_3568 = vector.broadcast %add3A_3567 : i32 to vector<16xi32>
    %add3A_3569 = arith.addi %broadcast_in_dim3A_3563, %add3A_3568 : vector<16xi32>
    %select_n3A_3570 = arith.select %lt3A_3566, %add3A_3569, %broadcast_in_dim3A_3563 : vector<16xi1>, vector<16xi32>
    %broadcast_in_dim3A_3571 = vector.shape_cast %select_n3A_3570 : vector<16xi32> to vector<16x1xi32>
    %gather3A_3572 = vector.shape_cast %broadcast_in_dim3A_3571 : vector<16x1xi32> to vector<16xi32>
    %gather3A_3573 = tpu.dynamic_gather %select_n3A_87[%gather3A_3572] in [0] : vector<16xf32>, vector<16xi32> -> vector<16xf32>
    %broadcast_in_dim3A_3574 = arith.constant 14 : i32
    %broadcast_in_dim3A_3575 = vector.broadcast %broadcast_in_dim3A_3574 : i32 to vector<16xi32>
    %lt3A_3576 = arith.constant 0 : i32
    %lt3A_3577 = vector.broadcast %lt3A_3576 : i32 to vector<16xi32>
    %lt3A_3578 = arith.cmpi slt, %broadcast_in_dim3A_3575, %lt3A_3577 : vector<16xi32>
    %add3A_3579 = arith.constant 16 : i32
    %add3A_3580 = vector.broadcast %add3A_3579 : i32 to vector<16xi32>
    %add3A_3581 = arith.addi %broadcast_in_dim3A_3575, %add3A_3580 : vector<16xi32>
    %select_n3A_3582 = arith.select %lt3A_3578, %add3A_3581, %broadcast_in_dim3A_3575 : vector<16xi1>, vector<16xi32>
    %broadcast_in_dim3A_3583 = vector.shape_cast %select_n3A_3582 : vector<16xi32> to vector<16x1xi32>
    %gather3A_3584 = vector.shape_cast %broadcast_in_dim3A_3583 : vector<16x1xi32> to vector<16xi32>
    %gather3A_3585 = tpu.dynamic_gather %select_n3A_94[%gather3A_3584] in [0] : vector<16xf32>, vector<16xi32> -> vector<16xf32>
    %add3A_3586 = arith.constant 0 : i32
    %add3A_3587 = vector.broadcast %add3A_3586 : i32 to vector<16xi32>
    %add3A_3588 = arith.addi %iota3A, %add3A_3587 : vector<16xi32>
    %gather3A_3589 = tpu.vector_load_idx %arg13[%broadcast_in_dim3A_3525, %add3A_3588, %gather3A_3537] : memref<8x128x16xf32, #tpu.memory_space<vmem>>[vector<16xi32>, vector<16xi32>, vector<16xi32>], vector<16xf32>,
    %gather3A_3590 = tpu.vector_load_idx %arg14[%broadcast_in_dim3A_3525, %add3A_3588, %gather3A_3549] : memref<8x128x16xf32, #tpu.memory_space<vmem>>[vector<16xi32>, vector<16xi32>, vector<16xi32>], vector<16xf32>,
    %get3A_3591 = arith.constant 14 : i32
    %get3A_3592 = arith.index_cast %get3A_3591 : i32 to index
    %get3A_3593 = arith.constant 0 : index
    %get3A_3594 = tpu.vector_load %arg15[%get3A_3592, %get3A_3593] {strides = array<i32>} : memref<16x64xf32, #tpu.memory_space<vmem>>, vector<16xf32>,
    %mul3A_3595 = arith.mulf %gather3A_3585, %gather3A_3589 : vector<16xf32>
    %mul3A_3596 = arith.mulf %gather3A_3573, %gather3A_3590 : vector<16xf32>
    %sub3A_3597 = arith.subf %mul3A_3595, %mul3A_3596 : vector<16xf32>
    %mul3A_3598 = arith.mulf %gather3A_3561, %get3A_3594 : vector<16xf32>
    %sub3A_3599 = arith.subf %sub3A_3597, %mul3A_3598 : vector<16xf32>
    %mul3A_3600 = arith.mulf %sub3A_3599, %sub3A_3599 : vector<16xf32>
    %add3A_3601 = arith.addf %add3A_3499, %mul3A_3600 : vector<16xf32>
    %add3A_3602 = arith.constant 16 : i32
    %add3A_3603 = vector.broadcast %add3A_3602 : i32 to vector<16xi32>
    %add3A_3604 = arith.addi %iota3A, %add3A_3603 : vector<16xi32>
    %gather3A_3605 = tpu.vector_load_idx %arg13[%broadcast_in_dim3A_3525, %add3A_3604, %gather3A_3537] : memref<8x128x16xf32, #tpu.memory_space<vmem>>[vector<16xi32>, vector<16xi32>, vector<16xi32>], vector<16xf32>,
    %gather3A_3606 = tpu.vector_load_idx %arg14[%broadcast_in_dim3A_3525, %add3A_3604, %gather3A_3549] : memref<8x128x16xf32, #tpu.memory_space<vmem>>[vector<16xi32>, vector<16xi32>, vector<16xi32>], vector<16xf32>,
    %get3A_3607 = arith.constant 14 : i32
    %get3A_3608 = arith.index_cast %get3A_3607 : i32 to index
    %get3A_3609 = arith.constant 16 : index
    %get3A_3610 = tpu.vector_load %arg15[%get3A_3608, %get3A_3609] {strides = array<i32>} : memref<16x64xf32, #tpu.memory_space<vmem>>, vector<16xf32>,
    %mul3A_3611 = arith.mulf %gather3A_3585, %gather3A_3605 : vector<16xf32>
    %mul3A_3612 = arith.mulf %gather3A_3573, %gather3A_3606 : vector<16xf32>
    %sub3A_3613 = arith.subf %mul3A_3611, %mul3A_3612 : vector<16xf32>
    %mul3A_3614 = arith.mulf %gather3A_3561, %get3A_3610 : vector<16xf32>
    %sub3A_3615 = arith.subf %sub3A_3613, %mul3A_3614 : vector<16xf32>
    %mul3A_3616 = arith.mulf %sub3A_3615, %sub3A_3615 : vector<16xf32>
    %add3A_3617 = arith.addf %add3A_3601, %mul3A_3616 : vector<16xf32>
    %add3A_3618 = arith.constant 32 : i32
    %add3A_3619 = vector.broadcast %add3A_3618 : i32 to vector<16xi32>
    %add3A_3620 = arith.addi %iota3A, %add3A_3619 : vector<16xi32>
    %gather3A_3621 = tpu.vector_load_idx %arg13[%broadcast_in_dim3A_3525, %add3A_3620, %gather3A_3537] : memref<8x128x16xf32, #tpu.memory_space<vmem>>[vector<16xi32>, vector<16xi32>, vector<16xi32>], vector<16xf32>,
    %gather3A_3622 = tpu.vector_load_idx %arg14[%broadcast_in_dim3A_3525, %add3A_3620, %gather3A_3549] : memref<8x128x16xf32, #tpu.memory_space<vmem>>[vector<16xi32>, vector<16xi32>, vector<16xi32>], vector<16xf32>,
    %get3A_3623 = arith.constant 14 : i32
    %get3A_3624 = arith.index_cast %get3A_3623 : i32 to index
    %get3A_3625 = arith.constant 32 : index
    %get3A_3626 = tpu.vector_load %arg15[%get3A_3624, %get3A_3625] {strides = array<i32>} : memref<16x64xf32, #tpu.memory_space<vmem>>, vector<16xf32>,
    %mul3A_3627 = arith.mulf %gather3A_3585, %gather3A_3621 : vector<16xf32>
    %mul3A_3628 = arith.mulf %gather3A_3573, %gather3A_3622 : vector<16xf32>
    %sub3A_3629 = arith.subf %mul3A_3627, %mul3A_3628 : vector<16xf32>
    %mul3A_3630 = arith.mulf %gather3A_3561, %get3A_3626 : vector<16xf32>
    %sub3A_3631 = arith.subf %sub3A_3629, %mul3A_3630 : vector<16xf32>
    %mul3A_3632 = arith.mulf %sub3A_3631, %sub3A_3631 : vector<16xf32>
    %add3A_3633 = arith.addf %add3A_3617, %mul3A_3632 : vector<16xf32>
    %add3A_3634 = arith.constant 48 : i32
    %add3A_3635 = vector.broadcast %add3A_3634 : i32 to vector<16xi32>
    %add3A_3636 = arith.addi %iota3A, %add3A_3635 : vector<16xi32>
    %gather3A_3637 = tpu.vector_load_idx %arg13[%broadcast_in_dim3A_3525, %add3A_3636, %gather3A_3537] : memref<8x128x16xf32, #tpu.memory_space<vmem>>[vector<16xi32>, vector<16xi32>, vector<16xi32>], vector<16xf32>,
    %gather3A_3638 = tpu.vector_load_idx %arg14[%broadcast_in_dim3A_3525, %add3A_3636, %gather3A_3549] : memref<8x128x16xf32, #tpu.memory_space<vmem>>[vector<16xi32>, vector<16xi32>, vector<16xi32>], vector<16xf32>,
    %get3A_3639 = arith.constant 14 : i32
    %get3A_3640 = arith.index_cast %get3A_3639 : i32 to index
    %get3A_3641 = arith.constant 48 : index
    %get3A_3642 = tpu.vector_load %arg15[%get3A_3640, %get3A_3641] {strides = array<i32>} : memref<16x64xf32, #tpu.memory_space<vmem>>, vector<16xf32>,
    %mul3A_3643 = arith.mulf %gather3A_3585, %gather3A_3637 : vector<16xf32>
    %mul3A_3644 = arith.mulf %gather3A_3573, %gather3A_3638 : vector<16xf32>
    %sub3A_3645 = arith.subf %mul3A_3643, %mul3A_3644 : vector<16xf32>
    %mul3A_3646 = arith.mulf %gather3A_3561, %get3A_3642 : vector<16xf32>
    %sub3A_3647 = arith.subf %sub3A_3645, %mul3A_3646 : vector<16xf32>
    %mul3A_3648 = arith.mulf %sub3A_3647, %sub3A_3647 : vector<16xf32>
    %add3A_3649 = arith.addf %add3A_3633, %mul3A_3648 : vector<16xf32>
    %broadcast_in_dim3A_3650 = arith.constant 15 : i32
    %broadcast_in_dim3A_3651 = vector.broadcast %broadcast_in_dim3A_3650 : i32 to vector<16xi32>
    %lt3A_3652 = arith.constant 0 : i32
    %lt3A_3653 = vector.broadcast %lt3A_3652 : i32 to vector<16xi32>
    %lt3A_3654 = arith.cmpi slt, %broadcast_in_dim3A_3651, %lt3A_3653 : vector<16xi32>
    %add3A_3655 = arith.constant 16 : i32
    %add3A_3656 = vector.broadcast %add3A_3655 : i32 to vector<16xi32>
    %add3A_3657 = arith.addi %broadcast_in_dim3A_3651, %add3A_3656 : vector<16xi32>
    %select_n3A_3658 = arith.select %lt3A_3654, %add3A_3657, %broadcast_in_dim3A_3651 : vector<16xi1>, vector<16xi32>
    %broadcast_in_dim3A_3659 = vector.shape_cast %select_n3A_3658 : vector<16xi32> to vector<16x1xi32>
    %gather3A_3660 = vector.shape_cast %broadcast_in_dim3A_3659 : vector<16x1xi32> to vector<16xi32>
    %gather3A_3661 = tpu.dynamic_gather %rem3A_72[%gather3A_3660] in [0] : vector<16xi32>, vector<16xi32> -> vector<16xi32>
    %broadcast_in_dim3A_3662 = arith.constant 15 : i32
    %broadcast_in_dim3A_3663 = vector.broadcast %broadcast_in_dim3A_3662 : i32 to vector<16xi32>
    %lt3A_3664 = arith.constant 0 : i32
    %lt3A_3665 = vector.broadcast %lt3A_3664 : i32 to vector<16xi32>
    %lt3A_3666 = arith.cmpi slt, %broadcast_in_dim3A_3663, %lt3A_3665 : vector<16xi32>
    %add3A_3667 = arith.constant 16 : i32
    %add3A_3668 = vector.broadcast %add3A_3667 : i32 to vector<16xi32>
    %add3A_3669 = arith.addi %broadcast_in_dim3A_3663, %add3A_3668 : vector<16xi32>
    %select_n3A_3670 = arith.select %lt3A_3666, %add3A_3669, %broadcast_in_dim3A_3663 : vector<16xi1>, vector<16xi32>
    %broadcast_in_dim3A_3671 = vector.shape_cast %select_n3A_3670 : vector<16xi32> to vector<16x1xi32>
    %gather3A_3672 = vector.shape_cast %broadcast_in_dim3A_3671 : vector<16x1xi32> to vector<16xi32>
    %gather3A_3673 = tpu.dynamic_gather %rem3A_75[%gather3A_3672] in [0] : vector<16xi32>, vector<16xi32> -> vector<16xi32>
    %broadcast_in_dim3A_3674 = arith.constant 15 : i32
    %broadcast_in_dim3A_3675 = vector.broadcast %broadcast_in_dim3A_3674 : i32 to vector<16xi32>
    %lt3A_3676 = arith.constant 0 : i32
    %lt3A_3677 = vector.broadcast %lt3A_3676 : i32 to vector<16xi32>
    %lt3A_3678 = arith.cmpi slt, %broadcast_in_dim3A_3675, %lt3A_3677 : vector<16xi32>
    %add3A_3679 = arith.constant 16 : i32
    %add3A_3680 = vector.broadcast %add3A_3679 : i32 to vector<16xi32>
    %add3A_3681 = arith.addi %broadcast_in_dim3A_3675, %add3A_3680 : vector<16xi32>
    %select_n3A_3682 = arith.select %lt3A_3678, %add3A_3681, %broadcast_in_dim3A_3675 : vector<16xi1>, vector<16xi32>
    %broadcast_in_dim3A_3683 = vector.shape_cast %select_n3A_3682 : vector<16xi32> to vector<16x1xi32>
    %gather3A_3684 = vector.shape_cast %broadcast_in_dim3A_3683 : vector<16x1xi32> to vector<16xi32>
    %gather3A_3685 = tpu.dynamic_gather %select_n3A[%gather3A_3684] in [0] : vector<16xf32>, vector<16xi32> -> vector<16xf32>
    %broadcast_in_dim3A_3686 = arith.constant 15 : i32
    %broadcast_in_dim3A_3687 = vector.broadcast %broadcast_in_dim3A_3686 : i32 to vector<16xi32>
    %lt3A_3688 = arith.constant 0 : i32
    %lt3A_3689 = vector.broadcast %lt3A_3688 : i32 to vector<16xi32>
    %lt3A_3690 = arith.cmpi slt, %broadcast_in_dim3A_3687, %lt3A_3689 : vector<16xi32>
    %add3A_3691 = arith.constant 16 : i32
    %add3A_3692 = vector.broadcast %add3A_3691 : i32 to vector<16xi32>
    %add3A_3693 = arith.addi %broadcast_in_dim3A_3687, %add3A_3692 : vector<16xi32>
    %select_n3A_3694 = arith.select %lt3A_3690, %add3A_3693, %broadcast_in_dim3A_3687 : vector<16xi1>, vector<16xi32>
    %broadcast_in_dim3A_3695 = vector.shape_cast %select_n3A_3694 : vector<16xi32> to vector<16x1xi32>
    %gather3A_3696 = vector.shape_cast %broadcast_in_dim3A_3695 : vector<16x1xi32> to vector<16xi32>
    %gather3A_3697 = tpu.dynamic_gather %select_n3A_87[%gather3A_3696] in [0] : vector<16xf32>, vector<16xi32> -> vector<16xf32>
    %broadcast_in_dim3A_3698 = arith.constant 15 : i32
    %broadcast_in_dim3A_3699 = vector.broadcast %broadcast_in_dim3A_3698 : i32 to vector<16xi32>
    %lt3A_3700 = arith.constant 0 : i32
    %lt3A_3701 = vector.broadcast %lt3A_3700 : i32 to vector<16xi32>
    %lt3A_3702 = arith.cmpi slt, %broadcast_in_dim3A_3699, %lt3A_3701 : vector<16xi32>
    %add3A_3703 = arith.constant 16 : i32
    %add3A_3704 = vector.broadcast %add3A_3703 : i32 to vector<16xi32>
    %add3A_3705 = arith.addi %broadcast_in_dim3A_3699, %add3A_3704 : vector<16xi32>
    %select_n3A_3706 = arith.select %lt3A_3702, %add3A_3705, %broadcast_in_dim3A_3699 : vector<16xi1>, vector<16xi32>
    %broadcast_in_dim3A_3707 = vector.shape_cast %select_n3A_3706 : vector<16xi32> to vector<16x1xi32>
    %gather3A_3708 = vector.shape_cast %broadcast_in_dim3A_3707 : vector<16x1xi32> to vector<16xi32>
    %gather3A_3709 = tpu.dynamic_gather %select_n3A_94[%gather3A_3708] in [0] : vector<16xf32>, vector<16xi32> -> vector<16xf32>
    %add3A_3710 = arith.constant 64 : i32
    %add3A_3711 = vector.broadcast %add3A_3710 : i32 to vector<16xi32>
    %add3A_3712 = arith.addi %iota3A, %add3A_3711 : vector<16xi32>
    %gather3A_3713 = tpu.vector_load_idx %arg13[%broadcast_in_dim3A_3525, %add3A_3712, %gather3A_3661] : memref<8x128x16xf32, #tpu.memory_space<vmem>>[vector<16xi32>, vector<16xi32>, vector<16xi32>], vector<16xf32>,
    %gather3A_3714 = tpu.vector_load_idx %arg14[%broadcast_in_dim3A_3525, %add3A_3712, %gather3A_3673] : memref<8x128x16xf32, #tpu.memory_space<vmem>>[vector<16xi32>, vector<16xi32>, vector<16xi32>], vector<16xf32>,
    %get3A_3715 = arith.constant 15 : i32
    %get3A_3716 = arith.index_cast %get3A_3715 : i32 to index
    %get3A_3717 = arith.constant 0 : index
    %get3A_3718 = tpu.vector_load %arg15[%get3A_3716, %get3A_3717] {strides = array<i32>} : memref<16x64xf32, #tpu.memory_space<vmem>>, vector<16xf32>,
    %mul3A_3719 = arith.mulf %gather3A_3709, %gather3A_3713 : vector<16xf32>
    %mul3A_3720 = arith.mulf %gather3A_3697, %gather3A_3714 : vector<16xf32>
    %sub3A_3721 = arith.subf %mul3A_3719, %mul3A_3720 : vector<16xf32>
    %mul3A_3722 = arith.mulf %gather3A_3685, %get3A_3718 : vector<16xf32>
    %sub3A_3723 = arith.subf %sub3A_3721, %mul3A_3722 : vector<16xf32>
    %mul3A_3724 = arith.mulf %sub3A_3723, %sub3A_3723 : vector<16xf32>
    %add3A_3725 = arith.addf %add3A_3649, %mul3A_3724 : vector<16xf32>
    %add3A_3726 = arith.constant 80 : i32
    %add3A_3727 = vector.broadcast %add3A_3726 : i32 to vector<16xi32>
    %add3A_3728 = arith.addi %iota3A, %add3A_3727 : vector<16xi32>
    %gather3A_3729 = tpu.vector_load_idx %arg13[%broadcast_in_dim3A_3525, %add3A_3728, %gather3A_3661] : memref<8x128x16xf32, #tpu.memory_space<vmem>>[vector<16xi32>, vector<16xi32>, vector<16xi32>], vector<16xf32>,
    %gather3A_3730 = tpu.vector_load_idx %arg14[%broadcast_in_dim3A_3525, %add3A_3728, %gather3A_3673] : memref<8x128x16xf32, #tpu.memory_space<vmem>>[vector<16xi32>, vector<16xi32>, vector<16xi32>], vector<16xf32>,
    %get3A_3731 = arith.constant 15 : i32
    %get3A_3732 = arith.index_cast %get3A_3731 : i32 to index
    %get3A_3733 = arith.constant 16 : index
    %get3A_3734 = tpu.vector_load %arg15[%get3A_3732, %get3A_3733] {strides = array<i32>} : memref<16x64xf32, #tpu.memory_space<vmem>>, vector<16xf32>,
    %mul3A_3735 = arith.mulf %gather3A_3709, %gather3A_3729 : vector<16xf32>
    %mul3A_3736 = arith.mulf %gather3A_3697, %gather3A_3730 : vector<16xf32>
    %sub3A_3737 = arith.subf %mul3A_3735, %mul3A_3736 : vector<16xf32>
    %mul3A_3738 = arith.mulf %gather3A_3685, %get3A_3734 : vector<16xf32>
    %sub3A_3739 = arith.subf %sub3A_3737, %mul3A_3738 : vector<16xf32>
    %mul3A_3740 = arith.mulf %sub3A_3739, %sub3A_3739 : vector<16xf32>
    %add3A_3741 = arith.addf %add3A_3725, %mul3A_3740 : vector<16xf32>
    %add3A_3742 = arith.constant 96 : i32
    %add3A_3743 = vector.broadcast %add3A_3742 : i32 to vector<16xi32>
    %add3A_3744 = arith.addi %iota3A, %add3A_3743 : vector<16xi32>
    %gather3A_3745 = tpu.vector_load_idx %arg13[%broadcast_in_dim3A_3525, %add3A_3744, %gather3A_3661] : memref<8x128x16xf32, #tpu.memory_space<vmem>>[vector<16xi32>, vector<16xi32>, vector<16xi32>], vector<16xf32>,
    %gather3A_3746 = tpu.vector_load_idx %arg14[%broadcast_in_dim3A_3525, %add3A_3744, %gather3A_3673] : memref<8x128x16xf32, #tpu.memory_space<vmem>>[vector<16xi32>, vector<16xi32>, vector<16xi32>], vector<16xf32>,
    %get3A_3747 = arith.constant 15 : i32
    %get3A_3748 = arith.index_cast %get3A_3747 : i32 to index
    %get3A_3749 = arith.constant 32 : index
    %get3A_3750 = tpu.vector_load %arg15[%get3A_3748, %get3A_3749] {strides = array<i32>} : memref<16x64xf32, #tpu.memory_space<vmem>>, vector<16xf32>,
    %mul3A_3751 = arith.mulf %gather3A_3709, %gather3A_3745 : vector<16xf32>
    %mul3A_3752 = arith.mulf %gather3A_3697, %gather3A_3746 : vector<16xf32>
    %sub3A_3753 = arith.subf %mul3A_3751, %mul3A_3752 : vector<16xf32>
    %mul3A_3754 = arith.mulf %gather3A_3685, %get3A_3750 : vector<16xf32>
    %sub3A_3755 = arith.subf %sub3A_3753, %mul3A_3754 : vector<16xf32>
    %mul3A_3756 = arith.mulf %sub3A_3755, %sub3A_3755 : vector<16xf32>
    %add3A_3757 = arith.addf %add3A_3741, %mul3A_3756 : vector<16xf32>
    %add3A_3758 = arith.constant 112 : i32
    %add3A_3759 = vector.broadcast %add3A_3758 : i32 to vector<16xi32>
    %add3A_3760 = arith.addi %iota3A, %add3A_3759 : vector<16xi32>
    %gather3A_3761 = tpu.vector_load_idx %arg13[%broadcast_in_dim3A_3525, %add3A_3760, %gather3A_3661] : memref<8x128x16xf32, #tpu.memory_space<vmem>>[vector<16xi32>, vector<16xi32>, vector<16xi32>], vector<16xf32>,
    %gather3A_3762 = tpu.vector_load_idx %arg14[%broadcast_in_dim3A_3525, %add3A_3760, %gather3A_3673] : memref<8x128x16xf32, #tpu.memory_space<vmem>>[vector<16xi32>, vector<16xi32>, vector<16xi32>], vector<16xf32>,
    %get3A_3763 = arith.constant 15 : i32
    %get3A_3764 = arith.index_cast %get3A_3763 : i32 to index
    %get3A_3765 = arith.constant 48 : index
    %get3A_3766 = tpu.vector_load %arg15[%get3A_3764, %get3A_3765] {strides = array<i32>} : memref<16x64xf32, #tpu.memory_space<vmem>>, vector<16xf32>,
    %mul3A_3767 = arith.mulf %gather3A_3709, %gather3A_3761 : vector<16xf32>
    %mul3A_3768 = arith.mulf %gather3A_3697, %gather3A_3762 : vector<16xf32>
    %sub3A_3769 = arith.subf %mul3A_3767, %mul3A_3768 : vector<16xf32>
    %mul3A_3770 = arith.mulf %gather3A_3685, %get3A_3766 : vector<16xf32>
    %sub3A_3771 = arith.subf %sub3A_3769, %mul3A_3770 : vector<16xf32>
    %mul3A_3772 = arith.mulf %sub3A_3771, %sub3A_3771 : vector<16xf32>
    %add3A_3773 = arith.addf %add3A_3757, %mul3A_3772 : vector<16xf32>
    %swap3A_3774 = arith.constant 0 : index
    %swap3A_3775 = tpu.vector_load %arg16[%swap3A_3774] {strides = array<i32>} : memref<16xf32, #tpu.memory_space<vmem>>, vector<16xf32>,
    tpu.vector_store %arg16[%swap3A_3774], %add3A_3773 {strides = array<i32>} : memref<16xf32, #tpu.memory_space<vmem>>, vector<16xf32>,
    "tpu.region"() ({
      %run_scoped3A = tpu.sem_alloc : memref<!tpu.dma_semaphore, #tpu.memory_space<semaphore_mem>>
      %dma_start3A_3779 = arith.constant 0 : i32
      %dma_start3A_3780 = tpu.memref_slice %arg17[%arg1, %dma_start3A_3779] : memref<16x16xf32, #tpu.memory_space<vmem_shared>> -> memref<1x16xf32, #tpu.memory_space<vmem_shared>>
      %dma_start3A_3781 = tpu.memref_squeeze %dma_start3A_3780 : memref<1x16xf32, #tpu.memory_space<vmem_shared>> -> memref<16xf32, #tpu.memory_space<vmem_shared>>
      %dma_start3A_3782 = arith.constant 0 : i32
      %dma_start3A_3783 = tpu.memref_slice %arg17[%arg1, %dma_start3A_3782] : memref<16x16xf32, #tpu.memory_space<vmem_shared>> -> memref<1x16xf32, #tpu.memory_space<vmem_shared>>
      %dma_start3A_3784 = tpu.memref_squeeze %dma_start3A_3783 : memref<1x16xf32, #tpu.memory_space<vmem_shared>> -> memref<16xf32, #tpu.memory_space<vmem_shared>>
      tpu.enqueue_dma source(%arg16 : memref<16xf32, #tpu.memory_space<vmem>>) target(%dma_start3A_3784 : memref<16xf32, #tpu.memory_space<vmem_shared>>) target_semaphore(%run_scoped3A : memref<!tpu.dma_semaphore, #tpu.memory_space<semaphore_mem>>)
      %dma_wait3A_3785 = arith.constant 0 : i32
      %dma_wait3A_3786 = tpu.memref_slice %arg17[%arg1, %dma_wait3A_3785] : memref<16x16xf32, #tpu.memory_space<vmem_shared>> -> memref<1x16xf32, #tpu.memory_space<vmem_shared>>
      %dma_wait3A_3787 = tpu.memref_squeeze %dma_wait3A_3786 : memref<1x16xf32, #tpu.memory_space<vmem_shared>> -> memref<16xf32, #tpu.memory_space<vmem_shared>>
      %dma_wait3A_3788 = arith.constant 0 : i32
      %dma_wait3A_3789 = tpu.memref_slice %arg17[%arg1, %dma_wait3A_3788] : memref<16x16xf32, #tpu.memory_space<vmem_shared>> -> memref<1x16xf32, #tpu.memory_space<vmem_shared>>
      %dma_wait3A_3790 = tpu.memref_squeeze %dma_wait3A_3789 : memref<1x16xf32, #tpu.memory_space<vmem_shared>> -> memref<16xf32, #tpu.memory_space<vmem_shared>>
      tpu.wait_dma2 semaphore(%run_scoped3A : memref<!tpu.dma_semaphore, #tpu.memory_space<semaphore_mem>>) src(%arg16 : memref<16xf32, #tpu.memory_space<vmem>>) dst(%dma_wait3A_3790 : memref<16xf32, #tpu.memory_space<vmem_shared>>)
      tpu.yield
    }) : () -> ()
    %barrier3A = arith.constant 0 : index
    tpu.barrier barrier_id(%barrier3A)
    %eq3A_3776 = arith.constant 0 : i32
    %eq3A_3777 = arith.cmpi eq, %arg1, %eq3A_3776 : i32
    %convert_element_type3A = arith.extui %eq3A_3777 : i1 to i32
    %cond3A = arith.constant 0 : i32
    %cond3A_3778 = arith.cmpi ne, %convert_element_type3A, %cond3A : i32
    scf.if %cond3A_3778 {
      "tpu.region"() ({
        %run_scoped3A = tpu.sem_alloc : memref<!tpu.dma_semaphore, #tpu.memory_space<semaphore_mem>>
        tpu.enqueue_dma source(%arg17 : memref<16x16xf32, #tpu.memory_space<vmem_shared>>) target(%arg18 : memref<16x16xf32, #tpu.memory_space<vmem>>) target_semaphore(%run_scoped3A : memref<!tpu.dma_semaphore, #tpu.memory_space<semaphore_mem>>)
        tpu.wait_dma2 semaphore(%run_scoped3A : memref<!tpu.dma_semaphore, #tpu.memory_space<semaphore_mem>>) src(%arg17 : memref<16x16xf32, #tpu.memory_space<vmem_shared>>) dst(%arg18 : memref<16x16xf32, #tpu.memory_space<vmem>>)
        tpu.yield
      }) : () -> ()
      %get3A_3779 = arith.constant 0 : i32
      %get3A_3780 = arith.index_cast %get3A_3779 : i32 to index
      %get3A_3781 = arith.constant 0 : index
      %get3A_3782 = tpu.vector_load %arg18[%get3A_3780, %get3A_3781] {strides = array<i32>} : memref<16x16xf32, #tpu.memory_space<vmem>>, vector<16xf32>,
      %get3A_3783 = arith.constant 1 : i32
      %get3A_3784 = arith.index_cast %get3A_3783 : i32 to index
      %get3A_3785 = arith.constant 0 : index
      %get3A_3786 = tpu.vector_load %arg18[%get3A_3784, %get3A_3785] {strides = array<i32>} : memref<16x16xf32, #tpu.memory_space<vmem>>, vector<16xf32>,
      %add3A_3787 = arith.addf %get3A_3782, %get3A_3786 : vector<16xf32>
      %get3A_3788 = arith.constant 2 : i32
      %get3A_3789 = arith.index_cast %get3A_3788 : i32 to index
      %get3A_3790 = arith.constant 0 : index
      %get3A_3791 = tpu.vector_load %arg18[%get3A_3789, %get3A_3790] {strides = array<i32>} : memref<16x16xf32, #tpu.memory_space<vmem>>, vector<16xf32>,
      %add3A_3792 = arith.addf %add3A_3787, %get3A_3791 : vector<16xf32>
      %get3A_3793 = arith.constant 3 : i32
      %get3A_3794 = arith.index_cast %get3A_3793 : i32 to index
      %get3A_3795 = arith.constant 0 : index
      %get3A_3796 = tpu.vector_load %arg18[%get3A_3794, %get3A_3795] {strides = array<i32>} : memref<16x16xf32, #tpu.memory_space<vmem>>, vector<16xf32>,
      %add3A_3797 = arith.addf %add3A_3792, %get3A_3796 : vector<16xf32>
      %get3A_3798 = arith.constant 4 : i32
      %get3A_3799 = arith.index_cast %get3A_3798 : i32 to index
      %get3A_3800 = arith.constant 0 : index
      %get3A_3801 = tpu.vector_load %arg18[%get3A_3799, %get3A_3800] {strides = array<i32>} : memref<16x16xf32, #tpu.memory_space<vmem>>, vector<16xf32>,
      %add3A_3802 = arith.addf %add3A_3797, %get3A_3801 : vector<16xf32>
      %get3A_3803 = arith.constant 5 : i32
      %get3A_3804 = arith.index_cast %get3A_3803 : i32 to index
      %get3A_3805 = arith.constant 0 : index
      %get3A_3806 = tpu.vector_load %arg18[%get3A_3804, %get3A_3805] {strides = array<i32>} : memref<16x16xf32, #tpu.memory_space<vmem>>, vector<16xf32>,
      %add3A_3807 = arith.addf %add3A_3802, %get3A_3806 : vector<16xf32>
      %get3A_3808 = arith.constant 6 : i32
      %get3A_3809 = arith.index_cast %get3A_3808 : i32 to index
      %get3A_3810 = arith.constant 0 : index
      %get3A_3811 = tpu.vector_load %arg18[%get3A_3809, %get3A_3810] {strides = array<i32>} : memref<16x16xf32, #tpu.memory_space<vmem>>, vector<16xf32>,
      %add3A_3812 = arith.addf %add3A_3807, %get3A_3811 : vector<16xf32>
      %get3A_3813 = arith.constant 7 : i32
      %get3A_3814 = arith.index_cast %get3A_3813 : i32 to index
      %get3A_3815 = arith.constant 0 : index
      %get3A_3816 = tpu.vector_load %arg18[%get3A_3814, %get3A_3815] {strides = array<i32>} : memref<16x16xf32, #tpu.memory_space<vmem>>, vector<16xf32>,
      %add3A_3817 = arith.addf %add3A_3812, %get3A_3816 : vector<16xf32>
      %get3A_3818 = arith.constant 8 : i32
      %get3A_3819 = arith.index_cast %get3A_3818 : i32 to index
      %get3A_3820 = arith.constant 0 : index
      %get3A_3821 = tpu.vector_load %arg18[%get3A_3819, %get3A_3820] {strides = array<i32>} : memref<16x16xf32, #tpu.memory_space<vmem>>, vector<16xf32>,
      %add3A_3822 = arith.addf %add3A_3817, %get3A_3821 : vector<16xf32>
      %get3A_3823 = arith.constant 9 : i32
      %get3A_3824 = arith.index_cast %get3A_3823 : i32 to index
      %get3A_3825 = arith.constant 0 : index
      %get3A_3826 = tpu.vector_load %arg18[%get3A_3824, %get3A_3825] {strides = array<i32>} : memref<16x16xf32, #tpu.memory_space<vmem>>, vector<16xf32>,
      %add3A_3827 = arith.addf %add3A_3822, %get3A_3826 : vector<16xf32>
      %get3A_3828 = arith.constant 10 : i32
      %get3A_3829 = arith.index_cast %get3A_3828 : i32 to index
      %get3A_3830 = arith.constant 0 : index
      %get3A_3831 = tpu.vector_load %arg18[%get3A_3829, %get3A_3830] {strides = array<i32>} : memref<16x16xf32, #tpu.memory_space<vmem>>, vector<16xf32>,
      %add3A_3832 = arith.addf %add3A_3827, %get3A_3831 : vector<16xf32>
      %get3A_3833 = arith.constant 11 : i32
      %get3A_3834 = arith.index_cast %get3A_3833 : i32 to index
      %get3A_3835 = arith.constant 0 : index
      %get3A_3836 = tpu.vector_load %arg18[%get3A_3834, %get3A_3835] {strides = array<i32>} : memref<16x16xf32, #tpu.memory_space<vmem>>, vector<16xf32>,
      %add3A_3837 = arith.addf %add3A_3832, %get3A_3836 : vector<16xf32>
      %get3A_3838 = arith.constant 12 : i32
      %get3A_3839 = arith.index_cast %get3A_3838 : i32 to index
      %get3A_3840 = arith.constant 0 : index
      %get3A_3841 = tpu.vector_load %arg18[%get3A_3839, %get3A_3840] {strides = array<i32>} : memref<16x16xf32, #tpu.memory_space<vmem>>, vector<16xf32>,
      %add3A_3842 = arith.addf %add3A_3837, %get3A_3841 : vector<16xf32>
      %get3A_3843 = arith.constant 13 : i32
      %get3A_3844 = arith.index_cast %get3A_3843 : i32 to index
      %get3A_3845 = arith.constant 0 : index
      %get3A_3846 = tpu.vector_load %arg18[%get3A_3844, %get3A_3845] {strides = array<i32>} : memref<16x16xf32, #tpu.memory_space<vmem>>, vector<16xf32>,
      %add3A_3847 = arith.addf %add3A_3842, %get3A_3846 : vector<16xf32>
      %get3A_3848 = arith.constant 14 : i32
      %get3A_3849 = arith.index_cast %get3A_3848 : i32 to index
      %get3A_3850 = arith.constant 0 : index
      %get3A_3851 = tpu.vector_load %arg18[%get3A_3849, %get3A_3850] {strides = array<i32>} : memref<16x16xf32, #tpu.memory_space<vmem>>, vector<16xf32>,
      %add3A_3852 = arith.addf %add3A_3847, %get3A_3851 : vector<16xf32>
      %get3A_3853 = arith.constant 15 : i32
      %get3A_3854 = arith.index_cast %get3A_3853 : i32 to index
      %get3A_3855 = arith.constant 0 : index
      %get3A_3856 = tpu.vector_load %arg18[%get3A_3854, %get3A_3855] {strides = array<i32>} : memref<16x16xf32, #tpu.memory_space<vmem>>, vector<16xf32>,
      %add3A_3857 = arith.addf %add3A_3852, %get3A_3856 : vector<16xf32>
      %broadcast_in_dim3A_3858 = arith.constant true
      %broadcast_in_dim3A_3859 = vector.broadcast %broadcast_in_dim3A_3858 : i1 to vector<16xi1>
      %masked_cumsum3A = tpu.scan <sum>, %add3A_3857 masked %broadcast_in_dim3A_3859 : vector<16xf32>, vector<16xi1> -> vector<16xf32>
      %broadcast_in_dim3A_3860 = arith.constant 15 : i32
      %broadcast_in_dim3A_3861 = vector.broadcast %broadcast_in_dim3A_3860 : i32 to vector<16xi32>
      %lt3A_3862 = arith.constant 0 : i32
      %lt3A_3863 = vector.broadcast %lt3A_3862 : i32 to vector<16xi32>
      %lt3A_3864 = arith.cmpi slt, %broadcast_in_dim3A_3861, %lt3A_3863 : vector<16xi32>
      %add3A_3865 = arith.constant 16 : i32
      %add3A_3866 = vector.broadcast %add3A_3865 : i32 to vector<16xi32>
      %add3A_3867 = arith.addi %broadcast_in_dim3A_3861, %add3A_3866 : vector<16xi32>
      %select_n3A_3868 = arith.select %lt3A_3864, %add3A_3867, %broadcast_in_dim3A_3861 : vector<16xi1>, vector<16xi32>
      %broadcast_in_dim3A_3869 = vector.shape_cast %select_n3A_3868 : vector<16xi32> to vector<16x1xi32>
      %gather3A_3870 = vector.shape_cast %broadcast_in_dim3A_3869 : vector<16x1xi32> to vector<16xi32>
      %gather3A_3871 = tpu.dynamic_gather %masked_cumsum3A[%gather3A_3870] in [0] : vector<16xf32>, vector<16xi32> -> vector<16xf32>
      %min3A_3872 = arith.constant 3 : i32
      %min3A_3873 = vector.broadcast %min3A_3872 : i32 to vector<16xi32>
      %min3A_3874 = arith.minsi %iota3A, %min3A_3873 : vector<16xi32>
      %gather3A_3875 = tpu.vector_load_idx %arg9[%min3A_3874] : memref<4xi32, #tpu.memory_space<vmem>>[vector<16xi32>], vector<16xi32>,
      %lt3A_3876 = arith.constant 4 : i32
      %lt3A_3877 = vector.broadcast %lt3A_3876 : i32 to vector<16xi32>
      %lt3A_3878 = arith.cmpi slt, %iota3A, %lt3A_3877 : vector<16xi32>
      %jit3A_3879 = arith.constant 0 : i32
      %broadcast_in_dim3A_3880 = vector.broadcast %jit3A_3879 : i32 to vector<16xi32>
      %select_n3A_3881 = arith.select %lt3A_3878, %gather3A_3875, %broadcast_in_dim3A_3880 : vector<16xi1>, vector<16xi32>
      %convert_element_type3A_3882 = arith.sitofp %select_n3A_3881 : vector<16xi32> to vector<16xf32>
      %broadcast_in_dim3A_3883 = arith.constant true
      %broadcast_in_dim3A_3884 = vector.broadcast %broadcast_in_dim3A_3883 : i1 to vector<16xi1>
      %masked_cumsum3A_3885 = tpu.scan <sum>, %convert_element_type3A_3882 masked %broadcast_in_dim3A_3884 : vector<16xf32>, vector<16xi1> -> vector<16xf32>
      %broadcast_in_dim3A_3886 = arith.constant 15 : i32
      %broadcast_in_dim3A_3887 = vector.broadcast %broadcast_in_dim3A_3886 : i32 to vector<16xi32>
      %lt3A_3888 = arith.constant 0 : i32
      %lt3A_3889 = vector.broadcast %lt3A_3888 : i32 to vector<16xi32>
      %lt3A_3890 = arith.cmpi slt, %broadcast_in_dim3A_3887, %lt3A_3889 : vector<16xi32>
      %add3A_3891 = arith.constant 16 : i32
      %add3A_3892 = vector.broadcast %add3A_3891 : i32 to vector<16xi32>
      %add3A_3893 = arith.addi %broadcast_in_dim3A_3887, %add3A_3892 : vector<16xi32>
      %select_n3A_3894 = arith.select %lt3A_3890, %add3A_3893, %broadcast_in_dim3A_3887 : vector<16xi1>, vector<16xi32>
      %broadcast_in_dim3A_3895 = vector.shape_cast %select_n3A_3894 : vector<16xi32> to vector<16x1xi32>
      %gather3A_3896 = vector.shape_cast %broadcast_in_dim3A_3895 : vector<16x1xi32> to vector<16xi32>
      %gather3A_3897 = tpu.dynamic_gather %masked_cumsum3A_3885[%gather3A_3896] in [0] : vector<16xf32>, vector<16xi32> -> vector<16xf32>
      %div3A_3898 = arith.divf %gather3A_3871, %gather3A_3897 : vector<16xf32>
      %swap3A_3899 = arith.constant 0 : index
      %swap3A_3900 = tpu.vector_load %arg19[%swap3A_3899] {strides = array<i32>} : memref<16xf32, #tpu.memory_space<vmem>>, vector<16xf32>,
      tpu.vector_store %arg19[%swap3A_3899], %div3A_3898 {strides = array<i32>} : memref<16xf32, #tpu.memory_space<vmem>>, vector<16xf32>,
      "tpu.region"() ({
        %run_scoped3A = tpu.sem_alloc : memref<!tpu.dma_semaphore, #tpu.memory_space<semaphore_mem>>
        tpu.enqueue_dma source(%arg19 : memref<16xf32, #tpu.memory_space<vmem>>) target(%arg7 : memref<16xf32, #tpu.memory_space<hbm>>) target_semaphore(%run_scoped3A : memref<!tpu.dma_semaphore, #tpu.memory_space<semaphore_mem>>)
        tpu.wait_dma2 semaphore(%run_scoped3A : memref<!tpu.dma_semaphore, #tpu.memory_space<semaphore_mem>>) src(%arg19 : memref<16xf32, #tpu.memory_space<vmem>>) dst(%arg7 : memref<16xf32, #tpu.memory_space<hbm>>)
        tpu.yield
      }) : () -> ()
    } else {
    }
    return
  }
}

</mosaic_0001>

<sc_bundles>
// kernel: kernel.3.cloned.1.call-start
scs
__scs_entry_jumppad:
0x0: {  	(pc) =	sbr.rel $0x88, $3  }
0x1: {  	(tag) =	ssettag $0x0;
	lr =	simm.s32 $0x1  }
0x2: {  	[smem:$0x3F9C] =	sst lr;
	_ =	strace $0xD0000000  }
0x3: {  	_ = 	snop  }
0x4: {  	_ = 	snop  }
0x5: {  	_ = 	snop  }
0x6: {  	_ = 	snop  }
0x7: {  	_ = 	snop  }
__scs_overlays_trampoline_lowered:
0x8: {  	[smem:$0x3FAB] =	sst s0  }
0x9: {  	[smem:$0x3FAC] =	sst s1  }
0xa: {  	[smem:$0x3FAD] =	sst s2  }
0xb: {  	[smem:$0x3FAE] =	sst s3  }
0xc: {  	[smem:$0x3FAF] =	sst s4  }
0xd: {  	[smem:$0x3FB0] =	sst s5  }
0xe: {  	[smem:$0x3FB1] =	sst s6  }
0xf: {  	[smem:$0x3FB2] =	sst s7  }
0x10: {  	[smem:$0x3FB3] =	sst s8  }
0x11: {  	[smem:$0x3FB4] =	sst s9;
	s0 =	simm.s32 @!p0 $0x0  }
0x12: {  	s1 =	sld [smem:$0x3F9A];
	s0 =	simm.s32 @p0 $0x1  }
0x13: {  	[smem:$0x3FB5] =	sst s0;
	s0 =	simm.s32 @!p1 $0x0  }
0x14: {  	s2 =	sld [smem:$0x3F99];
	s0 =	simm.s32 @p1 $0x1  }
0x15: {  	[smem:$0x3FB6] =	sst s0;
	s0 =	simm.s32 @!p2 $0x0  }
0x16: {  	s3 =	sld [smem:$0x3FDB];
	s0 =	simm.s32 @p2 $0x1  }
0x17: {  	s4 =	simm.s32 $0x1BF5;
	[smem:$0x3FB8] =	sst s0  }
0x18: {  	s0 =	sld [smem:$0x3F9B];
	_ =	swait.ge [sflag:s4], $0x0  }
0x19: {  	s7 =	sld [smem:$0x3F9C]  }
0x1a: {  	s8 =	sadd.s32 $0xFFFFE003, lr  }
0x1b: {  	s9 =	sadd.s32 $0xFFFFFEF7, lr;
	s5 =	simm.s32 $0xFFFFFFFF;
	p2 =	slt.u32 s8, $0xFFFFF086  }
0x1c: {  	p1 =	slt.u32 s9, $0xF7A;
	s5 =	simm.s32 @!p2 $0x0  }
0x1d: {  	s5 =	simm.s32 @p1 $0x1;
	p0 =	seq.s32 s7, s2  }
0x1e: {  	s7 =	smul.u32 @!p0 $0xF7A, s2;
	p2 =	seq.s32 @!p0 s5, $0x0  }
0x1f: {  	s9 =	smul.u32 $0xF7A, s1;
	s8 =	simm.s32 @!p0 $0x1BF5;
	p2 =	por !p2, p0  }
0x20: {  	[sflag:s8] =	ssyncset.s32 @!p0 $0xFFFFF086;
	s6 =	sadd.s32 @!p0 s3, s7;
	s7 =	simm.s32 @!p0 $0x108  }
0x21: {  	s3 =	sadd.s32 s3, s9;
	s6 =	sadd.s32 @!p0 $0x88, s6;
	s7 =	simm.s32 @p2 $0x1082  }
0x22: {  	[simem:s7], [sflag:s8] =	dma.local @!p0 [hbm:s6], $0xF7A  }
0x23: {  	s9 =	sor.u32 $0xD0000000, s2;
	s6 =	simm.s32 $0x108;
	_ =	swait.ge @!p0 [sflag:s8], $0x0  }
0x24: {  	s3 =	sadd.s32 $0x88, s3;
	s6 =	simm.s32 @!p1 $0x1082;
	[sflag:s4] =	ssyncset.s32 $0xFFFFF086  }
0x25: {  	[simem:s6], [sflag:s4] =	dma.local [hbm:s3], $0xF7A  }
0x26: {  	[smem:$0x3F9C] =	sst s1;
	(tag) =	ssettag s2;
	_ =	strace s9  }
0x27: {  	s1 =	sld [smem:$0x3FAC]  }
0x28: {  	s2 =	sld [smem:$0x3FAD]  }
0x29: {  	s4 =	sld [smem:$0x3FAF]  }
0x2a: {  	p0 =	seq.s32 s5, $0x0;
	s5 =	sld [smem:$0x3FB0]  }
0x2b: {  	s6 =	sld [smem:$0x3FB1]  }
0x2c: {  	s7 =	sld [smem:$0x3FB2]  }
0x2d: {  	s3 =	simm.s32 $0x108;
	s8 =	sld [smem:$0x3FB3]  }
0x2e: {  	s3 =	simm.s32 @!p0 $0x1082;
	s9 =	sld [smem:$0x3FB4]  }
0x2f: {  	lr =	sadd.s32 s0, s3;
	s0 =	sld [smem:$0x3FAB]  }
0x30: {  	s3 =	sld [smem:$0x3FAE]  }
0x31: {  	[smem:$0x3FB7] =	sst s10  }
0x32: {  	s10 =	sld [smem:$0x3FB5];
	_ =	sdelay $0x3  }
0x33: {  	p0 =	seq.s32 s10, $0x1;
	s10 =	sld [smem:$0x3FB7];
	_ =	sdelay $0x3  }
0x34: {  	[smem:$0x3FB7] =	sst s10  }
0x35: {  	s10 =	sld [smem:$0x3FB6];
	_ =	sdelay $0x3  }
0x36: {  	p1 =	seq.s32 s10, $0x1;
	s10 =	sld [smem:$0x3FB7];
	_ =	sdelay $0x3  }
0x37: {  	[smem:$0x3FB7] =	sst s10  }
0x38: {  	s10 =	sld [smem:$0x3FB8]  }
0x39: {  	_ = 	snop;
	(pc) =	sbr.ind lr, $3  }
0x3a: {  	_ = 	snop  }
0x3b: {  	_ = 	snop  }
0x3c: {  	p2 =	seq.s32 s10, $0x1;
	s10 =	sld [smem:$0x3FB7]  }
0x3d: {  	_ =	shalt  }
0x3e: {  	_ =	shalt  }
0x3f: {  	_ =	shalt  }
0x40: {  	_ =	shalt  }
0x41: {  	_ =	shalt  }
0x42: {  	_ =	shalt  }
0x43: {  	_ =	shalt  }
0x44: {  	_ =	shalt  }
0x45: {  	_ =	shalt  }
0x46: {  	_ =	shalt  }
0x47: {  	_ =	shalt  }
0x48: {  	_ =	shalt  }
0x49: {  	_ =	shalt  }
0x4a: {  	_ =	shalt  }
0x4b: {  	_ =	shalt  }
0x4c: {  	_ =	shalt  }
0x4d: {  	_ =	shalt  }
0x4e: {  	_ =	shalt  }
0x4f: {  	_ =	shalt  }
0x50: {  	_ =	shalt  }
0x51: {  	_ =	shalt  }
0x52: {  	_ =	shalt  }
0x53: {  	_ =	shalt  }
0x54: {  	_ =	shalt  }
0x55: {  	_ =	shalt  }
0x56: {  	_ =	shalt  }
0x57: {  	_ =	shalt  }
0x58: {  	_ =	shalt  }
0x59: {  	_ =	shalt  }
0x5a: {  	_ =	shalt  }
0x5b: {  	_ =	shalt  }
0x5c: {  	_ =	shalt  }
0x5d: {  	_ =	shalt  }
0x5e: {  	_ =	shalt  }
0x5f: {  	_ =	shalt  }
0x60: {  	_ =	shalt  }
0x61: {  	_ =	shalt  }
0x62: {  	_ =	shalt  }
0x63: {  	_ =	shalt  }
0x64: {  	_ =	shalt  }
0x65: {  	_ =	shalt  }
0x66: {  	_ =	shalt  }
0x67: {  	_ =	shalt  }
0x68: {  	_ =	shalt  }
0x69: {  	_ =	shalt  }
0x6a: {  	_ =	shalt  }
0x6b: {  	_ =	shalt  }
0x6c: {  	_ =	shalt  }
0x6d: {  	_ =	shalt  }
0x6e: {  	_ =	shalt  }
0x6f: {  	_ =	shalt  }
0x70: {  	_ =	shalt  }
0x71: {  	_ =	shalt  }
0x72: {  	_ =	shalt  }
0x73: {  	_ =	shalt  }
0x74: {  	_ =	shalt  }
0x75: {  	_ =	shalt  }
0x76: {  	_ =	shalt  }
0x77: {  	_ =	shalt  }
0x78: {  	_ =	shalt  }
0x79: {  	_ =	shalt  }
0x7a: {  	_ =	shalt  }
0x7b: {  	_ =	shalt  }
0x7c: {  	_ =	shalt  }
0x7d: {  	_ =	shalt  }
0x7e: {  	_ =	shalt  }
0x7f: {  	_ =	shalt  }
0x80: {  	_ =	shalt  }
0x81: {  	_ =	shalt  }
0x82: {  	_ =	shalt  }
0x83: {  	_ =	shalt  }
0x84: {  	_ =	shalt  }
0x85: {  	_ =	shalt  }
0x86: {  	_ =	shalt  }
0x87: {  	_ =	shalt  }
.Lfunc_end0:
.L_simem_size_0:
called_computation_lowered:
.L_overlay_start_0:
0x88: {  	s0 =	sld [smem:$0x3FD9]  }
0x89: {  	s1 =	sld [smem:$0x3FFE];
	_ =	sdelay $0x3  }
0x8a: {  	s0 =	sadd.s32 s1, s0  }
0x8b: {  	[smem:$0x3FC3] =	sst s0  }
0x8c: {  	_ = 	snop  }
0x8d: {  	s0 =	sld [smem:$0x3FC9]  }
0x8e: {  	s16 =	sld [smem:$0x3FC8]  }
0x8f: {  	s2 =	sld [smem:$0x3FC5]  }
0x90: {  	s3 =	sld [smem:$0x3FD0];
	(tm) =	ssettm $0x1  }
0x91: {  	s4 =	sld [smem:$0x3FFB];
	_ =	sdelay $0x3  }
0x92: {  	_ =	strace s4  }
0x93: {  	s4 =	sld [smem:$0x3FFC];
	_ =	sdelay $0x3  }
0x94: {  	_ =	strace s4  }
0x95: {  	s4 =	sld [smem:$0x3FFD];
	_ =	sdelay $0x3  }
0x96: {  	_ =	strace s4  }
0x97: {  	_ =	strace $0x8FFFFFFF  }
0x98: {  	s17 =	sld [smem:$0x3FDB];
	_ =	sdelay $0x1  }
0x99: {  	s5 =	simm.s32 $_scs_section_size  }
0x9a: {  	s6 =	simm.s32 $_size__tile_overlayer_lowered;
	s7 =	simm.s32 $_tile_overlayer_lowered  }
0x9b: {  	s20 =	simm.s32 $0x1BFF;
	s19 =	sshll.u32 s7, $0x1;
	s4 =	sadd.s32 s5, s17  }
0x9c: {  	s8 =	simm.s32 $0x0;
	s18 =	sshll.u32 s6, $0x1;
	s6 =	sadd.s32 s19, s4  }
0x9d: {  	[timem:s8], [sflag:s20] =	dma.local [hbm:s6], s18  }
0x9e: {  	_ =	swait.ge [sflag:s20], s18  }
0x9f: {  	s5 =	ssub.s32 $0x0, s18;
	[sflag:s20] =	ssyncset.done $0x0  }
0xa0: {  	[sflag:s20] =	ssyncadd.s32 s5;
	_ =	sdelay $0x1  }
0xa1: {  	s21 =	simm.s32 $0x1B8B  }
0xa2: {  	_ =	swait.ge [sflag:s21], $0x1  }
0xa3: {  	[sflag:s21] =	ssyncset.done $0x0  }
0xa4: {  	s23 =	simm.s32 $0x1B8E;
	s22 =	sld [smem:$0x3FFE];
	[sflag:s21] =	ssyncadd.s32 $0xFFFFFFFF  }
0xa5: {  	s24 =	simm.s32 $execute0_lowered;
	[smem:$0x3FD2] =	sst s23  }
0xa6: {  	s6 =	sshll.u32 s24, $0x1;
	_ =	strace $0x80000046;
	[dreg:$0x1] =	wrdreg $0xFFFFFFFF  }
0xa7: {  	s25 =	simm.s32 $_size_execute0_lowered;
	s4 =	sadd.s32 s4, s6;
	[dreg:$0x0] =	wrdreg $0x0  }
0xa8: {  	s6 =	sshll.u32 s25, $0x1;
	[dreg:$0x2] =	wrdreg s4  }
0xa9: {  	[dreg:$0x3] =	wrdreg s6  }
0xaa: {  	[dreg:$0x4] =	wrdreg $0xC0  }
0xab: {  	_ =	task [dreg:s8], $0x5FFFF  }
0xac: {  	[dreg:$0x1] =	wrdreg $0xFFFFFFFF  }
0xad: {  	[dreg:$0x0] =	wrdreg $0x60  }
0xae: {  	[dreg:$0x2] =	wrdreg s0  }
0xaf: {  	[dreg:$0x3] =	wrdreg s16  }
0xb0: {  	[dreg:$0x4] =	wrdreg s22  }
0xb1: {  	[dreg:$0x5] =	wrdreg s2  }
0xb2: {  	[dreg:$0x6] =	wrdreg s3  }
0xb3: {  	[dreg:$0x7] =	wrdreg $0x8D280  }
0xb4: {  	[dreg:$0x8] =	wrdreg $0x9  }
0xb5: {  	_ =	task.clear_ibuf [dreg:s8], $0x9FFFF;
	_ =	strace $0x90000046  }
0xb6: {  	s26 =	simm.s32 $0x9;
	_ =	strace $0x80000048  }
0xb7: {  	_ =	swait.ge [sflag:s26], $0x1  }
0xb8: {  	[sflag:s26] =	ssyncadd.s32 $0xFFFFFFFF  }
0xb9: {  	_ =	strace $0x90000048  }
0xba: {  	_ =	sfence  }
0xbb: {  	s28 =	sld [smem:$0x0];
	_ =	sdelay $0x1  }
0xbc: {  	s29 =	srdreg.scid  }
0xbd: {  	s30 =	sshll.u32 s29, $0xD;
	s31 =	sshrl.u32 s29, $0x2  }
0xbe: {  	s1 =	sand.u32 $0x1, s29;
	s2 =	sand.u32 $0x4000, s30;
	s0 =	sadd.s32 s31, s28  }
0xbf: {  	s1 =	sor.u32 s2, s1;
	s0 =	sshll.u32 s0, $0x11  }
0xc0: {  	s0 =	sor.u32 s0, s1  }
0xc1: {  	s0 =	sadd.s32 $0x8F2B, s0  }
0xc2: {  	[sflag:s0] =	ssyncadd.remote.s32 $0x1  }
0xc3: {  	_ =	sfence.sel $0xFFFF  }
0xc4: {  	[dreg:$0x0] =	wrdreg $0xFFFFFFFF;
	(pc) =	sbr.abs _section_cstart, $3  }
0xc5: {  	[dreg:$0x1] =	wrdreg $0xFFFFFFFF  }
0xc6: {  	_ =	task.clear_ibuf [dreg:s8], $0x2FFFF;
	_ =	strace $0x9FFFFFFF  }
0xc7: {  	(tm) =	ssettm $0x7FFFFFFF  }
tec
execute0_lowered:
.L_overlay_start_1:
0x0: {  	(tag) =	ssettag $0x1  }
0x1: {  	s11 =	rddreg [dreg:$0x0]  }
0x2: {  	s9 =	rddreg [dreg:$0x1]  }
0x3: {  	s2 =	rddreg [dreg:$0x2];
	s5 =	stileid.u32  }
0x4: {  	s7 =	rddreg [dreg:$0x3];
	v5 =	vlaneseq.u32;
	s6 =	sshll.u32 s5, $0x4;
	s8 =	sshrl.u32 s5, $0x2  }
0x5: {  	s1 =	rddreg [dreg:$0x4];
	v0 =	vadd.s32 $0x1, v5;
	s10 =	sand.u32 $0x30, s6;
	s3 =	smul.u32 $0x41, s8  }
0x6: {  	s4 =	rddreg [dreg:$0x5];
	v1 =	vadd.s32 s10, v0  }
0x7: {  	s0 =	rddreg [dreg:$0x6];
	_ =	strace $0x80000047;
	s31 =	simm.s32 $0x10;
	v0 =	vadd.s32 s3, v1  }
0x8: {  	s13 =	simm.s32 $0x108;
	s14 =	simm.s32 $0x8918;
	s12 =	sadd.s32 $0x400, s2;
	[tilespmem:$0x108] =	vst v0  }
0x9: {  	[tilespmem:s14], [sflag:$0x1] =	stream.indirect.gather [hbm4b:s12+s31], $0x40, s13, s31, $0xb8;
	[tilespmem:$0x8E48] =	vst v63  }
0xa: {  	s12 =	sadd.s32 $0xE00, s2;
	s2 =	simm.s32 $0x0  }
0xb: {  	[tilespmem:s2], [sflag:$0x2] =	stream.linear.gather [hbm4b:s12+s2], $0x100, $0x38;
	[tilespmem:$0x8E48] =	vst v63  }
0xc: {  	s3 =	simm.s32 $0x100;
	s13 =	simm.s32 $0x2  }
0xd: {  	v0 =	vmov s8;
	[tilespmem:s3], [sflag:$0x3] =	stream.linear.gather [hbm4b:s7+s2], $0x8, $0x38;
	[tilespmem:$0x8E48] =	vst v63  }
0xe: {  	v1 =	vmin.u32 v1, $0x3E;
	v2 =	vshll.u32 v0, $0x6;
	_ =	swait.ge [sflag:s13], $0x100  }
0xf: {  	v1 =	vor.u32 v2, v1;
	[sflag:s13] =	ssyncset.done $0x0  }
0x10: {  	s14 =	simm.s32 $0x3;
	[sflag:s13] =	ssyncadd.s32 $0xFFFFFF00  }
0x11: {  	v43 =	vimm.s32 $0x18100800;
	v6 =	vor.u32 s10, v5;
	_ =	swait.ge [sflag:s14], $0x8  }
0x12: {  	v14 =	vimm.s32 $0x38302820;
	vm0 =	vcmask $0xF00;
	v3 =	vmin.u32 v6, $0x3E;
	[sflag:s14] =	ssyncset.done $0x0  }
0x13: {  	vm1 =	vcmask $0x1F10;
	vm7 =	vcmask $0x2320;
	v2 =	vor.u32 v2, v3;
	[sflag:s14] =	ssyncadd.s32 $0xFFFFFFF8  }
0x14: {  	vm6 =	vcmask $0x2724;
	vm5 =	vcmask $0x2B28;
	vm3 =	vcmask $0x2F2C;
	v4 =	vld.idx.msk [tilespmem:v1+s2+$0x0], $0xffff  }
0x15: {  	vm4 =	vcmask $0x3330;
	v19 =	vimm.s32 $0x0;
	vm2 =	vcmask $0x3B38  }
0x16: {  	vm8 =	vcmask $0x300;
	vm9 =	vcmask $0x704;
	vm11 =	vcmask $0xB08  }
0x17: {  	v45 =	vimm.s32 $0xA38;
	vm14 =	vcmask $0xF0C;
	v46 =	vimm.s32 $0xE38  }
0x18: {  	vm15 =	vcmask $0x1310;
	vm12 =	vcmask $0x1714;
	vm13 =	vcmask $0x1B18;
	v8 =	vld.idx.msk [tilespmem:v2+s2+$0x0], $0xffff  }
0x19: {  	v21 =	vimm.s32 $0x1;
	v2 =	vmul.u32 $0x1000, v5;
	v9 =	vshra.s32 v4, $0x1F  }
0x1a: {  	v14 =	vunpack.c.0.s8.s32 v14;
	v1 =	vmov s6;
	v3 =	vshrl.u32 v9, $0x19  }
0x1b: {  	v1 =	vshll.u32 v1, $0xC;
	v7 =	vadd.s32 $0x1000, v2;
	v3 =	vadd.s32 v3, v4  }
0x1c: {  	v7 =	vadd.s32 v7, v1;
	v12 =	vshra.s32 v3, $0x7;
	v3 =	vand.u32 $0xFFFFFF80, v3  }
0x1d: {  	v10 =	vshra.s32 v8, $0x1F;
	v12 =	vshll.u32 v12, $0x6;
	v3 =	vsub.s32 v4, v3  }
0x1e: {  	v7 =	vadd.s32 v7, v12;
	v13 =	vshll.u32 v3, $0x18;
	v12 =	vunpack.c.0.s8.s32 v43  }
0x1f: {  	v1 =	vor.u32 v2, v1;
	v11 =	vshrl.u32 v10, $0x19;
	v13 =	vshra.s32 v13, $0x1F  }
0x20: {  	v11 =	vadd.s32 v11, v8;
	v13 =	vand.u32 $0xF, v13;
	v12 =	vnsel vm0, $0x238, v12  }
0x21: {  	v11 =	vshra.s32 v11, $0x7;
	v3 =	vadd.s32 v13, v3;
	v12 =	vsel vm1, v14, v12  }
0x22: {  	v15 =	vshll.u32 v11, $0x7;
	v3 =	vshll.u32 v3, $0x18;
	v12 =	vsel vm7, $0x200, v12  }
0x23: {  	v11 =	vshll.u32 v11, $0x6;
	v3 =	vshra.s32 v3, $0x18;
	v12 =	vsel vm6, $0x208, v12  }
0x24: {  	v15 =	vsub.s32 v8, v15;
	v3 =	vshra.s32 v3, $0x4;
	v12 =	vsel vm5, $0x210, v12  }
0x25: {  	v1 =	vadd.s32 v1, v11;
	v23 =	vadd.s32 v3, v7;
	v3 =	vsel vm3, $0x218, v12  }
0x26: {  	v16 =	vshll.u32 v15, $0x18;
	vm1 =	vcmask $0x3734;
	v3 =	vsel vm4, $0x220, v3  }
0x27: {  	v16 =	vshra.s32 v16, $0x1F;
	v13 =	vsel vm8, $0x800, v45;
	v3 =	vsel vm1, $0x228, v3  }
0x28: {  	v14 =	vsel vm8, $0xC00, v46;
	v24 =	vsel vm2, $0x230, v3;
	v3 =	vimm.s32 $0x638  }
0x29: {  	v16 =	vand.u32 $0xF, v16;
	v13 =	vsel vm9, $0x808, v13;
	v3 =	vsel vm8, $0x400, v3  }
0x2a: {  	v14 =	vsel vm9, $0xC08, v14;
	v2 =	vadd.s32 v16, v15;
	v3 =	vsel vm9, $0x408, v3  }
0x2b: {  	v13 =	vsel vm11, $0x810, v13;
	v14 =	vsel vm11, $0xC10, v14;
	v3 =	vsel vm11, $0x410, v3  }
0x2c: {  	v2 =	vshll.u32 v2, $0x18;
	v13 =	vsel vm14, $0x818, v13;
	v3 =	vsel vm14, $0x418, v3  }
0x2d: {  	v14 =	vsel vm14, $0xC18, v14;
	v2 =	vshra.s32 v2, $0x18;
	v3 =	vsel vm15, $0x420, v3  }
0x2e: {  	v13 =	vsel vm15, $0x820, v13;
	v14 =	vsel vm15, $0xC20, v14;
	v3 =	vsel vm12, $0x428, v3  }
0x2f: {  	v2 =	vshra.s32 v2, $0x4;
	vm14 =	vcmask $0x1F1C;
	v3 =	vsel vm13, $0x430, v3  }
0x30: {  	v7 =	vperm.xlane v23, v19;
	v13 =	vsel vm12, $0x828, v13;
	v3 =	vsel vm14, $0x438, v3  }
0x31: {  	v14 =	vsel vm12, $0xC28, v14;
	v26 =	vadd.s32 v2, v1;
	v3 =	vsel vm7, $0x600, v3  }
0x32: {  	v13 =	vsel vm13, $0x830, v13;
	v14 =	vsel vm13, $0xC30, v14;
	v3 =	vsel vm6, $0x608, v3  }
0x33: {  	v2 =	vperm.xlane v26, v19;
	v44 =	vadd.s32 v24, v7;
	v3 =	vsel vm5, $0x610, v3  }
0x34: {  	v13 =	vsel vm14, $0x838, v13;
	v14 =	vsel vm14, $0xC38, v14;
	v3 =	vsel vm3, $0x618, v3  }
0x35: {  	v47 =	vsel vm7, $0xA00, v13;
	v48 =	vsel vm7, $0xE00, v14;
	v1 =	vsel vm4, $0x620, v3  }
0x36: {  	v49 =	vsel vm6, $0xE08, v48;
	v3 =	vsel vm6, $0xA08, v47;
	v1 =	vsel vm1, $0x628, v1  }
0x37: {  	v22 =	vld.idx.msk [tilespmem:v0+s3+$0x0], $0xffff;
	v0 =	vsel vm5, $0xE10, v49;
	v25 =	vsel vm2, $0x630, v1;
	v1 =	vsel vm5, $0xA10, v3  }
0x38: {  	vm10 =	vlt.s32 v44, $0xFFFFF;
	v0 =	vsel vm3, $0xE18, v0;
	v1 =	vsel vm3, $0xA18, v1  }
0x39: {  	v12 =	vnsel vm10, $0xFFFFF, v44;
	v0 =	vsel vm4, $0xE20, v0;
	v1 =	vsel vm4, $0xA20, v1  }
0x3a: {  	[tilespmem:$0x518] =	vst v12;
	v3 =	vadd.s32 v24, v2;
	v50 =	vadd.s32 v25, v7;
	v1 =	vsel vm1, $0xA28, v1  }
0x3b: {  	[tilespmem:$0x118] =	vst v3;
	v3 =	vadd.s32 v25, v2;
	vm15 =	vlt.s32 v50, $0xFFFFF;
	v27 =	vsel vm2, $0xA30, v1  }
0x3c: {  	v0 =	vsel vm1, $0xE28, v0;
	[tilespmem:$0x128] =	vst v3;
	v51 =	vnsel vm15, $0xFFFFF, v50;
	v3 =	vadd.s32 v27, v7  }
0x3d: {  	v28 =	vsel vm2, $0xE30, v0;
	[tilespmem:$0x528] =	vst v51;
	v1 =	vadd.s32 v27, v2;
	vm1 =	vlt.s32 v3, $0xFFFFF  }
0x3e: {  	[tilespmem:$0x138] =	vst v1;
	v1 =	vadd.s32 v28, v7;
	v0 =	vnsel vm1, $0xFFFFF, v3;
	v3 =	vperm.xlane v23, v21  }
0x3f: {  	vm1 =	vlt.s32 v1, $0xFFFFF;
	[tilespmem:$0x538] =	vst v0;
	v0 =	vadd.s32 v28, v2;
	v2 =	vperm.xlane v26, v21  }
0x40: {  	[tilespmem:$0x148] =	vst v0;
	v0 =	vnsel vm1, $0xFFFFF, v1;
	v1 =	vadd.s32 v24, v3  }
0x41: {  	[tilespmem:$0x548] =	vst v0;
	v0 =	vadd.s32 v24, v2;
	vm1 =	vlt.s32 v1, $0xFFFFF  }
0x42: {  	[tilespmem:$0x158] =	vst v0;
	v0 =	vnsel vm1, $0xFFFFF, v1;
	v1 =	vadd.s32 v25, v3  }
0x43: {  	[tilespmem:$0x558] =	vst v0;
	v0 =	vadd.s32 v25, v2;
	vm1 =	vlt.s32 v1, $0xFFFFF  }
0x44: {  	[tilespmem:$0x168] =	vst v0;
	v0 =	vnsel vm1, $0xFFFFF, v1;
	v1 =	vadd.s32 v27, v3  }
0x45: {  	v20 =	vimm.s32 $0x2;
	[tilespmem:$0x568] =	vst v0;
	v0 =	vadd.s32 v27, v2;
	vm1 =	vlt.s32 v1, $0xFFFFF  }
0x46: {  	[tilespmem:$0x178] =	vst v0;
	v0 =	vnsel vm1, $0xFFFFF, v1;
	v1 =	vadd.s32 v28, v3;
	v3 =	vperm.xlane v23, v20  }
0x47: {  	[tilespmem:$0x578] =	vst v0;
	v0 =	vadd.s32 v28, v2;
	vm1 =	vlt.s32 v1, $0xFFFFF;
	v2 =	vperm.xlane v26, v20  }
0x48: {  	[tilespmem:$0x188] =	vst v0;
	v0 =	vnsel vm1, $0xFFFFF, v1;
	v1 =	vadd.s32 v24, v3  }
0x49: {  	[tilespmem:$0x588] =	vst v0;
	v0 =	vadd.s32 v24, v2;
	vm1 =	vlt.s32 v1, $0xFFFFF  }
0x4a: {  	[tilespmem:$0x198] =	vst v0;
	v0 =	vnsel vm1, $0xFFFFF, v1;
	v1 =	vadd.s32 v25, v3  }
0x4b: {  	[tilespmem:$0x598] =	vst v0;
	v0 =	vadd.s32 v25, v2;
	vm1 =	vlt.s32 v1, $0xFFFFF  }
0x4c: {  	[tilespmem:$0x1A8] =	vst v0;
	v0 =	vnsel vm1, $0xFFFFF, v1;
	v1 =	vadd.s32 v27, v3  }
0x4d: {  	v18 =	vimm.s32 $0x3;
	[tilespmem:$0x5A8] =	vst v0;
	v0 =	vadd.s32 v27, v2;
	vm1 =	vlt.s32 v1, $0xFFFFF  }
0x4e: {  	[tilespmem:$0x1B8] =	vst v0;
	v0 =	vnsel vm1, $0xFFFFF, v1;
	v1 =	vadd.s32 v28, v3;
	v3 =	vperm.xlane v23, v18  }
0x4f: {  	[tilespmem:$0x5B8] =	vst v0;
	v0 =	vadd.s32 v28, v2;
	vm1 =	vlt.s32 v1, $0xFFFFF;
	v2 =	vperm.xlane v26, v18  }
0x50: {  	[tilespmem:$0x1C8] =	vst v0;
	v0 =	vnsel vm1, $0xFFFFF, v1;
	v1 =	vadd.s32 v24, v3  }
0x51: {  	[tilespmem:$0x5C8] =	vst v0;
	v0 =	vadd.s32 v24, v2;
	vm1 =	vlt.s32 v1, $0xFFFFF  }
0x52: {  	[tilespmem:$0x1D8] =	vst v0;
	v0 =	vnsel vm1, $0xFFFFF, v1;
	v1 =	vadd.s32 v25, v3  }
0x53: {  	[tilespmem:$0x5D8] =	vst v0;
	v0 =	vadd.s32 v25, v2;
	vm1 =	vlt.s32 v1, $0xFFFFF  }
0x54: {  	[tilespmem:$0x1E8] =	vst v0;
	v0 =	vnsel vm1, $0xFFFFF, v1;
	v1 =	vadd.s32 v27, v3  }
0x55: {  	v17 =	vimm.s32 $0x4;
	[tilespmem:$0x5E8] =	vst v0;
	v0 =	vadd.s32 v27, v2;
	vm1 =	vlt.s32 v1, $0xFFFFF  }
0x56: {  	[tilespmem:$0x1F8] =	vst v0;
	v0 =	vnsel vm1, $0xFFFFF, v1;
	v1 =	vadd.s32 v28, v3;
	v3 =	vperm.xlane v23, v17  }
0x57: {  	[tilespmem:$0x5F8] =	vst v0;
	v0 =	vadd.s32 v28, v2;
	vm1 =	vlt.s32 v1, $0xFFFFF;
	v2 =	vperm.xlane v26, v17  }
0x58: {  	[tilespmem:$0x208] =	vst v0;
	v0 =	vnsel vm1, $0xFFFFF, v1;
	v1 =	vadd.s32 v24, v3  }
0x59: {  	[tilespmem:$0x608] =	vst v0;
	v0 =	vadd.s32 v24, v2;
	vm1 =	vlt.s32 v1, $0xFFFFF  }
0x5a: {  	[tilespmem:$0x218] =	vst v0;
	v0 =	vnsel vm1, $0xFFFFF, v1;
	v1 =	vadd.s32 v25, v3  }
0x5b: {  	[tilespmem:$0x618] =	vst v0;
	v0 =	vadd.s32 v25, v2;
	vm1 =	vlt.s32 v1, $0xFFFFF  }
0x5c: {  	[tilespmem:$0x228] =	vst v0;
	v0 =	vnsel vm1, $0xFFFFF, v1;
	v1 =	vadd.s32 v27, v3  }
0x5d: {  	v16 =	vimm.s32 $0x5;
	[tilespmem:$0x628] =	vst v0;
	v0 =	vadd.s32 v27, v2;
	vm1 =	vlt.s32 v1, $0xFFFFF  }
0x5e: {  	[tilespmem:$0x238] =	vst v0;
	v0 =	vnsel vm1, $0xFFFFF, v1;
	v1 =	vadd.s32 v28, v3;
	v3 =	vperm.xlane v23, v16  }
0x5f: {  	[tilespmem:$0x638] =	vst v0;
	v0 =	vadd.s32 v28, v2;
	vm1 =	vlt.s32 v1, $0xFFFFF;
	v2 =	vperm.xlane v26, v16  }
0x60: {  	[tilespmem:$0x248] =	vst v0;
	v0 =	vnsel vm1, $0xFFFFF, v1;
	v1 =	vadd.s32 v24, v3  }
0x61: {  	[tilespmem:$0x648] =	vst v0;
	v0 =	vadd.s32 v24, v2;
	vm1 =	vlt.s32 v1, $0xFFFFF  }
0x62: {  	[tilespmem:$0x258] =	vst v0;
	v0 =	vnsel vm1, $0xFFFFF, v1;
	v1 =	vadd.s32 v25, v3  }
0x63: {  	[tilespmem:$0x658] =	vst v0;
	v0 =	vadd.s32 v25, v2;
	vm1 =	vlt.s32 v1, $0xFFFFF  }
0x64: {  	[tilespmem:$0x268] =	vst v0;
	v0 =	vnsel vm1, $0xFFFFF, v1;
	v1 =	vadd.s32 v27, v3  }
0x65: {  	v15 =	vimm.s32 $0x6;
	[tilespmem:$0x668] =	vst v0;
	v0 =	vadd.s32 v27, v2;
	vm1 =	vlt.s32 v1, $0xFFFFF  }
0x66: {  	[tilespmem:$0x278] =	vst v0;
	v0 =	vnsel vm1, $0xFFFFF, v1;
	v1 =	vadd.s32 v28, v3;
	v3 =	vperm.xlane v23, v15  }
0x67: {  	[tilespmem:$0x678] =	vst v0;
	v0 =	vadd.s32 v28, v2;
	vm1 =	vlt.s32 v1, $0xFFFFF;
	v2 =	vperm.xlane v26, v15  }
0x68: {  	[tilespmem:$0x288] =	vst v0;
	v0 =	vnsel vm1, $0xFFFFF, v1;
	v1 =	vadd.s32 v24, v3  }
0x69: {  	[tilespmem:$0x688] =	vst v0;
	v0 =	vadd.s32 v24, v2;
	vm1 =	vlt.s32 v1, $0xFFFFF  }
0x6a: {  	[tilespmem:$0x298] =	vst v0;
	v0 =	vnsel vm1, $0xFFFFF, v1;
	v1 =	vadd.s32 v25, v3  }
0x6b: {  	[tilespmem:$0x698] =	vst v0;
	v0 =	vadd.s32 v25, v2;
	vm1 =	vlt.s32 v1, $0xFFFFF  }
0x6c: {  	[tilespmem:$0x2A8] =	vst v0;
	v0 =	vnsel vm1, $0xFFFFF, v1;
	v1 =	vadd.s32 v27, v3  }
0x6d: {  	v14 =	vimm.s32 $0x7;
	[tilespmem:$0x6A8] =	vst v0;
	v0 =	vadd.s32 v27, v2;
	vm1 =	vlt.s32 v1, $0xFFFFF  }
0x6e: {  	[tilespmem:$0x2B8] =	vst v0;
	v0 =	vnsel vm1, $0xFFFFF, v1;
	v1 =	vadd.s32 v28, v3;
	v3 =	vperm.xlane v23, v14  }
0x6f: {  	[tilespmem:$0x6B8] =	vst v0;
	v0 =	vadd.s32 v28, v2;
	vm1 =	vlt.s32 v1, $0xFFFFF;
	v2 =	vperm.xlane v26, v14  }
0x70: {  	[tilespmem:$0x2C8] =	vst v0;
	v0 =	vnsel vm1, $0xFFFFF, v1;
	v1 =	vadd.s32 v24, v3  }
0x71: {  	[tilespmem:$0x6C8] =	vst v0;
	v0 =	vadd.s32 v24, v2;
	vm1 =	vlt.s32 v1, $0xFFFFF  }
0x72: {  	[tilespmem:$0x2D8] =	vst v0;
	v0 =	vnsel vm1, $0xFFFFF, v1;
	v1 =	vadd.s32 v25, v3  }
0x73: {  	[tilespmem:$0x6D8] =	vst v0;
	v0 =	vadd.s32 v25, v2;
	vm1 =	vlt.s32 v1, $0xFFFFF  }
0x74: {  	[tilespmem:$0x2E8] =	vst v0;
	v0 =	vnsel vm1, $0xFFFFF, v1;
	v1 =	vadd.s32 v27, v3  }
0x75: {  	v13 =	vimm.s32 $0x8;
	[tilespmem:$0x6E8] =	vst v0;
	v0 =	vadd.s32 v27, v2;
	vm1 =	vlt.s32 v1, $0xFFFFF  }
0x76: {  	[tilespmem:$0x2F8] =	vst v0;
	v0 =	vnsel vm1, $0xFFFFF, v1;
	v1 =	vadd.s32 v28, v3;
	v3 =	vperm.xlane v23, v13  }
0x77: {  	[tilespmem:$0x6F8] =	vst v0;
	v0 =	vadd.s32 v28, v2;
	vm1 =	vlt.s32 v1, $0xFFFFF;
	v2 =	vperm.xlane v26, v13  }
0x78: {  	[tilespmem:$0x308] =	vst v0;
	v0 =	vnsel vm1, $0xFFFFF, v1;
	v1 =	vadd.s32 v24, v3  }
0x79: {  	[tilespmem:$0x708] =	vst v0;
	v0 =	vadd.s32 v24, v2;
	vm1 =	vlt.s32 v1, $0xFFFFF  }
0x7a: {  	[tilespmem:$0x318] =	vst v0;
	v0 =	vnsel vm1, $0xFFFFF, v1;
	v1 =	vadd.s32 v25, v3  }
0x7b: {  	[tilespmem:$0x718] =	vst v0;
	v0 =	vadd.s32 v25, v2;
	vm1 =	vlt.s32 v1, $0xFFFFF  }
0x7c: {  	[tilespmem:$0x328] =	vst v0;
	v0 =	vnsel vm1, $0xFFFFF, v1;
	v1 =	vadd.s32 v27, v3  }
0x7d: {  	v12 =	vimm.s32 $0x9;
	[tilespmem:$0x728] =	vst v0;
	v0 =	vadd.s32 v27, v2;
	vm1 =	vlt.s32 v1, $0xFFFFF  }
0x7e: {  	[tilespmem:$0x338] =	vst v0;
	v0 =	vnsel vm1, $0xFFFFF, v1;
	v1 =	vadd.s32 v28, v3;
	v3 =	vperm.xlane v23, v12  }
0x7f: {  	[tilespmem:$0x738] =	vst v0;
	v0 =	vadd.s32 v28, v2;
	vm1 =	vlt.s32 v1, $0xFFFFF;
	v2 =	vperm.xlane v26, v12  }
0x80: {  	[tilespmem:$0x348] =	vst v0;
	v0 =	vnsel vm1, $0xFFFFF, v1;
	v1 =	vadd.s32 v24, v3  }
0x81: {  	[tilespmem:$0x748] =	vst v0;
	v0 =	vadd.s32 v24, v2;
	vm1 =	vlt.s32 v1, $0xFFFFF  }
0x82: {  	[tilespmem:$0x358] =	vst v0;
	v0 =	vnsel vm1, $0xFFFFF, v1;
	v1 =	vadd.s32 v25, v3  }
0x83: {  	[tilespmem:$0x758] =	vst v0;
	v0 =	vadd.s32 v25, v2;
	vm1 =	vlt.s32 v1, $0xFFFFF  }
0x84: {  	[tilespmem:$0x368] =	vst v0;
	v0 =	vnsel vm1, $0xFFFFF, v1;
	v1 =	vadd.s32 v27, v3  }
0x85: {  	v11 =	vimm.s32 $0xA;
	[tilespmem:$0x768] =	vst v0;
	v0 =	vadd.s32 v27, v2;
	vm1 =	vlt.s32 v1, $0xFFFFF  }
0x86: {  	[tilespmem:$0x378] =	vst v0;
	v0 =	vnsel vm1, $0xFFFFF, v1;
	v1 =	vadd.s32 v28, v3;
	v3 =	vperm.xlane v23, v11  }
0x87: {  	[tilespmem:$0x778] =	vst v0;
	v0 =	vadd.s32 v28, v2;
	vm1 =	vlt.s32 v1, $0xFFFFF;
	v2 =	vperm.xlane v26, v11  }
0x88: {  	[tilespmem:$0x388] =	vst v0;
	v0 =	vnsel vm1, $0xFFFFF, v1;
	v1 =	vadd.s32 v24, v3  }
0x89: {  	[tilespmem:$0x788] =	vst v0;
	v0 =	vadd.s32 v24, v2;
	vm1 =	vlt.s32 v1, $0xFFFFF  }
0x8a: {  	[tilespmem:$0x398] =	vst v0;
	v0 =	vnsel vm1, $0xFFFFF, v1;
	v1 =	vadd.s32 v25, v3  }
0x8b: {  	[tilespmem:$0x798] =	vst v0;
	v0 =	vadd.s32 v25, v2;
	vm1 =	vlt.s32 v1, $0xFFFFF  }
0x8c: {  	[tilespmem:$0x3A8] =	vst v0;
	v0 =	vnsel vm1, $0xFFFFF, v1;
	v1 =	vadd.s32 v27, v3  }
0x8d: {  	v7 =	vimm.s32 $0xB;
	[tilespmem:$0x7A8] =	vst v0;
	v0 =	vadd.s32 v27, v2;
	vm1 =	vlt.s32 v1, $0xFFFFF  }
0x8e: {  	v29 =	vperm.xlane v23, v7;
	[tilespmem:$0x3B8] =	vst v0;
	v0 =	vnsel vm1, $0xFFFFF, v1;
	v1 =	vadd.s32 v28, v3  }
0x8f: {  	[tilespmem:$0x7B8] =	vst v0;
	v0 =	vadd.s32 v28, v2;
	vm1 =	vlt.s32 v1, $0xFFFFF;
	v2 =	vperm.xlane v26, v7  }
0x90: {  	[tilespmem:$0x3C8] =	vst v0;
	v0 =	vnsel vm1, $0xFFFFF, v1;
	v1 =	vadd.s32 v24, v29  }
0x91: {  	[tilespmem:$0x7C8] =	vst v0;
	v0 =	vadd.s32 v24, v2;
	vm1 =	vlt.s32 v1, $0xFFFFF  }
0x92: {  	[tilespmem:$0x3D8] =	vst v0;
	v0 =	vnsel vm1, $0xFFFFF, v1;
	v1 =	vadd.s32 v25, v29  }
0x93: {  	[tilespmem:$0x7D8] =	vst v0;
	v0 =	vadd.s32 v25, v2;
	vm1 =	vlt.s32 v1, $0xFFFFF  }
0x94: {  	[tilespmem:$0x3E8] =	vst v0;
	v0 =	vnsel vm1, $0xFFFFF, v1;
	v1 =	vadd.s32 v27, v29  }
0x95: {  	v3 =	vimm.s32 $0xC;
	[tilespmem:$0x7E8] =	vst v0;
	v0 =	vadd.s32 v27, v2;
	vm1 =	vlt.s32 v1, $0xFFFFF  }
0x96: {  	v52 =	vperm.xlane v23, v3;
	[tilespmem:$0x3F8] =	vst v0;
	v0 =	vnsel vm1, $0xFFFFF, v1;
	v1 =	vadd.s32 v28, v29  }
0x97: {  	v30 =	vperm.xlane v26, v3;
	[tilespmem:$0x7F8] =	vst v0;
	v0 =	vadd.s32 v28, v2;
	vm1 =	vlt.s32 v1, $0xFFFFF  }
0x98: {  	[tilespmem:$0x408] =	vst v0;
	v0 =	vnsel vm1, $0xFFFFF, v1;
	v1 =	vadd.s32 v24, v52  }
0x99: {  	[tilespmem:$0x808] =	vst v0;
	v0 =	vadd.s32 v24, v30;
	vm1 =	vlt.s32 v1, $0xFFFFF  }
0x9a: {  	[tilespmem:$0x418] =	vst v0;
	v0 =	vnsel vm1, $0xFFFFF, v1;
	v1 =	vadd.s32 v25, v52  }
0x9b: {  	[tilespmem:$0x818] =	vst v0;
	v0 =	vadd.s32 v25, v30;
	vm1 =	vlt.s32 v1, $0xFFFFF  }
0x9c: {  	[tilespmem:$0x428] =	vst v0;
	v0 =	vnsel vm1, $0xFFFFF, v1;
	v1 =	vadd.s32 v27, v52  }
0x9d: {  	v2 =	vimm.s32 $0xD;
	[tilespmem:$0x828] =	vst v0;
	v0 =	vadd.s32 v27, v30;
	vm1 =	vlt.s32 v1, $0xFFFFF  }
0x9e: {  	v53 =	vperm.xlane v23, v2;
	[tilespmem:$0x438] =	vst v0;
	v0 =	vnsel vm1, $0xFFFFF, v1;
	v1 =	vadd.s32 v28, v52  }
0x9f: {  	v54 =	vperm.xlane v26, v2;
	[tilespmem:$0x838] =	vst v0;
	v0 =	vadd.s32 v28, v30;
	vm1 =	vlt.s32 v1, $0xFFFFF  }
0xa0: {  	[tilespmem:$0x448] =	vst v0;
	v0 =	vnsel vm1, $0xFFFFF, v1;
	v1 =	vadd.s32 v24, v53  }
0xa1: {  	[tilespmem:$0x848] =	vst v0;
	v0 =	vadd.s32 v24, v54;
	vm1 =	vlt.s32 v1, $0xFFFFF  }
0xa2: {  	[tilespmem:$0x458] =	vst v0;
	v0 =	vnsel vm1, $0xFFFFF, v1;
	v1 =	vadd.s32 v25, v53  }
0xa3: {  	[tilespmem:$0x858] =	vst v0;
	v0 =	vadd.s32 v25, v54;
	vm1 =	vlt.s32 v1, $0xFFFFF  }
0xa4: {  	v31 =	vadd.s32 v27, v53;
	[tilespmem:$0x468] =	vst v0;
	v0 =	vnsel vm1, $0xFFFFF, v1  }
0xa5: {  	vm1 =	vlt.s32 v31, $0xFFFFF;
	v1 =	vimm.s32 $0xE;
	[tilespmem:$0x868] =	vst v0;
	v0 =	vadd.s32 v27, v54  }
0xa6: {  	v56 =	vperm.xlane v26, v1;
	[tilespmem:$0x478] =	vst v0;
	v0 =	vnsel vm1, $0xFFFFF, v31  }
0xa7: {  	v29 =	vadd.s32 v28, v53;
	v55 =	vperm.xlane v23, v1;
	[tilespmem:$0x878] =	vst v0;
	v0 =	vadd.s32 v28, v54  }
0xa8: {  	vm1 =	vlt.s32 v29, $0xFFFFF;
	v32 =	vadd.s32 v27, v56;
	[tilespmem:$0x488] =	vst v0  }
0xa9: {  	v57 =	vadd.s32 v24, v55;
	v0 =	vnsel vm1, $0xFFFFF, v29;
	[tilespmem:$0x4B8] =	vst v32  }
0xaa: {  	vm1 =	vlt.s32 v57, $0xFFFFF;
	[tilespmem:$0x888] =	vst v0;
	v0 =	vadd.s32 v24, v56  }
0xab: {  	v58 =	vadd.s32 v25, v55;
	[tilespmem:$0x498] =	vst v0;
	v0 =	vnsel vm1, $0xFFFFF, v57  }
0xac: {  	v59 =	vadd.s32 v27, v55;
	vm1 =	vlt.s32 v58, $0xFFFFF;
	[tilespmem:$0x898] =	vst v0;
	v0 =	vadd.s32 v25, v56  }
0xad: {  	v31 =	vadd.s32 v28, v55;
	[tilespmem:$0x4A8] =	vst v0;
	v0 =	vnsel vm1, $0xFFFFF, v58;
	vm1 =	vlt.s32 v59, $0xFFFFF  }
0xae: {  	v60 =	vadd.s32 v28, v56;
	[tilespmem:$0x8A8] =	vst v0;
	v0 =	vimm.s32 $0xF;
	v29 =	vnsel vm1, $0xFFFFF, v59  }
0xaf: {  	[tilespmem:$0x4C8] =	vst v60;
	vm1 =	vlt.s32 v31, $0xFFFFF;
	v23 =	vperm.xlane v23, v0;
	v26 =	vperm.xlane v26, v0  }
0xb0: {  	[tilespmem:$0x8B8] =	vst v29;
	v61 =	vnsel vm1, $0xFFFFF, v31  }
0xb1: {  	[tilespmem:$0x8C8] =	vst v61;
	v62 =	vadd.s32 v24, v23;
	v24 =	vadd.s32 v24, v26  }
0xb2: {  	v33 =	vadd.s32 v25, v26;
	[tilespmem:$0x4D8] =	vst v24  }
0xb3: {  	v36 =	vadd.s32 v27, v26;
	[tilespmem:$0x4E8] =	vst v33  }
0xb4: {  	v32 =	vadd.s32 v25, v23;
	v38 =	vadd.s32 v28, v26;
	vm1 =	vlt.s32 v62, $0xFFFFF;
	[tilespmem:$0x4F8] =	vst v36  }
0xb5: {  	v35 =	vadd.s32 v27, v23;
	[tilespmem:$0x508] =	vst v38;
	v63 =	vnsel vm1, $0xFFFFF, v62;
	vm1 =	vlt.s32 v32, $0xFFFFF  }
0xb6: {  	v23 =	vadd.s32 v28, v23;
	[tilespmem:$0x8D8] =	vst v63;
	v34 =	vnsel vm1, $0xFFFFF, v32;
	vm1 =	vlt.s32 v35, $0xFFFFF  }
0xb7: {  	[tilespmem:$0x8E8] =	vst v34;
	v37 =	vnsel vm1, $0xFFFFF, v35;
	vm1 =	vlt.s32 v23, $0xFFFFF  }
0xb8: {  	[tilespmem:$0x8F8] =	vst v37;
	v23 =	vnsel vm1, $0xFFFFF, v23  }
0xb9: {  	s15 =	simm.s32 $0x118;
	s8 =	simm.s32 $0x918;
	s12 =	simm.s32 $0x80;
	[tilespmem:$0x908] =	vst v23  }
0xba: {  	[tilespmem:s8], [sflag:$0x4] =	stream.indirect.gather [hbm4b:s11+s12], $0x10, s15, s12, $0xb8;
	[tilespmem:$0x8E48] =	vst v63  }
0xbb: {  	s16 =	simm.s32 $0x518;
	s7 =	simm.s32 $0x4918  }
0xbc: {  	[tilespmem:s7], [sflag:$0x4] =	stream.indirect.gather [hbm4b:s9+s12], $0x10, s16, s12, $0xb8;
	[tilespmem:$0x8E48] =	vst v63  }
0xbd: {  	s17 =	simm.s32 $0x198;
	s18 =	simm.s32 $0x1118  }
0xbe: {  	[tilespmem:s18], [sflag:$0x4] =	stream.indirect.gather [hbm4b:s11+s12], $0x10, s17, s12, $0xb8;
	[tilespmem:$0x8E48] =	vst v63  }
0xbf: {  	s19 =	simm.s32 $0x598;
	s20 =	simm.s32 $0x5118  }
0xc0: {  	[tilespmem:s20], [sflag:$0x4] =	stream.indirect.gather [hbm4b:s9+s12], $0x10, s19, s12, $0xb8;
	[tilespmem:$0x8E48] =	vst v63  }
0xc1: {  	s21 =	simm.s32 $0x218;
	s22 =	simm.s32 $0x1918  }
0xc2: {  	[tilespmem:s22], [sflag:$0x4] =	stream.indirect.gather [hbm4b:s11+s12], $0x10, s21, s12, $0xb8;
	[tilespmem:$0x8E48] =	vst v63  }
0xc3: {  	s23 =	simm.s32 $0x618;
	s24 =	simm.s32 $0x5918  }
0xc4: {  	[tilespmem:s24], [sflag:$0x4] =	stream.indirect.gather [hbm4b:s9+s12], $0x10, s23, s12, $0xb8;
	[tilespmem:$0x8E48] =	vst v63  }
0xc5: {  	s25 =	simm.s32 $0x298;
	s26 =	simm.s32 $0x2118  }
0xc6: {  	[tilespmem:s26], [sflag:$0x4] =	stream.indirect.gather [hbm4b:s11+s12], $0x10, s25, s12, $0xb8;
	[tilespmem:$0x8E48] =	vst v63  }
0xc7: {  	s28 =	simm.s32 $0x698;
	s29 =	simm.s32 $0x6118  }
0xc8: {  	[tilespmem:s29], [sflag:$0x4] =	stream.indirect.gather [hbm4b:s9+s12], $0x10, s28, s12, $0xb8;
	[tilespmem:$0x8E48] =	vst v63  }
0xc9: {  	s30 =	simm.s32 $0x318;
	s31 =	simm.s32 $0x2918  }
0xca: {  	[tilespmem:s31], [sflag:$0x4] =	stream.indirect.gather [hbm4b:s11+s12], $0x10, s30, s12, $0xb8;
	[tilespmem:$0x8E48] =	vst v63  }
0xcb: {  	s14 =	simm.s32 $0x718;
	s15 =	simm.s32 $0x6918  }
0xcc: {  	[tilespmem:s15], [sflag:$0x4] =	stream.indirect.gather [hbm4b:s9+s12], $0x10, s14, s12, $0xb8;
	[tilespmem:$0x8E48] =	vst v63  }
0xcd: {  	s16 =	simm.s32 $0x398;
	s17 =	simm.s32 $0x3118  }
0xce: {  	[tilespmem:s17], [sflag:$0x4] =	stream.indirect.gather [hbm4b:s11+s12], $0x10, s16, s12, $0xb8;
	[tilespmem:$0x8E48] =	vst v63  }
0xcf: {  	s18 =	simm.s32 $0x798;
	s19 =	simm.s32 $0x7118  }
0xd0: {  	[tilespmem:s19], [sflag:$0x4] =	stream.indirect.gather [hbm4b:s9+s12], $0x10, s18, s12, $0xb8;
	[tilespmem:$0x8E48] =	vst v63  }
0xd1: {  	s20 =	simm.s32 $0x418;
	s21 =	simm.s32 $0x3918  }
0xd2: {  	[tilespmem:s21], [sflag:$0x4] =	stream.indirect.gather [hbm4b:s11+s12], $0x10, s20, s12, $0xb8;
	[tilespmem:$0x8E48] =	vst v63  }
0xd3: {  	s22 =	simm.s32 $0x818;
	s23 =	simm.s32 $0x7918  }
0xd4: {  	[tilespmem:s23], [sflag:$0x4] =	stream.indirect.gather [hbm4b:s9+s12], $0x10, s22, s12, $0xb8;
	[tilespmem:$0x8E48] =	vst v63  }
0xd5: {  	s24 =	simm.s32 $0x498;
	s25 =	simm.s32 $0x4118  }
0xd6: {  	[tilespmem:s25], [sflag:$0x4] =	stream.indirect.gather [hbm4b:s11+s12], $0x10, s24, s12, $0xb8;
	[tilespmem:$0x8E48] =	vst v63  }
0xd7: {  	v10 =	vshrl.u32 v10, $0x1C;
	s26 =	simm.s32 $0x898;
	s28 =	simm.s32 $0x8118;
	s29 =	simm.s32 $0x1  }
0xd8: {  	v9 =	vshrl.u32 v9, $0x1C;
	v10 =	vadd.s32 v10, v8;
	[tilespmem:s28], [sflag:$0x4] =	stream.indirect.gather [hbm4b:s9+s12], $0x10, s26, s12, $0xb8;
	[tilespmem:$0x8E48] =	vst v63  }
0xd9: {  	v39 =	vadd.s32 v9, v4;
	v10 =	vand.u32 $0xFFFFFFF0, v10;
	_ =	swait.ge [sflag:s29], $0x400  }
0xda: {  	v40 =	vand.u32 $0xFFFFFFF0, v39;
	v9 =	vsub.s32 v8, v10;
	[sflag:s29] =	ssyncset.done $0x0  }
0xdb: {  	v10 =	vsub.s32 v4, v40;
	v4 =	vmul.u32 $0x10, v5;
	v41 =	vperm.xlane v9, v19;
	s30 =	simm.s32 $0x4;
	[sflag:s29] =	ssyncadd.s32 $0xFFFFFC00  }
0xdc: {  	v42 =	vperm.xlane v10, v19;
	_ =	swait.ge [sflag:s30], $0x800  }
0xdd: {  	v43 =	vadd.s32 v4, v41;
	[sflag:s30] =	ssyncset.done $0x0  }
0xde: {  	v45 =	vor.u32 $0x100, v4;
	v44 =	vadd.s32 v4, v42;
	[sflag:s30] =	ssyncadd.s32 $0xFFFFF800  }
0xdf: {  	v46 =	vadd.s32 v45, v41;
	_ =	swait.ge [sflag:s30], $0x800  }
0xe0: {  	v26 =	vadd.s32 v45, v42;
	[sflag:s30] =	ssyncset.done $0x0  }
0xe1: {  	[sflag:s30] =	ssyncadd.s32 $0xFFFFF800  }
0xe2: {  	v5 =	vmul.u32 $0xFFFFFFFF, v5;
	v52 =	vor.u32 $0x200, v4;
	v50 =	vld.idx.msk [tilespmem:v43+s8+$0x0], $0xffff  }
0xe3: {  	v54 =	vadd.s32 v52, v41;
	v51 =	vld.idx.msk [tilespmem:v44+s7+$0x0], $0xffff  }
0xe4: {  	v48 =	vadd.s32 $0x3F, v5;
	v5 =	vadd.s32 $0xFFFFFFFF, v5;
	v25 =	vadd.s32 v52, v42;
	v27 =	vld.idx.msk [tilespmem:v46+s8+$0x0], $0xffff  }
0xe5: {  	v49 =	vimm.f32 $1.000000000e+00;
	v22 =	vadd.s32 v5, v22;
	v33 =	vor.u32 $0x300, v4;
	v26 =	vld.idx.msk [tilespmem:v26+s7+$0x0], $0xffff  }
0xe6: {  	v47 =	vmov s10;
	v35 =	vperm.xlane v10, v21;
	v23 =	vadd.s32 v33, v41;
	v57 =	vld [tilespmem:$0x8918]  }
0xe7: {  	v58 =	vperm.xlane v9, v21;
	v36 =	vor.u32 $0x400, v4;
	v24 =	vadd.s32 v33, v42;
	v34 =	vld [tilespmem:$0x8928]  }
0xe8: {  	vm2 =	veq.s32 v47, v48;
	v63 =	vor.u32 $0x500, v4;
	v62 =	vadd.s32 v36, v35;
	v28 =	vld.idx.msk [tilespmem:v54+s8+$0x0], $0xffff  }
0xe9: {  	v5 =	vsel vm2, $0x0, v49;
	v37 =	vadd.s32 v36, v58;
	v36 =	vadd.s32 v63, v35;
	v25 =	vld.idx.msk [tilespmem:v25+s7+$0x0], $0xffff  }
0xea: {  	vm2 =	vne.s32 v47, v22;
	v53 =	vimm.f32 $0.0e+00;
	vm1 =	vlt.u32 v6, $0x3E;
	v60 =	vld [tilespmem:$0x8938]  }
0xeb: {  	v56 =	vperm.xlane v5, v19;
	v52 =	vperm.xlane v5, v21;
	vm1 =	vmand vm1, vm2;
	v23 =	vld.idx.msk [tilespmem:v23+s8+$0x0], $0xffff  }
0xec: {  	v40 =	vadd.s32 v63, v58;
	v6 =	vsel vm2, $0x0, v49;
	v8 =	vsel vm1, $0x3F7D70A4, v53;
	v24 =	vld.idx.msk [tilespmem:v24+s7+$0x0], $0xffff  }
0xed: {  	v55 =	vperm.xlane v8, v19;
	v19 =	vperm.xlane v6, v19;
	v43 =	vld.idx.msk [tilespmem:v62+s7+$0x0], $0xffff  }
0xee: {  	v49 =	vld.idx.msk [tilespmem:v36+s7+$0x0], $0xffff;
	v62 =	vperm.xlane v10, v20;
	v36 =	vperm.xlane v10, v17  }
0xef: {  	v41 =	vld [tilespmem:$0x8948];
	v29 =	vmul.f32 v50, v56;
	v22 =	vmul.f32 v51, v55  }
0xf0: {  	v37 =	vld.idx.msk [tilespmem:v37+s8+$0x0], $0xffff;
	v27 =	vmul.f32 v27, v56;
	v26 =	vmul.f32 v26, v55  }
0xf1: {  	v48 =	vor.u32 $0x700, v4;
	v47 =	vld.idx.msk [tilespmem:v40+s8+$0x0], $0xffff;
	v59 =	vmul.f32 v57, v19;
	v61 =	vmul.f32 v34, v19  }
0xf2: {  	v38 =	vor.u32 $0x600, v4;
	v28 =	vmul.f32 v28, v56;
	v25 =	vmul.f32 v25, v55  }
0xf3: {  	v44 =	vadd.s32 v38, v58;
	v42 =	vmul.f32 v60, v19;
	v23 =	vmul.f32 v23, v56  }
0xf4: {  	v45 =	vld [tilespmem:$0x8958];
	v46 =	vadd.s32 v38, v35;
	v24 =	vmul.f32 v24, v55;
	v19 =	vmul.f32 v41, v19  }
0xf5: {  	v63 =	vor.u32 $0x800, v4;
	v53 =	vld [tilespmem:$0x8968];
	v51 =	vperm.xlane v8, v21;
	v21 =	vperm.xlane v6, v21  }
0xf6: {  	v50 =	vadd.s32 v48, v58;
	v55 =	vmul.f32 v37, v52;
	v57 =	vmul.f32 v47, v52  }
0xf7: {  	v37 =	vor.u32 $0x1000, v4;
	v22 =	vsub.f32 v29, v22;
	v26 =	vsub.f32 v27, v26  }
0xf8: {  	v54 =	vld.idx.msk [tilespmem:v44+s8+$0x0], $0xffff;
	v25 =	vsub.f32 v28, v25;
	v27 =	vadd.s32 v48, v35;
	v32 =	vmul.f32 v43, v51  }
0xf9: {  	v31 =	vld.idx.msk [tilespmem:v46+s7+$0x0], $0xffff;
	v23 =	vsub.f32 v23, v24;
	v30 =	vmul.f32 v45, v21;
	v24 =	vmul.f32 v49, v51  }
0xfa: {  	v56 =	vld [tilespmem:$0x8978];
	v40 =	vmul.f32 v53, v21;
	v43 =	vor.u32 $0x900, v4;
	v49 =	vor.u32 $0xA00, v4  }
0xfb: {  	v60 =	vld [tilespmem:$0x8988];
	v53 =	vperm.xlane v5, v20;
	v22 =	vsub.f32 v22, v59;
	v26 =	vsub.f32 v26, v61  }
0xfc: {  	v25 =	vsub.f32 v25, v42;
	v19 =	vsub.f32 v23, v19;
	v61 =	vperm.xlane v9, v20;
	v28 =	vld.idx.msk [tilespmem:v50+s8+$0x0], $0xffff  }
0xfd: {  	v32 =	vsub.f32 v55, v32;
	v42 =	vadd.s32 v63, v62;
	v23 =	vmul.f32 v54, v52;
	v58 =	vld.idx.msk [tilespmem:v27+s7+$0x0], $0xffff;
	_ =	swait.ge [sflag:s30], $0x800  }
0xfe: {  	v22 =	vmul.f32 v22, v22;
	v26 =	vmul.f32 v26, v26;
	v41 =	vadd.s32 v63, v61;
	[sflag:s30] =	ssyncset.done $0x0  }
0xff: {  	v31 =	vmul.f32 v31, v51;
	v54 =	vor.u32 $0xB00, v4;
	v25 =	vmul.f32 v25, v25;
	[sflag:s30] =	ssyncadd.s32 $0xFFFFF800  }
0x100: {  	v19 =	vmul.f32 v19, v19;
	v59 =	vsub.f32 v32, v30;
	v22 =	vadd.f32 v26, v22;
	_ =	swait.ge [sflag:s30], $0x800  }
0x101: {  	v44 =	vadd.s32 v43, v61;
	v32 =	vadd.s32 v54, v61;
	v23 =	vsub.f32 v23, v31;
	[sflag:s30] =	ssyncset.done $0x0  }
0x102: {  	v27 =	vmul.f32 v59, v59;
	v22 =	vadd.f32 v25, v22;
	v25 =	vmul.f32 v56, v21;
	[sflag:s30] =	ssyncadd.s32 $0xFFFFF800  }
0x103: {  	v31 =	vadd.s32 v49, v62;
	v46 =	vmul.f32 v28, v52;
	v52 =	vperm.xlane v8, v20;
	v45 =	vld.idx.msk [tilespmem:v41+s8+$0x0], $0xffff  }
0x104: {  	v21 =	vmul.f32 v60, v21;
	v20 =	vperm.xlane v6, v20;
	v19 =	vadd.f32 v19, v22;
	v47 =	vld.idx.msk [tilespmem:v42+s7+$0x0], $0xffff  }
0x105: {  	v60 =	vperm.xlane v10, v18;
	v22 =	vsub.f32 v57, v24;
	v23 =	vsub.f32 v23, v25;
	v48 =	vld [tilespmem:$0x8998]  }
0x106: {  	v24 =	vadd.s32 v43, v62;
	v26 =	vmul.f32 v58, v51;
	v51 =	vadd.s32 v49, v61;
	v50 =	vld.idx.msk [tilespmem:v44+s8+$0x0], $0xffff  }
0x107: {  	v57 =	vadd.s32 v54, v62;
	v61 =	vor.u32 $0xC00, v4;
	v55 =	vld [tilespmem:$0x89A8];
	v22 =	vsub.f32 v22, v40  }
0x108: {  	v58 =	vperm.xlane v9, v18;
	v54 =	vperm.xlane v8, v18;
	v59 =	vld.idx.msk [tilespmem:v31+s7+$0x0], $0xffff;
	v34 =	vadd.s32 v61, v60  }
0x109: {  	v32 =	vld.idx.msk [tilespmem:v32+s8+$0x0], $0xffff;
	v41 =	vor.u32 $0xD00, v4;
	v19 =	vadd.f32 v27, v19;
	v22 =	vmul.f32 v22, v22  }
0x10a: {  	v62 =	vld [tilespmem:$0x89B8];
	v23 =	vmul.f32 v23, v23;
	v63 =	vadd.s32 v61, v58;
	v42 =	vadd.s32 v41, v58  }
0x10b: {  	v29 =	vadd.s32 v41, v60;
	v24 =	vld.idx.msk [tilespmem:v24+s7+$0x0], $0xffff;
	v19 =	vadd.f32 v22, v19;
	v27 =	vmul.f32 v45, v53  }
0x10c: {  	v25 =	vld.idx.msk [tilespmem:v51+s8+$0x0], $0xffff;
	v22 =	vsub.f32 v46, v26;
	v28 =	vmul.f32 v47, v52;
	v56 =	vmul.f32 v48, v20  }
0x10d: {  	v43 =	vld [tilespmem:$0x89C8];
	v39 =	vmul.f32 v55, v20;
	v30 =	vmul.f32 v59, v52;
	v46 =	vor.u32 $0xE00, v4  }
0x10e: {  	v40 =	vld.idx.msk [tilespmem:v57+s7+$0x0], $0xffff;
	v32 =	vmul.f32 v32, v53;
	v55 =	vperm.xlane v5, v18;
	v21 =	vsub.f32 v22, v21  }
0x10f: {  	v49 =	vld [tilespmem:$0x89D8];
	v18 =	vperm.xlane v6, v18;
	v48 =	vadd.s32 v46, v58;
	v19 =	vadd.f32 v23, v19  }
0x110: {  	v61 =	vld [tilespmem:$0x8A08];
	v27 =	vsub.f32 v27, v28;
	v23 =	vmul.f32 v50, v53;
	v21 =	vmul.f32 v21, v21  }
0x111: {  	v47 =	vld.idx.msk [tilespmem:v34+s7+$0x0], $0xffff;
	v50 =	vadd.s32 v46, v60;
	v24 =	vmul.f32 v24, v52;
	v25 =	vmul.f32 v25, v53  }
0x112: {  	v45 =	vld.idx.msk [tilespmem:v63+s8+$0x0], $0xffff;
	v22 =	vsub.f32 v27, v56;
	v27 =	vmul.f32 v62, v20;
	v19 =	vadd.f32 v21, v19  }
0x113: {  	v53 =	vld.idx.msk [tilespmem:v29+s7+$0x0], $0xffff;
	v25 =	vsub.f32 v25, v30;
	v21 =	vmul.f32 v40, v52;
	v52 =	vor.u32 $0xF00, v4  }
0x114: {  	v41 =	vor.u32 $0x1100, v4;
	v26 =	vmul.f32 v49, v18;
	v56 =	vld [tilespmem:$0x89E8];
	v28 =	vadd.s32 v52, v58  }
0x115: {  	v23 =	vsub.f32 v23, v24;
	v24 =	vld.idx.msk [tilespmem:v42+s8+$0x0], $0xffff;
	v51 =	vsub.f32 v25, v27;
	v25 =	vadd.s32 v52, v60  }
0x116: {  	v20 =	vmul.f32 v43, v20;
	v62 =	vperm.xlane v9, v17;
	v43 =	vadd.s32 v41, v36;
	v57 =	vld.idx.msk [tilespmem:v48+s8+$0x0], $0xffff  }
0x117: {  	v22 =	vmul.f32 v22, v22;
	v30 =	vmul.f32 v47, v54;
	v48 =	vor.u32 $0x1200, v4;
	v33 =	vld.idx.msk [tilespmem:v50+s7+$0x0], $0xffff  }
0x118: {  	v40 =	vadd.s32 v37, v36;
	v42 =	vadd.s32 v41, v62;
	v58 =	vld [tilespmem:$0x89F8];
	v50 =	vadd.s32 v48, v62  }
0x119: {  	v23 =	vsub.f32 v23, v39;
	v19 =	vadd.f32 v22, v19;
	v52 =	vperm.xlane v5, v17;
	v28 =	vld.idx.msk [tilespmem:v28+s8+$0x0], $0xffff  }
0x11a: {  	v21 =	vsub.f32 v32, v21;
	v60 =	vmul.f32 v53, v54;
	v38 =	vmul.f32 v56, v18;
	v25 =	vld.idx.msk [tilespmem:v25+s7+$0x0], $0xffff;
	_ =	swait.ge [sflag:s30], $0x800  }
0x11b: {  	v39 =	vadd.s32 v37, v62;
	v56 =	vperm.xlane v9, v16;
	v44 =	vmul.f32 v23, v23;
	[sflag:s30] =	ssyncset.done $0x0  }
0x11c: {  	v53 =	vor.u32 $0x1300, v4;
	v22 =	vmul.f32 v51, v51;
	v23 =	vmul.f32 v45, v55;
	[sflag:s30] =	ssyncadd.s32 $0xFFFFF800  }
0x11d: {  	v20 =	vsub.f32 v21, v20;
	v51 =	vperm.xlane v8, v17;
	v17 =	vperm.xlane v6, v17;
	_ =	swait.ge [sflag:s30], $0x800  }
0x11e: {  	v59 =	vmul.f32 v24, v55;
	v19 =	vadd.f32 v44, v19;
	v23 =	vsub.f32 v23, v30;
	[sflag:s30] =	ssyncset.done $0x0  }
0x11f: {  	v27 =	vadd.s32 v53, v62;
	v21 =	vmul.f32 v57, v55;
	v63 =	vmul.f32 v33, v54;
	[sflag:s30] =	ssyncadd.s32 $0xFFFFF800  }
0x120: {  	v20 =	vmul.f32 v20, v20;
	v19 =	vadd.f32 v22, v19;
	v23 =	vsub.f32 v23, v26;
	v44 =	vld.idx.msk [tilespmem:v39+s8+$0x0], $0xffff  }
0x121: {  	v30 =	vadd.s32 v48, v36;
	v21 =	vsub.f32 v21, v63;
	v22 =	vmul.f32 v58, v18;
	v46 =	vld.idx.msk [tilespmem:v40+s7+$0x0], $0xffff  }
0x122: {  	v18 =	vmul.f32 v61, v18;
	v19 =	vadd.f32 v20, v19;
	v23 =	vmul.f32 v23, v23;
	v47 =	vld [tilespmem:$0x8A18]  }
0x123: {  	v26 =	vadd.s32 v53, v36;
	v58 =	vperm.xlane v10, v16;
	v20 =	vsub.f32 v59, v60;
	v49 =	vld.idx.msk [tilespmem:v42+s8+$0x0], $0xffff  }
0x124: {  	v21 =	vsub.f32 v21, v22;
	v59 =	vor.u32 $0x1400, v4;
	v19 =	vadd.f32 v23, v19;
	v23 =	vld.idx.msk [tilespmem:v43+s7+$0x0], $0xffff  }
0x125: {  	v63 =	vadd.s32 v59, v58;
	v20 =	vsub.f32 v20, v38;
	v25 =	vmul.f32 v25, v54;
	v54 =	vld [tilespmem:$0x8A28]  }
0x126: {  	v37 =	vor.u32 $0x1500, v4;
	v53 =	vperm.xlane v5, v16;
	v45 =	vmul.f32 v28, v55;
	v22 =	vld.idx.msk [tilespmem:v50+s8+$0x0], $0xffff  }
0x127: {  	v61 =	vadd.s32 v59, v56;
	v21 =	vmul.f32 v21, v21;
	v57 =	vld.idx.msk [tilespmem:v30+s7+$0x0], $0xffff;
	v20 =	vmul.f32 v20, v20  }
0x128: {  	v38 =	vadd.s32 v37, v56;
	v36 =	vld.idx.msk [tilespmem:v26+s7+$0x0], $0xffff;
	v26 =	vadd.s32 v37, v58;
	v42 =	vor.u32 $0x1600, v4  }
0x129: {  	v27 =	vld.idx.msk [tilespmem:v27+s8+$0x0], $0xffff;
	v30 =	vor.u32 $0x2100, v4;
	v19 =	vadd.f32 v20, v19;
	v20 =	vsub.f32 v45, v25  }
0x12a: {  	v43 =	vld.idx.msk [tilespmem:v63+s7+$0x0], $0xffff;
	v63 =	vor.u32 $0x1800, v4;
	v24 =	vmul.f32 v44, v52;
	v28 =	vmul.f32 v46, v51  }
0x12b: {  	v60 =	vld [tilespmem:$0x8A38];
	v19 =	vadd.f32 v21, v19;
	v55 =	vmul.f32 v47, v17;
	v21 =	vmul.f32 v49, v52  }
0x12c: {  	v45 =	vld [tilespmem:$0x8A58];
	v18 =	vsub.f32 v20, v18;
	v23 =	vmul.f32 v23, v51;
	v62 =	vmul.f32 v54, v17  }
0x12d: {  	v39 =	vld [tilespmem:$0x8A48];
	v22 =	vmul.f32 v22, v52;
	v29 =	vmul.f32 v57, v51;
	v44 =	vadd.s32 v42, v56  }
0x12e: {  	v59 =	vld [tilespmem:$0x8A88];
	v27 =	vmul.f32 v27, v52;
	v46 =	vadd.s32 v42, v58;
	v49 =	vor.u32 $0x1700, v4  }
0x12f: {  	v48 =	vld.idx.msk [tilespmem:v38+s8+$0x0], $0xffff;
	v52 =	vperm.xlane v8, v16;
	v16 =	vperm.xlane v6, v16;
	v24 =	vsub.f32 v24, v28  }
0x130: {  	v41 =	vld.idx.msk [tilespmem:v61+s8+$0x0], $0xffff;
	v18 =	vmul.f32 v18, v18;
	v21 =	vsub.f32 v21, v23;
	v22 =	vsub.f32 v22, v29  }
0x131: {  	v50 =	vld.idx.msk [tilespmem:v26+s7+$0x0], $0xffff;
	v23 =	vadd.s32 v49, v58;
	v29 =	vmul.f32 v43, v52;
	v25 =	vmul.f32 v45, v16  }
0x132: {  	v54 =	vld [tilespmem:$0x8A68];
	v18 =	vadd.f32 v18, v19;
	v19 =	vmul.f32 v36, v51;
	v51 =	vadd.s32 v49, v56  }
0x133: {  	v20 =	vsub.f32 v24, v55;
	v24 =	vmul.f32 v60, v17;
	v17 =	vmul.f32 v39, v17;
	v56 =	vld [tilespmem:$0x8A78]  }
0x134: {  	v38 =	vor.u32 $0x1900, v4;
	v57 =	vmul.f32 v48, v53;
	v60 =	vperm.xlane v9, v15;
	v55 =	vld.idx.msk [tilespmem:v44+s8+$0x0], $0xffff  }
0x135: {  	v21 =	vsub.f32 v21, v62;
	v62 =	vperm.xlane v10, v15;
	v48 =	vperm.xlane v8, v15;
	v31 =	vld.idx.msk [tilespmem:v46+s7+$0x0], $0xffff  }
0x136: {  	v45 =	vor.u32 $0x1A00, v4;
	v49 =	vperm.xlane v5, v15;
	v15 =	vperm.xlane v6, v15;
	v23 =	vld.idx.msk [tilespmem:v23+s7+$0x0], $0xffff  }
0x137: {  	v58 =	vmul.f32 v50, v52;
	v35 =	vmul.f32 v54, v16;
	v50 =	vor.u32 $0x1B00, v4;
	v26 =	vld.idx.msk [tilespmem:v51+s8+$0x0], $0xffff;
	_ =	swait.ge [sflag:s30], $0x800  }
0x138: {  	v20 =	vmul.f32 v20, v20;
	v40 =	vmul.f32 v21, v21;
	v36 =	vadd.s32 v63, v60;
	[sflag:s30] =	ssyncset.done $0x0  }
0x139: {  	v19 =	vsub.f32 v27, v19;
	v21 =	vmul.f32 v41, v53;
	v37 =	vadd.s32 v63, v62;
	[sflag:s30] =	ssyncadd.s32 $0xFFFFF800  }
0x13a: {  	v47 =	vsub.f32 v22, v24;
	v39 =	vadd.s32 v38, v60;
	v18 =	vadd.f32 v20, v18;
	_ =	swait.ge [sflag:s30], $0x800  }
0x13b: {  	v28 =	vadd.s32 v45, v62;
	v17 =	vsub.f32 v19, v17;
	v21 =	vsub.f32 v21, v29;
	[sflag:s30] =	ssyncset.done $0x0  }
0x13c: {  	v24 =	vadd.s32 v50, v62;
	v20 =	vmul.f32 v47, v47;
	v47 =	vadd.s32 v45, v60;
	[sflag:s30] =	ssyncadd.s32 $0xFFFFF800  }
0x13d: {  	v18 =	vadd.f32 v40, v18;
	v17 =	vmul.f32 v17, v17;
	v21 =	vsub.f32 v21, v25;
	v41 =	vld.idx.msk [tilespmem:v36+s8+$0x0], $0xffff  }
0x13e: {  	v19 =	vmul.f32 v55, v53;
	v61 =	vmul.f32 v31, v52;
	v40 =	vadd.s32 v38, v62;
	v43 =	vld.idx.msk [tilespmem:v37+s7+$0x0], $0xffff  }
0x13f: {  	v25 =	vadd.s32 v50, v60;
	v55 =	vperm.xlane v10, v14;
	v18 =	vadd.f32 v20, v18;
	v44 =	vld [tilespmem:$0x8A98]  }
0x140: {  	v62 =	vor.u32 $0x1D00, v4;
	v19 =	vsub.f32 v19, v61;
	v20 =	vmul.f32 v56, v16;
	v46 =	vld.idx.msk [tilespmem:v39+s8+$0x0], $0xffff  }
0x141: {  	v50 =	vperm.xlane v5, v14;
	v21 =	vmul.f32 v21, v21;
	v17 =	vadd.f32 v17, v18;
	v51 =	vld [tilespmem:$0x8AA8]  }
0x142: {  	v56 =	vor.u32 $0x1C00, v4;
	v18 =	vsub.f32 v57, v58;
	v19 =	vsub.f32 v19, v20;
	v20 =	vld.idx.msk [tilespmem:v47+s8+$0x0], $0xffff  }
0x143: {  	v23 =	vmul.f32 v23, v52;
	v16 =	vmul.f32 v59, v16;
	v60 =	vadd.s32 v56, v55;
	v54 =	vld.idx.msk [tilespmem:v28+s7+$0x0], $0xffff  }
0x144: {  	v42 =	vmul.f32 v26, v53;
	v53 =	vperm.xlane v9, v14;
	v25 =	vld.idx.msk [tilespmem:v25+s8+$0x0], $0xffff;
	v18 =	vsub.f32 v18, v35  }
0x145: {  	v61 =	vld.idx.msk [tilespmem:v24+s7+$0x0], $0xffff;
	v24 =	vadd.s32 v62, v55;
	v39 =	vor.u32 $0x1E00, v4;
	v17 =	vadd.f32 v21, v17  }
0x146: {  	v19 =	vmul.f32 v19, v19;
	v21 =	vld.idx.msk [tilespmem:v40+s7+$0x0], $0xffff;
	v58 =	vadd.s32 v56, v53;
	v18 =	vmul.f32 v18, v18  }
0x147: {  	v63 =	vadd.s32 v62, v53;
	v22 =	vmul.f32 v41, v49;
	v26 =	vmul.f32 v43, v48  }
0x148: {  	v57 =	vld [tilespmem:$0x8AB8];
	v17 =	vadd.f32 v18, v17;
	v52 =	vmul.f32 v44, v15;
	v59 =	vmul.f32 v51, v15  }
0x149: {  	v36 =	vld [tilespmem:$0x8AC8];
	v18 =	vsub.f32 v42, v23;
	v20 =	vmul.f32 v20, v49;
	v27 =	vmul.f32 v54, v48  }
0x14a: {  	v40 =	vld.idx.msk [tilespmem:v60+s7+$0x0], $0xffff;
	v41 =	vadd.s32 v39, v53;
	v25 =	vmul.f32 v25, v49;
	v43 =	vadd.s32 v39, v55  }
0x14b: {  	v21 =	vmul.f32 v21, v48;
	v17 =	vadd.f32 v19, v17;
	v16 =	vsub.f32 v18, v16  }
0x14c: {  	v42 =	vld [tilespmem:$0x8AD8];
	v22 =	vsub.f32 v22, v26;
	v19 =	vmul.f32 v46, v49;
	v20 =	vsub.f32 v20, v27  }
0x14d: {  	v47 =	vld.idx.msk [tilespmem:v24+s7+$0x0], $0xffff;
	v46 =	vor.u32 $0x1F00, v4;
	v49 =	vperm.xlane v8, v14;
	v14 =	vperm.xlane v6, v14  }
0x14e: {  	v56 =	vld [tilespmem:$0x8B08];
	v16 =	vmul.f32 v16, v16;
	v18 =	vsub.f32 v22, v52;
	v22 =	vmul.f32 v57, v15  }
0x14f: {  	v45 =	vld.idx.msk [tilespmem:v63+s8+$0x0], $0xffff;
	v19 =	vsub.f32 v19, v21;
	v15 =	vmul.f32 v36, v15;
	v27 =	vmul.f32 v40, v49  }
0x150: {  	v51 =	vld [tilespmem:$0x8AE8];
	v21 =	vadd.s32 v46, v55;
	v57 =	vperm.xlane v9, v13;
	v40 =	vperm.xlane v8, v13  }
0x151: {  	v38 =	vld.idx.msk [tilespmem:v58+s8+$0x0], $0xffff;
	v16 =	vadd.f32 v16, v17;
	v17 =	vmul.f32 v61, v48;
	v48 =	vadd.s32 v46, v53  }
0x152: {  	v60 =	vor.u32 $0x2000, v4;
	v52 =	vld.idx.msk [tilespmem:v41+s8+$0x0], $0xffff;
	v23 =	vmul.f32 v42, v14;
	v55 =	vmul.f32 v47, v49  }
0x153: {  	v29 =	vld.idx.msk [tilespmem:v43+s7+$0x0], $0xffff;
	v41 =	vperm.xlane v5, v13;
	v42 =	vor.u32 $0x2300, v4;
	v47 =	vperm.xlane v10, v12  }
0x154: {  	v18 =	vmul.f32 v18, v18;
	v19 =	vsub.f32 v19, v59;
	v53 =	vld [tilespmem:$0x8AF8];
	v54 =	vmul.f32 v45, v50  }
0x155: {  	v44 =	vsub.f32 v20, v22;
	v59 =	vperm.xlane v10, v13;
	v61 =	vmul.f32 v51, v14;
	v21 =	vld.idx.msk [tilespmem:v21+s7+$0x0], $0xffff  }
0x156: {  	v62 =	vadd.s32 v60, v57;
	v31 =	vadd.s32 v30, v57;
	v13 =	vperm.xlane v6, v13;
	v24 =	vld.idx.msk [tilespmem:v48+s8+$0x0], $0xffff;
	_ =	swait.ge [sflag:s30], $0x800  }
0x157: {  	v45 =	vperm.xlane v9, v12;
	v16 =	vadd.f32 v18, v16;
	v37 =	vmul.f32 v19, v19;
	[sflag:s30] =	ssyncset.done $0x0  }
0x158: {  	v17 =	vsub.f32 v25, v17;
	v19 =	vmul.f32 v38, v50;
	v63 =	vadd.s32 v60, v59;
	[sflag:s30] =	ssyncadd.s32 $0xFFFFF800  }
0x159: {  	v18 =	vmul.f32 v44, v44;
	v32 =	vadd.s32 v30, v59;
	v16 =	vadd.f32 v37, v16;
	_ =	swait.ge [sflag:s30], $0x800  }
0x15a: {  	v22 =	vadd.s32 v42, v59;
	v15 =	vsub.f32 v17, v15;
	v19 =	vsub.f32 v19, v27;
	[sflag:s30] =	ssyncset.done $0x0  }
0x15b: {  	v17 =	vmul.f32 v52, v50;
	v58 =	vmul.f32 v29, v49;
	v37 =	vor.u32 $0x2200, v4;
	[sflag:s30] =	ssyncadd.s32 $0xFFFFF800  }
0x15c: {  	v16 =	vadd.f32 v18, v16;
	v15 =	vmul.f32 v15, v15;
	v19 =	vsub.f32 v19, v23;
	v33 =	vld.idx.msk [tilespmem:v62+s8+$0x0], $0xffff  }
0x15d: {  	v39 =	vadd.s32 v37, v57;
	v26 =	vadd.s32 v37, v59;
	v48 =	vor.u32 $0x2400, v4;
	v35 =	vld.idx.msk [tilespmem:v63+s7+$0x0], $0xffff  }
0x15e: {  	v17 =	vsub.f32 v17, v58;
	v15 =	vadd.f32 v15, v16;
	v19 =	vmul.f32 v19, v19;
	v36 =	vld [tilespmem:$0x8B18]  }
0x15f: {  	v18 =	vmul.f32 v53, v14;
	v23 =	vadd.s32 v42, v57;
	v16 =	vsub.f32 v54, v55;
	v38 =	vld.idx.msk [tilespmem:v31+s8+$0x0], $0xffff  }
0x160: {  	v59 =	vor.u32 $0x2600, v4;
	v37 =	vperm.xlane v8, v12;
	v15 =	vadd.f32 v19, v15;
	v19 =	vld.idx.msk [tilespmem:v32+s7+$0x0], $0xffff  }
0x161: {  	v14 =	vmul.f32 v56, v14;
	v17 =	vsub.f32 v17, v18;
	v16 =	vsub.f32 v16, v61;
	v43 =	vld [tilespmem:$0x8B28]  }
0x162: {  	v52 =	vadd.s32 v48, v47;
	v21 =	vmul.f32 v21, v49;
	v54 =	vor.u32 $0x2500, v4;
	v18 =	vld.idx.msk [tilespmem:v39+s8+$0x0], $0xffff  }
0x163: {  	v55 =	vadd.s32 v54, v45;
	v17 =	vmul.f32 v17, v17;
	v46 =	vld.idx.msk [tilespmem:v26+s7+$0x0], $0xffff;
	v16 =	vmul.f32 v16, v16  }
0x164: {  	v34 =	vmul.f32 v24, v50;
	v50 =	vadd.s32 v48, v45;
	v61 =	vadd.s32 v59, v45;
	v23 =	vld.idx.msk [tilespmem:v23+s8+$0x0], $0xffff  }
0x165: {  	v48 =	vperm.xlane v10, v11;
	v53 =	vld.idx.msk [tilespmem:v22+s7+$0x0], $0xffff;
	v22 =	vadd.s32 v54, v47;
	v15 =	vadd.f32 v16, v15  }
0x166: {  	v63 =	vadd.s32 v59, v47;
	v20 =	vmul.f32 v33, v41;
	v24 =	vmul.f32 v35, v40  }
0x167: {  	v49 =	vld [tilespmem:$0x8B38];
	v15 =	vadd.f32 v17, v15;
	v44 =	vmul.f32 v36, v13;
	v17 =	vmul.f32 v38, v41  }
0x168: {  	v60 =	vld.idx.msk [tilespmem:v52+s7+$0x0], $0xffff;
	v16 =	vsub.f32 v34, v21;
	v19 =	vmul.f32 v19, v40;
	v51 =	vmul.f32 v43, v13  }
0x169: {  	v62 =	vld [tilespmem:$0x8B58];
	v34 =	vor.u32 $0x2700, v4;
	v18 =	vmul.f32 v18, v41;
	v25 =	vmul.f32 v46, v40  }
0x16a: {  	v39 =	vld [tilespmem:$0x8B68];
	v14 =	vsub.f32 v16, v14;
	v23 =	vmul.f32 v23, v41;
	v38 =	vperm.xlane v5, v12  }
0x16b: {  	v56 =	vld [tilespmem:$0x8B48];
	v36 =	vadd.s32 v34, v45;
	v12 =	vperm.xlane v6, v12;
	v46 =	vperm.xlane v9, v11  }
0x16c: {  	v41 =	vld.idx.msk [tilespmem:v63+s7+$0x0], $0xffff;
	v63 =	vperm.xlane v8, v11;
	v20 =	vsub.f32 v20, v24;
	v14 =	vmul.f32 v14, v14  }
0x16d: {  	v33 =	vld.idx.msk [tilespmem:v55+s8+$0x0], $0xffff;
	v17 =	vsub.f32 v17, v19;
	v18 =	vsub.f32 v18, v25;
	v19 =	vadd.s32 v34, v47  }
0x16e: {  	v35 =	vld.idx.msk [tilespmem:v22+s7+$0x0], $0xffff;
	v25 =	vmul.f32 v60, v37;
	v21 =	vmul.f32 v62, v12;
	v60 =	vor.u32 $0x2A00, v4  }
0x16f: {  	v58 =	vld.idx.msk [tilespmem:v50+s8+$0x0], $0xffff;
	v50 =	vmul.f32 v39, v12;
	v39 =	vor.u32 $0x2C00, v4;
	v62 =	vadd.s32 v60, v46  }
0x170: {  	v42 =	vld [tilespmem:$0x8B78];
	v24 =	vadd.s32 v60, v48;
	v60 =	vperm.xlane v5, v7;
	v16 =	vsub.f32 v20, v44  }
0x171: {  	v45 =	vld [tilespmem:$0x8B88];
	v14 =	vadd.f32 v14, v15;
	v17 =	vsub.f32 v17, v51;
	v20 =	vmul.f32 v49, v13  }
0x172: {  	v15 =	vmul.f32 v53, v40;
	v13 =	vmul.f32 v56, v13;
	v40 =	vld.idx.msk [tilespmem:v61+s8+$0x0], $0xffff;
	v49 =	vor.u32 $0x2800, v4  }
0x173: {  	v53 =	vor.u32 $0x2900, v4;
	v22 =	vld.idx.msk [tilespmem:v36+s8+$0x0], $0xffff;
	v43 =	vmul.f32 v33, v38;
	v44 =	vmul.f32 v35, v37  }
0x174: {  	v47 =	vmul.f32 v41, v37;
	v51 =	vadd.s32 v49, v46;
	v52 =	vadd.s32 v49, v48;
	v19 =	vld.idx.msk [tilespmem:v19+s7+$0x0], $0xffff;
	_ =	swait.ge [sflag:s30], $0x800  }
0x175: {  	v54 =	vadd.s32 v53, v46;
	v55 =	vadd.s32 v53, v48;
	v33 =	vor.u32 $0x2B00, v4;
	[sflag:s30] =	ssyncset.done $0x0  }
0x176: {  	v36 =	vperm.xlane v9, v7;
	v49 =	vor.u32 $0x2E00, v4;
	v16 =	vmul.f32 v16, v16;
	[sflag:s30] =	ssyncadd.s32 $0xFFFFF800  }
0x177: {  	v57 =	vmul.f32 v17, v17;
	v32 =	vsub.f32 v18, v20;
	v15 =	vsub.f32 v23, v15;
	_ =	swait.ge [sflag:s30], $0x800  }
0x178: {  	v17 =	vmul.f32 v58, v38;
	v20 =	vadd.s32 v33, v48;
	v41 =	vadd.s32 v39, v36;
	[sflag:s30] =	ssyncset.done $0x0  }
0x179: {  	v14 =	vadd.f32 v16, v14;
	v16 =	vmul.f32 v32, v32;
	v13 =	vsub.f32 v15, v13;
	[sflag:s30] =	ssyncadd.s32 $0xFFFFF800  }
0x17a: {  	v17 =	vsub.f32 v17, v25;
	v32 =	vperm.xlane v5, v11;
	v11 =	vperm.xlane v6, v11;
	v56 =	vld.idx.msk [tilespmem:v51+s8+$0x0], $0xffff  }
0x17b: {  	v15 =	vmul.f32 v40, v38;
	v14 =	vadd.f32 v57, v14;
	v13 =	vmul.f32 v13, v13;
	v58 =	vld.idx.msk [tilespmem:v52+s7+$0x0], $0xffff  }
0x17c: {  	v17 =	vsub.f32 v17, v21;
	v57 =	vmul.f32 v22, v38;
	v21 =	vadd.s32 v33, v46;
	v59 =	vld [tilespmem:$0x8B98]  }
0x17d: {  	v38 =	vperm.xlane v10, v7;
	v14 =	vadd.f32 v16, v14;
	v16 =	vmul.f32 v42, v12;
	v61 =	vld.idx.msk [tilespmem:v54+s8+$0x0], $0xffff  }
0x17e: {  	v15 =	vsub.f32 v15, v47;
	v17 =	vmul.f32 v17, v17;
	v19 =	vmul.f32 v19, v37;
	v34 =	vld [tilespmem:$0x8BA8]  }
0x17f: {  	v12 =	vmul.f32 v45, v12;
	v37 =	vld.idx.msk [tilespmem:v24+s7+$0x0], $0xffff;
	v13 =	vadd.f32 v13, v14;
	v14 =	vsub.f32 v43, v44  }
0x180: {  	v26 =	vadd.s32 v39, v38;
	v53 =	vadd.s32 v49, v38;
	v40 =	vld [tilespmem:$0x8BB8];
	v15 =	vsub.f32 v15, v16  }
0x181: {  	v39 =	vor.u32 $0x3100, v4;
	v51 =	vadd.s32 v49, v36;
	v52 =	vld [tilespmem:$0x8BD8];
	v14 =	vsub.f32 v14, v50  }
0x182: {  	v49 =	vperm.xlane v8, v3;
	v16 =	vld.idx.msk [tilespmem:v62+s8+$0x0], $0xffff;
	v44 =	vor.u32 $0x2D00, v4;
	v15 =	vmul.f32 v15, v15  }
0x183: {  	v43 =	vld.idx.msk [tilespmem:v20+s7+$0x0], $0xffff;
	v45 =	vadd.s32 v44, v36;
	v14 =	vmul.f32 v14, v14;
	v18 =	vmul.f32 v56, v32  }
0x184: {  	v21 =	vld.idx.msk [tilespmem:v21+s8+$0x0], $0xffff;
	v20 =	vadd.s32 v44, v38;
	v22 =	vmul.f32 v58, v63;
	v35 =	vmul.f32 v59, v11  }
0x185: {  	v13 =	vadd.f32 v17, v13;
	v17 =	vld.idx.msk [tilespmem:v55+s7+$0x0], $0xffff;
	v42 =	vmul.f32 v34, v11;
	v23 =	vmul.f32 v37, v63  }
0x186: {  	v46 =	vld [tilespmem:$0x8BC8];
	v56 =	vor.u32 $0x2F00, v4;
	v59 =	vperm.xlane v8, v7;
	v7 =	vperm.xlane v6, v7  }
0x187: {  	v62 =	vld.idx.msk [tilespmem:v51+s8+$0x0], $0xffff;
	v34 =	vperm.xlane v10, v3;
	v51 =	vor.u32 $0x3300, v4;
	v16 =	vmul.f32 v16, v32  }
0x188: {  	v50 =	vld.idx.msk [tilespmem:v26+s7+$0x0], $0xffff;
	v58 =	vadd.s32 v56, v36;
	v13 =	vadd.f32 v14, v13;
	v14 =	vsub.f32 v57, v19  }
0x189: {  	v18 =	vsub.f32 v18, v22;
	v21 =	vmul.f32 v21, v32;
	v19 =	vmul.f32 v52, v7  }
0x18a: {  	v48 =	vld.idx.msk [tilespmem:v41+s8+$0x0], $0xffff;
	v41 =	vadd.s32 v39, v34;
	v17 =	vmul.f32 v17, v63;
	v16 =	vsub.f32 v16, v23  }
0x18b: {  	v13 =	vadd.f32 v15, v13;
	v12 =	vsub.f32 v14, v12;
	v15 =	vmul.f32 v61, v32  }
0x18c: {  	v14 =	vsub.f32 v18, v35;
	v18 =	vmul.f32 v40, v11;
	v11 =	vmul.f32 v46, v11  }
0x18d: {  	v57 =	vld.idx.msk [tilespmem:v20+s7+$0x0], $0xffff;
	v23 =	vmul.f32 v50, v59;
	v32 =	vperm.xlane v9, v3;
	v35 =	vor.u32 $0x3000, v4  }
0x18e: {  	v28 =	vld [tilespmem:$0x8BF8];
	v46 =	vor.u32 $0x3200, v4;
	v50 =	vperm.xlane v5, v3;
	v3 =	vperm.xlane v6, v3  }
0x18f: {  	v55 =	vld.idx.msk [tilespmem:v45+s8+$0x0], $0xffff;
	v22 =	vadd.s32 v46, v34;
	v15 =	vsub.f32 v15, v17;
	v17 =	vadd.s32 v56, v38  }
0x190: {  	v61 =	vld [tilespmem:$0x8BE8];
	v12 =	vmul.f32 v12, v12;
	v14 =	vmul.f32 v14, v14;
	v54 =	vsub.f32 v16, v18  }
0x191: {  	v31 =	vld [tilespmem:$0x8C08];
	v37 =	vadd.s32 v35, v32;
	v38 =	vadd.s32 v35, v34;
	v40 =	vadd.s32 v39, v32  }
0x192: {  	v20 =	vld.idx.msk [tilespmem:v58+s8+$0x0], $0xffff;
	v56 =	vperm.xlane v10, v2;
	v30 =	vmul.f32 v57, v59;
	v57 =	vor.u32 $0x3400, v4  }
0x193: {  	v12 =	vadd.f32 v12, v13;
	v15 =	vsub.f32 v15, v42;
	v13 =	vmul.f32 v43, v63;
	v63 =	vld.idx.msk [tilespmem:v53+s7+$0x0], $0xffff  }
0x194: {  	v18 =	vadd.s32 v51, v34;
	v29 =	vmul.f32 v55, v60;
	v24 =	vadd.s32 v57, v56;
	v17 =	vld.idx.msk [tilespmem:v17+s7+$0x0], $0xffff;
	_ =	swait.ge [sflag:s30], $0x800  }
0x195: {  	v36 =	vmul.f32 v61, v7;
	v12 =	vadd.f32 v14, v12;
	v47 =	vmul.f32 v15, v15;
	[sflag:s30] =	ssyncset.done $0x0  }
0x196: {  	v13 =	vsub.f32 v21, v13;
	v14 =	vmul.f32 v54, v54;
	v15 =	vmul.f32 v48, v60;
	[sflag:s30] =	ssyncadd.s32 $0xFFFFF800  }
0x197: {  	v48 =	vadd.s32 v46, v32;
	v54 =	vperm.xlane v9, v2;
	v12 =	vadd.f32 v47, v12;
	_ =	swait.ge [sflag:s30], $0x800  }
0x198: {  	v43 =	vmul.f32 v20, v60;
	v11 =	vsub.f32 v13, v11;
	v15 =	vsub.f32 v15, v23;
	[sflag:s30] =	ssyncset.done $0x0  }
0x199: {  	v13 =	vmul.f32 v62, v60;
	v62 =	vor.u32 $0x3500, v4;
	v33 =	vmul.f32 v63, v59;
	[sflag:s30] =	ssyncadd.s32 $0xFFFFF800  }
0x19a: {  	v63 =	vadd.s32 v62, v54;
	v12 =	vadd.f32 v14, v12;
	v11 =	vmul.f32 v11, v11;
	v42 =	vld.idx.msk [tilespmem:v37+s8+$0x0], $0xffff  }
0x19b: {  	v15 =	vsub.f32 v15, v19;
	v14 =	vmul.f32 v28, v7;
	v7 =	vmul.f32 v31, v7;
	v44 =	vld.idx.msk [tilespmem:v38+s7+$0x0], $0xffff  }
0x19c: {  	v19 =	vadd.s32 v51, v32;
	v31 =	vor.u32 $0x3600, v4;
	v51 =	vperm.xlane v9, v1;
	v45 =	vld [tilespmem:$0x8C18]  }
0x19d: {  	v9 =	vperm.xlane v9, v0;
	v13 =	vsub.f32 v13, v33;
	v33 =	vadd.s32 v31, v54;
	v47 =	vld.idx.msk [tilespmem:v40+s8+$0x0], $0xffff  }
0x19e: {  	v35 =	vadd.s32 v31, v56;
	v31 =	vperm.xlane v6, v1;
	v11 =	vadd.f32 v11, v12;
	v52 =	vld [tilespmem:$0x8C28]  }
0x19f: {  	v12 =	vsub.f32 v29, v30;
	v15 =	vmul.f32 v15, v15;
	v13 =	vsub.f32 v13, v14;
	v14 =	vld.idx.msk [tilespmem:v48+s8+$0x0], $0xffff  }
0x1a0: {  	v17 =	vmul.f32 v17, v59;
	v59 =	vadd.s32 v57, v54;
	v57 =	vor.u32 $0x3900, v4;
	v55 =	vld.idx.msk [tilespmem:v22+s7+$0x0], $0xffff  }
0x1a1: {  	v61 =	vld.idx.msk [tilespmem:v18+s7+$0x0], $0xffff;
	v18 =	vadd.s32 v62, v56;
	v38 =	vor.u32 $0x3700, v4;
	v12 =	vsub.f32 v12, v36  }
0x1a2: {  	v11 =	vadd.f32 v15, v11;
	v15 =	vld.idx.msk [tilespmem:v41+s7+$0x0], $0xffff;
	v41 =	vperm.xlane v8, v2;
	v13 =	vmul.f32 v13, v13  }
0x1a3: {  	v58 =	vld [tilespmem:$0x8C38];
	v40 =	vadd.s32 v38, v54;
	v12 =	vmul.f32 v12, v12;
	v16 =	vmul.f32 v42, v50  }
0x1a4: {  	v32 =	vld.idx.msk [tilespmem:v24+s7+$0x0], $0xffff;
	v54 =	vor.u32 $0x3800, v4;
	v20 =	vmul.f32 v44, v49;
	v53 =	vmul.f32 v45, v3  }
0x1a5: {  	v19 =	vld.idx.msk [tilespmem:v19+s8+$0x0], $0xffff;
	v11 =	vadd.f32 v12, v11;
	v60 =	vmul.f32 v52, v3;
	v14 =	vmul.f32 v14, v50  }
0x1a6: {  	v34 =	vld [tilespmem:$0x8C58];
	v12 =	vsub.f32 v43, v17;
	v21 =	vmul.f32 v55, v49;
	v42 =	vperm.xlane v5, v2  }
0x1a7: {  	v2 =	vperm.xlane v6, v2;
	v44 =	vld.idx.msk [tilespmem:v33+s8+$0x0], $0xffff;
	v55 =	vadd.s32 v54, v51;
	v33 =	vor.u32 $0x3C00, v4  }
0x1a8: {  	v28 =	vld [tilespmem:$0x8C48];
	v6 =	vperm.xlane v6, v0;
	v15 =	vmul.f32 v15, v49;
	v11 =	vadd.f32 v13, v11  }
0x1a9: {  	v43 =	vld [tilespmem:$0x8C68];
	v7 =	vsub.f32 v12, v7;
	v16 =	vsub.f32 v16, v20;
	v13 =	vmul.f32 v47, v50  }
0x1aa: {  	v45 =	vld.idx.msk [tilespmem:v35+s7+$0x0], $0xffff;
	v14 =	vsub.f32 v14, v21;
	v19 =	vmul.f32 v19, v50;
	v21 =	vmul.f32 v32, v41  }
0x1ab: {  	v37 =	vld.idx.msk [tilespmem:v63+s8+$0x0], $0xffff;
	v46 =	vmul.f32 v34, v2;
	v7 =	vmul.f32 v7, v7;
	v12 =	vsub.f32 v16, v53  }
0x1ac: {  	v30 =	vld.idx.msk [tilespmem:v59+s8+$0x0], $0xffff;
	v13 =	vsub.f32 v13, v15;
	v16 =	vmul.f32 v58, v3;
	v15 =	vadd.s32 v38, v56  }
0x1ad: {  	v39 =	vld.idx.msk [tilespmem:v18+s7+$0x0], $0xffff;
	v35 =	vadd.s32 v33, v9;
	v3 =	vmul.f32 v28, v3;
	v53 =	vperm.xlane v10, v1  }
0x1ae: {  	v18 =	vld.idx.msk [tilespmem:v40+s8+$0x0], $0xffff;
	v58 =	vadd.s32 v57, v51;
	v10 =	vperm.xlane v10, v0;
	v38 =	vor.u32 $0x3D00, v4  }
0x1af: {  	v47 =	vld [tilespmem:$0x8C78];
	v52 =	vmul.f32 v43, v2;
	v22 =	vmul.f32 v45, v41;
	v40 =	vadd.s32 v38, v9  }
0x1b0: {  	v50 =	vld [tilespmem:$0x8C88];
	v43 =	vor.u32 $0x3E00, v4;
	v7 =	vadd.f32 v7, v11;
	v12 =	vmul.f32 v12, v12  }
0x1b1: {  	v13 =	vsub.f32 v13, v60;
	v11 =	vmul.f32 v61, v49;
	v36 =	vsub.f32 v14, v16;
	v48 =	vld.idx.msk [tilespmem:v15+s7+$0x0], $0xffff;
	_ =	swait.ge [sflag:s30], $0x800  }
0x1b2: {  	v14 =	vmul.f32 v37, v42;
	v16 =	vmul.f32 v39, v41;
	v56 =	vadd.s32 v54, v53;
	[sflag:s30] =	ssyncset.done $0x0  }
0x1b3: {  	v59 =	vadd.s32 v57, v53;
	v18 =	vmul.f32 v18, v42;
	v61 =	vor.u32 $0x3A00, v4;
	[sflag:s30] =	ssyncadd.s32 $0xFFFFF800  }
0x1b4: {  	v37 =	vadd.s32 v33, v10;
	v45 =	vadd.s32 v43, v9;
	v11 =	vsub.f32 v19, v11;
	_ =	swait.ge [sflag:s30], $0x800  }
0x1b5: {  	v17 =	vmul.f32 v47, v2;
	v7 =	vadd.f32 v12, v7;
	v29 =	vmul.f32 v13, v13;
	[sflag:s30] =	ssyncset.done $0x0  }
0x1b6: {  	v13 =	vmul.f32 v30, v42;
	v3 =	vsub.f32 v11, v3;
	v11 =	vmul.f32 v44, v42;
	[sflag:s30] =	ssyncadd.s32 $0xFFFFF800  }
0x1b7: {  	v63 =	vadd.s32 v61, v51;
	v12 =	vmul.f32 v36, v36;
	v7 =	vadd.f32 v29, v7;
	v60 =	vld.idx.msk [tilespmem:v55+s8+$0x0], $0xffff  }
0x1b8: {  	v20 =	vadd.s32 v61, v53;
	v13 =	vsub.f32 v13, v21;
	v11 =	vsub.f32 v11, v22;
	v62 =	vld.idx.msk [tilespmem:v56+s7+$0x0], $0xffff  }
0x1b9: {  	v49 =	vsub.f32 v14, v16;
	v30 =	vor.u32 $0x3B00, v4;
	v7 =	vadd.f32 v12, v7;
	v28 =	vld [tilespmem:$0x8C98]  }
0x1ba: {  	v3 =	vmul.f32 v3, v3;
	v12 =	vsub.f32 v13, v46;
	v11 =	vsub.f32 v11, v17;
	v17 =	vld.idx.msk [tilespmem:v59+s7+$0x0], $0xffff  }
0x1bb: {  	v4 =	vor.u32 $0x3F00, v4;
	v15 =	vadd.s32 v30, v51;
	v21 =	vadd.s32 v30, v53;
	v32 =	vld [tilespmem:$0x8CA8]  }
0x1bc: {  	v13 =	vsub.f32 v49, v52;
	v3 =	vadd.f32 v3, v7;
	v12 =	vmul.f32 v12, v12;
	v16 =	vld.idx.msk [tilespmem:v63+s8+$0x0], $0xffff  }
0x1bd: {  	v2 =	vmul.f32 v50, v2;
	v9 =	vadd.s32 v4, v9;
	v7 =	vmul.f32 v48, v41;
	v34 =	vld.idx.msk [tilespmem:v20+s7+$0x0], $0xffff  }
0x1be: {  	v29 =	vperm.xlane v5, v1;
	v13 =	vmul.f32 v13, v13;
	v36 =	vld [tilespmem:$0x8CB8];
	v3 =	vadd.f32 v12, v3  }
0x1bf: {  	v1 =	vperm.xlane v8, v1;
	v8 =	vperm.xlane v8, v0;
	v7 =	vsub.f32 v18, v7;
	v12 =	vld.idx.msk [tilespmem:v58+s8+$0x0], $0xffff  }
0x1c0: {  	v5 =	vperm.xlane v5, v0;
	v15 =	vld.idx.msk [tilespmem:v15+s8+$0x0], $0xffff;
	v11 =	vmul.f32 v11, v11;
	v3 =	vadd.f32 v13, v3  }
0x1c1: {  	v39 =	vld.idx.msk [tilespmem:v21+s7+$0x0], $0xffff;
	v2 =	vsub.f32 v7, v2;
	v19 =	vmul.f32 v60, v29;
	v13 =	vmul.f32 v62, v1  }
0x1c2: {  	v22 =	vadd.s32 v38, v10;
	v42 =	vld [tilespmem:$0x8CC8];
	v18 =	vmul.f32 v28, v31;
	v17 =	vmul.f32 v17, v1  }
0x1c3: {  	v44 =	vld.idx.msk [tilespmem:v37+s7+$0x0], $0xffff;
	v3 =	vadd.f32 v11, v3;
	v2 =	vmul.f32 v2, v2;
	v41 =	vmul.f32 v32, v31  }
0x1c4: {  	v46 =	vld [tilespmem:$0x8CD8];
	v16 =	vmul.f32 v16, v29;
	v12 =	vmul.f32 v12, v29;
	v13 =	vsub.f32 v19, v13  }
0x1c5: {  	v47 =	vld.idx.msk [tilespmem:v40+s8+$0x0], $0xffff;
	v7 =	vmul.f32 v34, v1;
	v11 =	vadd.s32 v43, v10;
	v2 =	vadd.f32 v2, v3  }
0x1c6: {  	v48 =	vmul.f32 v36, v31;
	v3 =	vld.idx.msk [tilespmem:v35+s8+$0x0], $0xffff;
	v12 =	vsub.f32 v12, v17;
	v13 =	vsub.f32 v13, v18  }
0x1c7: {  	v4 =	vadd.s32 v4, v10;
	v50 =	vld [tilespmem:$0x8CE8];
	v14 =	vmul.f32 v15, v29;
	v1 =	vmul.f32 v39, v1  }
0x1c8: {  	v49 =	vld.idx.msk [tilespmem:v22+s7+$0x0], $0xffff;
	v7 =	vsub.f32 v16, v7;
	v12 =	vsub.f32 v12, v41;
	v13 =	vmul.f32 v13, v13  }
0x1c9: {  	v51 =	vld.idx.msk [tilespmem:v45+s8+$0x0], $0xffff;
	v52 =	vmul.f32 v42, v31;
	v53 =	vmul.f32 v44, v8;
	v1 =	vsub.f32 v14, v1  }
0x1ca: {  	v54 =	vld [tilespmem:$0x8CF8];
	v7 =	vsub.f32 v7, v48;
	v12 =	vmul.f32 v12, v12;
	v2 =	vadd.f32 v13, v2  }
0x1cb: {  	v55 =	vmul.f32 v46, v6;
	v11 =	vld.idx.msk [tilespmem:v11+s7+$0x0], $0xffff;
	v3 =	vmul.f32 v3, v5  }
0x1cc: {  	v4 =	vld.idx.msk [tilespmem:v4+s7+$0x0], $0xffff;
	v1 =	vsub.f32 v1, v52;
	v7 =	vmul.f32 v7, v7;
	v2 =	vadd.f32 v12, v2  }
0x1cd: {  	v9 =	vld.idx.msk [tilespmem:v9+s8+$0x0], $0xffff;
	v56 =	vmul.f32 v47, v5;
	v57 =	vmul.f32 v49, v8;
	v3 =	vsub.f32 v3, v53  }
0x1ce: {  	v59 =	vmul.f32 v50, v6;
	v60 =	vld [tilespmem:$0x8D08];
	v1 =	vmul.f32 v1, v1;
	v2 =	vadd.f32 v7, v2  }
0x1cf: {  	v62 =	vmul.f32 v54, v6;
	v58 =	vsub.f32 v56, v57;
	v3 =	vsub.f32 v3, v55  }
0x1d0: {  	v61 =	vmul.f32 v11, v8;
	v1 =	vadd.f32 v1, v2;
	v2 =	vmul.f32 v51, v5  }
0x1d1: {  	v4 =	vmul.f32 v4, v8;
	v3 =	vmul.f32 v3, v3  }
0x1d2: {  	v7 =	vsub.f32 v58, v59;
	v5 =	vmul.f32 v9, v5;
	v2 =	vsub.f32 v2, v61  }
0x1d3: {  	v63 =	vmul.f32 v60, v6;
	v1 =	vadd.f32 v3, v1  }
0x1d4: {  	v3 =	vmul.f32 v7, v7;
	v4 =	vsub.f32 v5, v4;
	v2 =	vsub.f32 v2, v62;
	_ =	sdelay $0x1  }
0x1d5: {  	v1 =	vadd.f32 v3, v1;
	v3 =	vsub.f32 v4, v63;
	v2 =	vmul.f32 v2, v2;
	_ =	sdelay $0x1  }
0x1d6: {  	v1 =	vadd.f32 v2, v1;
	v2 =	vmul.f32 v3, v3;
	_ =	sdelay $0x1  }
0x1d7: {  	v1 =	vadd.f32 v2, v1;
	_ =	sdelay $0x1  }
0x1d8: {  	s6 =	sadd.s32 s6, s4;
	s31 =	simm.s32 $0x8D18;
	[tilespmem:$0x8D18] =	vst v1  }
0x1d9: {  	[spmem:s6] =	stream.linear.scatter [tilespmem:s31], [sflag:$0x5], $0x10, $0x38;
	[tilespmem:$0x8E48] =	vst v63  }
0x1da: {  	s6 =	simm.s32 $0x5  }
0x1db: {  	_ =	swait.ge [sflag:s6], $0x10  }
0x1dc: {  	[sflag:s6] =	ssyncset.done $0x0  }
0x1dd: {  	[sflag:s6] =	ssyncadd.s32 $0xFFFFFFF0  }
0x1de: {  	p0 =	sne.s32 s5, $0x0;
	[bflag:$0x0] =	sbarrier.arrive $0xFFFF  }
0x1df: {  	_ =	sfence.sel @p0 $0x180000  }
0x1e0: {  	[bflag:$0x0] =	sbarrier.arrive @p0 $0xFFFF  }
0x1e1: {  	_ =	strace @p0 $0x90000047  }
0x1e2: {  	[bflag:$0x2] =	sbarrier.arrive @p0 $0xFFFF  }
0x1e3: {  	_ =	shalt @p0  }
.LBB2_1:
0x1e4: {  	s5 =	simm.s32 $0x8D38  }
0x1e5: {  	[tilespmem:s5], [sflag:$0x5] =	stream.linear.gather [spmem:s4], $0x100, $0x38;
	[tilespmem:$0x8E48] =	vst v63  }
0x1e6: {  	_ =	swait.ge [sflag:s6], $0x100  }
0x1e7: {  	[sflag:s6] =	ssyncset.done $0x0  }
0x1e8: {  	[sflag:s6] =	ssyncadd.s32 $0xFFFFFF00  }
0x1e9: {  	v1 =	vld [tilespmem:$0x8D38]  }
0x1ea: {  	v2 =	vld [tilespmem:$0x8D48];
	_ =	sdelay $0x1  }
0x1eb: {  	v3 =	vld [tilespmem:$0x8D58];
	_ =	sdelay $0x1  }
0x1ec: {  	v4 =	vld [tilespmem:$0x8D68]  }
0x1ed: {  	v1 =	vadd.f32 v2, v1  }
0x1ee: {  	v48 =	vld [tilespmem:$0x8D78]  }
0x1ef: {  	v1 =	vadd.f32 v3, v1  }
0x1f0: {  	v49 =	vld [tilespmem:$0x8D88]  }
0x1f1: {  	v1 =	vadd.f32 v4, v1  }
0x1f2: {  	v50 =	vld [tilespmem:$0x8D98]  }
0x1f3: {  	v1 =	vadd.f32 v48, v1  }
0x1f4: {  	v51 =	vld [tilespmem:$0x8DA8]  }
0x1f5: {  	v1 =	vadd.f32 v49, v1  }
0x1f6: {  	v52 =	vld [tilespmem:$0x8DB8]  }
0x1f7: {  	v1 =	vadd.f32 v50, v1  }
0x1f8: {  	v53 =	vld [tilespmem:$0x8DC8]  }
0x1f9: {  	v1 =	vadd.f32 v51, v1  }
0x1fa: {  	v54 =	vld [tilespmem:$0x8DD8]  }
0x1fb: {  	v1 =	vadd.f32 v52, v1  }
0x1fc: {  	v5 =	vimm.s32 $0x3020100;
	v55 =	vld [tilespmem:$0x8DE8]  }
0x1fd: {  	v56 =	vunpack.c.0.s8.s32 v5;
	v1 =	vadd.f32 v53, v1  }
0x1fe: {  	v57 =	vld [tilespmem:$0x8DF8]  }
0x1ff: {  	v58 =	vnsel vm0, $0x3, v56;
	v1 =	vadd.f32 v54, v1  }
0x200: {  	v59 =	vld [tilespmem:$0x8E08]  }
0x201: {  	v1 =	vadd.f32 v55, v1  }
0x202: {  	v60 =	vld [tilespmem:$0x8E18]  }
0x203: {  	v61 =	vld [tilespmem:$0x8E28];
	v1 =	vadd.f32 v57, v1  }
0x204: {  	v2 =	vld.idx.msk [tilespmem:v58+s3+$0x0], $0xffff  }
0x205: {  	v1 =	vadd.f32 v59, v1;
	_ =	sdelay $0x1  }
0x206: {  	v1 =	vadd.f32 v60, v1  }
0x207: {  	vm15 =	vmmov $0xf  }
0x208: {  	v2 =	vnsel vm15, $0x0, v2;
	v1 =	vadd.f32 v61, v1  }
0x209: {  	v2 =	vcvt.s32.f32 v2  }
0x20a: {  	(xrf2) =	vadd.scan.msk.f32 $0xffff, v1  }
0x20b: {  	(xrf2) =	vadd.scan.msk.f32 $0xffff, v2;
	_ =	sdelay $0x8  }
0x20c: {  	v1, _, _ =	vpop (xrf2)  }
0x20d: {  	v2, _, _ =	vpop (xrf2)  }
0x20e: {  	v2 =	vperm.xlane v2, v0;
	_ =	sdelay $0x1  }
0x20f: {  	(erf) = vrcp.f32 v2;
	_ =	sdelay $0x7  }
0x210: {  	v62 =	vperm.xlane v1, v0  }
0x211: {  	v63 =	vpop (erf)  }
0x212: {  	v0 =	vmul.f32 v63, v62;
	_ =	sdelay $0x1  }
0x213: {  	s31 =	simm.s32 $0x8E38;
	[tilespmem:$0x8E38] =	vst v0  }
0x214: {  	[hbm4b:s1+s2] =	stream.linear.scatter [tilespmem:s31], [sflag:$0x5], $0x10, $0x38;
	[tilespmem:$0x8E48] =	vst v63  }
0x215: {  	_ =	swait.ge [sflag:s6], $0x10  }
0x216: {  	[sflag:s6] =	ssyncset.done $0x0  }
0x217: {  	[sflag:s6] =	ssyncadd.s32 $0xFFFFFFF0  }
0x218: {  	_ =	sfence.sel $0x180000  }
0x219: {  	[bflag:$0x0] =	sbarrier.arrive $0xFFFF  }
0x21a: {  	_ =	strace $0x90000047  }
0x21b: {  	s0 =	sadd.s32 $0x100000, s0;
	[bflag:$0x2] =	sbarrier.arrive $0xFFFF  }
0x21c: {  	[sflag:s0] =	ssyncadd.tile.s32 $0x1;
	_ =	shalt  }
.Lfunc_end2:
_tile_overlayer_lowered:
.L_overlay_start_2:
0x21d: {  	(tag) =	ssettag $0x2  }
0x21e: {  	s0 =	rddreg [dreg:$0x0];
	s2 =	stileid.u32  }
0x21f: {  	s1 =	rddreg [dreg:$0x1];
	p0 =	sne.s32 s2, $0x0  }
0x220: {  	s3 =	rddreg [dreg:$0x2];
	[bflag:$0x3] =	sbarrier.arrive $0xFFFF;
	s2 =	simm.s32 @!p0 $0x1C05  }
0x221: {  	[timem:s3], [sflag:s2] =	dma.local @!p0 [hbm:s0], s1  }
0x222: {  	s0 =	simm.s32 @!p0 $0x5  }
0x223: {  	_ =	swait.ge @!p0 [sflag:s0], s1  }
0x224: {  	s1 =	ssub.s32 @!p0 $0x0, s1;
	[sflag:s0] =	ssyncset.done @!p0 $0x0  }
0x225: {  	[sflag:s0] =	ssyncadd.s32 @!p0 s1  }
0x226: {  	[bflag:$0x3] =	sbarrier.arrive $0xFFFF  }
0x227: {  	_ =	shalt  }

</sc_bundles>
